<compile_context>
chip_gen: v7x
topology: tpu7x:2x2x1
jax: 0.10.2.dev20260603
libtpu: 0.0.44.dev20260713+nightly
codegen_flags: <defaults>
</compile_context>

<pallas_src>
import functools

import jax
import jax.numpy as jnp
from jax import lax
from jax.experimental import pallas as pl
from jax.experimental.pallas import tpu as pltpu
from jax.experimental.pallas import tpu_sc as plsc

I, C, H, W = 8, 28, 512, 512
HW = H * W
CP = 32
CE = 5
CO = C + CE
N = 64 * 64 * 64
EPS = 1e-8

NC, NS, L = 2, 16, 16
NW = NC * NS
PPW = N // NW
BLK = 512
NBLK = PPW // BLK
GCH = 64
NG = BLK // GCH
BN = 2048
IH = 4


def _tc_project_body(coord_ref, tr_ref, cam_ref, idx_ref, ext_ref):
    x = coord_ref[0:1, :]
    y = coord_ref[1:2, :]
    z = coord_ref[2:3, :]
    bf = lambda a: a.astype(jnp.bfloat16).astype(jnp.float32)
    xb, yb, zb = bf(x), bf(y), bf(z)
    for i in range(I):
        t = lambda k, l: tr_ref[i, k, l]
        p0 = (t(0, 0) * xb + t(0, 1) * yb) + (t(0, 2) * zb + t(0, 3))
        p1 = (t(1, 0) * xb + t(1, 1) * yb) + (t(1, 2) * zb + t(1, 3))
        d = (t(2, 0) * xb + t(2, 1) * yb) + (t(2, 2) * zb + t(2, 3))
        u = p0 / (d + EPS)
        v = p1 / (d + EPS)
        valid = (d > 0) & (u >= 0) & (u <= W - 1) & (v >= 0) & (v <= H - 1)
        validf = valid.astype(jnp.float32)
        ui = jnp.clip(jnp.round(u), 0, W - 1).astype(jnp.int32)
        vi = jnp.clip(jnp.round(v), 0, H - 1).astype(jnp.int32)
        ui = jnp.clip(ui, 0, W - 1)
        vi = jnp.clip(vi, 0, H - 1)
        pos = (jax.lax.broadcasted_iota(jnp.int32, (1, BN), 1)
               + pl.program_id(0) * BN)
        ih = i * HW
        idx_ref[i:i + 1, :] = jnp.where(valid, ih + vi * W + ui, -1 - pos)
        dx = x - cam_ref[i, 0]
        dy = y - cam_ref[i, 1]
        dz = z - cam_ref[i, 2]
        inv = 1.0 / (jnp.sqrt(dx * dx + dy * dy + dz * dz) + EPS)
        ext_ref[i, 0:1, :] = d
        ext_ref[i, 1:2, :] = validf
        ext_ref[i, 2:3, :] = dx * inv
        ext_ref[i, 3:4, :] = dy * inv
        ext_ref[i, 4:5, :] = dz * inv


_tc_project = pl.pallas_call(
    _tc_project_body,
    grid=(N // BN,),
    in_specs=[
        pl.BlockSpec((3, BN), lambda j: (0, j)),
        pl.BlockSpec(memory_space=pltpu.SMEM),
        pl.BlockSpec(memory_space=pltpu.SMEM),
    ],
    out_specs=[
        pl.BlockSpec((I, BN), lambda j: (0, j)),
        pl.BlockSpec((I, CE, BN), lambda j: (0, 0, j)),
    ],
    out_shape=[
        jax.ShapeDtypeStruct((I, N), jnp.int32),
        jax.ShapeDtypeStruct((I, CE, N), jnp.float32),
    ],
)


BH = 16


def _tc_table_body(img_ref, tab_ref):
    x = img_ref[0]
    x = x.reshape(C, BH * W)
    xp = jnp.concatenate([x, jnp.zeros((CP - C, BH * W), x.dtype)], axis=0)
    tab_ref[...] = xp.T


_tc_table = pl.pallas_call(
    _tc_table_body,
    grid=(I, H // BH),
    in_specs=[pl.BlockSpec((1, C, BH, W), lambda i, h: (i, 0, h, 0))],
    out_specs=pl.BlockSpec((BH * W, CP), lambda i, h: (i * (H // BH) + h, 0)),
    out_shape=jax.ShapeDtypeStruct((I * HW, CP), jnp.float32),
)


_sc_mesh = plsc.VectorSubcoreMesh(core_axis_name="c", subcore_axis_name="s",
                                  num_cores=NC, num_subcores=NS)


NBI = PPW // BLK
RPI = PPW // GCH
NPAIR = I * NBI // 2


@functools.partial(
    pl.kernel,
    out_type=jax.ShapeDtypeStruct((I, CO, N), jnp.float32),
    mesh=_sc_mesh,
    compiler_params=pltpu.CompilerParams(needs_layout_passes=False,
                                         use_tc_tiling_on_sc=False),
    scratch_types=[
        pltpu.VMEM((2 * PPW // L, L), jnp.int32),
        pltpu.VMEM((BLK,), jnp.int32),
        pltpu.VMEM((BLK,), jnp.int32),
        pltpu.VMEM((BLK,), jnp.int32),
        pltpu.VMEM((BLK,), jnp.int32),
        pltpu.SMEM((2,), jnp.int32),
        pltpu.VMEM((BLK, CP), jnp.float32),
        pltpu.VMEM((BLK, CP), jnp.float32),
        pltpu.VMEM((CO, BLK), jnp.float32),
        pltpu.VMEM((CO, BLK), jnp.float32),
        pltpu.VMEM((CE, BLK), jnp.float32),
        pltpu.VMEM((CE, BLK), jnp.float32),
        pltpu.SemaphoreType.DMA,
        pltpu.SemaphoreType.DMA,
        pltpu.SemaphoreType.DMA,
        pltpu.SemaphoreType.DMA,
        pltpu.SemaphoreType.DMA,
        pltpu.SemaphoreType.DMA,
    ],
)
def _sc_gather(table_hbm, idx_hbm, ext_hbm, out_hbm, idxv,
               gb0, gb1, pb0, pb1, cnts,
               rows0, rows1, cb0, cb1, eb0, eb1,
               gs0, gs1, es0, es1, os0, os1):
    wid = lax.axis_index("s") * NC + lax.axis_index("c")
    iota = lax.iota(jnp.int32, L)
    rows = (rows0, rows1)
    gbs = (gb0, gb1)
    pbs = (pb0, pb1)
    cbs = (cb0, cb1)
    ebs = (eb0, eb1)
    gss = (gs0, gs1)
    ess = (es0, es1)
    oss = (os0, os1)

    GR = PPW // L

    def stage(ib):
        row0 = ib * (N // L) + wid * GR
        pltpu.sync_copy(idx_hbm.at[pl.ds(row0, GR)],
                        idxv.at[pl.ds((ib % 2) * GR, GR)])

    def fire(g, p):
        ib = g // NBI
        lb = g - ib * NBI
        gbase = (ib % 2) * GR + lb * (BLK // L)

        def cg(r, carry):
            iv = idxv[gbase + r, :]
            m = iv >= 0
            vint = jnp.where(m, 1, 0).astype(jnp.int32)
            pos = carry + plsc.cumsum(vint) - vint
            plsc.store_scatter(gbs[p], [pos], iv, mask=m)
            pbs[p][pl.ds(r * L, L)] = pos
            return carry + plsc.all_reduce_population_count(m)

        cntv = lax.fori_loop(0, BLK // L, cg, jnp.zeros((L,), jnp.int32))
        cnt = lax.reduce_max(cntv, axes=(0,))
        cnts[p] = cnt
        for j in range(NG):
            @pl.when(cnt > j * GCH)
            def _():
                pltpu.async_copy(table_hbm.at[gbs[p].at[pl.ds(j * GCH, GCH)]],
                                 rows[p].at[pl.ds(j * GCH, GCH)], gss[p])
        nb = wid * PPW + lb * BLK
        pltpu.async_copy(ext_hbm.at[ib, :, pl.ds(nb, BLK)], ebs[p], ess[p])

    def wait_fire(p):
        cnt = cnts[p]
        for j in range(NG):
            @pl.when(cnt > j * GCH)
            def _():
                pltpu.make_async_copy(
                    table_hbm.at[gbs[p].at[pl.ds(j * GCH, GCH)]],
                    rows[p].at[pl.ds(j * GCH, GCH)], gss[p]).wait()
        pltpu.make_async_copy(ext_hbm.at[0, :, pl.ds(0, BLK)], ebs[p],
                              ess[p]).wait()

    def wait_out(p):
        pltpu.make_async_copy(cbs[p], out_hbm.at[0, :, pl.ds(0, BLK)],
                              oss[p]).wait()

    def extract_and_out(g, p):
        ib = g // NBI
        lb = g - ib * NBI
        nb = wid * PPW + lb * BLK

        def grp(r, _):
            r0 = r * L
            ridx = jnp.minimum(pbs[p][pl.ds(r0, L)], BLK - 1)
            vf = ebs[p][1, pl.ds(r0, L)]
            for c in range(C):
                cidx = jnp.full((L,), c, jnp.int32)
                val = plsc.load_gather(rows[p], [ridx, cidx])
                cbs[p][c, pl.ds(r0, L)] = val * vf
            for e in range(CE):
                cbs[p][C + e, pl.ds(r0, L)] = ebs[p][e, pl.ds(r0, L)]
            return 0

        lax.fori_loop(0, BLK // L, grp, 0)
        pltpu.async_copy(cbs[p], out_hbm.at[ib, :, pl.ds(nb, BLK)], oss[p])

    def prefill(r, carry):
        z = jnp.zeros((L,), jnp.int32)
        gb0[pl.ds(r * L, L)] = z
        gb1[pl.ds(r * L, L)] = z
        return carry

    lax.fori_loop(0, BLK // L, prefill, 0)
    stage(0)
    fire(0, 0)

    def pair(p2, carry):
        gA = 2 * p2
        fire(gA + 1, 1)
        wait_fire(0)

        @pl.when(p2 >= 1)
        def _():
            wait_out(0)

        extract_and_out(gA, 0)

        @pl.when(jnp.logical_and((p2 + 1) % (NBI // 2) == 0, p2 < NPAIR - 1))
        def _():
            stage((p2 + 1) // (NBI // 2))

        @pl.when(p2 < NPAIR - 1)
        def _():
            fire(gA + 2, 0)

        wait_fire(1)

        @pl.when(p2 >= 1)
        def _():
            wait_out(1)

        extract_and_out(gA + 1, 1)
        return carry

    lax.fori_loop(0, NPAIR, pair, 0)
    wait_out(0)
    wait_out(1)


def kernel(images, transformations, T_cw, coordinates):
    coords2 = coordinates.reshape(3, N)
    R = T_cw[:, :3, :3]
    t = T_cw[:, :3, 3]
    cam = -jnp.einsum('ikl,ik->il', R, t)
    trb = transformations.astype(jnp.bfloat16).astype(jnp.float32)
    idx, ext = _tc_project(coords2, trb, cam)
    table = _tc_table(images)
    out = _sc_gather(table, idx.reshape(I * N // L, L), ext)
    return out.reshape(I // 2, 2, CO, 64, 64, 64)

# --- scband reference (transcript-rebuilt; emitter-appended) ---
"""Pipeline reference for scband-smear-mast3r-2388001816814 (READ-ONLY COPY).

The authoritative reference and input builder live on the scoring server;
editing this copy changes nothing except your own understanding.
"""

import jax, jax.numpy as jnp
import numpy as np


def setup_inputs(seed: int = 0) -> dict:
    key = jax.random.key(seed)
    k1, k2, k3, k4 = jax.random.split(key, 4)
    images = jax.random.normal(k1, (8, 28, 512, 512), dtype=jnp.float32)
    transformations = jax.random.normal(k2, (8, 3, 4), dtype=jnp.float32)
    T_cw = jax.random.normal(k3, (8, 4, 4), dtype=jnp.float32)
    coordinates = jax.random.uniform(k4, (3, 64, 64, 64), dtype=jnp.float32)
    return {"images": images, "transformations": transformations, "T_cw": T_cw, "coordinates": coordinates}


def reference(images, transformations, T_cw, coordinates):
    # Faithful core of SmearMast3r.smear_images / project_voxel_grid_to_images_seperate
    # with config: add_projected_depth=True, add_validity_indicator=True,
    # add_viewing_directing=True, grid_sampling_mode='nearest'.
    I, C, H, W = images.shape
    X, Y, Z = coordinates.shape[1:]
    N = X * Y * Z
    pts = coordinates.reshape(3, N)                       # world points [3, N]
    pts_h = jnp.concatenate([pts, jnp.ones((1, N), dtype=pts.dtype)], axis=0)  # [4, N]
    # project: [I,3,4] @ [4,N] -> [I,3,N]
    proj = jnp.einsum('ikl,ln->ikn', transformations, pts_h)
    depth = proj[:, 2, :]                                  # [I, N]
    eps = 1e-8
    u = proj[:, 0, :] / (depth + eps)                      # pixel x
    v = proj[:, 1, :] / (depth + eps)                      # pixel y
    valid = ((depth > 0) & (u >= 0) & (u <= (W - 1)) & (v >= 0) & (v <= (H - 1)))  # [I, N]
    # nearest-neighbor grid sampling (gather)
    ui = jnp.clip(jnp.round(u), 0, W - 1).astype(jnp.int32)
    vi = jnp.clip(jnp.round(v), 0, H - 1).astype(jnp.int32)
    ui = jax.lax.stop_gradient(ui)
    vi = jax.lax.stop_gradient(vi)

    def sample_one(img, vv, uu):
        return img[:, vv, uu]                              # [C, N]

    sampled = jax.vmap(sample_one)(images, vi, ui)         # [I, C, N]
    validf = valid.astype(images.dtype)
    sampled = sampled * validf[:, None, :]
    # viewing directions: normalize(world_point - camera_center)
    R = T_cw[:, :3, :3]
    t = T_cw[:, :3, 3]
    cam_center = -jnp.einsum('ikl,ik->il', R, t)           # -R^T t, [I, 3]
    dirs = pts[None, :, :] - cam_center[:, :, None]        # [I, 3, N]
    dirs = dirs / (jnp.linalg.norm(dirs, axis=1, keepdims=True) + eps)
    feats = jnp.concatenate([
        sampled,
        depth[:, None, :],
        validf[:, None, :],
        dirs,
    ], axis=1)                                             # [I, C+5, N]
    grid = feats.reshape(I, C + 5, X, Y, Z)
    # rearrange '(I P) ... -> I P ...' with P=2
    out = grid.reshape(I // 2, 2, C + 5, X, Y, Z)
    return out

if __name__ == "__main__":
    import jax
    _d = setup_inputs()
    print(jax.jit(kernel)(*tuple(_d.values())))

</pallas_src>

<mosaic_0001>
#map = affine_map<(d0, d1) -> (0, 0)>
#map1 = affine_map<(d0, d1) -> (0, 0, 0)>
module attributes {stable_mosaic.version = 14 : i64} {
  func.func @_sc_gather(%arg0: i32, %arg1: i32, %arg2: memref<2097152x32xf32, #tpu.memory_space<hbm>>, %arg3: memref<131072x16xi32, #tpu.memory_space<hbm>>, %arg4: memref<8x5x262144xf32, #tpu.memory_space<hbm>>, %arg5: memref<8x33x262144xf32, #tpu.memory_space<hbm>>, %arg6: memref<1024x16xi32, #tpu.memory_space<vmem>>, %arg7: memref<512xi32, #tpu.memory_space<vmem>>, %arg8: memref<512xi32, #tpu.memory_space<vmem>>, %arg9: memref<512xi32, #tpu.memory_space<vmem>>, %arg10: memref<512xi32, #tpu.memory_space<vmem>>, %arg11: memref<2xi32, #tpu.memory_space<smem>>, %arg12: memref<512x32xf32, #tpu.memory_space<vmem>>, %arg13: memref<512x32xf32, #tpu.memory_space<vmem>>, %arg14: memref<33x512xf32, #tpu.memory_space<vmem>>, %arg15: memref<33x512xf32, #tpu.memory_space<vmem>>, %arg16: memref<5x512xf32, #tpu.memory_space<vmem>>, %arg17: memref<5x512xf32, #tpu.memory_space<vmem>>, %arg18: memref<!tpu.dma_semaphore, #tpu.memory_space<semaphore_mem>>, %arg19: memref<!tpu.dma_semaphore, #tpu.memory_space<semaphore_mem>>, %arg20: memref<!tpu.dma_semaphore, #tpu.memory_space<semaphore_mem>>, %arg21: memref<!tpu.dma_semaphore, #tpu.memory_space<semaphore_mem>>, %arg22: memref<!tpu.dma_semaphore, #tpu.memory_space<semaphore_mem>>, %arg23: memref<!tpu.dma_semaphore, #tpu.memory_space<semaphore_mem>>) attributes {dimension_semantics = [#tpu.dimension_semantics<core_parallel>, #tpu.dimension_semantics<subcore_parallel>], iteration_bounds = array<i64: 2, 16>, scalar_prefetch = 0 : i64, scratch_operands = 18 : i64, tpu.core_type = #tpu.core_type<sc_vector_subcore>, window_params = [{transform_indices = #map}, {transform_indices = #map}, {transform_indices = #map1}, {transform_indices = #map1}]} {
    %mul3A = arith.constant 2 : i32
    %mul3A_0 = arith.muli %arg1, %mul3A : i32
    %add3A = arith.addi %mul3A_0, %arg0 : i32
    %iota3A = tpu.iota {dimensions = array<i32: 0>} : vector<16xi32>
    %scan3A = arith.constant 0 : i32
    %scan3A_1 = arith.constant 0 : i32
    %scan3A_2 = arith.constant 32 : i32
    %scan3A_3 = arith.addi %scan3A_1, %scan3A_2 : i32
    %scan3A_4 = arith.constant 1 : i32
    scf.for %scan3A_96 = %scan3A_1 to %scan3A_3 step %scan3A_4  : i32 {
      %broadcast_in_dim3A_97 = arith.constant 0 : i32
      %broadcast_in_dim3A_98 = vector.broadcast %broadcast_in_dim3A_97 : i32 to vector<16xi32>
      %mul3A_99 = arith.constant 16 : i32
      %mul3A_100 = arith.muli %scan3A_96, %mul3A_99 : i32
      %swap3A_101 = arith.index_cast %mul3A_100 : i32 to index
      %swap3A_102 = tpu.vector_load %arg7[%swap3A_101] {strides = array<i32>} : memref<512xi32, #tpu.memory_space<vmem>>, vector<16xi32>,
      tpu.vector_store %arg7[%swap3A_101], %broadcast_in_dim3A_98 {strides = array<i32>} : memref<512xi32, #tpu.memory_space<vmem>>, vector<16xi32>,
      %mul3A_103 = arith.constant 16 : i32
      %mul3A_104 = arith.muli %scan3A_96, %mul3A_103 : i32
      %swap3A_105 = arith.index_cast %mul3A_104 : i32 to index
      %swap3A_106 = tpu.vector_load %arg8[%swap3A_105] {strides = array<i32>} : memref<512xi32, #tpu.memory_space<vmem>>, vector<16xi32>,
      tpu.vector_store %arg8[%swap3A_105], %broadcast_in_dim3A_98 {strides = array<i32>} : memref<512xi32, #tpu.memory_space<vmem>>, vector<16xi32>,
    }
    %scan3A_5 = arith.constant 32 : i32
    %mul3A_6 = arith.constant 512 : i32
    %mul3A_7 = arith.muli %add3A, %mul3A_6 : i32
    %add3A_8 = arith.constant 0 : i32
    %add3A_9 = arith.addi %add3A_8, %mul3A_7 : i32
    "tpu.region"() ({
      %run_scoped3A = tpu.sem_alloc : memref<!tpu.dma_semaphore, #tpu.memory_space<semaphore_mem>>
      %dma_start3A_96 = arith.constant 0 : i32
      %dma_start3A_97 = arith.constant 0 : i32
      %dma_start3A_98 = tpu.memref_slice %arg6[%dma_start3A_96, %dma_start3A_97] : memref<1024x16xi32, #tpu.memory_space<vmem>> -> memref<512x16xi32, #tpu.memory_space<vmem>>
      %dma_start3A_99 = arith.constant 0 : i32
      %dma_start3A_100 = tpu.memref_slice %arg3[%add3A_9, %dma_start3A_99] : memref<131072x16xi32, #tpu.memory_space<hbm>> -> memref<512x16xi32, #tpu.memory_space<hbm>>
      %dma_start3A_101 = arith.constant 0 : i32
      %dma_start3A_102 = arith.constant 0 : i32
      %dma_start3A_103 = tpu.memref_slice %arg6[%dma_start3A_101, %dma_start3A_102] : memref<1024x16xi32, #tpu.memory_space<vmem>> -> memref<512x16xi32, #tpu.memory_space<vmem>>
      %dma_start3A_104 = arith.constant 0 : i32
      %dma_start3A_105 = tpu.memref_slice %arg3[%add3A_9, %dma_start3A_104] : memref<131072x16xi32, #tpu.memory_space<hbm>> -> memref<512x16xi32, #tpu.memory_space<hbm>>
      tpu.enqueue_dma source(%dma_start3A_105 : memref<512x16xi32, #tpu.memory_space<hbm>>) target(%dma_start3A_103 : memref<512x16xi32, #tpu.memory_space<vmem>>) target_semaphore(%run_scoped3A : memref<!tpu.dma_semaphore, #tpu.memory_space<semaphore_mem>>)
      %dma_wait3A_106 = arith.constant 0 : i32
      %dma_wait3A_107 = arith.constant 0 : i32
      %dma_wait3A_108 = tpu.memref_slice %arg6[%dma_wait3A_106, %dma_wait3A_107] : memref<1024x16xi32, #tpu.memory_space<vmem>> -> memref<512x16xi32, #tpu.memory_space<vmem>>
      %dma_wait3A_109 = arith.constant 0 : i32
      %dma_wait3A_110 = tpu.memref_slice %arg3[%add3A_9, %dma_wait3A_109] : memref<131072x16xi32, #tpu.memory_space<hbm>> -> memref<512x16xi32, #tpu.memory_space<hbm>>
      %dma_wait3A_111 = arith.constant 0 : i32
      %dma_wait3A_112 = arith.constant 0 : i32
      %dma_wait3A_113 = tpu.memref_slice %arg6[%dma_wait3A_111, %dma_wait3A_112] : memref<1024x16xi32, #tpu.memory_space<vmem>> -> memref<512x16xi32, #tpu.memory_space<vmem>>
      %dma_wait3A_114 = arith.constant 0 : i32
      %dma_wait3A_115 = tpu.memref_slice %arg3[%add3A_9, %dma_wait3A_114] : memref<131072x16xi32, #tpu.memory_space<hbm>> -> memref<512x16xi32, #tpu.memory_space<hbm>>
      tpu.wait_dma2 semaphore(%run_scoped3A : memref<!tpu.dma_semaphore, #tpu.memory_space<semaphore_mem>>) src(%dma_wait3A_115 : memref<512x16xi32, #tpu.memory_space<hbm>>) dst(%dma_wait3A_113 : memref<512x16xi32, #tpu.memory_space<vmem>>)
      tpu.yield
    }) : () -> ()
    %broadcast_in_dim3A = arith.constant 0 : i32
    %broadcast_in_dim3A_10 = vector.broadcast %broadcast_in_dim3A : i32 to vector<16xi32>
    %scan3A_11 = arith.constant 0 : i32
    %scan3A_12 = arith.constant 32 : i32
    %scan3A_13 = arith.addi %scan3A_11, %scan3A_12 : i32
    %scan3A_14 = arith.constant 1 : i32
    %scan3A_15 = scf.for %scan3A_96 = %scan3A_11 to %scan3A_13 step %scan3A_14 iter_args(%scan3A_97 = %broadcast_in_dim3A_10) -> (vector<16xi32>)  : i32 {
      %add3A_98 = arith.constant 0 : i32
      %add3A_99 = arith.addi %add3A_98, %scan3A_96 : i32
      %get3A = arith.index_cast %add3A_99 : i32 to index
      %get3A_100 = arith.constant 0 : index
      %get3A_101 = tpu.vector_load %arg6[%get3A, %get3A_100] {strides = array<i32>} : memref<1024x16xi32, #tpu.memory_space<vmem>>, vector<16xi32>,
      %ge3A = arith.constant 0 : i32
      %ge3A_102 = vector.broadcast %ge3A : i32 to vector<16xi32>
      %ge3A_103 = arith.cmpi sge, %get3A_101, %ge3A_102 : vector<16xi32>
      %jit3A = arith.constant 1 : i32
      %jit3A_104 = arith.constant 0 : i32
      %broadcast_in_dim3A_105 = vector.broadcast %jit3A : i32 to vector<16xi32>
      %broadcast_in_dim3A_106 = vector.broadcast %jit3A_104 : i32 to vector<16xi32>
      %select_n3A = arith.select %ge3A_103, %broadcast_in_dim3A_105, %broadcast_in_dim3A_106 : vector<16xi1>, vector<16xi32>
      %broadcast_in_dim3A_107 = arith.constant true
      %broadcast_in_dim3A_108 = vector.broadcast %broadcast_in_dim3A_107 : i1 to vector<16xi1>
      %masked_cumsum3A = tpu.scan <sum>, %select_n3A masked %broadcast_in_dim3A_108 : vector<16xi32>, vector<16xi1> -> vector<16xi32>
      %add3A_109 = arith.addi %scan3A_97, %masked_cumsum3A : vector<16xi32>
      %sub3A = arith.subi %add3A_109, %select_n3A : vector<16xi32>
      tpu.vector_store_idx %arg7[%sub3A], %get3A_101 masked %ge3A_103 : memref<512xi32, #tpu.memory_space<vmem>>[vector<16xi32>], vector<16xi32>, vector<16xi1>
      %mul3A_110 = arith.constant 16 : i32
      %mul3A_111 = arith.muli %scan3A_96, %mul3A_110 : i32
      %swap3A_112 = arith.index_cast %mul3A_111 : i32 to index
      %swap3A_113 = tpu.vector_load %arg9[%swap3A_112] {strides = array<i32>} : memref<512xi32, #tpu.memory_space<vmem>>, vector<16xi32>,
      tpu.vector_store %arg9[%swap3A_112], %sub3A {strides = array<i32>} : memref<512xi32, #tpu.memory_space<vmem>>, vector<16xi32>,
      %all_reduce_population_count3A = tpu.all_reduce %ge3A_103 {dim = 0 : i64, kind = #tpu.reduction_kind<sum>} : vector<16xi1> -> vector<16xi32>
      %add3A_114 = arith.addi %scan3A_97, %all_reduce_population_count3A : vector<16xi32>
      scf.yield %add3A_114 : vector<16xi32>
    }
    %scan3A_16 = arith.constant 32 : i32
    %reduce_max3A = arith.constant true
    %reduce_max3A_17 = vector.broadcast %reduce_max3A : i1 to vector<16xi1>
    %reduce_max3A_18 = arith.constant -2147483648 : i32
    %reduce_max3A_19 = vector.broadcast %reduce_max3A_18 : i32 to vector<16xi32>
    %reduce_max3A_20 = arith.xori %scan3A_15, %reduce_max3A_19 : vector<16xi32>
    %reduce_max3A_21 = tpu.scan <max>, %reduce_max3A_20 masked %reduce_max3A_17 : vector<16xi32>, vector<16xi1> -> vector<16xi32>
    %reduce_max3A_22 = arith.xori %reduce_max3A_21, %reduce_max3A_19 : vector<16xi32>
    %reduce_max3A_23 = vector.extract %reduce_max3A_22[15] : i32 from vector<16xi32>
    %swap3A = arith.constant 0 : i32
    %swap3A_24 = arith.index_cast %swap3A : i32 to index
    %swap3A_25 = memref.load %arg11[%swap3A_24] : memref<2xi32, #tpu.memory_space<smem>>
    memref.store %reduce_max3A_23, %arg11[%swap3A_24] : memref<2xi32, #tpu.memory_space<smem>>
    %gt3A = arith.constant 0 : i32
    %gt3A_26 = arith.cmpi sgt, %reduce_max3A_23, %gt3A : i32
    %convert_element_type3A = arith.extui %gt3A_26 : i1 to i32
    %cond3A = arith.constant 0 : i32
    %cond3A_27 = arith.cmpi ne, %convert_element_type3A, %cond3A : i32
    scf.if %cond3A_27 {
      %dma_start3A_96 = arith.constant 0 : i32
      %dma_start3A_97 = arith.constant 0 : i32
      %dma_start3A_98 = tpu.memref_slice %arg12[%dma_start3A_96, %dma_start3A_97] : memref<512x32xf32, #tpu.memory_space<vmem>> -> memref<64x32xf32, #tpu.memory_space<vmem>>
      %dma_start3A_99 = arith.constant 0 : i32
      %dma_start3A_100 = tpu.memref_slice %arg7[%dma_start3A_99] : memref<512xi32, #tpu.memory_space<vmem>> -> memref<64xi32, #tpu.memory_space<vmem>>
      %dma_start3A_101 = arith.constant 0 : i32
      %dma_start3A_102 = arith.constant 0 : i32
      %dma_start3A_103 = tpu.memref_slice %arg2[%dma_start3A_101, %dma_start3A_102] : memref<2097152x32xf32, #tpu.memory_space<hbm>> -> memref<2097152x32xf32, #tpu.memory_space<hbm>>
      tpu.enqueue_indirect_dma source(%dma_start3A_103 : memref<2097152x32xf32, #tpu.memory_space<hbm>>) target(%dma_start3A_98 : memref<64x32xf32, #tpu.memory_space<vmem>>) offsets(%dma_start3A_100 : memref<64xi32, #tpu.memory_space<vmem>>) semaphore(%arg18 : memref<!tpu.dma_semaphore, #tpu.memory_space<semaphore_mem>>)
    } else {
    }
    %gt3A_28 = arith.constant 64 : i32
    %gt3A_29 = arith.cmpi sgt, %reduce_max3A_23, %gt3A_28 : i32
    %convert_element_type3A_30 = arith.extui %gt3A_29 : i1 to i32
    %cond3A_31 = arith.constant 0 : i32
    %cond3A_32 = arith.cmpi ne, %convert_element_type3A_30, %cond3A_31 : i32
    scf.if %cond3A_32 {
      %dma_start3A_96 = arith.constant 64 : i32
      %dma_start3A_97 = arith.constant 0 : i32
      %dma_start3A_98 = tpu.memref_slice %arg12[%dma_start3A_96, %dma_start3A_97] : memref<512x32xf32, #tpu.memory_space<vmem>> -> memref<64x32xf32, #tpu.memory_space<vmem>>
      %dma_start3A_99 = arith.constant 64 : i32
      %dma_start3A_100 = tpu.memref_slice %arg7[%dma_start3A_99] : memref<512xi32, #tpu.memory_space<vmem>> -> memref<64xi32, #tpu.memory_space<vmem>>
      %dma_start3A_101 = arith.constant 0 : i32
      %dma_start3A_102 = arith.constant 0 : i32
      %dma_start3A_103 = tpu.memref_slice %arg2[%dma_start3A_101, %dma_start3A_102] : memref<2097152x32xf32, #tpu.memory_space<hbm>> -> memref<2097152x32xf32, #tpu.memory_space<hbm>>
      tpu.enqueue_indirect_dma source(%dma_start3A_103 : memref<2097152x32xf32, #tpu.memory_space<hbm>>) target(%dma_start3A_98 : memref<64x32xf32, #tpu.memory_space<vmem>>) offsets(%dma_start3A_100 : memref<64xi32, #tpu.memory_space<vmem>>) semaphore(%arg18 : memref<!tpu.dma_semaphore, #tpu.memory_space<semaphore_mem>>)
    } else {
    }
    %gt3A_33 = arith.constant 128 : i32
    %gt3A_34 = arith.cmpi sgt, %reduce_max3A_23, %gt3A_33 : i32
    %convert_element_type3A_35 = arith.extui %gt3A_34 : i1 to i32
    %cond3A_36 = arith.constant 0 : i32
    %cond3A_37 = arith.cmpi ne, %convert_element_type3A_35, %cond3A_36 : i32
    scf.if %cond3A_37 {
      %dma_start3A_96 = arith.constant 128 : i32
      %dma_start3A_97 = arith.constant 0 : i32
      %dma_start3A_98 = tpu.memref_slice %arg12[%dma_start3A_96, %dma_start3A_97] : memref<512x32xf32, #tpu.memory_space<vmem>> -> memref<64x32xf32, #tpu.memory_space<vmem>>
      %dma_start3A_99 = arith.constant 128 : i32
      %dma_start3A_100 = tpu.memref_slice %arg7[%dma_start3A_99] : memref<512xi32, #tpu.memory_space<vmem>> -> memref<64xi32, #tpu.memory_space<vmem>>
      %dma_start3A_101 = arith.constant 0 : i32
      %dma_start3A_102 = arith.constant 0 : i32
      %dma_start3A_103 = tpu.memref_slice %arg2[%dma_start3A_101, %dma_start3A_102] : memref<2097152x32xf32, #tpu.memory_space<hbm>> -> memref<2097152x32xf32, #tpu.memory_space<hbm>>
      tpu.enqueue_indirect_dma source(%dma_start3A_103 : memref<2097152x32xf32, #tpu.memory_space<hbm>>) target(%dma_start3A_98 : memref<64x32xf32, #tpu.memory_space<vmem>>) offsets(%dma_start3A_100 : memref<64xi32, #tpu.memory_space<vmem>>) semaphore(%arg18 : memref<!tpu.dma_semaphore, #tpu.memory_space<semaphore_mem>>)
    } else {
    }
    %gt3A_38 = arith.constant 192 : i32
    %gt3A_39 = arith.cmpi sgt, %reduce_max3A_23, %gt3A_38 : i32
    %convert_element_type3A_40 = arith.extui %gt3A_39 : i1 to i32
    %cond3A_41 = arith.constant 0 : i32
    %cond3A_42 = arith.cmpi ne, %convert_element_type3A_40, %cond3A_41 : i32
    scf.if %cond3A_42 {
      %dma_start3A_96 = arith.constant 192 : i32
      %dma_start3A_97 = arith.constant 0 : i32
      %dma_start3A_98 = tpu.memref_slice %arg12[%dma_start3A_96, %dma_start3A_97] : memref<512x32xf32, #tpu.memory_space<vmem>> -> memref<64x32xf32, #tpu.memory_space<vmem>>
      %dma_start3A_99 = arith.constant 192 : i32
      %dma_start3A_100 = tpu.memref_slice %arg7[%dma_start3A_99] : memref<512xi32, #tpu.memory_space<vmem>> -> memref<64xi32, #tpu.memory_space<vmem>>
      %dma_start3A_101 = arith.constant 0 : i32
      %dma_start3A_102 = arith.constant 0 : i32
      %dma_start3A_103 = tpu.memref_slice %arg2[%dma_start3A_101, %dma_start3A_102] : memref<2097152x32xf32, #tpu.memory_space<hbm>> -> memref<2097152x32xf32, #tpu.memory_space<hbm>>
      tpu.enqueue_indirect_dma source(%dma_start3A_103 : memref<2097152x32xf32, #tpu.memory_space<hbm>>) target(%dma_start3A_98 : memref<64x32xf32, #tpu.memory_space<vmem>>) offsets(%dma_start3A_100 : memref<64xi32, #tpu.memory_space<vmem>>) semaphore(%arg18 : memref<!tpu.dma_semaphore, #tpu.memory_space<semaphore_mem>>)
    } else {
    }
    %gt3A_43 = arith.constant 256 : i32
    %gt3A_44 = arith.cmpi sgt, %reduce_max3A_23, %gt3A_43 : i32
    %convert_element_type3A_45 = arith.extui %gt3A_44 : i1 to i32
    %cond3A_46 = arith.constant 0 : i32
    %cond3A_47 = arith.cmpi ne, %convert_element_type3A_45, %cond3A_46 : i32
    scf.if %cond3A_47 {
      %dma_start3A_96 = arith.constant 256 : i32
      %dma_start3A_97 = arith.constant 0 : i32
      %dma_start3A_98 = tpu.memref_slice %arg12[%dma_start3A_96, %dma_start3A_97] : memref<512x32xf32, #tpu.memory_space<vmem>> -> memref<64x32xf32, #tpu.memory_space<vmem>>
      %dma_start3A_99 = arith.constant 256 : i32
      %dma_start3A_100 = tpu.memref_slice %arg7[%dma_start3A_99] : memref<512xi32, #tpu.memory_space<vmem>> -> memref<64xi32, #tpu.memory_space<vmem>>
      %dma_start3A_101 = arith.constant 0 : i32
      %dma_start3A_102 = arith.constant 0 : i32
      %dma_start3A_103 = tpu.memref_slice %arg2[%dma_start3A_101, %dma_start3A_102] : memref<2097152x32xf32, #tpu.memory_space<hbm>> -> memref<2097152x32xf32, #tpu.memory_space<hbm>>
      tpu.enqueue_indirect_dma source(%dma_start3A_103 : memref<2097152x32xf32, #tpu.memory_space<hbm>>) target(%dma_start3A_98 : memref<64x32xf32, #tpu.memory_space<vmem>>) offsets(%dma_start3A_100 : memref<64xi32, #tpu.memory_space<vmem>>) semaphore(%arg18 : memref<!tpu.dma_semaphore, #tpu.memory_space<semaphore_mem>>)
    } else {
    }
    %gt3A_48 = arith.constant 320 : i32
    %gt3A_49 = arith.cmpi sgt, %reduce_max3A_23, %gt3A_48 : i32
    %convert_element_type3A_50 = arith.extui %gt3A_49 : i1 to i32
    %cond3A_51 = arith.constant 0 : i32
    %cond3A_52 = arith.cmpi ne, %convert_element_type3A_50, %cond3A_51 : i32
    scf.if %cond3A_52 {
      %dma_start3A_96 = arith.constant 320 : i32
      %dma_start3A_97 = arith.constant 0 : i32
      %dma_start3A_98 = tpu.memref_slice %arg12[%dma_start3A_96, %dma_start3A_97] : memref<512x32xf32, #tpu.memory_space<vmem>> -> memref<64x32xf32, #tpu.memory_space<vmem>>
      %dma_start3A_99 = arith.constant 320 : i32
      %dma_start3A_100 = tpu.memref_slice %arg7[%dma_start3A_99] : memref<512xi32, #tpu.memory_space<vmem>> -> memref<64xi32, #tpu.memory_space<vmem>>
      %dma_start3A_101 = arith.constant 0 : i32
      %dma_start3A_102 = arith.constant 0 : i32
      %dma_start3A_103 = tpu.memref_slice %arg2[%dma_start3A_101, %dma_start3A_102] : memref<2097152x32xf32, #tpu.memory_space<hbm>> -> memref<2097152x32xf32, #tpu.memory_space<hbm>>
      tpu.enqueue_indirect_dma source(%dma_start3A_103 : memref<2097152x32xf32, #tpu.memory_space<hbm>>) target(%dma_start3A_98 : memref<64x32xf32, #tpu.memory_space<vmem>>) offsets(%dma_start3A_100 : memref<64xi32, #tpu.memory_space<vmem>>) semaphore(%arg18 : memref<!tpu.dma_semaphore, #tpu.memory_space<semaphore_mem>>)
    } else {
    }
    %gt3A_53 = arith.constant 384 : i32
    %gt3A_54 = arith.cmpi sgt, %reduce_max3A_23, %gt3A_53 : i32
    %convert_element_type3A_55 = arith.extui %gt3A_54 : i1 to i32
    %cond3A_56 = arith.constant 0 : i32
    %cond3A_57 = arith.cmpi ne, %convert_element_type3A_55, %cond3A_56 : i32
    scf.if %cond3A_57 {
      %dma_start3A_96 = arith.constant 384 : i32
      %dma_start3A_97 = arith.constant 0 : i32
      %dma_start3A_98 = tpu.memref_slice %arg12[%dma_start3A_96, %dma_start3A_97] : memref<512x32xf32, #tpu.memory_space<vmem>> -> memref<64x32xf32, #tpu.memory_space<vmem>>
      %dma_start3A_99 = arith.constant 384 : i32
      %dma_start3A_100 = tpu.memref_slice %arg7[%dma_start3A_99] : memref<512xi32, #tpu.memory_space<vmem>> -> memref<64xi32, #tpu.memory_space<vmem>>
      %dma_start3A_101 = arith.constant 0 : i32
      %dma_start3A_102 = arith.constant 0 : i32
      %dma_start3A_103 = tpu.memref_slice %arg2[%dma_start3A_101, %dma_start3A_102] : memref<2097152x32xf32, #tpu.memory_space<hbm>> -> memref<2097152x32xf32, #tpu.memory_space<hbm>>
      tpu.enqueue_indirect_dma source(%dma_start3A_103 : memref<2097152x32xf32, #tpu.memory_space<hbm>>) target(%dma_start3A_98 : memref<64x32xf32, #tpu.memory_space<vmem>>) offsets(%dma_start3A_100 : memref<64xi32, #tpu.memory_space<vmem>>) semaphore(%arg18 : memref<!tpu.dma_semaphore, #tpu.memory_space<semaphore_mem>>)
    } else {
    }
    %gt3A_58 = arith.constant 448 : i32
    %gt3A_59 = arith.cmpi sgt, %reduce_max3A_23, %gt3A_58 : i32
    %convert_element_type3A_60 = arith.extui %gt3A_59 : i1 to i32
    %cond3A_61 = arith.constant 0 : i32
    %cond3A_62 = arith.cmpi ne, %convert_element_type3A_60, %cond3A_61 : i32
    scf.if %cond3A_62 {
      %dma_start3A_96 = arith.constant 448 : i32
      %dma_start3A_97 = arith.constant 0 : i32
      %dma_start3A_98 = tpu.memref_slice %arg12[%dma_start3A_96, %dma_start3A_97] : memref<512x32xf32, #tpu.memory_space<vmem>> -> memref<64x32xf32, #tpu.memory_space<vmem>>
      %dma_start3A_99 = arith.constant 448 : i32
      %dma_start3A_100 = tpu.memref_slice %arg7[%dma_start3A_99] : memref<512xi32, #tpu.memory_space<vmem>> -> memref<64xi32, #tpu.memory_space<vmem>>
      %dma_start3A_101 = arith.constant 0 : i32
      %dma_start3A_102 = arith.constant 0 : i32
      %dma_start3A_103 = tpu.memref_slice %arg2[%dma_start3A_101, %dma_start3A_102] : memref<2097152x32xf32, #tpu.memory_space<hbm>> -> memref<2097152x32xf32, #tpu.memory_space<hbm>>
      tpu.enqueue_indirect_dma source(%dma_start3A_103 : memref<2097152x32xf32, #tpu.memory_space<hbm>>) target(%dma_start3A_98 : memref<64x32xf32, #tpu.memory_space<vmem>>) offsets(%dma_start3A_100 : memref<64xi32, #tpu.memory_space<vmem>>) semaphore(%arg18 : memref<!tpu.dma_semaphore, #tpu.memory_space<semaphore_mem>>)
    } else {
    }
    %mul3A_63 = arith.constant 8192 : i32
    %mul3A_64 = arith.muli %add3A, %mul3A_63 : i32
    %add3A_65 = arith.constant 0 : i32
    %add3A_66 = arith.addi %mul3A_64, %add3A_65 : i32
    %dma_start3A = arith.constant 0 : i32
    %dma_start3A_67 = arith.constant 0 : i32
    %dma_start3A_68 = tpu.memref_slice %arg4[%dma_start3A, %dma_start3A_67, %add3A_66] : memref<8x5x262144xf32, #tpu.memory_space<hbm>> -> memref<1x5x512xf32, #tpu.memory_space<hbm>>
    %dma_start3A_69 = tpu.memref_squeeze %dma_start3A_68 : memref<1x5x512xf32, #tpu.memory_space<hbm>> -> memref<5x512xf32, #tpu.memory_space<hbm>>
    %dma_start3A_70 = arith.constant 0 : i32
    %dma_start3A_71 = tpu.memref_slice %arg4[%dma_start3A, %dma_start3A_70, %add3A_66] : memref<8x5x262144xf32, #tpu.memory_space<hbm>> -> memref<1x5x512xf32, #tpu.memory_space<hbm>>
    %dma_start3A_72 = tpu.memref_squeeze %dma_start3A_71 : memref<1x5x512xf32, #tpu.memory_space<hbm>> -> memref<5x512xf32, #tpu.memory_space<hbm>>
    tpu.enqueue_dma source(%dma_start3A_72 : memref<5x512xf32, #tpu.memory_space<hbm>>) target(%arg16 : memref<5x512xf32, #tpu.memory_space<vmem>>) target_semaphore(%arg20 : memref<!tpu.dma_semaphore, #tpu.memory_space<semaphore_mem>>)
    %scan3A_73 = arith.constant 0 : i32
    %scan3A_74 = arith.constant 0 : i32
    %scan3A_75 = arith.constant 64 : i32
    %scan3A_76 = arith.addi %scan3A_74, %scan3A_75 : i32
    %scan3A_77 = arith.constant 1 : i32
    scf.for %scan3A_96 = %scan3A_74 to %scan3A_76 step %scan3A_77  : i32 {
      %mul3A_97 = arith.constant 2 : i32
      %mul3A_98 = arith.muli %mul3A_97, %scan3A_96 : i32
      %add3A_99 = arith.constant 1 : i32
      %add3A_100 = arith.addi %mul3A_98, %add3A_99 : i32
      %jit3A = arith.constant 16 : i32
      %div3A = arith.divsi %add3A_100, %jit3A : i32
      %sign3A = arith.constant 0 : i32
      %sign3A_101 = arith.cmpi sgt, %add3A_100, %sign3A : i32
      %sign3A_102 = arith.extui %sign3A_101 : i1 to i32
      %sign3A_103 = arith.constant 0 : i32
      %sign3A_104 = arith.cmpi slt, %add3A_100, %sign3A_103 : i32
      %sign3A_105 = arith.extui %sign3A_104 : i1 to i32
      %sign3A_106 = arith.subi %sign3A_102, %sign3A_105 : i32
      %sign3A_107 = arith.constant 0 : i32
      %sign3A_108 = arith.cmpi sgt, %jit3A, %sign3A_107 : i32
      %sign3A_109 = arith.extui %sign3A_108 : i1 to i32
      %sign3A_110 = arith.constant 0 : i32
      %sign3A_111 = arith.cmpi slt, %jit3A, %sign3A_110 : i32
      %sign3A_112 = arith.extui %sign3A_111 : i1 to i32
      %sign3A_113 = arith.subi %sign3A_109, %sign3A_112 : i32
      %ne3A = arith.cmpi ne, %sign3A_106, %sign3A_113 : i32
      %rem3A = arith.remsi %add3A_100, %jit3A : i32
      %ne3A_114 = arith.constant 0 : i32
      %ne3A_115 = arith.cmpi ne, %rem3A, %ne3A_114 : i32
      %and3A = arith.andi %ne3A, %ne3A_115 : i1
      %sub3A = arith.constant 1 : i32
      %sub3A_116 = arith.subi %div3A, %sub3A : i32
      %select_n3A = arith.select %and3A, %sub3A_116, %div3A : i32
      %mul3A_117 = arith.constant 16 : i32
      %mul3A_118 = arith.muli %select_n3A, %mul3A_117 : i32
      %sub3A_119 = arith.subi %add3A_100, %mul3A_118 : i32
      %jit3A_120 = arith.constant 2 : i32
      %eq3A = arith.constant 0 : i32
      %eq3A_121 = arith.cmpi eq, %jit3A_120, %eq3A : i32
      %jit3A_122 = arith.constant 1 : i32
      %select_n3A_123 = arith.select %eq3A_121, %jit3A_122, %jit3A_120 : i32
      %rem3A_124 = arith.remsi %select_n3A, %select_n3A_123 : i32
      %ne3A_125 = arith.constant 0 : i32
      %ne3A_126 = arith.cmpi ne, %rem3A_124, %ne3A_125 : i32
      %lt3A = arith.constant 0 : i32
      %lt3A_127 = arith.cmpi slt, %rem3A_124, %lt3A : i32
      %lt3A_128 = arith.constant 0 : i32
      %lt3A_129 = arith.cmpi slt, %select_n3A_123, %lt3A_128 : i32
      %ne3A_130 = arith.xori %lt3A_127, %lt3A_129 : i1
      %and3A_131 = arith.andi %ne3A_130, %ne3A_126 : i1
      %add3A_132 = arith.addi %rem3A_124, %select_n3A_123 : i32
      %select_n3A_133 = arith.select %and3A_131, %add3A_132, %rem3A_124 : i32
      %mul3A_134 = arith.constant 512 : i32
      %mul3A_135 = arith.muli %select_n3A_133, %mul3A_134 : i32
      %mul3A_136 = arith.constant 32 : i32
      %mul3A_137 = arith.muli %sub3A_119, %mul3A_136 : i32
      %add3A_138 = arith.addi %mul3A_135, %mul3A_137 : i32
      %broadcast_in_dim3A_139 = arith.constant 0 : i32
      %broadcast_in_dim3A_140 = vector.broadcast %broadcast_in_dim3A_139 : i32 to vector<16xi32>
      %scan3A_141 = arith.constant 0 : i32
      %scan3A_142 = arith.constant 32 : i32
      %scan3A_143 = arith.addi %scan3A_141, %scan3A_142 : i32
      %scan3A_144 = arith.constant 1 : i32
      %scan3A_145 = scf.for %scan3A_444 = %scan3A_141 to %scan3A_143 step %scan3A_144 iter_args(%scan3A_445 = %broadcast_in_dim3A_140) -> (vector<16xi32>)  : i32 {
        %add3A_446 = arith.addi %add3A_138, %scan3A_444 : i32
        %get3A_447 = arith.index_cast %add3A_446 : i32 to index
        %get3A_448 = arith.constant 0 : index
        %get3A_449 = tpu.vector_load %arg6[%get3A_447, %get3A_448] {strides = array<i32>} : memref<1024x16xi32, #tpu.memory_space<vmem>>, vector<16xi32>,
        %ge3A_450 = arith.constant 0 : i32
        %ge3A_451 = vector.broadcast %ge3A_450 : i32 to vector<16xi32>
        %ge3A_452 = arith.cmpi sge, %get3A_449, %ge3A_451 : vector<16xi32>
        %jit3A_453 = arith.constant 1 : i32
        %jit3A_454 = arith.constant 0 : i32
        %broadcast_in_dim3A_455 = vector.broadcast %jit3A_453 : i32 to vector<16xi32>
        %broadcast_in_dim3A_456 = vector.broadcast %jit3A_454 : i32 to vector<16xi32>
        %select_n3A_457 = arith.select %ge3A_452, %broadcast_in_dim3A_455, %broadcast_in_dim3A_456 : vector<16xi1>, vector<16xi32>
        %broadcast_in_dim3A_458 = arith.constant true
        %broadcast_in_dim3A_459 = vector.broadcast %broadcast_in_dim3A_458 : i1 to vector<16xi1>
        %masked_cumsum3A = tpu.scan <sum>, %select_n3A_457 masked %broadcast_in_dim3A_459 : vector<16xi32>, vector<16xi1> -> vector<16xi32>
        %add3A_460 = arith.addi %scan3A_445, %masked_cumsum3A : vector<16xi32>
        %sub3A_461 = arith.subi %add3A_460, %select_n3A_457 : vector<16xi32>
        tpu.vector_store_idx %arg8[%sub3A_461], %get3A_449 masked %ge3A_452 : memref<512xi32, #tpu.memory_space<vmem>>[vector<16xi32>], vector<16xi32>, vector<16xi1>
        %mul3A_462 = arith.constant 16 : i32
        %mul3A_463 = arith.muli %scan3A_444, %mul3A_462 : i32
        %swap3A_464 = arith.index_cast %mul3A_463 : i32 to index
        %swap3A_465 = tpu.vector_load %arg10[%swap3A_464] {strides = array<i32>} : memref<512xi32, #tpu.memory_space<vmem>>, vector<16xi32>,
        tpu.vector_store %arg10[%swap3A_464], %sub3A_461 {strides = array<i32>} : memref<512xi32, #tpu.memory_space<vmem>>, vector<16xi32>,
        %all_reduce_population_count3A = tpu.all_reduce %ge3A_452 {dim = 0 : i64, kind = #tpu.reduction_kind<sum>} : vector<16xi1> -> vector<16xi32>
        %add3A_466 = arith.addi %scan3A_445, %all_reduce_population_count3A : vector<16xi32>
        scf.yield %add3A_466 : vector<16xi32>
      }
      %scan3A_146 = arith.constant 32 : i32
      %reduce_max3A_147 = arith.constant true
      %reduce_max3A_148 = vector.broadcast %reduce_max3A_147 : i1 to vector<16xi1>
      %reduce_max3A_149 = arith.constant -2147483648 : i32
      %reduce_max3A_150 = vector.broadcast %reduce_max3A_149 : i32 to vector<16xi32>
      %reduce_max3A_151 = arith.xori %scan3A_145, %reduce_max3A_150 : vector<16xi32>
      %reduce_max3A_152 = tpu.scan <max>, %reduce_max3A_151 masked %reduce_max3A_148 : vector<16xi32>, vector<16xi1> -> vector<16xi32>
      %reduce_max3A_153 = arith.xori %reduce_max3A_152, %reduce_max3A_150 : vector<16xi32>
      %reduce_max3A_154 = vector.extract %reduce_max3A_153[15] : i32 from vector<16xi32>
      %swap3A_155 = arith.constant 1 : i32
      %swap3A_156 = arith.index_cast %swap3A_155 : i32 to index
      %swap3A_157 = memref.load %arg11[%swap3A_156] : memref<2xi32, #tpu.memory_space<smem>>
      memref.store %reduce_max3A_154, %arg11[%swap3A_156] : memref<2xi32, #tpu.memory_space<smem>>
      %gt3A_158 = arith.constant 0 : i32
      %gt3A_159 = arith.cmpi sgt, %reduce_max3A_154, %gt3A_158 : i32
      %convert_element_type3A_160 = arith.extui %gt3A_159 : i1 to i32
      %cond3A_161 = arith.constant 0 : i32
      %cond3A_162 = arith.cmpi ne, %convert_element_type3A_160, %cond3A_161 : i32
      scf.if %cond3A_162 {
        %dma_start3A_444 = arith.constant 0 : i32
        %dma_start3A_445 = arith.constant 0 : i32
        %dma_start3A_446 = tpu.memref_slice %arg13[%dma_start3A_444, %dma_start3A_445] : memref<512x32xf32, #tpu.memory_space<vmem>> -> memref<64x32xf32, #tpu.memory_space<vmem>>
        %dma_start3A_447 = arith.constant 0 : i32
        %dma_start3A_448 = tpu.memref_slice %arg8[%dma_start3A_447] : memref<512xi32, #tpu.memory_space<vmem>> -> memref<64xi32, #tpu.memory_space<vmem>>
        %dma_start3A_449 = arith.constant 0 : i32
        %dma_start3A_450 = arith.constant 0 : i32
        %dma_start3A_451 = tpu.memref_slice %arg2[%dma_start3A_449, %dma_start3A_450] : memref<2097152x32xf32, #tpu.memory_space<hbm>> -> memref<2097152x32xf32, #tpu.memory_space<hbm>>
        tpu.enqueue_indirect_dma source(%dma_start3A_451 : memref<2097152x32xf32, #tpu.memory_space<hbm>>) target(%dma_start3A_446 : memref<64x32xf32, #tpu.memory_space<vmem>>) offsets(%dma_start3A_448 : memref<64xi32, #tpu.memory_space<vmem>>) semaphore(%arg19 : memref<!tpu.dma_semaphore, #tpu.memory_space<semaphore_mem>>)
      } else {
      }
      %gt3A_163 = arith.constant 64 : i32
      %gt3A_164 = arith.cmpi sgt, %reduce_max3A_154, %gt3A_163 : i32
      %convert_element_type3A_165 = arith.extui %gt3A_164 : i1 to i32
      %cond3A_166 = arith.constant 0 : i32
      %cond3A_167 = arith.cmpi ne, %convert_element_type3A_165, %cond3A_166 : i32
      scf.if %cond3A_167 {
        %dma_start3A_444 = arith.constant 64 : i32
        %dma_start3A_445 = arith.constant 0 : i32
        %dma_start3A_446 = tpu.memref_slice %arg13[%dma_start3A_444, %dma_start3A_445] : memref<512x32xf32, #tpu.memory_space<vmem>> -> memref<64x32xf32, #tpu.memory_space<vmem>>
        %dma_start3A_447 = arith.constant 64 : i32
        %dma_start3A_448 = tpu.memref_slice %arg8[%dma_start3A_447] : memref<512xi32, #tpu.memory_space<vmem>> -> memref<64xi32, #tpu.memory_space<vmem>>
        %dma_start3A_449 = arith.constant 0 : i32
        %dma_start3A_450 = arith.constant 0 : i32
        %dma_start3A_451 = tpu.memref_slice %arg2[%dma_start3A_449, %dma_start3A_450] : memref<2097152x32xf32, #tpu.memory_space<hbm>> -> memref<2097152x32xf32, #tpu.memory_space<hbm>>
        tpu.enqueue_indirect_dma source(%dma_start3A_451 : memref<2097152x32xf32, #tpu.memory_space<hbm>>) target(%dma_start3A_446 : memref<64x32xf32, #tpu.memory_space<vmem>>) offsets(%dma_start3A_448 : memref<64xi32, #tpu.memory_space<vmem>>) semaphore(%arg19 : memref<!tpu.dma_semaphore, #tpu.memory_space<semaphore_mem>>)
      } else {
      }
      %gt3A_168 = arith.constant 128 : i32
      %gt3A_169 = arith.cmpi sgt, %reduce_max3A_154, %gt3A_168 : i32
      %convert_element_type3A_170 = arith.extui %gt3A_169 : i1 to i32
      %cond3A_171 = arith.constant 0 : i32
      %cond3A_172 = arith.cmpi ne, %convert_element_type3A_170, %cond3A_171 : i32
      scf.if %cond3A_172 {
        %dma_start3A_444 = arith.constant 128 : i32
        %dma_start3A_445 = arith.constant 0 : i32
        %dma_start3A_446 = tpu.memref_slice %arg13[%dma_start3A_444, %dma_start3A_445] : memref<512x32xf32, #tpu.memory_space<vmem>> -> memref<64x32xf32, #tpu.memory_space<vmem>>
        %dma_start3A_447 = arith.constant 128 : i32
        %dma_start3A_448 = tpu.memref_slice %arg8[%dma_start3A_447] : memref<512xi32, #tpu.memory_space<vmem>> -> memref<64xi32, #tpu.memory_space<vmem>>
        %dma_start3A_449 = arith.constant 0 : i32
        %dma_start3A_450 = arith.constant 0 : i32
        %dma_start3A_451 = tpu.memref_slice %arg2[%dma_start3A_449, %dma_start3A_450] : memref<2097152x32xf32, #tpu.memory_space<hbm>> -> memref<2097152x32xf32, #tpu.memory_space<hbm>>
        tpu.enqueue_indirect_dma source(%dma_start3A_451 : memref<2097152x32xf32, #tpu.memory_space<hbm>>) target(%dma_start3A_446 : memref<64x32xf32, #tpu.memory_space<vmem>>) offsets(%dma_start3A_448 : memref<64xi32, #tpu.memory_space<vmem>>) semaphore(%arg19 : memref<!tpu.dma_semaphore, #tpu.memory_space<semaphore_mem>>)
      } else {
      }
      %gt3A_173 = arith.constant 192 : i32
      %gt3A_174 = arith.cmpi sgt, %reduce_max3A_154, %gt3A_173 : i32
      %convert_element_type3A_175 = arith.extui %gt3A_174 : i1 to i32
      %cond3A_176 = arith.constant 0 : i32
      %cond3A_177 = arith.cmpi ne, %convert_element_type3A_175, %cond3A_176 : i32
      scf.if %cond3A_177 {
        %dma_start3A_444 = arith.constant 192 : i32
        %dma_start3A_445 = arith.constant 0 : i32
        %dma_start3A_446 = tpu.memref_slice %arg13[%dma_start3A_444, %dma_start3A_445] : memref<512x32xf32, #tpu.memory_space<vmem>> -> memref<64x32xf32, #tpu.memory_space<vmem>>
        %dma_start3A_447 = arith.constant 192 : i32
        %dma_start3A_448 = tpu.memref_slice %arg8[%dma_start3A_447] : memref<512xi32, #tpu.memory_space<vmem>> -> memref<64xi32, #tpu.memory_space<vmem>>
        %dma_start3A_449 = arith.constant 0 : i32
        %dma_start3A_450 = arith.constant 0 : i32
        %dma_start3A_451 = tpu.memref_slice %arg2[%dma_start3A_449, %dma_start3A_450] : memref<2097152x32xf32, #tpu.memory_space<hbm>> -> memref<2097152x32xf32, #tpu.memory_space<hbm>>
        tpu.enqueue_indirect_dma source(%dma_start3A_451 : memref<2097152x32xf32, #tpu.memory_space<hbm>>) target(%dma_start3A_446 : memref<64x32xf32, #tpu.memory_space<vmem>>) offsets(%dma_start3A_448 : memref<64xi32, #tpu.memory_space<vmem>>) semaphore(%arg19 : memref<!tpu.dma_semaphore, #tpu.memory_space<semaphore_mem>>)
      } else {
      }
      %gt3A_178 = arith.constant 256 : i32
      %gt3A_179 = arith.cmpi sgt, %reduce_max3A_154, %gt3A_178 : i32
      %convert_element_type3A_180 = arith.extui %gt3A_179 : i1 to i32
      %cond3A_181 = arith.constant 0 : i32
      %cond3A_182 = arith.cmpi ne, %convert_element_type3A_180, %cond3A_181 : i32
      scf.if %cond3A_182 {
        %dma_start3A_444 = arith.constant 256 : i32
        %dma_start3A_445 = arith.constant 0 : i32
        %dma_start3A_446 = tpu.memref_slice %arg13[%dma_start3A_444, %dma_start3A_445] : memref<512x32xf32, #tpu.memory_space<vmem>> -> memref<64x32xf32, #tpu.memory_space<vmem>>
        %dma_start3A_447 = arith.constant 256 : i32
        %dma_start3A_448 = tpu.memref_slice %arg8[%dma_start3A_447] : memref<512xi32, #tpu.memory_space<vmem>> -> memref<64xi32, #tpu.memory_space<vmem>>
        %dma_start3A_449 = arith.constant 0 : i32
        %dma_start3A_450 = arith.constant 0 : i32
        %dma_start3A_451 = tpu.memref_slice %arg2[%dma_start3A_449, %dma_start3A_450] : memref<2097152x32xf32, #tpu.memory_space<hbm>> -> memref<2097152x32xf32, #tpu.memory_space<hbm>>
        tpu.enqueue_indirect_dma source(%dma_start3A_451 : memref<2097152x32xf32, #tpu.memory_space<hbm>>) target(%dma_start3A_446 : memref<64x32xf32, #tpu.memory_space<vmem>>) offsets(%dma_start3A_448 : memref<64xi32, #tpu.memory_space<vmem>>) semaphore(%arg19 : memref<!tpu.dma_semaphore, #tpu.memory_space<semaphore_mem>>)
      } else {
      }
      %gt3A_183 = arith.constant 320 : i32
      %gt3A_184 = arith.cmpi sgt, %reduce_max3A_154, %gt3A_183 : i32
      %convert_element_type3A_185 = arith.extui %gt3A_184 : i1 to i32
      %cond3A_186 = arith.constant 0 : i32
      %cond3A_187 = arith.cmpi ne, %convert_element_type3A_185, %cond3A_186 : i32
      scf.if %cond3A_187 {
        %dma_start3A_444 = arith.constant 320 : i32
        %dma_start3A_445 = arith.constant 0 : i32
        %dma_start3A_446 = tpu.memref_slice %arg13[%dma_start3A_444, %dma_start3A_445] : memref<512x32xf32, #tpu.memory_space<vmem>> -> memref<64x32xf32, #tpu.memory_space<vmem>>
        %dma_start3A_447 = arith.constant 320 : i32
        %dma_start3A_448 = tpu.memref_slice %arg8[%dma_start3A_447] : memref<512xi32, #tpu.memory_space<vmem>> -> memref<64xi32, #tpu.memory_space<vmem>>
        %dma_start3A_449 = arith.constant 0 : i32
        %dma_start3A_450 = arith.constant 0 : i32
        %dma_start3A_451 = tpu.memref_slice %arg2[%dma_start3A_449, %dma_start3A_450] : memref<2097152x32xf32, #tpu.memory_space<hbm>> -> memref<2097152x32xf32, #tpu.memory_space<hbm>>
        tpu.enqueue_indirect_dma source(%dma_start3A_451 : memref<2097152x32xf32, #tpu.memory_space<hbm>>) target(%dma_start3A_446 : memref<64x32xf32, #tpu.memory_space<vmem>>) offsets(%dma_start3A_448 : memref<64xi32, #tpu.memory_space<vmem>>) semaphore(%arg19 : memref<!tpu.dma_semaphore, #tpu.memory_space<semaphore_mem>>)
      } else {
      }
      %gt3A_188 = arith.constant 384 : i32
      %gt3A_189 = arith.cmpi sgt, %reduce_max3A_154, %gt3A_188 : i32
      %convert_element_type3A_190 = arith.extui %gt3A_189 : i1 to i32
      %cond3A_191 = arith.constant 0 : i32
      %cond3A_192 = arith.cmpi ne, %convert_element_type3A_190, %cond3A_191 : i32
      scf.if %cond3A_192 {
        %dma_start3A_444 = arith.constant 384 : i32
        %dma_start3A_445 = arith.constant 0 : i32
        %dma_start3A_446 = tpu.memref_slice %arg13[%dma_start3A_444, %dma_start3A_445] : memref<512x32xf32, #tpu.memory_space<vmem>> -> memref<64x32xf32, #tpu.memory_space<vmem>>
        %dma_start3A_447 = arith.constant 384 : i32
        %dma_start3A_448 = tpu.memref_slice %arg8[%dma_start3A_447] : memref<512xi32, #tpu.memory_space<vmem>> -> memref<64xi32, #tpu.memory_space<vmem>>
        %dma_start3A_449 = arith.constant 0 : i32
        %dma_start3A_450 = arith.constant 0 : i32
        %dma_start3A_451 = tpu.memref_slice %arg2[%dma_start3A_449, %dma_start3A_450] : memref<2097152x32xf32, #tpu.memory_space<hbm>> -> memref<2097152x32xf32, #tpu.memory_space<hbm>>
        tpu.enqueue_indirect_dma source(%dma_start3A_451 : memref<2097152x32xf32, #tpu.memory_space<hbm>>) target(%dma_start3A_446 : memref<64x32xf32, #tpu.memory_space<vmem>>) offsets(%dma_start3A_448 : memref<64xi32, #tpu.memory_space<vmem>>) semaphore(%arg19 : memref<!tpu.dma_semaphore, #tpu.memory_space<semaphore_mem>>)
      } else {
      }
      %gt3A_193 = arith.constant 448 : i32
      %gt3A_194 = arith.cmpi sgt, %reduce_max3A_154, %gt3A_193 : i32
      %convert_element_type3A_195 = arith.extui %gt3A_194 : i1 to i32
      %cond3A_196 = arith.constant 0 : i32
      %cond3A_197 = arith.cmpi ne, %convert_element_type3A_195, %cond3A_196 : i32
      scf.if %cond3A_197 {
        %dma_start3A_444 = arith.constant 448 : i32
        %dma_start3A_445 = arith.constant 0 : i32
        %dma_start3A_446 = tpu.memref_slice %arg13[%dma_start3A_444, %dma_start3A_445] : memref<512x32xf32, #tpu.memory_space<vmem>> -> memref<64x32xf32, #tpu.memory_space<vmem>>
        %dma_start3A_447 = arith.constant 448 : i32
        %dma_start3A_448 = tpu.memref_slice %arg8[%dma_start3A_447] : memref<512xi32, #tpu.memory_space<vmem>> -> memref<64xi32, #tpu.memory_space<vmem>>
        %dma_start3A_449 = arith.constant 0 : i32
        %dma_start3A_450 = arith.constant 0 : i32
        %dma_start3A_451 = tpu.memref_slice %arg2[%dma_start3A_449, %dma_start3A_450] : memref<2097152x32xf32, #tpu.memory_space<hbm>> -> memref<2097152x32xf32, #tpu.memory_space<hbm>>
        tpu.enqueue_indirect_dma source(%dma_start3A_451 : memref<2097152x32xf32, #tpu.memory_space<hbm>>) target(%dma_start3A_446 : memref<64x32xf32, #tpu.memory_space<vmem>>) offsets(%dma_start3A_448 : memref<64xi32, #tpu.memory_space<vmem>>) semaphore(%arg19 : memref<!tpu.dma_semaphore, #tpu.memory_space<semaphore_mem>>)
      } else {
      }
      %mul3A_198 = arith.constant 8192 : i32
      %mul3A_199 = arith.muli %add3A, %mul3A_198 : i32
      %mul3A_200 = arith.constant 512 : i32
      %mul3A_201 = arith.muli %sub3A_119, %mul3A_200 : i32
      %add3A_202 = arith.addi %mul3A_199, %mul3A_201 : i32
      %dma_start3A_203 = arith.constant 0 : i32
      %dma_start3A_204 = tpu.memref_slice %arg4[%select_n3A, %dma_start3A_203, %add3A_202] : memref<8x5x262144xf32, #tpu.memory_space<hbm>> -> memref<1x5x512xf32, #tpu.memory_space<hbm>>
      %dma_start3A_205 = tpu.memref_squeeze %dma_start3A_204 : memref<1x5x512xf32, #tpu.memory_space<hbm>> -> memref<5x512xf32, #tpu.memory_space<hbm>>
      %dma_start3A_206 = arith.constant 0 : i32
      %dma_start3A_207 = tpu.memref_slice %arg4[%select_n3A, %dma_start3A_206, %add3A_202] : memref<8x5x262144xf32, #tpu.memory_space<hbm>> -> memref<1x5x512xf32, #tpu.memory_space<hbm>>
      %dma_start3A_208 = tpu.memref_squeeze %dma_start3A_207 : memref<1x5x512xf32, #tpu.memory_space<hbm>> -> memref<5x512xf32, #tpu.memory_space<hbm>>
      tpu.enqueue_dma source(%dma_start3A_208 : memref<5x512xf32, #tpu.memory_space<hbm>>) target(%arg17 : memref<5x512xf32, #tpu.memory_space<vmem>>) target_semaphore(%arg21 : memref<!tpu.dma_semaphore, #tpu.memory_space<semaphore_mem>>)
      %get3A = arith.constant 0 : i32
      %get3A_209 = arith.index_cast %get3A : i32 to index
      %get3A_210 = memref.load %arg11[%get3A_209] : memref<2xi32, #tpu.memory_space<smem>>
      %gt3A_211 = arith.constant 0 : i32
      %gt3A_212 = arith.cmpi sgt, %get3A_210, %gt3A_211 : i32
      %convert_element_type3A_213 = arith.extui %gt3A_212 : i1 to i32
      %cond3A_214 = arith.constant 0 : i32
      %cond3A_215 = arith.cmpi ne, %convert_element_type3A_213, %cond3A_214 : i32
      scf.if %cond3A_215 {
        %dma_wait3A_444 = arith.constant 0 : i32
        %dma_wait3A_445 = arith.constant 0 : i32
        %dma_wait3A_446 = tpu.memref_slice %arg12[%dma_wait3A_444, %dma_wait3A_445] : memref<512x32xf32, #tpu.memory_space<vmem>> -> memref<64x32xf32, #tpu.memory_space<vmem>>
        %dma_wait3A_447 = arith.constant 0 : i32
        %dma_wait3A_448 = tpu.memref_slice %arg7[%dma_wait3A_447] : memref<512xi32, #tpu.memory_space<vmem>> -> memref<64xi32, #tpu.memory_space<vmem>>
        %dma_wait3A_449 = arith.constant 0 : i32
        %dma_wait3A_450 = arith.constant 0 : i32
        %dma_wait3A_451 = tpu.memref_slice %arg2[%dma_wait3A_449, %dma_wait3A_450] : memref<2097152x32xf32, #tpu.memory_space<hbm>> -> memref<2097152x32xf32, #tpu.memory_space<hbm>>
        tpu.wait_indirect_dma semaphore(%arg18 : memref<!tpu.dma_semaphore, #tpu.memory_space<semaphore_mem>>) src(%dma_wait3A_451 : memref<2097152x32xf32, #tpu.memory_space<hbm>>) dst(%dma_wait3A_446 : memref<64x32xf32, #tpu.memory_space<vmem>>)
      } else {
      }
      %gt3A_216 = arith.constant 64 : i32
      %gt3A_217 = arith.cmpi sgt, %get3A_210, %gt3A_216 : i32
      %convert_element_type3A_218 = arith.extui %gt3A_217 : i1 to i32
      %cond3A_219 = arith.constant 0 : i32
      %cond3A_220 = arith.cmpi ne, %convert_element_type3A_218, %cond3A_219 : i32
      scf.if %cond3A_220 {
        %dma_wait3A_444 = arith.constant 64 : i32
        %dma_wait3A_445 = arith.constant 0 : i32
        %dma_wait3A_446 = tpu.memref_slice %arg12[%dma_wait3A_444, %dma_wait3A_445] : memref<512x32xf32, #tpu.memory_space<vmem>> -> memref<64x32xf32, #tpu.memory_space<vmem>>
        %dma_wait3A_447 = arith.constant 64 : i32
        %dma_wait3A_448 = tpu.memref_slice %arg7[%dma_wait3A_447] : memref<512xi32, #tpu.memory_space<vmem>> -> memref<64xi32, #tpu.memory_space<vmem>>
        %dma_wait3A_449 = arith.constant 0 : i32
        %dma_wait3A_450 = arith.constant 0 : i32
        %dma_wait3A_451 = tpu.memref_slice %arg2[%dma_wait3A_449, %dma_wait3A_450] : memref<2097152x32xf32, #tpu.memory_space<hbm>> -> memref<2097152x32xf32, #tpu.memory_space<hbm>>
        tpu.wait_indirect_dma semaphore(%arg18 : memref<!tpu.dma_semaphore, #tpu.memory_space<semaphore_mem>>) src(%dma_wait3A_451 : memref<2097152x32xf32, #tpu.memory_space<hbm>>) dst(%dma_wait3A_446 : memref<64x32xf32, #tpu.memory_space<vmem>>)
      } else {
      }
      %gt3A_221 = arith.constant 128 : i32
      %gt3A_222 = arith.cmpi sgt, %get3A_210, %gt3A_221 : i32
      %convert_element_type3A_223 = arith.extui %gt3A_222 : i1 to i32
      %cond3A_224 = arith.constant 0 : i32
      %cond3A_225 = arith.cmpi ne, %convert_element_type3A_223, %cond3A_224 : i32
      scf.if %cond3A_225 {
        %dma_wait3A_444 = arith.constant 128 : i32
        %dma_wait3A_445 = arith.constant 0 : i32
        %dma_wait3A_446 = tpu.memref_slice %arg12[%dma_wait3A_444, %dma_wait3A_445] : memref<512x32xf32, #tpu.memory_space<vmem>> -> memref<64x32xf32, #tpu.memory_space<vmem>>
        %dma_wait3A_447 = arith.constant 128 : i32
        %dma_wait3A_448 = tpu.memref_slice %arg7[%dma_wait3A_447] : memref<512xi32, #tpu.memory_space<vmem>> -> memref<64xi32, #tpu.memory_space<vmem>>
        %dma_wait3A_449 = arith.constant 0 : i32
        %dma_wait3A_450 = arith.constant 0 : i32
        %dma_wait3A_451 = tpu.memref_slice %arg2[%dma_wait3A_449, %dma_wait3A_450] : memref<2097152x32xf32, #tpu.memory_space<hbm>> -> memref<2097152x32xf32, #tpu.memory_space<hbm>>
        tpu.wait_indirect_dma semaphore(%arg18 : memref<!tpu.dma_semaphore, #tpu.memory_space<semaphore_mem>>) src(%dma_wait3A_451 : memref<2097152x32xf32, #tpu.memory_space<hbm>>) dst(%dma_wait3A_446 : memref<64x32xf32, #tpu.memory_space<vmem>>)
      } else {
      }
      %gt3A_226 = arith.constant 192 : i32
      %gt3A_227 = arith.cmpi sgt, %get3A_210, %gt3A_226 : i32
      %convert_element_type3A_228 = arith.extui %gt3A_227 : i1 to i32
      %cond3A_229 = arith.constant 0 : i32
      %cond3A_230 = arith.cmpi ne, %convert_element_type3A_228, %cond3A_229 : i32
      scf.if %cond3A_230 {
        %dma_wait3A_444 = arith.constant 192 : i32
        %dma_wait3A_445 = arith.constant 0 : i32
        %dma_wait3A_446 = tpu.memref_slice %arg12[%dma_wait3A_444, %dma_wait3A_445] : memref<512x32xf32, #tpu.memory_space<vmem>> -> memref<64x32xf32, #tpu.memory_space<vmem>>
        %dma_wait3A_447 = arith.constant 192 : i32
        %dma_wait3A_448 = tpu.memref_slice %arg7[%dma_wait3A_447] : memref<512xi32, #tpu.memory_space<vmem>> -> memref<64xi32, #tpu.memory_space<vmem>>
        %dma_wait3A_449 = arith.constant 0 : i32
        %dma_wait3A_450 = arith.constant 0 : i32
        %dma_wait3A_451 = tpu.memref_slice %arg2[%dma_wait3A_449, %dma_wait3A_450] : memref<2097152x32xf32, #tpu.memory_space<hbm>> -> memref<2097152x32xf32, #tpu.memory_space<hbm>>
        tpu.wait_indirect_dma semaphore(%arg18 : memref<!tpu.dma_semaphore, #tpu.memory_space<semaphore_mem>>) src(%dma_wait3A_451 : memref<2097152x32xf32, #tpu.memory_space<hbm>>) dst(%dma_wait3A_446 : memref<64x32xf32, #tpu.memory_space<vmem>>)
      } else {
      }
      %gt3A_231 = arith.constant 256 : i32
      %gt3A_232 = arith.cmpi sgt, %get3A_210, %gt3A_231 : i32
      %convert_element_type3A_233 = arith.extui %gt3A_232 : i1 to i32
      %cond3A_234 = arith.constant 0 : i32
      %cond3A_235 = arith.cmpi ne, %convert_element_type3A_233, %cond3A_234 : i32
      scf.if %cond3A_235 {
        %dma_wait3A_444 = arith.constant 256 : i32
        %dma_wait3A_445 = arith.constant 0 : i32
        %dma_wait3A_446 = tpu.memref_slice %arg12[%dma_wait3A_444, %dma_wait3A_445] : memref<512x32xf32, #tpu.memory_space<vmem>> -> memref<64x32xf32, #tpu.memory_space<vmem>>
        %dma_wait3A_447 = arith.constant 256 : i32
        %dma_wait3A_448 = tpu.memref_slice %arg7[%dma_wait3A_447] : memref<512xi32, #tpu.memory_space<vmem>> -> memref<64xi32, #tpu.memory_space<vmem>>
        %dma_wait3A_449 = arith.constant 0 : i32
        %dma_wait3A_450 = arith.constant 0 : i32
        %dma_wait3A_451 = tpu.memref_slice %arg2[%dma_wait3A_449, %dma_wait3A_450] : memref<2097152x32xf32, #tpu.memory_space<hbm>> -> memref<2097152x32xf32, #tpu.memory_space<hbm>>
        tpu.wait_indirect_dma semaphore(%arg18 : memref<!tpu.dma_semaphore, #tpu.memory_space<semaphore_mem>>) src(%dma_wait3A_451 : memref<2097152x32xf32, #tpu.memory_space<hbm>>) dst(%dma_wait3A_446 : memref<64x32xf32, #tpu.memory_space<vmem>>)
      } else {
      }
      %gt3A_236 = arith.constant 320 : i32
      %gt3A_237 = arith.cmpi sgt, %get3A_210, %gt3A_236 : i32
      %convert_element_type3A_238 = arith.extui %gt3A_237 : i1 to i32
      %cond3A_239 = arith.constant 0 : i32
      %cond3A_240 = arith.cmpi ne, %convert_element_type3A_238, %cond3A_239 : i32
      scf.if %cond3A_240 {
        %dma_wait3A_444 = arith.constant 320 : i32
        %dma_wait3A_445 = arith.constant 0 : i32
        %dma_wait3A_446 = tpu.memref_slice %arg12[%dma_wait3A_444, %dma_wait3A_445] : memref<512x32xf32, #tpu.memory_space<vmem>> -> memref<64x32xf32, #tpu.memory_space<vmem>>
        %dma_wait3A_447 = arith.constant 320 : i32
        %dma_wait3A_448 = tpu.memref_slice %arg7[%dma_wait3A_447] : memref<512xi32, #tpu.memory_space<vmem>> -> memref<64xi32, #tpu.memory_space<vmem>>
        %dma_wait3A_449 = arith.constant 0 : i32
        %dma_wait3A_450 = arith.constant 0 : i32
        %dma_wait3A_451 = tpu.memref_slice %arg2[%dma_wait3A_449, %dma_wait3A_450] : memref<2097152x32xf32, #tpu.memory_space<hbm>> -> memref<2097152x32xf32, #tpu.memory_space<hbm>>
        tpu.wait_indirect_dma semaphore(%arg18 : memref<!tpu.dma_semaphore, #tpu.memory_space<semaphore_mem>>) src(%dma_wait3A_451 : memref<2097152x32xf32, #tpu.memory_space<hbm>>) dst(%dma_wait3A_446 : memref<64x32xf32, #tpu.memory_space<vmem>>)
      } else {
      }
      %gt3A_241 = arith.constant 384 : i32
      %gt3A_242 = arith.cmpi sgt, %get3A_210, %gt3A_241 : i32
      %convert_element_type3A_243 = arith.extui %gt3A_242 : i1 to i32
      %cond3A_244 = arith.constant 0 : i32
      %cond3A_245 = arith.cmpi ne, %convert_element_type3A_243, %cond3A_244 : i32
      scf.if %cond3A_245 {
        %dma_wait3A_444 = arith.constant 384 : i32
        %dma_wait3A_445 = arith.constant 0 : i32
        %dma_wait3A_446 = tpu.memref_slice %arg12[%dma_wait3A_444, %dma_wait3A_445] : memref<512x32xf32, #tpu.memory_space<vmem>> -> memref<64x32xf32, #tpu.memory_space<vmem>>
        %dma_wait3A_447 = arith.constant 384 : i32
        %dma_wait3A_448 = tpu.memref_slice %arg7[%dma_wait3A_447] : memref<512xi32, #tpu.memory_space<vmem>> -> memref<64xi32, #tpu.memory_space<vmem>>
        %dma_wait3A_449 = arith.constant 0 : i32
        %dma_wait3A_450 = arith.constant 0 : i32
        %dma_wait3A_451 = tpu.memref_slice %arg2[%dma_wait3A_449, %dma_wait3A_450] : memref<2097152x32xf32, #tpu.memory_space<hbm>> -> memref<2097152x32xf32, #tpu.memory_space<hbm>>
        tpu.wait_indirect_dma semaphore(%arg18 : memref<!tpu.dma_semaphore, #tpu.memory_space<semaphore_mem>>) src(%dma_wait3A_451 : memref<2097152x32xf32, #tpu.memory_space<hbm>>) dst(%dma_wait3A_446 : memref<64x32xf32, #tpu.memory_space<vmem>>)
      } else {
      }
      %gt3A_246 = arith.constant 448 : i32
      %gt3A_247 = arith.cmpi sgt, %get3A_210, %gt3A_246 : i32
      %convert_element_type3A_248 = arith.extui %gt3A_247 : i1 to i32
      %cond3A_249 = arith.constant 0 : i32
      %cond3A_250 = arith.cmpi ne, %convert_element_type3A_248, %cond3A_249 : i32
      scf.if %cond3A_250 {
        %dma_wait3A_444 = arith.constant 448 : i32
        %dma_wait3A_445 = arith.constant 0 : i32
        %dma_wait3A_446 = tpu.memref_slice %arg12[%dma_wait3A_444, %dma_wait3A_445] : memref<512x32xf32, #tpu.memory_space<vmem>> -> memref<64x32xf32, #tpu.memory_space<vmem>>
        %dma_wait3A_447 = arith.constant 448 : i32
        %dma_wait3A_448 = tpu.memref_slice %arg7[%dma_wait3A_447] : memref<512xi32, #tpu.memory_space<vmem>> -> memref<64xi32, #tpu.memory_space<vmem>>
        %dma_wait3A_449 = arith.constant 0 : i32
        %dma_wait3A_450 = arith.constant 0 : i32
        %dma_wait3A_451 = tpu.memref_slice %arg2[%dma_wait3A_449, %dma_wait3A_450] : memref<2097152x32xf32, #tpu.memory_space<hbm>> -> memref<2097152x32xf32, #tpu.memory_space<hbm>>
        tpu.wait_indirect_dma semaphore(%arg18 : memref<!tpu.dma_semaphore, #tpu.memory_space<semaphore_mem>>) src(%dma_wait3A_451 : memref<2097152x32xf32, #tpu.memory_space<hbm>>) dst(%dma_wait3A_446 : memref<64x32xf32, #tpu.memory_space<vmem>>)
      } else {
      }
      %dma_wait3A_251 = arith.constant 0 : i32
      %dma_wait3A_252 = arith.constant 0 : i32
      %dma_wait3A_253 = arith.constant 0 : i32
      %dma_wait3A_254 = tpu.memref_slice %arg4[%dma_wait3A_251, %dma_wait3A_252, %dma_wait3A_253] : memref<8x5x262144xf32, #tpu.memory_space<hbm>> -> memref<1x5x512xf32, #tpu.memory_space<hbm>>
      %dma_wait3A_255 = tpu.memref_squeeze %dma_wait3A_254 : memref<1x5x512xf32, #tpu.memory_space<hbm>> -> memref<5x512xf32, #tpu.memory_space<hbm>>
      %dma_wait3A_256 = arith.constant 0 : i32
      %dma_wait3A_257 = arith.constant 0 : i32
      %dma_wait3A_258 = tpu.memref_slice %arg4[%dma_wait3A_251, %dma_wait3A_256, %dma_wait3A_257] : memref<8x5x262144xf32, #tpu.memory_space<hbm>> -> memref<1x5x512xf32, #tpu.memory_space<hbm>>
      %dma_wait3A_259 = tpu.memref_squeeze %dma_wait3A_258 : memref<1x5x512xf32, #tpu.memory_space<hbm>> -> memref<5x512xf32, #tpu.memory_space<hbm>>
      tpu.wait_dma2 semaphore(%arg20 : memref<!tpu.dma_semaphore, #tpu.memory_space<semaphore_mem>>) src(%dma_wait3A_259 : memref<5x512xf32, #tpu.memory_space<hbm>>) dst(%arg16 : memref<5x512xf32, #tpu.memory_space<vmem>>)
      %ge3A = arith.constant 1 : i32
      %ge3A_260 = arith.cmpi sge, %scan3A_96, %ge3A : i32
      %convert_element_type3A_261 = arith.extui %ge3A_260 : i1 to i32
      %cond3A_262 = arith.constant 0 : i32
      %cond3A_263 = arith.cmpi ne, %convert_element_type3A_261, %cond3A_262 : i32
      scf.if %cond3A_263 {
        %dma_wait3A_444 = arith.constant 0 : i32
        %dma_wait3A_445 = arith.constant 0 : i32
        %dma_wait3A_446 = arith.constant 0 : i32
        %dma_wait3A_447 = tpu.memref_slice %arg5[%dma_wait3A_444, %dma_wait3A_445, %dma_wait3A_446] : memref<8x33x262144xf32, #tpu.memory_space<hbm>> -> memref<1x33x512xf32, #tpu.memory_space<hbm>>
        %dma_wait3A_448 = tpu.memref_squeeze %dma_wait3A_447 : memref<1x33x512xf32, #tpu.memory_space<hbm>> -> memref<33x512xf32, #tpu.memory_space<hbm>>
        %dma_wait3A_449 = arith.constant 0 : i32
        %dma_wait3A_450 = arith.constant 0 : i32
        %dma_wait3A_451 = tpu.memref_slice %arg5[%dma_wait3A_444, %dma_wait3A_449, %dma_wait3A_450] : memref<8x33x262144xf32, #tpu.memory_space<hbm>> -> memref<1x33x512xf32, #tpu.memory_space<hbm>>
        %dma_wait3A_452 = tpu.memref_squeeze %dma_wait3A_451 : memref<1x33x512xf32, #tpu.memory_space<hbm>> -> memref<33x512xf32, #tpu.memory_space<hbm>>
        tpu.wait_dma2 semaphore(%arg22 : memref<!tpu.dma_semaphore, #tpu.memory_space<semaphore_mem>>) src(%arg14 : memref<33x512xf32, #tpu.memory_space<vmem>>) dst(%dma_wait3A_452 : memref<33x512xf32, #tpu.memory_space<hbm>>)
      } else {
      }
      %jit3A_264 = arith.constant 16 : i32
      %div3A_265 = arith.divsi %mul3A_98, %jit3A_264 : i32
      %sign3A_266 = arith.constant 0 : i32
      %sign3A_267 = arith.cmpi sgt, %mul3A_98, %sign3A_266 : i32
      %sign3A_268 = arith.extui %sign3A_267 : i1 to i32
      %sign3A_269 = arith.constant 0 : i32
      %sign3A_270 = arith.cmpi slt, %mul3A_98, %sign3A_269 : i32
      %sign3A_271 = arith.extui %sign3A_270 : i1 to i32
      %sign3A_272 = arith.subi %sign3A_268, %sign3A_271 : i32
      %sign3A_273 = arith.constant 0 : i32
      %sign3A_274 = arith.cmpi sgt, %jit3A_264, %sign3A_273 : i32
      %sign3A_275 = arith.extui %sign3A_274 : i1 to i32
      %sign3A_276 = arith.constant 0 : i32
      %sign3A_277 = arith.cmpi slt, %jit3A_264, %sign3A_276 : i32
      %sign3A_278 = arith.extui %sign3A_277 : i1 to i32
      %sign3A_279 = arith.subi %sign3A_275, %sign3A_278 : i32
      %ne3A_280 = arith.cmpi ne, %sign3A_272, %sign3A_279 : i32
      %rem3A_281 = arith.remsi %mul3A_98, %jit3A_264 : i32
      %ne3A_282 = arith.constant 0 : i32
      %ne3A_283 = arith.cmpi ne, %rem3A_281, %ne3A_282 : i32
      %and3A_284 = arith.andi %ne3A_280, %ne3A_283 : i1
      %sub3A_285 = arith.constant 1 : i32
      %sub3A_286 = arith.subi %div3A_265, %sub3A_285 : i32
      %select_n3A_287 = arith.select %and3A_284, %sub3A_286, %div3A_265 : i32
      %mul3A_288 = arith.constant 16 : i32
      %mul3A_289 = arith.muli %select_n3A_287, %mul3A_288 : i32
      %sub3A_290 = arith.subi %mul3A_98, %mul3A_289 : i32
      %mul3A_291 = arith.constant 8192 : i32
      %mul3A_292 = arith.muli %add3A, %mul3A_291 : i32
      %mul3A_293 = arith.constant 512 : i32
      %mul3A_294 = arith.muli %sub3A_290, %mul3A_293 : i32
      %add3A_295 = arith.addi %mul3A_292, %mul3A_294 : i32
      %scan3A_296 = arith.constant 0 : i32
      %scan3A_297 = arith.constant 0 : i32
      %scan3A_298 = arith.constant 32 : i32
      %scan3A_299 = arith.addi %scan3A_297, %scan3A_298 : i32
      %scan3A_300 = arith.constant 1 : i32
      %scan3A_301 = scf.for %scan3A_444 = %scan3A_297 to %scan3A_299 step %scan3A_300 iter_args(%scan3A_445 = %scan3A_296) -> (i32)  : i32 {
        %mul3A_446 = arith.constant 16 : i32
        %mul3A_447 = arith.muli %scan3A_444, %mul3A_446 : i32
        %get3A_448 = arith.index_cast %mul3A_447 : i32 to index
        %get3A_449 = tpu.vector_load %arg9[%get3A_448] {strides = array<i32>} : memref<512xi32, #tpu.memory_space<vmem>>, vector<16xi32>,
        %min3A = arith.constant 511 : i32
        %min3A_450 = vector.broadcast %min3A : i32 to vector<16xi32>
        %min3A_451 = arith.minsi %get3A_449, %min3A_450 : vector<16xi32>
        %get3A_452 = arith.constant 1 : i32
        %get3A_453 = arith.index_cast %get3A_452 : i32 to index
        %get3A_454 = arith.index_cast %mul3A_447 : i32 to index
        %get3A_455 = tpu.vector_load %arg16[%get3A_453, %get3A_454] {strides = array<i32>} : memref<5x512xf32, #tpu.memory_space<vmem>>, vector<16xf32>,
        %broadcast_in_dim3A_456 = arith.constant 0 : i32
        %broadcast_in_dim3A_457 = vector.broadcast %broadcast_in_dim3A_456 : i32 to vector<16xi32>
        %gather3A = tpu.vector_load_idx %arg12[%min3A_451, %broadcast_in_dim3A_457] : memref<512x32xf32, #tpu.memory_space<vmem>>[vector<16xi32>, vector<16xi32>], vector<16xf32>,
        %mul3A_458 = arith.mulf %gather3A, %get3A_455 : vector<16xf32>
        %swap3A_459 = arith.constant 0 : i32
        %swap3A_460 = arith.index_cast %swap3A_459 : i32 to index
        %swap3A_461 = arith.index_cast %mul3A_447 : i32 to index
        %swap3A_462 = tpu.vector_load %arg14[%swap3A_460, %swap3A_461] {strides = array<i32>} : memref<33x512xf32, #tpu.memory_space<vmem>>, vector<16xf32>,
        tpu.vector_store %arg14[%swap3A_460, %swap3A_461], %mul3A_458 {strides = array<i32>} : memref<33x512xf32, #tpu.memory_space<vmem>>, vector<16xf32>,
        %broadcast_in_dim3A_463 = arith.constant 1 : i32
        %broadcast_in_dim3A_464 = vector.broadcast %broadcast_in_dim3A_463 : i32 to vector<16xi32>
        %gather3A_465 = tpu.vector_load_idx %arg12[%min3A_451, %broadcast_in_dim3A_464] : memref<512x32xf32, #tpu.memory_space<vmem>>[vector<16xi32>, vector<16xi32>], vector<16xf32>,
        %mul3A_466 = arith.mulf %gather3A_465, %get3A_455 : vector<16xf32>
        %swap3A_467 = arith.constant 1 : i32
        %swap3A_468 = arith.index_cast %swap3A_467 : i32 to index
        %swap3A_469 = arith.index_cast %mul3A_447 : i32 to index
        %swap3A_470 = tpu.vector_load %arg14[%swap3A_468, %swap3A_469] {strides = array<i32>} : memref<33x512xf32, #tpu.memory_space<vmem>>, vector<16xf32>,
        tpu.vector_store %arg14[%swap3A_468, %swap3A_469], %mul3A_466 {strides = array<i32>} : memref<33x512xf32, #tpu.memory_space<vmem>>, vector<16xf32>,
        %broadcast_in_dim3A_471 = arith.constant 2 : i32
        %broadcast_in_dim3A_472 = vector.broadcast %broadcast_in_dim3A_471 : i32 to vector<16xi32>
        %gather3A_473 = tpu.vector_load_idx %arg12[%min3A_451, %broadcast_in_dim3A_472] : memref<512x32xf32, #tpu.memory_space<vmem>>[vector<16xi32>, vector<16xi32>], vector<16xf32>,
        %mul3A_474 = arith.mulf %gather3A_473, %get3A_455 : vector<16xf32>
        %swap3A_475 = arith.constant 2 : i32
        %swap3A_476 = arith.index_cast %swap3A_475 : i32 to index
        %swap3A_477 = arith.index_cast %mul3A_447 : i32 to index
        %swap3A_478 = tpu.vector_load %arg14[%swap3A_476, %swap3A_477] {strides = array<i32>} : memref<33x512xf32, #tpu.memory_space<vmem>>, vector<16xf32>,
        tpu.vector_store %arg14[%swap3A_476, %swap3A_477], %mul3A_474 {strides = array<i32>} : memref<33x512xf32, #tpu.memory_space<vmem>>, vector<16xf32>,
        %broadcast_in_dim3A_479 = arith.constant 3 : i32
        %broadcast_in_dim3A_480 = vector.broadcast %broadcast_in_dim3A_479 : i32 to vector<16xi32>
        %gather3A_481 = tpu.vector_load_idx %arg12[%min3A_451, %broadcast_in_dim3A_480] : memref<512x32xf32, #tpu.memory_space<vmem>>[vector<16xi32>, vector<16xi32>], vector<16xf32>,
        %mul3A_482 = arith.mulf %gather3A_481, %get3A_455 : vector<16xf32>
        %swap3A_483 = arith.constant 3 : i32
        %swap3A_484 = arith.index_cast %swap3A_483 : i32 to index
        %swap3A_485 = arith.index_cast %mul3A_447 : i32 to index
        %swap3A_486 = tpu.vector_load %arg14[%swap3A_484, %swap3A_485] {strides = array<i32>} : memref<33x512xf32, #tpu.memory_space<vmem>>, vector<16xf32>,
        tpu.vector_store %arg14[%swap3A_484, %swap3A_485], %mul3A_482 {strides = array<i32>} : memref<33x512xf32, #tpu.memory_space<vmem>>, vector<16xf32>,
        %broadcast_in_dim3A_487 = arith.constant 4 : i32
        %broadcast_in_dim3A_488 = vector.broadcast %broadcast_in_dim3A_487 : i32 to vector<16xi32>
        %gather3A_489 = tpu.vector_load_idx %arg12[%min3A_451, %broadcast_in_dim3A_488] : memref<512x32xf32, #tpu.memory_space<vmem>>[vector<16xi32>, vector<16xi32>], vector<16xf32>,
        %mul3A_490 = arith.mulf %gather3A_489, %get3A_455 : vector<16xf32>
        %swap3A_491 = arith.constant 4 : i32
        %swap3A_492 = arith.index_cast %swap3A_491 : i32 to index
        %swap3A_493 = arith.index_cast %mul3A_447 : i32 to index
        %swap3A_494 = tpu.vector_load %arg14[%swap3A_492, %swap3A_493] {strides = array<i32>} : memref<33x512xf32, #tpu.memory_space<vmem>>, vector<16xf32>,
        tpu.vector_store %arg14[%swap3A_492, %swap3A_493], %mul3A_490 {strides = array<i32>} : memref<33x512xf32, #tpu.memory_space<vmem>>, vector<16xf32>,
        %broadcast_in_dim3A_495 = arith.constant 5 : i32
        %broadcast_in_dim3A_496 = vector.broadcast %broadcast_in_dim3A_495 : i32 to vector<16xi32>
        %gather3A_497 = tpu.vector_load_idx %arg12[%min3A_451, %broadcast_in_dim3A_496] : memref<512x32xf32, #tpu.memory_space<vmem>>[vector<16xi32>, vector<16xi32>], vector<16xf32>,
        %mul3A_498 = arith.mulf %gather3A_497, %get3A_455 : vector<16xf32>
        %swap3A_499 = arith.constant 5 : i32
        %swap3A_500 = arith.index_cast %swap3A_499 : i32 to index
        %swap3A_501 = arith.index_cast %mul3A_447 : i32 to index
        %swap3A_502 = tpu.vector_load %arg14[%swap3A_500, %swap3A_501] {strides = array<i32>} : memref<33x512xf32, #tpu.memory_space<vmem>>, vector<16xf32>,
        tpu.vector_store %arg14[%swap3A_500, %swap3A_501], %mul3A_498 {strides = array<i32>} : memref<33x512xf32, #tpu.memory_space<vmem>>, vector<16xf32>,
        %broadcast_in_dim3A_503 = arith.constant 6 : i32
        %broadcast_in_dim3A_504 = vector.broadcast %broadcast_in_dim3A_503 : i32 to vector<16xi32>
        %gather3A_505 = tpu.vector_load_idx %arg12[%min3A_451, %broadcast_in_dim3A_504] : memref<512x32xf32, #tpu.memory_space<vmem>>[vector<16xi32>, vector<16xi32>], vector<16xf32>,
        %mul3A_506 = arith.mulf %gather3A_505, %get3A_455 : vector<16xf32>
        %swap3A_507 = arith.constant 6 : i32
        %swap3A_508 = arith.index_cast %swap3A_507 : i32 to index
        %swap3A_509 = arith.index_cast %mul3A_447 : i32 to index
        %swap3A_510 = tpu.vector_load %arg14[%swap3A_508, %swap3A_509] {strides = array<i32>} : memref<33x512xf32, #tpu.memory_space<vmem>>, vector<16xf32>,
        tpu.vector_store %arg14[%swap3A_508, %swap3A_509], %mul3A_506 {strides = array<i32>} : memref<33x512xf32, #tpu.memory_space<vmem>>, vector<16xf32>,
        %broadcast_in_dim3A_511 = arith.constant 7 : i32
        %broadcast_in_dim3A_512 = vector.broadcast %broadcast_in_dim3A_511 : i32 to vector<16xi32>
        %gather3A_513 = tpu.vector_load_idx %arg12[%min3A_451, %broadcast_in_dim3A_512] : memref<512x32xf32, #tpu.memory_space<vmem>>[vector<16xi32>, vector<16xi32>], vector<16xf32>,
        %mul3A_514 = arith.mulf %gather3A_513, %get3A_455 : vector<16xf32>
        %swap3A_515 = arith.constant 7 : i32
        %swap3A_516 = arith.index_cast %swap3A_515 : i32 to index
        %swap3A_517 = arith.index_cast %mul3A_447 : i32 to index
        %swap3A_518 = tpu.vector_load %arg14[%swap3A_516, %swap3A_517] {strides = array<i32>} : memref<33x512xf32, #tpu.memory_space<vmem>>, vector<16xf32>,
        tpu.vector_store %arg14[%swap3A_516, %swap3A_517], %mul3A_514 {strides = array<i32>} : memref<33x512xf32, #tpu.memory_space<vmem>>, vector<16xf32>,
        %broadcast_in_dim3A_519 = arith.constant 8 : i32
        %broadcast_in_dim3A_520 = vector.broadcast %broadcast_in_dim3A_519 : i32 to vector<16xi32>
        %gather3A_521 = tpu.vector_load_idx %arg12[%min3A_451, %broadcast_in_dim3A_520] : memref<512x32xf32, #tpu.memory_space<vmem>>[vector<16xi32>, vector<16xi32>], vector<16xf32>,
        %mul3A_522 = arith.mulf %gather3A_521, %get3A_455 : vector<16xf32>
        %swap3A_523 = arith.constant 8 : i32
        %swap3A_524 = arith.index_cast %swap3A_523 : i32 to index
        %swap3A_525 = arith.index_cast %mul3A_447 : i32 to index
        %swap3A_526 = tpu.vector_load %arg14[%swap3A_524, %swap3A_525] {strides = array<i32>} : memref<33x512xf32, #tpu.memory_space<vmem>>, vector<16xf32>,
        tpu.vector_store %arg14[%swap3A_524, %swap3A_525], %mul3A_522 {strides = array<i32>} : memref<33x512xf32, #tpu.memory_space<vmem>>, vector<16xf32>,
        %broadcast_in_dim3A_527 = arith.constant 9 : i32
        %broadcast_in_dim3A_528 = vector.broadcast %broadcast_in_dim3A_527 : i32 to vector<16xi32>
        %gather3A_529 = tpu.vector_load_idx %arg12[%min3A_451, %broadcast_in_dim3A_528] : memref<512x32xf32, #tpu.memory_space<vmem>>[vector<16xi32>, vector<16xi32>], vector<16xf32>,
        %mul3A_530 = arith.mulf %gather3A_529, %get3A_455 : vector<16xf32>
        %swap3A_531 = arith.constant 9 : i32
        %swap3A_532 = arith.index_cast %swap3A_531 : i32 to index
        %swap3A_533 = arith.index_cast %mul3A_447 : i32 to index
        %swap3A_534 = tpu.vector_load %arg14[%swap3A_532, %swap3A_533] {strides = array<i32>} : memref<33x512xf32, #tpu.memory_space<vmem>>, vector<16xf32>,
        tpu.vector_store %arg14[%swap3A_532, %swap3A_533], %mul3A_530 {strides = array<i32>} : memref<33x512xf32, #tpu.memory_space<vmem>>, vector<16xf32>,
        %broadcast_in_dim3A_535 = arith.constant 10 : i32
        %broadcast_in_dim3A_536 = vector.broadcast %broadcast_in_dim3A_535 : i32 to vector<16xi32>
        %gather3A_537 = tpu.vector_load_idx %arg12[%min3A_451, %broadcast_in_dim3A_536] : memref<512x32xf32, #tpu.memory_space<vmem>>[vector<16xi32>, vector<16xi32>], vector<16xf32>,
        %mul3A_538 = arith.mulf %gather3A_537, %get3A_455 : vector<16xf32>
        %swap3A_539 = arith.constant 10 : i32
        %swap3A_540 = arith.index_cast %swap3A_539 : i32 to index
        %swap3A_541 = arith.index_cast %mul3A_447 : i32 to index
        %swap3A_542 = tpu.vector_load %arg14[%swap3A_540, %swap3A_541] {strides = array<i32>} : memref<33x512xf32, #tpu.memory_space<vmem>>, vector<16xf32>,
        tpu.vector_store %arg14[%swap3A_540, %swap3A_541], %mul3A_538 {strides = array<i32>} : memref<33x512xf32, #tpu.memory_space<vmem>>, vector<16xf32>,
        %broadcast_in_dim3A_543 = arith.constant 11 : i32
        %broadcast_in_dim3A_544 = vector.broadcast %broadcast_in_dim3A_543 : i32 to vector<16xi32>
        %gather3A_545 = tpu.vector_load_idx %arg12[%min3A_451, %broadcast_in_dim3A_544] : memref<512x32xf32, #tpu.memory_space<vmem>>[vector<16xi32>, vector<16xi32>], vector<16xf32>,
        %mul3A_546 = arith.mulf %gather3A_545, %get3A_455 : vector<16xf32>
        %swap3A_547 = arith.constant 11 : i32
        %swap3A_548 = arith.index_cast %swap3A_547 : i32 to index
        %swap3A_549 = arith.index_cast %mul3A_447 : i32 to index
        %swap3A_550 = tpu.vector_load %arg14[%swap3A_548, %swap3A_549] {strides = array<i32>} : memref<33x512xf32, #tpu.memory_space<vmem>>, vector<16xf32>,
        tpu.vector_store %arg14[%swap3A_548, %swap3A_549], %mul3A_546 {strides = array<i32>} : memref<33x512xf32, #tpu.memory_space<vmem>>, vector<16xf32>,
        %broadcast_in_dim3A_551 = arith.constant 12 : i32
        %broadcast_in_dim3A_552 = vector.broadcast %broadcast_in_dim3A_551 : i32 to vector<16xi32>
        %gather3A_553 = tpu.vector_load_idx %arg12[%min3A_451, %broadcast_in_dim3A_552] : memref<512x32xf32, #tpu.memory_space<vmem>>[vector<16xi32>, vector<16xi32>], vector<16xf32>,
        %mul3A_554 = arith.mulf %gather3A_553, %get3A_455 : vector<16xf32>
        %swap3A_555 = arith.constant 12 : i32
        %swap3A_556 = arith.index_cast %swap3A_555 : i32 to index
        %swap3A_557 = arith.index_cast %mul3A_447 : i32 to index
        %swap3A_558 = tpu.vector_load %arg14[%swap3A_556, %swap3A_557] {strides = array<i32>} : memref<33x512xf32, #tpu.memory_space<vmem>>, vector<16xf32>,
        tpu.vector_store %arg14[%swap3A_556, %swap3A_557], %mul3A_554 {strides = array<i32>} : memref<33x512xf32, #tpu.memory_space<vmem>>, vector<16xf32>,
        %broadcast_in_dim3A_559 = arith.constant 13 : i32
        %broadcast_in_dim3A_560 = vector.broadcast %broadcast_in_dim3A_559 : i32 to vector<16xi32>
        %gather3A_561 = tpu.vector_load_idx %arg12[%min3A_451, %broadcast_in_dim3A_560] : memref<512x32xf32, #tpu.memory_space<vmem>>[vector<16xi32>, vector<16xi32>], vector<16xf32>,
        %mul3A_562 = arith.mulf %gather3A_561, %get3A_455 : vector<16xf32>
        %swap3A_563 = arith.constant 13 : i32
        %swap3A_564 = arith.index_cast %swap3A_563 : i32 to index
        %swap3A_565 = arith.index_cast %mul3A_447 : i32 to index
        %swap3A_566 = tpu.vector_load %arg14[%swap3A_564, %swap3A_565] {strides = array<i32>} : memref<33x512xf32, #tpu.memory_space<vmem>>, vector<16xf32>,
        tpu.vector_store %arg14[%swap3A_564, %swap3A_565], %mul3A_562 {strides = array<i32>} : memref<33x512xf32, #tpu.memory_space<vmem>>, vector<16xf32>,
        %broadcast_in_dim3A_567 = arith.constant 14 : i32
        %broadcast_in_dim3A_568 = vector.broadcast %broadcast_in_dim3A_567 : i32 to vector<16xi32>
        %gather3A_569 = tpu.vector_load_idx %arg12[%min3A_451, %broadcast_in_dim3A_568] : memref<512x32xf32, #tpu.memory_space<vmem>>[vector<16xi32>, vector<16xi32>], vector<16xf32>,
        %mul3A_570 = arith.mulf %gather3A_569, %get3A_455 : vector<16xf32>
        %swap3A_571 = arith.constant 14 : i32
        %swap3A_572 = arith.index_cast %swap3A_571 : i32 to index
        %swap3A_573 = arith.index_cast %mul3A_447 : i32 to index
        %swap3A_574 = tpu.vector_load %arg14[%swap3A_572, %swap3A_573] {strides = array<i32>} : memref<33x512xf32, #tpu.memory_space<vmem>>, vector<16xf32>,
        tpu.vector_store %arg14[%swap3A_572, %swap3A_573], %mul3A_570 {strides = array<i32>} : memref<33x512xf32, #tpu.memory_space<vmem>>, vector<16xf32>,
        %broadcast_in_dim3A_575 = arith.constant 15 : i32
        %broadcast_in_dim3A_576 = vector.broadcast %broadcast_in_dim3A_575 : i32 to vector<16xi32>
        %gather3A_577 = tpu.vector_load_idx %arg12[%min3A_451, %broadcast_in_dim3A_576] : memref<512x32xf32, #tpu.memory_space<vmem>>[vector<16xi32>, vector<16xi32>], vector<16xf32>,
        %mul3A_578 = arith.mulf %gather3A_577, %get3A_455 : vector<16xf32>
        %swap3A_579 = arith.constant 15 : i32
        %swap3A_580 = arith.index_cast %swap3A_579 : i32 to index
        %swap3A_581 = arith.index_cast %mul3A_447 : i32 to index
        %swap3A_582 = tpu.vector_load %arg14[%swap3A_580, %swap3A_581] {strides = array<i32>} : memref<33x512xf32, #tpu.memory_space<vmem>>, vector<16xf32>,
        tpu.vector_store %arg14[%swap3A_580, %swap3A_581], %mul3A_578 {strides = array<i32>} : memref<33x512xf32, #tpu.memory_space<vmem>>, vector<16xf32>,
        %broadcast_in_dim3A_583 = arith.constant 16 : i32
        %broadcast_in_dim3A_584 = vector.broadcast %broadcast_in_dim3A_583 : i32 to vector<16xi32>
        %gather3A_585 = tpu.vector_load_idx %arg12[%min3A_451, %broadcast_in_dim3A_584] : memref<512x32xf32, #tpu.memory_space<vmem>>[vector<16xi32>, vector<16xi32>], vector<16xf32>,
        %mul3A_586 = arith.mulf %gather3A_585, %get3A_455 : vector<16xf32>
        %swap3A_587 = arith.constant 16 : i32
        %swap3A_588 = arith.index_cast %swap3A_587 : i32 to index
        %swap3A_589 = arith.index_cast %mul3A_447 : i32 to index
        %swap3A_590 = tpu.vector_load %arg14[%swap3A_588, %swap3A_589] {strides = array<i32>} : memref<33x512xf32, #tpu.memory_space<vmem>>, vector<16xf32>,
        tpu.vector_store %arg14[%swap3A_588, %swap3A_589], %mul3A_586 {strides = array<i32>} : memref<33x512xf32, #tpu.memory_space<vmem>>, vector<16xf32>,
        %broadcast_in_dim3A_591 = arith.constant 17 : i32
        %broadcast_in_dim3A_592 = vector.broadcast %broadcast_in_dim3A_591 : i32 to vector<16xi32>
        %gather3A_593 = tpu.vector_load_idx %arg12[%min3A_451, %broadcast_in_dim3A_592] : memref<512x32xf32, #tpu.memory_space<vmem>>[vector<16xi32>, vector<16xi32>], vector<16xf32>,
        %mul3A_594 = arith.mulf %gather3A_593, %get3A_455 : vector<16xf32>
        %swap3A_595 = arith.constant 17 : i32
        %swap3A_596 = arith.index_cast %swap3A_595 : i32 to index
        %swap3A_597 = arith.index_cast %mul3A_447 : i32 to index
        %swap3A_598 = tpu.vector_load %arg14[%swap3A_596, %swap3A_597] {strides = array<i32>} : memref<33x512xf32, #tpu.memory_space<vmem>>, vector<16xf32>,
        tpu.vector_store %arg14[%swap3A_596, %swap3A_597], %mul3A_594 {strides = array<i32>} : memref<33x512xf32, #tpu.memory_space<vmem>>, vector<16xf32>,
        %broadcast_in_dim3A_599 = arith.constant 18 : i32
        %broadcast_in_dim3A_600 = vector.broadcast %broadcast_in_dim3A_599 : i32 to vector<16xi32>
        %gather3A_601 = tpu.vector_load_idx %arg12[%min3A_451, %broadcast_in_dim3A_600] : memref<512x32xf32, #tpu.memory_space<vmem>>[vector<16xi32>, vector<16xi32>], vector<16xf32>,
        %mul3A_602 = arith.mulf %gather3A_601, %get3A_455 : vector<16xf32>
        %swap3A_603 = arith.constant 18 : i32
        %swap3A_604 = arith.index_cast %swap3A_603 : i32 to index
        %swap3A_605 = arith.index_cast %mul3A_447 : i32 to index
        %swap3A_606 = tpu.vector_load %arg14[%swap3A_604, %swap3A_605] {strides = array<i32>} : memref<33x512xf32, #tpu.memory_space<vmem>>, vector<16xf32>,
        tpu.vector_store %arg14[%swap3A_604, %swap3A_605], %mul3A_602 {strides = array<i32>} : memref<33x512xf32, #tpu.memory_space<vmem>>, vector<16xf32>,
        %broadcast_in_dim3A_607 = arith.constant 19 : i32
        %broadcast_in_dim3A_608 = vector.broadcast %broadcast_in_dim3A_607 : i32 to vector<16xi32>
        %gather3A_609 = tpu.vector_load_idx %arg12[%min3A_451, %broadcast_in_dim3A_608] : memref<512x32xf32, #tpu.memory_space<vmem>>[vector<16xi32>, vector<16xi32>], vector<16xf32>,
        %mul3A_610 = arith.mulf %gather3A_609, %get3A_455 : vector<16xf32>
        %swap3A_611 = arith.constant 19 : i32
        %swap3A_612 = arith.index_cast %swap3A_611 : i32 to index
        %swap3A_613 = arith.index_cast %mul3A_447 : i32 to index
        %swap3A_614 = tpu.vector_load %arg14[%swap3A_612, %swap3A_613] {strides = array<i32>} : memref<33x512xf32, #tpu.memory_space<vmem>>, vector<16xf32>,
        tpu.vector_store %arg14[%swap3A_612, %swap3A_613], %mul3A_610 {strides = array<i32>} : memref<33x512xf32, #tpu.memory_space<vmem>>, vector<16xf32>,
        %broadcast_in_dim3A_615 = arith.constant 20 : i32
        %broadcast_in_dim3A_616 = vector.broadcast %broadcast_in_dim3A_615 : i32 to vector<16xi32>
        %gather3A_617 = tpu.vector_load_idx %arg12[%min3A_451, %broadcast_in_dim3A_616] : memref<512x32xf32, #tpu.memory_space<vmem>>[vector<16xi32>, vector<16xi32>], vector<16xf32>,
        %mul3A_618 = arith.mulf %gather3A_617, %get3A_455 : vector<16xf32>
        %swap3A_619 = arith.constant 20 : i32
        %swap3A_620 = arith.index_cast %swap3A_619 : i32 to index
        %swap3A_621 = arith.index_cast %mul3A_447 : i32 to index
        %swap3A_622 = tpu.vector_load %arg14[%swap3A_620, %swap3A_621] {strides = array<i32>} : memref<33x512xf32, #tpu.memory_space<vmem>>, vector<16xf32>,
        tpu.vector_store %arg14[%swap3A_620, %swap3A_621], %mul3A_618 {strides = array<i32>} : memref<33x512xf32, #tpu.memory_space<vmem>>, vector<16xf32>,
        %broadcast_in_dim3A_623 = arith.constant 21 : i32
        %broadcast_in_dim3A_624 = vector.broadcast %broadcast_in_dim3A_623 : i32 to vector<16xi32>
        %gather3A_625 = tpu.vector_load_idx %arg12[%min3A_451, %broadcast_in_dim3A_624] : memref<512x32xf32, #tpu.memory_space<vmem>>[vector<16xi32>, vector<16xi32>], vector<16xf32>,
        %mul3A_626 = arith.mulf %gather3A_625, %get3A_455 : vector<16xf32>
        %swap3A_627 = arith.constant 21 : i32
        %swap3A_628 = arith.index_cast %swap3A_627 : i32 to index
        %swap3A_629 = arith.index_cast %mul3A_447 : i32 to index
        %swap3A_630 = tpu.vector_load %arg14[%swap3A_628, %swap3A_629] {strides = array<i32>} : memref<33x512xf32, #tpu.memory_space<vmem>>, vector<16xf32>,
        tpu.vector_store %arg14[%swap3A_628, %swap3A_629], %mul3A_626 {strides = array<i32>} : memref<33x512xf32, #tpu.memory_space<vmem>>, vector<16xf32>,
        %broadcast_in_dim3A_631 = arith.constant 22 : i32
        %broadcast_in_dim3A_632 = vector.broadcast %broadcast_in_dim3A_631 : i32 to vector<16xi32>
        %gather3A_633 = tpu.vector_load_idx %arg12[%min3A_451, %broadcast_in_dim3A_632] : memref<512x32xf32, #tpu.memory_space<vmem>>[vector<16xi32>, vector<16xi32>], vector<16xf32>,
        %mul3A_634 = arith.mulf %gather3A_633, %get3A_455 : vector<16xf32>
        %swap3A_635 = arith.constant 22 : i32
        %swap3A_636 = arith.index_cast %swap3A_635 : i32 to index
        %swap3A_637 = arith.index_cast %mul3A_447 : i32 to index
        %swap3A_638 = tpu.vector_load %arg14[%swap3A_636, %swap3A_637] {strides = array<i32>} : memref<33x512xf32, #tpu.memory_space<vmem>>, vector<16xf32>,
        tpu.vector_store %arg14[%swap3A_636, %swap3A_637], %mul3A_634 {strides = array<i32>} : memref<33x512xf32, #tpu.memory_space<vmem>>, vector<16xf32>,
        %broadcast_in_dim3A_639 = arith.constant 23 : i32
        %broadcast_in_dim3A_640 = vector.broadcast %broadcast_in_dim3A_639 : i32 to vector<16xi32>
        %gather3A_641 = tpu.vector_load_idx %arg12[%min3A_451, %broadcast_in_dim3A_640] : memref<512x32xf32, #tpu.memory_space<vmem>>[vector<16xi32>, vector<16xi32>], vector<16xf32>,
        %mul3A_642 = arith.mulf %gather3A_641, %get3A_455 : vector<16xf32>
        %swap3A_643 = arith.constant 23 : i32
        %swap3A_644 = arith.index_cast %swap3A_643 : i32 to index
        %swap3A_645 = arith.index_cast %mul3A_447 : i32 to index
        %swap3A_646 = tpu.vector_load %arg14[%swap3A_644, %swap3A_645] {strides = array<i32>} : memref<33x512xf32, #tpu.memory_space<vmem>>, vector<16xf32>,
        tpu.vector_store %arg14[%swap3A_644, %swap3A_645], %mul3A_642 {strides = array<i32>} : memref<33x512xf32, #tpu.memory_space<vmem>>, vector<16xf32>,
        %broadcast_in_dim3A_647 = arith.constant 24 : i32
        %broadcast_in_dim3A_648 = vector.broadcast %broadcast_in_dim3A_647 : i32 to vector<16xi32>
        %gather3A_649 = tpu.vector_load_idx %arg12[%min3A_451, %broadcast_in_dim3A_648] : memref<512x32xf32, #tpu.memory_space<vmem>>[vector<16xi32>, vector<16xi32>], vector<16xf32>,
        %mul3A_650 = arith.mulf %gather3A_649, %get3A_455 : vector<16xf32>
        %swap3A_651 = arith.constant 24 : i32
        %swap3A_652 = arith.index_cast %swap3A_651 : i32 to index
        %swap3A_653 = arith.index_cast %mul3A_447 : i32 to index
        %swap3A_654 = tpu.vector_load %arg14[%swap3A_652, %swap3A_653] {strides = array<i32>} : memref<33x512xf32, #tpu.memory_space<vmem>>, vector<16xf32>,
        tpu.vector_store %arg14[%swap3A_652, %swap3A_653], %mul3A_650 {strides = array<i32>} : memref<33x512xf32, #tpu.memory_space<vmem>>, vector<16xf32>,
        %broadcast_in_dim3A_655 = arith.constant 25 : i32
        %broadcast_in_dim3A_656 = vector.broadcast %broadcast_in_dim3A_655 : i32 to vector<16xi32>
        %gather3A_657 = tpu.vector_load_idx %arg12[%min3A_451, %broadcast_in_dim3A_656] : memref<512x32xf32, #tpu.memory_space<vmem>>[vector<16xi32>, vector<16xi32>], vector<16xf32>,
        %mul3A_658 = arith.mulf %gather3A_657, %get3A_455 : vector<16xf32>
        %swap3A_659 = arith.constant 25 : i32
        %swap3A_660 = arith.index_cast %swap3A_659 : i32 to index
        %swap3A_661 = arith.index_cast %mul3A_447 : i32 to index
        %swap3A_662 = tpu.vector_load %arg14[%swap3A_660, %swap3A_661] {strides = array<i32>} : memref<33x512xf32, #tpu.memory_space<vmem>>, vector<16xf32>,
        tpu.vector_store %arg14[%swap3A_660, %swap3A_661], %mul3A_658 {strides = array<i32>} : memref<33x512xf32, #tpu.memory_space<vmem>>, vector<16xf32>,
        %broadcast_in_dim3A_663 = arith.constant 26 : i32
        %broadcast_in_dim3A_664 = vector.broadcast %broadcast_in_dim3A_663 : i32 to vector<16xi32>
        %gather3A_665 = tpu.vector_load_idx %arg12[%min3A_451, %broadcast_in_dim3A_664] : memref<512x32xf32, #tpu.memory_space<vmem>>[vector<16xi32>, vector<16xi32>], vector<16xf32>,
        %mul3A_666 = arith.mulf %gather3A_665, %get3A_455 : vector<16xf32>
        %swap3A_667 = arith.constant 26 : i32
        %swap3A_668 = arith.index_cast %swap3A_667 : i32 to index
        %swap3A_669 = arith.index_cast %mul3A_447 : i32 to index
        %swap3A_670 = tpu.vector_load %arg14[%swap3A_668, %swap3A_669] {strides = array<i32>} : memref<33x512xf32, #tpu.memory_space<vmem>>, vector<16xf32>,
        tpu.vector_store %arg14[%swap3A_668, %swap3A_669], %mul3A_666 {strides = array<i32>} : memref<33x512xf32, #tpu.memory_space<vmem>>, vector<16xf32>,
        %broadcast_in_dim3A_671 = arith.constant 27 : i32
        %broadcast_in_dim3A_672 = vector.broadcast %broadcast_in_dim3A_671 : i32 to vector<16xi32>
        %gather3A_673 = tpu.vector_load_idx %arg12[%min3A_451, %broadcast_in_dim3A_672] : memref<512x32xf32, #tpu.memory_space<vmem>>[vector<16xi32>, vector<16xi32>], vector<16xf32>,
        %mul3A_674 = arith.mulf %gather3A_673, %get3A_455 : vector<16xf32>
        %swap3A_675 = arith.constant 27 : i32
        %swap3A_676 = arith.index_cast %swap3A_675 : i32 to index
        %swap3A_677 = arith.index_cast %mul3A_447 : i32 to index
        %swap3A_678 = tpu.vector_load %arg14[%swap3A_676, %swap3A_677] {strides = array<i32>} : memref<33x512xf32, #tpu.memory_space<vmem>>, vector<16xf32>,
        tpu.vector_store %arg14[%swap3A_676, %swap3A_677], %mul3A_674 {strides = array<i32>} : memref<33x512xf32, #tpu.memory_space<vmem>>, vector<16xf32>,
        %get3A_679 = arith.constant 0 : i32
        %get3A_680 = arith.index_cast %get3A_679 : i32 to index
        %get3A_681 = arith.index_cast %mul3A_447 : i32 to index
        %get3A_682 = tpu.vector_load %arg16[%get3A_680, %get3A_681] {strides = array<i32>} : memref<5x512xf32, #tpu.memory_space<vmem>>, vector<16xf32>,
        %swap3A_683 = arith.constant 28 : i32
        %swap3A_684 = arith.index_cast %swap3A_683 : i32 to index
        %swap3A_685 = arith.index_cast %mul3A_447 : i32 to index
        %swap3A_686 = tpu.vector_load %arg14[%swap3A_684, %swap3A_685] {strides = array<i32>} : memref<33x512xf32, #tpu.memory_space<vmem>>, vector<16xf32>,
        tpu.vector_store %arg14[%swap3A_684, %swap3A_685], %get3A_682 {strides = array<i32>} : memref<33x512xf32, #tpu.memory_space<vmem>>, vector<16xf32>,
        %get3A_687 = arith.constant 1 : i32
        %get3A_688 = arith.index_cast %get3A_687 : i32 to index
        %get3A_689 = arith.index_cast %mul3A_447 : i32 to index
        %get3A_690 = tpu.vector_load %arg16[%get3A_688, %get3A_689] {strides = array<i32>} : memref<5x512xf32, #tpu.memory_space<vmem>>, vector<16xf32>,
        %swap3A_691 = arith.constant 29 : i32
        %swap3A_692 = arith.index_cast %swap3A_691 : i32 to index
        %swap3A_693 = arith.index_cast %mul3A_447 : i32 to index
        %swap3A_694 = tpu.vector_load %arg14[%swap3A_692, %swap3A_693] {strides = array<i32>} : memref<33x512xf32, #tpu.memory_space<vmem>>, vector<16xf32>,
        tpu.vector_store %arg14[%swap3A_692, %swap3A_693], %get3A_690 {strides = array<i32>} : memref<33x512xf32, #tpu.memory_space<vmem>>, vector<16xf32>,
        %get3A_695 = arith.constant 2 : i32
        %get3A_696 = arith.index_cast %get3A_695 : i32 to index
        %get3A_697 = arith.index_cast %mul3A_447 : i32 to index
        %get3A_698 = tpu.vector_load %arg16[%get3A_696, %get3A_697] {strides = array<i32>} : memref<5x512xf32, #tpu.memory_space<vmem>>, vector<16xf32>,
        %swap3A_699 = arith.constant 30 : i32
        %swap3A_700 = arith.index_cast %swap3A_699 : i32 to index
        %swap3A_701 = arith.index_cast %mul3A_447 : i32 to index
        %swap3A_702 = tpu.vector_load %arg14[%swap3A_700, %swap3A_701] {strides = array<i32>} : memref<33x512xf32, #tpu.memory_space<vmem>>, vector<16xf32>,
        tpu.vector_store %arg14[%swap3A_700, %swap3A_701], %get3A_698 {strides = array<i32>} : memref<33x512xf32, #tpu.memory_space<vmem>>, vector<16xf32>,
        %get3A_703 = arith.constant 3 : i32
        %get3A_704 = arith.index_cast %get3A_703 : i32 to index
        %get3A_705 = arith.index_cast %mul3A_447 : i32 to index
        %get3A_706 = tpu.vector_load %arg16[%get3A_704, %get3A_705] {strides = array<i32>} : memref<5x512xf32, #tpu.memory_space<vmem>>, vector<16xf32>,
        %swap3A_707 = arith.constant 31 : i32
        %swap3A_708 = arith.index_cast %swap3A_707 : i32 to index
        %swap3A_709 = arith.index_cast %mul3A_447 : i32 to index
        %swap3A_710 = tpu.vector_load %arg14[%swap3A_708, %swap3A_709] {strides = array<i32>} : memref<33x512xf32, #tpu.memory_space<vmem>>, vector<16xf32>,
        tpu.vector_store %arg14[%swap3A_708, %swap3A_709], %get3A_706 {strides = array<i32>} : memref<33x512xf32, #tpu.memory_space<vmem>>, vector<16xf32>,
        %get3A_711 = arith.constant 4 : i32
        %get3A_712 = arith.index_cast %get3A_711 : i32 to index
        %get3A_713 = arith.index_cast %mul3A_447 : i32 to index
        %get3A_714 = tpu.vector_load %arg16[%get3A_712, %get3A_713] {strides = array<i32>} : memref<5x512xf32, #tpu.memory_space<vmem>>, vector<16xf32>,
        %swap3A_715 = arith.constant 32 : i32
        %swap3A_716 = arith.index_cast %swap3A_715 : i32 to index
        %swap3A_717 = arith.index_cast %mul3A_447 : i32 to index
        %swap3A_718 = tpu.vector_load %arg14[%swap3A_716, %swap3A_717] {strides = array<i32>} : memref<33x512xf32, #tpu.memory_space<vmem>>, vector<16xf32>,
        tpu.vector_store %arg14[%swap3A_716, %swap3A_717], %get3A_714 {strides = array<i32>} : memref<33x512xf32, #tpu.memory_space<vmem>>, vector<16xf32>,
        %scan3A_719 = arith.constant 0 : i32
        scf.yield %scan3A_719 : i32
      }
      %scan3A_302 = arith.constant 32 : i32
      %dma_start3A_303 = arith.constant 0 : i32
      %dma_start3A_304 = tpu.memref_slice %arg5[%select_n3A_287, %dma_start3A_303, %add3A_295] : memref<8x33x262144xf32, #tpu.memory_space<hbm>> -> memref<1x33x512xf32, #tpu.memory_space<hbm>>
      %dma_start3A_305 = tpu.memref_squeeze %dma_start3A_304 : memref<1x33x512xf32, #tpu.memory_space<hbm>> -> memref<33x512xf32, #tpu.memory_space<hbm>>
      %dma_start3A_306 = arith.constant 0 : i32
      %dma_start3A_307 = tpu.memref_slice %arg5[%select_n3A_287, %dma_start3A_306, %add3A_295] : memref<8x33x262144xf32, #tpu.memory_space<hbm>> -> memref<1x33x512xf32, #tpu.memory_space<hbm>>
      %dma_start3A_308 = tpu.memref_squeeze %dma_start3A_307 : memref<1x33x512xf32, #tpu.memory_space<hbm>> -> memref<33x512xf32, #tpu.memory_space<hbm>>
      tpu.enqueue_dma source(%arg14 : memref<33x512xf32, #tpu.memory_space<vmem>>) target(%dma_start3A_308 : memref<33x512xf32, #tpu.memory_space<hbm>>) target_semaphore(%arg22 : memref<!tpu.dma_semaphore, #tpu.memory_space<semaphore_mem>>)
      %add3A_309 = arith.constant 1 : i32
      %add3A_310 = arith.addi %scan3A_96, %add3A_309 : i32
      %jit3A_311 = arith.constant 8 : i32
      %eq3A_312 = arith.constant 0 : i32
      %eq3A_313 = arith.cmpi eq, %jit3A_311, %eq3A_312 : i32
      %jit3A_314 = arith.constant 1 : i32
      %select_n3A_315 = arith.select %eq3A_313, %jit3A_314, %jit3A_311 : i32
      %rem3A_316 = arith.remsi %add3A_310, %select_n3A_315 : i32
      %ne3A_317 = arith.constant 0 : i32
      %ne3A_318 = arith.cmpi ne, %rem3A_316, %ne3A_317 : i32
      %lt3A_319 = arith.constant 0 : i32
      %lt3A_320 = arith.cmpi slt, %rem3A_316, %lt3A_319 : i32
      %lt3A_321 = arith.constant 0 : i32
      %lt3A_322 = arith.cmpi slt, %select_n3A_315, %lt3A_321 : i32
      %ne3A_323 = arith.xori %lt3A_320, %lt3A_322 : i1
      %and3A_324 = arith.andi %ne3A_323, %ne3A_318 : i1
      %add3A_325 = arith.addi %rem3A_316, %select_n3A_315 : i32
      %select_n3A_326 = arith.select %and3A_324, %add3A_325, %rem3A_316 : i32
      %eq3A_327 = arith.constant 0 : i32
      %eq3A_328 = arith.cmpi eq, %select_n3A_326, %eq3A_327 : i32
      %lt3A_329 = arith.constant 63 : i32
      %lt3A_330 = arith.cmpi slt, %scan3A_96, %lt3A_329 : i32
      %and3A_331 = arith.andi %eq3A_328, %lt3A_330 : i1
      %convert_element_type3A_332 = arith.extui %and3A_331 : i1 to i32
      %cond3A_333 = arith.constant 0 : i32
      %cond3A_334 = arith.cmpi ne, %convert_element_type3A_332, %cond3A_333 : i32
      scf.if %cond3A_334 {
        %add3A_444 = arith.constant 1 : i32
        %add3A_445 = arith.addi %scan3A_96, %add3A_444 : i32
        %jit3A_446 = arith.constant 8 : i32
        %div3A_447 = arith.divsi %add3A_445, %jit3A_446 : i32
        %sign3A_448 = arith.constant 0 : i32
        %sign3A_449 = arith.cmpi sgt, %add3A_445, %sign3A_448 : i32
        %sign3A_450 = arith.extui %sign3A_449 : i1 to i32
        %sign3A_451 = arith.constant 0 : i32
        %sign3A_452 = arith.cmpi slt, %add3A_445, %sign3A_451 : i32
        %sign3A_453 = arith.extui %sign3A_452 : i1 to i32
        %sign3A_454 = arith.subi %sign3A_450, %sign3A_453 : i32
        %sign3A_455 = arith.constant 0 : i32
        %sign3A_456 = arith.cmpi sgt, %jit3A_446, %sign3A_455 : i32
        %sign3A_457 = arith.extui %sign3A_456 : i1 to i32
        %sign3A_458 = arith.constant 0 : i32
        %sign3A_459 = arith.cmpi slt, %jit3A_446, %sign3A_458 : i32
        %sign3A_460 = arith.extui %sign3A_459 : i1 to i32
        %sign3A_461 = arith.subi %sign3A_457, %sign3A_460 : i32
        %ne3A_462 = arith.cmpi ne, %sign3A_454, %sign3A_461 : i32
        %rem3A_463 = arith.remsi %add3A_445, %jit3A_446 : i32
        %ne3A_464 = arith.constant 0 : i32
        %ne3A_465 = arith.cmpi ne, %rem3A_463, %ne3A_464 : i32
        %and3A_466 = arith.andi %ne3A_462, %ne3A_465 : i1
        %sub3A_467 = arith.constant 1 : i32
        %sub3A_468 = arith.subi %div3A_447, %sub3A_467 : i32
        %select_n3A_469 = arith.select %and3A_466, %sub3A_468, %div3A_447 : i32
        %mul3A_470 = arith.constant 16384 : i32
        %mul3A_471 = arith.muli %select_n3A_469, %mul3A_470 : i32
        %mul3A_472 = arith.constant 512 : i32
        %mul3A_473 = arith.muli %add3A, %mul3A_472 : i32
        %add3A_474 = arith.addi %mul3A_471, %mul3A_473 : i32
        %jit3A_475 = arith.constant 2 : i32
        %eq3A_476 = arith.constant 0 : i32
        %eq3A_477 = arith.cmpi eq, %jit3A_475, %eq3A_476 : i32
        %jit3A_478 = arith.constant 1 : i32
        %select_n3A_479 = arith.select %eq3A_477, %jit3A_478, %jit3A_475 : i32
        %rem3A_480 = arith.remsi %select_n3A_469, %select_n3A_479 : i32
        %ne3A_481 = arith.constant 0 : i32
        %ne3A_482 = arith.cmpi ne, %rem3A_480, %ne3A_481 : i32
        %lt3A_483 = arith.constant 0 : i32
        %lt3A_484 = arith.cmpi slt, %rem3A_480, %lt3A_483 : i32
        %lt3A_485 = arith.constant 0 : i32
        %lt3A_486 = arith.cmpi slt, %select_n3A_479, %lt3A_485 : i32
        %ne3A_487 = arith.xori %lt3A_484, %lt3A_486 : i1
        %and3A_488 = arith.andi %ne3A_487, %ne3A_482 : i1
        %add3A_489 = arith.addi %rem3A_480, %select_n3A_479 : i32
        %select_n3A_490 = arith.select %and3A_488, %add3A_489, %rem3A_480 : i32
        %mul3A_491 = arith.constant 512 : i32
        %mul3A_492 = arith.muli %select_n3A_490, %mul3A_491 : i32
        "tpu.region"() ({
          %run_scoped3A = tpu.sem_alloc : memref<!tpu.dma_semaphore, #tpu.memory_space<semaphore_mem>>
          %dma_start3A_493 = arith.constant 0 : i32
          %dma_start3A_494 = tpu.memref_slice %arg6[%mul3A_492, %dma_start3A_493] : memref<1024x16xi32, #tpu.memory_space<vmem>> -> memref<512x16xi32, #tpu.memory_space<vmem>>
          %dma_start3A_495 = arith.constant 0 : i32
          %dma_start3A_496 = tpu.memref_slice %arg3[%add3A_474, %dma_start3A_495] : memref<131072x16xi32, #tpu.memory_space<hbm>> -> memref<512x16xi32, #tpu.memory_space<hbm>>
          %dma_start3A_497 = arith.constant 0 : i32
          %dma_start3A_498 = tpu.memref_slice %arg6[%mul3A_492, %dma_start3A_497] : memref<1024x16xi32, #tpu.memory_space<vmem>> -> memref<512x16xi32, #tpu.memory_space<vmem>>
          %dma_start3A_499 = arith.constant 0 : i32
          %dma_start3A_500 = tpu.memref_slice %arg3[%add3A_474, %dma_start3A_499] : memref<131072x16xi32, #tpu.memory_space<hbm>> -> memref<512x16xi32, #tpu.memory_space<hbm>>
          tpu.enqueue_dma source(%dma_start3A_500 : memref<512x16xi32, #tpu.memory_space<hbm>>) target(%dma_start3A_498 : memref<512x16xi32, #tpu.memory_space<vmem>>) target_semaphore(%run_scoped3A : memref<!tpu.dma_semaphore, #tpu.memory_space<semaphore_mem>>)
          %dma_wait3A_501 = arith.constant 0 : i32
          %dma_wait3A_502 = tpu.memref_slice %arg6[%mul3A_492, %dma_wait3A_501] : memref<1024x16xi32, #tpu.memory_space<vmem>> -> memref<512x16xi32, #tpu.memory_space<vmem>>
          %dma_wait3A_503 = arith.constant 0 : i32
          %dma_wait3A_504 = tpu.memref_slice %arg3[%add3A_474, %dma_wait3A_503] : memref<131072x16xi32, #tpu.memory_space<hbm>> -> memref<512x16xi32, #tpu.memory_space<hbm>>
          %dma_wait3A_505 = arith.constant 0 : i32
          %dma_wait3A_506 = tpu.memref_slice %arg6[%mul3A_492, %dma_wait3A_505] : memref<1024x16xi32, #tpu.memory_space<vmem>> -> memref<512x16xi32, #tpu.memory_space<vmem>>
          %dma_wait3A_507 = arith.constant 0 : i32
          %dma_wait3A_508 = tpu.memref_slice %arg3[%add3A_474, %dma_wait3A_507] : memref<131072x16xi32, #tpu.memory_space<hbm>> -> memref<512x16xi32, #tpu.memory_space<hbm>>
          tpu.wait_dma2 semaphore(%run_scoped3A : memref<!tpu.dma_semaphore, #tpu.memory_space<semaphore_mem>>) src(%dma_wait3A_508 : memref<512x16xi32, #tpu.memory_space<hbm>>) dst(%dma_wait3A_506 : memref<512x16xi32, #tpu.memory_space<vmem>>)
          tpu.yield
        }) : () -> ()
      } else {
      }
      %lt3A_335 = arith.constant 63 : i32
      %lt3A_336 = arith.cmpi slt, %scan3A_96, %lt3A_335 : i32
      %convert_element_type3A_337 = arith.extui %lt3A_336 : i1 to i32
      %cond3A_338 = arith.constant 0 : i32
      %cond3A_339 = arith.cmpi ne, %convert_element_type3A_337, %cond3A_338 : i32
      scf.if %cond3A_339 {
        %add3A_444 = arith.constant 2 : i32
        %add3A_445 = arith.addi %mul3A_98, %add3A_444 : i32
        %jit3A_446 = arith.constant 16 : i32
        %div3A_447 = arith.divsi %add3A_445, %jit3A_446 : i32
        %sign3A_448 = arith.constant 0 : i32
        %sign3A_449 = arith.cmpi sgt, %add3A_445, %sign3A_448 : i32
        %sign3A_450 = arith.extui %sign3A_449 : i1 to i32
        %sign3A_451 = arith.constant 0 : i32
        %sign3A_452 = arith.cmpi slt, %add3A_445, %sign3A_451 : i32
        %sign3A_453 = arith.extui %sign3A_452 : i1 to i32
        %sign3A_454 = arith.subi %sign3A_450, %sign3A_453 : i32
        %sign3A_455 = arith.constant 0 : i32
        %sign3A_456 = arith.cmpi sgt, %jit3A_446, %sign3A_455 : i32
        %sign3A_457 = arith.extui %sign3A_456 : i1 to i32
        %sign3A_458 = arith.constant 0 : i32
        %sign3A_459 = arith.cmpi slt, %jit3A_446, %sign3A_458 : i32
        %sign3A_460 = arith.extui %sign3A_459 : i1 to i32
        %sign3A_461 = arith.subi %sign3A_457, %sign3A_460 : i32
        %ne3A_462 = arith.cmpi ne, %sign3A_454, %sign3A_461 : i32
        %rem3A_463 = arith.remsi %add3A_445, %jit3A_446 : i32
        %ne3A_464 = arith.constant 0 : i32
        %ne3A_465 = arith.cmpi ne, %rem3A_463, %ne3A_464 : i32
        %and3A_466 = arith.andi %ne3A_462, %ne3A_465 : i1
        %sub3A_467 = arith.constant 1 : i32
        %sub3A_468 = arith.subi %div3A_447, %sub3A_467 : i32
        %select_n3A_469 = arith.select %and3A_466, %sub3A_468, %div3A_447 : i32
        %mul3A_470 = arith.constant 16 : i32
        %mul3A_471 = arith.muli %select_n3A_469, %mul3A_470 : i32
        %sub3A_472 = arith.subi %add3A_445, %mul3A_471 : i32
        %jit3A_473 = arith.constant 2 : i32
        %eq3A_474 = arith.constant 0 : i32
        %eq3A_475 = arith.cmpi eq, %jit3A_473, %eq3A_474 : i32
        %jit3A_476 = arith.constant 1 : i32
        %select_n3A_477 = arith.select %eq3A_475, %jit3A_476, %jit3A_473 : i32
        %rem3A_478 = arith.remsi %select_n3A_469, %select_n3A_477 : i32
        %ne3A_479 = arith.constant 0 : i32
        %ne3A_480 = arith.cmpi ne, %rem3A_478, %ne3A_479 : i32
        %lt3A_481 = arith.constant 0 : i32
        %lt3A_482 = arith.cmpi slt, %rem3A_478, %lt3A_481 : i32
        %lt3A_483 = arith.constant 0 : i32
        %lt3A_484 = arith.cmpi slt, %select_n3A_477, %lt3A_483 : i32
        %ne3A_485 = arith.xori %lt3A_482, %lt3A_484 : i1
        %and3A_486 = arith.andi %ne3A_485, %ne3A_480 : i1
        %add3A_487 = arith.addi %rem3A_478, %select_n3A_477 : i32
        %select_n3A_488 = arith.select %and3A_486, %add3A_487, %rem3A_478 : i32
        %mul3A_489 = arith.constant 512 : i32
        %mul3A_490 = arith.muli %select_n3A_488, %mul3A_489 : i32
        %mul3A_491 = arith.constant 32 : i32
        %mul3A_492 = arith.muli %sub3A_472, %mul3A_491 : i32
        %add3A_493 = arith.addi %mul3A_490, %mul3A_492 : i32
        %broadcast_in_dim3A_494 = arith.constant 0 : i32
        %broadcast_in_dim3A_495 = vector.broadcast %broadcast_in_dim3A_494 : i32 to vector<16xi32>
        %scan3A_496 = arith.constant 0 : i32
        %scan3A_497 = arith.constant 32 : i32
        %scan3A_498 = arith.addi %scan3A_496, %scan3A_497 : i32
        %scan3A_499 = arith.constant 1 : i32
        %scan3A_500 = scf.for %scan3A_564 = %scan3A_496 to %scan3A_498 step %scan3A_499 iter_args(%scan3A_565 = %broadcast_in_dim3A_495) -> (vector<16xi32>)  : i32 {
          %add3A_566 = arith.addi %add3A_493, %scan3A_564 : i32
          %get3A_567 = arith.index_cast %add3A_566 : i32 to index
          %get3A_568 = arith.constant 0 : index
          %get3A_569 = tpu.vector_load %arg6[%get3A_567, %get3A_568] {strides = array<i32>} : memref<1024x16xi32, #tpu.memory_space<vmem>>, vector<16xi32>,
          %ge3A_570 = arith.constant 0 : i32
          %ge3A_571 = vector.broadcast %ge3A_570 : i32 to vector<16xi32>
          %ge3A_572 = arith.cmpi sge, %get3A_569, %ge3A_571 : vector<16xi32>
          %jit3A_573 = arith.constant 1 : i32
          %jit3A_574 = arith.constant 0 : i32
          %broadcast_in_dim3A_575 = vector.broadcast %jit3A_573 : i32 to vector<16xi32>
          %broadcast_in_dim3A_576 = vector.broadcast %jit3A_574 : i32 to vector<16xi32>
          %select_n3A_577 = arith.select %ge3A_572, %broadcast_in_dim3A_575, %broadcast_in_dim3A_576 : vector<16xi1>, vector<16xi32>
          %broadcast_in_dim3A_578 = arith.constant true
          %broadcast_in_dim3A_579 = vector.broadcast %broadcast_in_dim3A_578 : i1 to vector<16xi1>
          %masked_cumsum3A = tpu.scan <sum>, %select_n3A_577 masked %broadcast_in_dim3A_579 : vector<16xi32>, vector<16xi1> -> vector<16xi32>
          %add3A_580 = arith.addi %scan3A_565, %masked_cumsum3A : vector<16xi32>
          %sub3A_581 = arith.subi %add3A_580, %select_n3A_577 : vector<16xi32>
          tpu.vector_store_idx %arg7[%sub3A_581], %get3A_569 masked %ge3A_572 : memref<512xi32, #tpu.memory_space<vmem>>[vector<16xi32>], vector<16xi32>, vector<16xi1>
          %mul3A_582 = arith.constant 16 : i32
          %mul3A_583 = arith.muli %scan3A_564, %mul3A_582 : i32
          %swap3A_584 = arith.index_cast %mul3A_583 : i32 to index
          %swap3A_585 = tpu.vector_load %arg9[%swap3A_584] {strides = array<i32>} : memref<512xi32, #tpu.memory_space<vmem>>, vector<16xi32>,
          tpu.vector_store %arg9[%swap3A_584], %sub3A_581 {strides = array<i32>} : memref<512xi32, #tpu.memory_space<vmem>>, vector<16xi32>,
          %all_reduce_population_count3A = tpu.all_reduce %ge3A_572 {dim = 0 : i64, kind = #tpu.reduction_kind<sum>} : vector<16xi1> -> vector<16xi32>
          %add3A_586 = arith.addi %scan3A_565, %all_reduce_population_count3A : vector<16xi32>
          scf.yield %add3A_586 : vector<16xi32>
        }
        %scan3A_501 = arith.constant 32 : i32
        %reduce_max3A_502 = arith.constant true
        %reduce_max3A_503 = vector.broadcast %reduce_max3A_502 : i1 to vector<16xi1>
        %reduce_max3A_504 = arith.constant -2147483648 : i32
        %reduce_max3A_505 = vector.broadcast %reduce_max3A_504 : i32 to vector<16xi32>
        %reduce_max3A_506 = arith.xori %scan3A_500, %reduce_max3A_505 : vector<16xi32>
        %reduce_max3A_507 = tpu.scan <max>, %reduce_max3A_506 masked %reduce_max3A_503 : vector<16xi32>, vector<16xi1> -> vector<16xi32>
        %reduce_max3A_508 = arith.xori %reduce_max3A_507, %reduce_max3A_505 : vector<16xi32>
        %reduce_max3A_509 = vector.extract %reduce_max3A_508[15] : i32 from vector<16xi32>
        %swap3A_510 = arith.constant 0 : i32
        %swap3A_511 = arith.index_cast %swap3A_510 : i32 to index
        %swap3A_512 = memref.load %arg11[%swap3A_511] : memref<2xi32, #tpu.memory_space<smem>>
        memref.store %reduce_max3A_509, %arg11[%swap3A_511] : memref<2xi32, #tpu.memory_space<smem>>
        %gt3A_513 = arith.constant 0 : i32
        %gt3A_514 = arith.cmpi sgt, %reduce_max3A_509, %gt3A_513 : i32
        %convert_element_type3A_515 = arith.extui %gt3A_514 : i1 to i32
        %cond3A_516 = arith.constant 0 : i32
        %cond3A_517 = arith.cmpi ne, %convert_element_type3A_515, %cond3A_516 : i32
        scf.if %cond3A_517 {
          %dma_start3A_564 = arith.constant 0 : i32
          %dma_start3A_565 = arith.constant 0 : i32
          %dma_start3A_566 = tpu.memref_slice %arg12[%dma_start3A_564, %dma_start3A_565] : memref<512x32xf32, #tpu.memory_space<vmem>> -> memref<64x32xf32, #tpu.memory_space<vmem>>
          %dma_start3A_567 = arith.constant 0 : i32
          %dma_start3A_568 = tpu.memref_slice %arg7[%dma_start3A_567] : memref<512xi32, #tpu.memory_space<vmem>> -> memref<64xi32, #tpu.memory_space<vmem>>
          %dma_start3A_569 = arith.constant 0 : i32
          %dma_start3A_570 = arith.constant 0 : i32
          %dma_start3A_571 = tpu.memref_slice %arg2[%dma_start3A_569, %dma_start3A_570] : memref<2097152x32xf32, #tpu.memory_space<hbm>> -> memref<2097152x32xf32, #tpu.memory_space<hbm>>
          tpu.enqueue_indirect_dma source(%dma_start3A_571 : memref<2097152x32xf32, #tpu.memory_space<hbm>>) target(%dma_start3A_566 : memref<64x32xf32, #tpu.memory_space<vmem>>) offsets(%dma_start3A_568 : memref<64xi32, #tpu.memory_space<vmem>>) semaphore(%arg18 : memref<!tpu.dma_semaphore, #tpu.memory_space<semaphore_mem>>)
        } else {
        }
        %gt3A_518 = arith.constant 64 : i32
        %gt3A_519 = arith.cmpi sgt, %reduce_max3A_509, %gt3A_518 : i32
        %convert_element_type3A_520 = arith.extui %gt3A_519 : i1 to i32
        %cond3A_521 = arith.constant 0 : i32
        %cond3A_522 = arith.cmpi ne, %convert_element_type3A_520, %cond3A_521 : i32
        scf.if %cond3A_522 {
          %dma_start3A_564 = arith.constant 64 : i32
          %dma_start3A_565 = arith.constant 0 : i32
          %dma_start3A_566 = tpu.memref_slice %arg12[%dma_start3A_564, %dma_start3A_565] : memref<512x32xf32, #tpu.memory_space<vmem>> -> memref<64x32xf32, #tpu.memory_space<vmem>>
          %dma_start3A_567 = arith.constant 64 : i32
          %dma_start3A_568 = tpu.memref_slice %arg7[%dma_start3A_567] : memref<512xi32, #tpu.memory_space<vmem>> -> memref<64xi32, #tpu.memory_space<vmem>>
          %dma_start3A_569 = arith.constant 0 : i32
          %dma_start3A_570 = arith.constant 0 : i32
          %dma_start3A_571 = tpu.memref_slice %arg2[%dma_start3A_569, %dma_start3A_570] : memref<2097152x32xf32, #tpu.memory_space<hbm>> -> memref<2097152x32xf32, #tpu.memory_space<hbm>>
          tpu.enqueue_indirect_dma source(%dma_start3A_571 : memref<2097152x32xf32, #tpu.memory_space<hbm>>) target(%dma_start3A_566 : memref<64x32xf32, #tpu.memory_space<vmem>>) offsets(%dma_start3A_568 : memref<64xi32, #tpu.memory_space<vmem>>) semaphore(%arg18 : memref<!tpu.dma_semaphore, #tpu.memory_space<semaphore_mem>>)
        } else {
        }
        %gt3A_523 = arith.constant 128 : i32
        %gt3A_524 = arith.cmpi sgt, %reduce_max3A_509, %gt3A_523 : i32
        %convert_element_type3A_525 = arith.extui %gt3A_524 : i1 to i32
        %cond3A_526 = arith.constant 0 : i32
        %cond3A_527 = arith.cmpi ne, %convert_element_type3A_525, %cond3A_526 : i32
        scf.if %cond3A_527 {
          %dma_start3A_564 = arith.constant 128 : i32
          %dma_start3A_565 = arith.constant 0 : i32
          %dma_start3A_566 = tpu.memref_slice %arg12[%dma_start3A_564, %dma_start3A_565] : memref<512x32xf32, #tpu.memory_space<vmem>> -> memref<64x32xf32, #tpu.memory_space<vmem>>
          %dma_start3A_567 = arith.constant 128 : i32
          %dma_start3A_568 = tpu.memref_slice %arg7[%dma_start3A_567] : memref<512xi32, #tpu.memory_space<vmem>> -> memref<64xi32, #tpu.memory_space<vmem>>
          %dma_start3A_569 = arith.constant 0 : i32
          %dma_start3A_570 = arith.constant 0 : i32
          %dma_start3A_571 = tpu.memref_slice %arg2[%dma_start3A_569, %dma_start3A_570] : memref<2097152x32xf32, #tpu.memory_space<hbm>> -> memref<2097152x32xf32, #tpu.memory_space<hbm>>
          tpu.enqueue_indirect_dma source(%dma_start3A_571 : memref<2097152x32xf32, #tpu.memory_space<hbm>>) target(%dma_start3A_566 : memref<64x32xf32, #tpu.memory_space<vmem>>) offsets(%dma_start3A_568 : memref<64xi32, #tpu.memory_space<vmem>>) semaphore(%arg18 : memref<!tpu.dma_semaphore, #tpu.memory_space<semaphore_mem>>)
        } else {
        }
        %gt3A_528 = arith.constant 192 : i32
        %gt3A_529 = arith.cmpi sgt, %reduce_max3A_509, %gt3A_528 : i32
        %convert_element_type3A_530 = arith.extui %gt3A_529 : i1 to i32
        %cond3A_531 = arith.constant 0 : i32
        %cond3A_532 = arith.cmpi ne, %convert_element_type3A_530, %cond3A_531 : i32
        scf.if %cond3A_532 {
          %dma_start3A_564 = arith.constant 192 : i32
          %dma_start3A_565 = arith.constant 0 : i32
          %dma_start3A_566 = tpu.memref_slice %arg12[%dma_start3A_564, %dma_start3A_565] : memref<512x32xf32, #tpu.memory_space<vmem>> -> memref<64x32xf32, #tpu.memory_space<vmem>>
          %dma_start3A_567 = arith.constant 192 : i32
          %dma_start3A_568 = tpu.memref_slice %arg7[%dma_start3A_567] : memref<512xi32, #tpu.memory_space<vmem>> -> memref<64xi32, #tpu.memory_space<vmem>>
          %dma_start3A_569 = arith.constant 0 : i32
          %dma_start3A_570 = arith.constant 0 : i32
          %dma_start3A_571 = tpu.memref_slice %arg2[%dma_start3A_569, %dma_start3A_570] : memref<2097152x32xf32, #tpu.memory_space<hbm>> -> memref<2097152x32xf32, #tpu.memory_space<hbm>>
          tpu.enqueue_indirect_dma source(%dma_start3A_571 : memref<2097152x32xf32, #tpu.memory_space<hbm>>) target(%dma_start3A_566 : memref<64x32xf32, #tpu.memory_space<vmem>>) offsets(%dma_start3A_568 : memref<64xi32, #tpu.memory_space<vmem>>) semaphore(%arg18 : memref<!tpu.dma_semaphore, #tpu.memory_space<semaphore_mem>>)
        } else {
        }
        %gt3A_533 = arith.constant 256 : i32
        %gt3A_534 = arith.cmpi sgt, %reduce_max3A_509, %gt3A_533 : i32
        %convert_element_type3A_535 = arith.extui %gt3A_534 : i1 to i32
        %cond3A_536 = arith.constant 0 : i32
        %cond3A_537 = arith.cmpi ne, %convert_element_type3A_535, %cond3A_536 : i32
        scf.if %cond3A_537 {
          %dma_start3A_564 = arith.constant 256 : i32
          %dma_start3A_565 = arith.constant 0 : i32
          %dma_start3A_566 = tpu.memref_slice %arg12[%dma_start3A_564, %dma_start3A_565] : memref<512x32xf32, #tpu.memory_space<vmem>> -> memref<64x32xf32, #tpu.memory_space<vmem>>
          %dma_start3A_567 = arith.constant 256 : i32
          %dma_start3A_568 = tpu.memref_slice %arg7[%dma_start3A_567] : memref<512xi32, #tpu.memory_space<vmem>> -> memref<64xi32, #tpu.memory_space<vmem>>
          %dma_start3A_569 = arith.constant 0 : i32
          %dma_start3A_570 = arith.constant 0 : i32
          %dma_start3A_571 = tpu.memref_slice %arg2[%dma_start3A_569, %dma_start3A_570] : memref<2097152x32xf32, #tpu.memory_space<hbm>> -> memref<2097152x32xf32, #tpu.memory_space<hbm>>
          tpu.enqueue_indirect_dma source(%dma_start3A_571 : memref<2097152x32xf32, #tpu.memory_space<hbm>>) target(%dma_start3A_566 : memref<64x32xf32, #tpu.memory_space<vmem>>) offsets(%dma_start3A_568 : memref<64xi32, #tpu.memory_space<vmem>>) semaphore(%arg18 : memref<!tpu.dma_semaphore, #tpu.memory_space<semaphore_mem>>)
        } else {
        }
        %gt3A_538 = arith.constant 320 : i32
        %gt3A_539 = arith.cmpi sgt, %reduce_max3A_509, %gt3A_538 : i32
        %convert_element_type3A_540 = arith.extui %gt3A_539 : i1 to i32
        %cond3A_541 = arith.constant 0 : i32
        %cond3A_542 = arith.cmpi ne, %convert_element_type3A_540, %cond3A_541 : i32
        scf.if %cond3A_542 {
          %dma_start3A_564 = arith.constant 320 : i32
          %dma_start3A_565 = arith.constant 0 : i32
          %dma_start3A_566 = tpu.memref_slice %arg12[%dma_start3A_564, %dma_start3A_565] : memref<512x32xf32, #tpu.memory_space<vmem>> -> memref<64x32xf32, #tpu.memory_space<vmem>>
          %dma_start3A_567 = arith.constant 320 : i32
          %dma_start3A_568 = tpu.memref_slice %arg7[%dma_start3A_567] : memref<512xi32, #tpu.memory_space<vmem>> -> memref<64xi32, #tpu.memory_space<vmem>>
          %dma_start3A_569 = arith.constant 0 : i32
          %dma_start3A_570 = arith.constant 0 : i32
          %dma_start3A_571 = tpu.memref_slice %arg2[%dma_start3A_569, %dma_start3A_570] : memref<2097152x32xf32, #tpu.memory_space<hbm>> -> memref<2097152x32xf32, #tpu.memory_space<hbm>>
          tpu.enqueue_indirect_dma source(%dma_start3A_571 : memref<2097152x32xf32, #tpu.memory_space<hbm>>) target(%dma_start3A_566 : memref<64x32xf32, #tpu.memory_space<vmem>>) offsets(%dma_start3A_568 : memref<64xi32, #tpu.memory_space<vmem>>) semaphore(%arg18 : memref<!tpu.dma_semaphore, #tpu.memory_space<semaphore_mem>>)
        } else {
        }
        %gt3A_543 = arith.constant 384 : i32
        %gt3A_544 = arith.cmpi sgt, %reduce_max3A_509, %gt3A_543 : i32
        %convert_element_type3A_545 = arith.extui %gt3A_544 : i1 to i32
        %cond3A_546 = arith.constant 0 : i32
        %cond3A_547 = arith.cmpi ne, %convert_element_type3A_545, %cond3A_546 : i32
        scf.if %cond3A_547 {
          %dma_start3A_564 = arith.constant 384 : i32
          %dma_start3A_565 = arith.constant 0 : i32
          %dma_start3A_566 = tpu.memref_slice %arg12[%dma_start3A_564, %dma_start3A_565] : memref<512x32xf32, #tpu.memory_space<vmem>> -> memref<64x32xf32, #tpu.memory_space<vmem>>
          %dma_start3A_567 = arith.constant 384 : i32
          %dma_start3A_568 = tpu.memref_slice %arg7[%dma_start3A_567] : memref<512xi32, #tpu.memory_space<vmem>> -> memref<64xi32, #tpu.memory_space<vmem>>
          %dma_start3A_569 = arith.constant 0 : i32
          %dma_start3A_570 = arith.constant 0 : i32
          %dma_start3A_571 = tpu.memref_slice %arg2[%dma_start3A_569, %dma_start3A_570] : memref<2097152x32xf32, #tpu.memory_space<hbm>> -> memref<2097152x32xf32, #tpu.memory_space<hbm>>
          tpu.enqueue_indirect_dma source(%dma_start3A_571 : memref<2097152x32xf32, #tpu.memory_space<hbm>>) target(%dma_start3A_566 : memref<64x32xf32, #tpu.memory_space<vmem>>) offsets(%dma_start3A_568 : memref<64xi32, #tpu.memory_space<vmem>>) semaphore(%arg18 : memref<!tpu.dma_semaphore, #tpu.memory_space<semaphore_mem>>)
        } else {
        }
        %gt3A_548 = arith.constant 448 : i32
        %gt3A_549 = arith.cmpi sgt, %reduce_max3A_509, %gt3A_548 : i32
        %convert_element_type3A_550 = arith.extui %gt3A_549 : i1 to i32
        %cond3A_551 = arith.constant 0 : i32
        %cond3A_552 = arith.cmpi ne, %convert_element_type3A_550, %cond3A_551 : i32
        scf.if %cond3A_552 {
          %dma_start3A_564 = arith.constant 448 : i32
          %dma_start3A_565 = arith.constant 0 : i32
          %dma_start3A_566 = tpu.memref_slice %arg12[%dma_start3A_564, %dma_start3A_565] : memref<512x32xf32, #tpu.memory_space<vmem>> -> memref<64x32xf32, #tpu.memory_space<vmem>>
          %dma_start3A_567 = arith.constant 448 : i32
          %dma_start3A_568 = tpu.memref_slice %arg7[%dma_start3A_567] : memref<512xi32, #tpu.memory_space<vmem>> -> memref<64xi32, #tpu.memory_space<vmem>>
          %dma_start3A_569 = arith.constant 0 : i32
          %dma_start3A_570 = arith.constant 0 : i32
          %dma_start3A_571 = tpu.memref_slice %arg2[%dma_start3A_569, %dma_start3A_570] : memref<2097152x32xf32, #tpu.memory_space<hbm>> -> memref<2097152x32xf32, #tpu.memory_space<hbm>>
          tpu.enqueue_indirect_dma source(%dma_start3A_571 : memref<2097152x32xf32, #tpu.memory_space<hbm>>) target(%dma_start3A_566 : memref<64x32xf32, #tpu.memory_space<vmem>>) offsets(%dma_start3A_568 : memref<64xi32, #tpu.memory_space<vmem>>) semaphore(%arg18 : memref<!tpu.dma_semaphore, #tpu.memory_space<semaphore_mem>>)
        } else {
        }
        %mul3A_553 = arith.constant 8192 : i32
        %mul3A_554 = arith.muli %add3A, %mul3A_553 : i32
        %mul3A_555 = arith.constant 512 : i32
        %mul3A_556 = arith.muli %sub3A_472, %mul3A_555 : i32
        %add3A_557 = arith.addi %mul3A_554, %mul3A_556 : i32
        %dma_start3A_558 = arith.constant 0 : i32
        %dma_start3A_559 = tpu.memref_slice %arg4[%select_n3A_469, %dma_start3A_558, %add3A_557] : memref<8x5x262144xf32, #tpu.memory_space<hbm>> -> memref<1x5x512xf32, #tpu.memory_space<hbm>>
        %dma_start3A_560 = tpu.memref_squeeze %dma_start3A_559 : memref<1x5x512xf32, #tpu.memory_space<hbm>> -> memref<5x512xf32, #tpu.memory_space<hbm>>
        %dma_start3A_561 = arith.constant 0 : i32
        %dma_start3A_562 = tpu.memref_slice %arg4[%select_n3A_469, %dma_start3A_561, %add3A_557] : memref<8x5x262144xf32, #tpu.memory_space<hbm>> -> memref<1x5x512xf32, #tpu.memory_space<hbm>>
        %dma_start3A_563 = tpu.memref_squeeze %dma_start3A_562 : memref<1x5x512xf32, #tpu.memory_space<hbm>> -> memref<5x512xf32, #tpu.memory_space<hbm>>
        tpu.enqueue_dma source(%dma_start3A_563 : memref<5x512xf32, #tpu.memory_space<hbm>>) target(%arg16 : memref<5x512xf32, #tpu.memory_space<vmem>>) target_semaphore(%arg20 : memref<!tpu.dma_semaphore, #tpu.memory_space<semaphore_mem>>)
      } else {
      }
      %get3A_340 = arith.constant 1 : i32
      %get3A_341 = arith.index_cast %get3A_340 : i32 to index
      %get3A_342 = memref.load %arg11[%get3A_341] : memref<2xi32, #tpu.memory_space<smem>>
      %gt3A_343 = arith.constant 0 : i32
      %gt3A_344 = arith.cmpi sgt, %get3A_342, %gt3A_343 : i32
      %convert_element_type3A_345 = arith.extui %gt3A_344 : i1 to i32
      %cond3A_346 = arith.constant 0 : i32
      %cond3A_347 = arith.cmpi ne, %convert_element_type3A_345, %cond3A_346 : i32
      scf.if %cond3A_347 {
        %dma_wait3A_444 = arith.constant 0 : i32
        %dma_wait3A_445 = arith.constant 0 : i32
        %dma_wait3A_446 = tpu.memref_slice %arg13[%dma_wait3A_444, %dma_wait3A_445] : memref<512x32xf32, #tpu.memory_space<vmem>> -> memref<64x32xf32, #tpu.memory_space<vmem>>
        %dma_wait3A_447 = arith.constant 0 : i32
        %dma_wait3A_448 = tpu.memref_slice %arg8[%dma_wait3A_447] : memref<512xi32, #tpu.memory_space<vmem>> -> memref<64xi32, #tpu.memory_space<vmem>>
        %dma_wait3A_449 = arith.constant 0 : i32
        %dma_wait3A_450 = arith.constant 0 : i32
        %dma_wait3A_451 = tpu.memref_slice %arg2[%dma_wait3A_449, %dma_wait3A_450] : memref<2097152x32xf32, #tpu.memory_space<hbm>> -> memref<2097152x32xf32, #tpu.memory_space<hbm>>
        tpu.wait_indirect_dma semaphore(%arg19 : memref<!tpu.dma_semaphore, #tpu.memory_space<semaphore_mem>>) src(%dma_wait3A_451 : memref<2097152x32xf32, #tpu.memory_space<hbm>>) dst(%dma_wait3A_446 : memref<64x32xf32, #tpu.memory_space<vmem>>)
      } else {
      }
      %gt3A_348 = arith.constant 64 : i32
      %gt3A_349 = arith.cmpi sgt, %get3A_342, %gt3A_348 : i32
      %convert_element_type3A_350 = arith.extui %gt3A_349 : i1 to i32
      %cond3A_351 = arith.constant 0 : i32
      %cond3A_352 = arith.cmpi ne, %convert_element_type3A_350, %cond3A_351 : i32
      scf.if %cond3A_352 {
        %dma_wait3A_444 = arith.constant 64 : i32
        %dma_wait3A_445 = arith.constant 0 : i32
        %dma_wait3A_446 = tpu.memref_slice %arg13[%dma_wait3A_444, %dma_wait3A_445] : memref<512x32xf32, #tpu.memory_space<vmem>> -> memref<64x32xf32, #tpu.memory_space<vmem>>
        %dma_wait3A_447 = arith.constant 64 : i32
        %dma_wait3A_448 = tpu.memref_slice %arg8[%dma_wait3A_447] : memref<512xi32, #tpu.memory_space<vmem>> -> memref<64xi32, #tpu.memory_space<vmem>>
        %dma_wait3A_449 = arith.constant 0 : i32
        %dma_wait3A_450 = arith.constant 0 : i32
        %dma_wait3A_451 = tpu.memref_slice %arg2[%dma_wait3A_449, %dma_wait3A_450] : memref<2097152x32xf32, #tpu.memory_space<hbm>> -> memref<2097152x32xf32, #tpu.memory_space<hbm>>
        tpu.wait_indirect_dma semaphore(%arg19 : memref<!tpu.dma_semaphore, #tpu.memory_space<semaphore_mem>>) src(%dma_wait3A_451 : memref<2097152x32xf32, #tpu.memory_space<hbm>>) dst(%dma_wait3A_446 : memref<64x32xf32, #tpu.memory_space<vmem>>)
      } else {
      }
      %gt3A_353 = arith.constant 128 : i32
      %gt3A_354 = arith.cmpi sgt, %get3A_342, %gt3A_353 : i32
      %convert_element_type3A_355 = arith.extui %gt3A_354 : i1 to i32
      %cond3A_356 = arith.constant 0 : i32
      %cond3A_357 = arith.cmpi ne, %convert_element_type3A_355, %cond3A_356 : i32
      scf.if %cond3A_357 {
        %dma_wait3A_444 = arith.constant 128 : i32
        %dma_wait3A_445 = arith.constant 0 : i32
        %dma_wait3A_446 = tpu.memref_slice %arg13[%dma_wait3A_444, %dma_wait3A_445] : memref<512x32xf32, #tpu.memory_space<vmem>> -> memref<64x32xf32, #tpu.memory_space<vmem>>
        %dma_wait3A_447 = arith.constant 128 : i32
        %dma_wait3A_448 = tpu.memref_slice %arg8[%dma_wait3A_447] : memref<512xi32, #tpu.memory_space<vmem>> -> memref<64xi32, #tpu.memory_space<vmem>>
        %dma_wait3A_449 = arith.constant 0 : i32
        %dma_wait3A_450 = arith.constant 0 : i32
        %dma_wait3A_451 = tpu.memref_slice %arg2[%dma_wait3A_449, %dma_wait3A_450] : memref<2097152x32xf32, #tpu.memory_space<hbm>> -> memref<2097152x32xf32, #tpu.memory_space<hbm>>
        tpu.wait_indirect_dma semaphore(%arg19 : memref<!tpu.dma_semaphore, #tpu.memory_space<semaphore_mem>>) src(%dma_wait3A_451 : memref<2097152x32xf32, #tpu.memory_space<hbm>>) dst(%dma_wait3A_446 : memref<64x32xf32, #tpu.memory_space<vmem>>)
      } else {
      }
      %gt3A_358 = arith.constant 192 : i32
      %gt3A_359 = arith.cmpi sgt, %get3A_342, %gt3A_358 : i32
      %convert_element_type3A_360 = arith.extui %gt3A_359 : i1 to i32
      %cond3A_361 = arith.constant 0 : i32
      %cond3A_362 = arith.cmpi ne, %convert_element_type3A_360, %cond3A_361 : i32
      scf.if %cond3A_362 {
        %dma_wait3A_444 = arith.constant 192 : i32
        %dma_wait3A_445 = arith.constant 0 : i32
        %dma_wait3A_446 = tpu.memref_slice %arg13[%dma_wait3A_444, %dma_wait3A_445] : memref<512x32xf32, #tpu.memory_space<vmem>> -> memref<64x32xf32, #tpu.memory_space<vmem>>
        %dma_wait3A_447 = arith.constant 192 : i32
        %dma_wait3A_448 = tpu.memref_slice %arg8[%dma_wait3A_447] : memref<512xi32, #tpu.memory_space<vmem>> -> memref<64xi32, #tpu.memory_space<vmem>>
        %dma_wait3A_449 = arith.constant 0 : i32
        %dma_wait3A_450 = arith.constant 0 : i32
        %dma_wait3A_451 = tpu.memref_slice %arg2[%dma_wait3A_449, %dma_wait3A_450] : memref<2097152x32xf32, #tpu.memory_space<hbm>> -> memref<2097152x32xf32, #tpu.memory_space<hbm>>
        tpu.wait_indirect_dma semaphore(%arg19 : memref<!tpu.dma_semaphore, #tpu.memory_space<semaphore_mem>>) src(%dma_wait3A_451 : memref<2097152x32xf32, #tpu.memory_space<hbm>>) dst(%dma_wait3A_446 : memref<64x32xf32, #tpu.memory_space<vmem>>)
      } else {
      }
      %gt3A_363 = arith.constant 256 : i32
      %gt3A_364 = arith.cmpi sgt, %get3A_342, %gt3A_363 : i32
      %convert_element_type3A_365 = arith.extui %gt3A_364 : i1 to i32
      %cond3A_366 = arith.constant 0 : i32
      %cond3A_367 = arith.cmpi ne, %convert_element_type3A_365, %cond3A_366 : i32
      scf.if %cond3A_367 {
        %dma_wait3A_444 = arith.constant 256 : i32
        %dma_wait3A_445 = arith.constant 0 : i32
        %dma_wait3A_446 = tpu.memref_slice %arg13[%dma_wait3A_444, %dma_wait3A_445] : memref<512x32xf32, #tpu.memory_space<vmem>> -> memref<64x32xf32, #tpu.memory_space<vmem>>
        %dma_wait3A_447 = arith.constant 256 : i32
        %dma_wait3A_448 = tpu.memref_slice %arg8[%dma_wait3A_447] : memref<512xi32, #tpu.memory_space<vmem>> -> memref<64xi32, #tpu.memory_space<vmem>>
        %dma_wait3A_449 = arith.constant 0 : i32
        %dma_wait3A_450 = arith.constant 0 : i32
        %dma_wait3A_451 = tpu.memref_slice %arg2[%dma_wait3A_449, %dma_wait3A_450] : memref<2097152x32xf32, #tpu.memory_space<hbm>> -> memref<2097152x32xf32, #tpu.memory_space<hbm>>
        tpu.wait_indirect_dma semaphore(%arg19 : memref<!tpu.dma_semaphore, #tpu.memory_space<semaphore_mem>>) src(%dma_wait3A_451 : memref<2097152x32xf32, #tpu.memory_space<hbm>>) dst(%dma_wait3A_446 : memref<64x32xf32, #tpu.memory_space<vmem>>)
      } else {
      }
      %gt3A_368 = arith.constant 320 : i32
      %gt3A_369 = arith.cmpi sgt, %get3A_342, %gt3A_368 : i32
      %convert_element_type3A_370 = arith.extui %gt3A_369 : i1 to i32
      %cond3A_371 = arith.constant 0 : i32
      %cond3A_372 = arith.cmpi ne, %convert_element_type3A_370, %cond3A_371 : i32
      scf.if %cond3A_372 {
        %dma_wait3A_444 = arith.constant 320 : i32
        %dma_wait3A_445 = arith.constant 0 : i32
        %dma_wait3A_446 = tpu.memref_slice %arg13[%dma_wait3A_444, %dma_wait3A_445] : memref<512x32xf32, #tpu.memory_space<vmem>> -> memref<64x32xf32, #tpu.memory_space<vmem>>
        %dma_wait3A_447 = arith.constant 320 : i32
        %dma_wait3A_448 = tpu.memref_slice %arg8[%dma_wait3A_447] : memref<512xi32, #tpu.memory_space<vmem>> -> memref<64xi32, #tpu.memory_space<vmem>>
        %dma_wait3A_449 = arith.constant 0 : i32
        %dma_wait3A_450 = arith.constant 0 : i32
        %dma_wait3A_451 = tpu.memref_slice %arg2[%dma_wait3A_449, %dma_wait3A_450] : memref<2097152x32xf32, #tpu.memory_space<hbm>> -> memref<2097152x32xf32, #tpu.memory_space<hbm>>
        tpu.wait_indirect_dma semaphore(%arg19 : memref<!tpu.dma_semaphore, #tpu.memory_space<semaphore_mem>>) src(%dma_wait3A_451 : memref<2097152x32xf32, #tpu.memory_space<hbm>>) dst(%dma_wait3A_446 : memref<64x32xf32, #tpu.memory_space<vmem>>)
      } else {
      }
      %gt3A_373 = arith.constant 384 : i32
      %gt3A_374 = arith.cmpi sgt, %get3A_342, %gt3A_373 : i32
      %convert_element_type3A_375 = arith.extui %gt3A_374 : i1 to i32
      %cond3A_376 = arith.constant 0 : i32
      %cond3A_377 = arith.cmpi ne, %convert_element_type3A_375, %cond3A_376 : i32
      scf.if %cond3A_377 {
        %dma_wait3A_444 = arith.constant 384 : i32
        %dma_wait3A_445 = arith.constant 0 : i32
        %dma_wait3A_446 = tpu.memref_slice %arg13[%dma_wait3A_444, %dma_wait3A_445] : memref<512x32xf32, #tpu.memory_space<vmem>> -> memref<64x32xf32, #tpu.memory_space<vmem>>
        %dma_wait3A_447 = arith.constant 384 : i32
        %dma_wait3A_448 = tpu.memref_slice %arg8[%dma_wait3A_447] : memref<512xi32, #tpu.memory_space<vmem>> -> memref<64xi32, #tpu.memory_space<vmem>>
        %dma_wait3A_449 = arith.constant 0 : i32
        %dma_wait3A_450 = arith.constant 0 : i32
        %dma_wait3A_451 = tpu.memref_slice %arg2[%dma_wait3A_449, %dma_wait3A_450] : memref<2097152x32xf32, #tpu.memory_space<hbm>> -> memref<2097152x32xf32, #tpu.memory_space<hbm>>
        tpu.wait_indirect_dma semaphore(%arg19 : memref<!tpu.dma_semaphore, #tpu.memory_space<semaphore_mem>>) src(%dma_wait3A_451 : memref<2097152x32xf32, #tpu.memory_space<hbm>>) dst(%dma_wait3A_446 : memref<64x32xf32, #tpu.memory_space<vmem>>)
      } else {
      }
      %gt3A_378 = arith.constant 448 : i32
      %gt3A_379 = arith.cmpi sgt, %get3A_342, %gt3A_378 : i32
      %convert_element_type3A_380 = arith.extui %gt3A_379 : i1 to i32
      %cond3A_381 = arith.constant 0 : i32
      %cond3A_382 = arith.cmpi ne, %convert_element_type3A_380, %cond3A_381 : i32
      scf.if %cond3A_382 {
        %dma_wait3A_444 = arith.constant 448 : i32
        %dma_wait3A_445 = arith.constant 0 : i32
        %dma_wait3A_446 = tpu.memref_slice %arg13[%dma_wait3A_444, %dma_wait3A_445] : memref<512x32xf32, #tpu.memory_space<vmem>> -> memref<64x32xf32, #tpu.memory_space<vmem>>
        %dma_wait3A_447 = arith.constant 448 : i32
        %dma_wait3A_448 = tpu.memref_slice %arg8[%dma_wait3A_447] : memref<512xi32, #tpu.memory_space<vmem>> -> memref<64xi32, #tpu.memory_space<vmem>>
        %dma_wait3A_449 = arith.constant 0 : i32
        %dma_wait3A_450 = arith.constant 0 : i32
        %dma_wait3A_451 = tpu.memref_slice %arg2[%dma_wait3A_449, %dma_wait3A_450] : memref<2097152x32xf32, #tpu.memory_space<hbm>> -> memref<2097152x32xf32, #tpu.memory_space<hbm>>
        tpu.wait_indirect_dma semaphore(%arg19 : memref<!tpu.dma_semaphore, #tpu.memory_space<semaphore_mem>>) src(%dma_wait3A_451 : memref<2097152x32xf32, #tpu.memory_space<hbm>>) dst(%dma_wait3A_446 : memref<64x32xf32, #tpu.memory_space<vmem>>)
      } else {
      }
      %dma_wait3A_383 = arith.constant 0 : i32
      %dma_wait3A_384 = arith.constant 0 : i32
      %dma_wait3A_385 = arith.constant 0 : i32
      %dma_wait3A_386 = tpu.memref_slice %arg4[%dma_wait3A_383, %dma_wait3A_384, %dma_wait3A_385] : memref<8x5x262144xf32, #tpu.memory_space<hbm>> -> memref<1x5x512xf32, #tpu.memory_space<hbm>>
      %dma_wait3A_387 = tpu.memref_squeeze %dma_wait3A_386 : memref<1x5x512xf32, #tpu.memory_space<hbm>> -> memref<5x512xf32, #tpu.memory_space<hbm>>
      %dma_wait3A_388 = arith.constant 0 : i32
      %dma_wait3A_389 = arith.constant 0 : i32
      %dma_wait3A_390 = tpu.memref_slice %arg4[%dma_wait3A_383, %dma_wait3A_388, %dma_wait3A_389] : memref<8x5x262144xf32, #tpu.memory_space<hbm>> -> memref<1x5x512xf32, #tpu.memory_space<hbm>>
      %dma_wait3A_391 = tpu.memref_squeeze %dma_wait3A_390 : memref<1x5x512xf32, #tpu.memory_space<hbm>> -> memref<5x512xf32, #tpu.memory_space<hbm>>
      tpu.wait_dma2 semaphore(%arg21 : memref<!tpu.dma_semaphore, #tpu.memory_space<semaphore_mem>>) src(%dma_wait3A_391 : memref<5x512xf32, #tpu.memory_space<hbm>>) dst(%arg17 : memref<5x512xf32, #tpu.memory_space<vmem>>)
      %ge3A_392 = arith.constant 1 : i32
      %ge3A_393 = arith.cmpi sge, %scan3A_96, %ge3A_392 : i32
      %convert_element_type3A_394 = arith.extui %ge3A_393 : i1 to i32
      %cond3A_395 = arith.constant 0 : i32
      %cond3A_396 = arith.cmpi ne, %convert_element_type3A_394, %cond3A_395 : i32
      scf.if %cond3A_396 {
        %dma_wait3A_444 = arith.constant 0 : i32
        %dma_wait3A_445 = arith.constant 0 : i32
        %dma_wait3A_446 = arith.constant 0 : i32
        %dma_wait3A_447 = tpu.memref_slice %arg5[%dma_wait3A_444, %dma_wait3A_445, %dma_wait3A_446] : memref<8x33x262144xf32, #tpu.memory_space<hbm>> -> memref<1x33x512xf32, #tpu.memory_space<hbm>>
        %dma_wait3A_448 = tpu.memref_squeeze %dma_wait3A_447 : memref<1x33x512xf32, #tpu.memory_space<hbm>> -> memref<33x512xf32, #tpu.memory_space<hbm>>
        %dma_wait3A_449 = arith.constant 0 : i32
        %dma_wait3A_450 = arith.constant 0 : i32
        %dma_wait3A_451 = tpu.memref_slice %arg5[%dma_wait3A_444, %dma_wait3A_449, %dma_wait3A_450] : memref<8x33x262144xf32, #tpu.memory_space<hbm>> -> memref<1x33x512xf32, #tpu.memory_space<hbm>>
        %dma_wait3A_452 = tpu.memref_squeeze %dma_wait3A_451 : memref<1x33x512xf32, #tpu.memory_space<hbm>> -> memref<33x512xf32, #tpu.memory_space<hbm>>
        tpu.wait_dma2 semaphore(%arg23 : memref<!tpu.dma_semaphore, #tpu.memory_space<semaphore_mem>>) src(%arg15 : memref<33x512xf32, #tpu.memory_space<vmem>>) dst(%dma_wait3A_452 : memref<33x512xf32, #tpu.memory_space<hbm>>)
      } else {
      }
      %add3A_397 = arith.constant 1 : i32
      %add3A_398 = arith.addi %mul3A_98, %add3A_397 : i32
      %jit3A_399 = arith.constant 16 : i32
      %div3A_400 = arith.divsi %add3A_398, %jit3A_399 : i32
      %sign3A_401 = arith.constant 0 : i32
      %sign3A_402 = arith.cmpi sgt, %add3A_398, %sign3A_401 : i32
      %sign3A_403 = arith.extui %sign3A_402 : i1 to i32
      %sign3A_404 = arith.constant 0 : i32
      %sign3A_405 = arith.cmpi slt, %add3A_398, %sign3A_404 : i32
      %sign3A_406 = arith.extui %sign3A_405 : i1 to i32
      %sign3A_407 = arith.subi %sign3A_403, %sign3A_406 : i32
      %sign3A_408 = arith.constant 0 : i32
      %sign3A_409 = arith.cmpi sgt, %jit3A_399, %sign3A_408 : i32
      %sign3A_410 = arith.extui %sign3A_409 : i1 to i32
      %sign3A_411 = arith.constant 0 : i32
      %sign3A_412 = arith.cmpi slt, %jit3A_399, %sign3A_411 : i32
      %sign3A_413 = arith.extui %sign3A_412 : i1 to i32
      %sign3A_414 = arith.subi %sign3A_410, %sign3A_413 : i32
      %ne3A_415 = arith.cmpi ne, %sign3A_407, %sign3A_414 : i32
      %rem3A_416 = arith.remsi %add3A_398, %jit3A_399 : i32
      %ne3A_417 = arith.constant 0 : i32
      %ne3A_418 = arith.cmpi ne, %rem3A_416, %ne3A_417 : i32
      %and3A_419 = arith.andi %ne3A_415, %ne3A_418 : i1
      %sub3A_420 = arith.constant 1 : i32
      %sub3A_421 = arith.subi %div3A_400, %sub3A_420 : i32
      %select_n3A_422 = arith.select %and3A_419, %sub3A_421, %div3A_400 : i32
      %mul3A_423 = arith.constant 16 : i32
      %mul3A_424 = arith.muli %select_n3A_422, %mul3A_423 : i32
      %sub3A_425 = arith.subi %add3A_398, %mul3A_424 : i32
      %mul3A_426 = arith.constant 8192 : i32
      %mul3A_427 = arith.muli %add3A, %mul3A_426 : i32
      %mul3A_428 = arith.constant 512 : i32
      %mul3A_429 = arith.muli %sub3A_425, %mul3A_428 : i32
      %add3A_430 = arith.addi %mul3A_427, %mul3A_429 : i32
      %scan3A_431 = arith.constant 0 : i32
      %scan3A_432 = arith.constant 0 : i32
      %scan3A_433 = arith.constant 32 : i32
      %scan3A_434 = arith.addi %scan3A_432, %scan3A_433 : i32
      %scan3A_435 = arith.constant 1 : i32
      %scan3A_436 = scf.for %scan3A_444 = %scan3A_432 to %scan3A_434 step %scan3A_435 iter_args(%scan3A_445 = %scan3A_431) -> (i32)  : i32 {
        %mul3A_446 = arith.constant 16 : i32
        %mul3A_447 = arith.muli %scan3A_444, %mul3A_446 : i32
        %get3A_448 = arith.index_cast %mul3A_447 : i32 to index
        %get3A_449 = tpu.vector_load %arg10[%get3A_448] {strides = array<i32>} : memref<512xi32, #tpu.memory_space<vmem>>, vector<16xi32>,
        %min3A = arith.constant 511 : i32
        %min3A_450 = vector.broadcast %min3A : i32 to vector<16xi32>
        %min3A_451 = arith.minsi %get3A_449, %min3A_450 : vector<16xi32>
        %get3A_452 = arith.constant 1 : i32
        %get3A_453 = arith.index_cast %get3A_452 : i32 to index
        %get3A_454 = arith.index_cast %mul3A_447 : i32 to index
        %get3A_455 = tpu.vector_load %arg17[%get3A_453, %get3A_454] {strides = array<i32>} : memref<5x512xf32, #tpu.memory_space<vmem>>, vector<16xf32>,
        %broadcast_in_dim3A_456 = arith.constant 0 : i32
        %broadcast_in_dim3A_457 = vector.broadcast %broadcast_in_dim3A_456 : i32 to vector<16xi32>
        %gather3A = tpu.vector_load_idx %arg13[%min3A_451, %broadcast_in_dim3A_457] : memref<512x32xf32, #tpu.memory_space<vmem>>[vector<16xi32>, vector<16xi32>], vector<16xf32>,
        %mul3A_458 = arith.mulf %gather3A, %get3A_455 : vector<16xf32>
        %swap3A_459 = arith.constant 0 : i32
        %swap3A_460 = arith.index_cast %swap3A_459 : i32 to index
        %swap3A_461 = arith.index_cast %mul3A_447 : i32 to index
        %swap3A_462 = tpu.vector_load %arg15[%swap3A_460, %swap3A_461] {strides = array<i32>} : memref<33x512xf32, #tpu.memory_space<vmem>>, vector<16xf32>,
        tpu.vector_store %arg15[%swap3A_460, %swap3A_461], %mul3A_458 {strides = array<i32>} : memref<33x512xf32, #tpu.memory_space<vmem>>, vector<16xf32>,
        %broadcast_in_dim3A_463 = arith.constant 1 : i32
        %broadcast_in_dim3A_464 = vector.broadcast %broadcast_in_dim3A_463 : i32 to vector<16xi32>
        %gather3A_465 = tpu.vector_load_idx %arg13[%min3A_451, %broadcast_in_dim3A_464] : memref<512x32xf32, #tpu.memory_space<vmem>>[vector<16xi32>, vector<16xi32>], vector<16xf32>,
        %mul3A_466 = arith.mulf %gather3A_465, %get3A_455 : vector<16xf32>
        %swap3A_467 = arith.constant 1 : i32
        %swap3A_468 = arith.index_cast %swap3A_467 : i32 to index
        %swap3A_469 = arith.index_cast %mul3A_447 : i32 to index
        %swap3A_470 = tpu.vector_load %arg15[%swap3A_468, %swap3A_469] {strides = array<i32>} : memref<33x512xf32, #tpu.memory_space<vmem>>, vector<16xf32>,
        tpu.vector_store %arg15[%swap3A_468, %swap3A_469], %mul3A_466 {strides = array<i32>} : memref<33x512xf32, #tpu.memory_space<vmem>>, vector<16xf32>,
        %broadcast_in_dim3A_471 = arith.constant 2 : i32
        %broadcast_in_dim3A_472 = vector.broadcast %broadcast_in_dim3A_471 : i32 to vector<16xi32>
        %gather3A_473 = tpu.vector_load_idx %arg13[%min3A_451, %broadcast_in_dim3A_472] : memref<512x32xf32, #tpu.memory_space<vmem>>[vector<16xi32>, vector<16xi32>], vector<16xf32>,
        %mul3A_474 = arith.mulf %gather3A_473, %get3A_455 : vector<16xf32>
        %swap3A_475 = arith.constant 2 : i32
        %swap3A_476 = arith.index_cast %swap3A_475 : i32 to index
        %swap3A_477 = arith.index_cast %mul3A_447 : i32 to index
        %swap3A_478 = tpu.vector_load %arg15[%swap3A_476, %swap3A_477] {strides = array<i32>} : memref<33x512xf32, #tpu.memory_space<vmem>>, vector<16xf32>,
        tpu.vector_store %arg15[%swap3A_476, %swap3A_477], %mul3A_474 {strides = array<i32>} : memref<33x512xf32, #tpu.memory_space<vmem>>, vector<16xf32>,
        %broadcast_in_dim3A_479 = arith.constant 3 : i32
        %broadcast_in_dim3A_480 = vector.broadcast %broadcast_in_dim3A_479 : i32 to vector<16xi32>
        %gather3A_481 = tpu.vector_load_idx %arg13[%min3A_451, %broadcast_in_dim3A_480] : memref<512x32xf32, #tpu.memory_space<vmem>>[vector<16xi32>, vector<16xi32>], vector<16xf32>,
        %mul3A_482 = arith.mulf %gather3A_481, %get3A_455 : vector<16xf32>
        %swap3A_483 = arith.constant 3 : i32
        %swap3A_484 = arith.index_cast %swap3A_483 : i32 to index
        %swap3A_485 = arith.index_cast %mul3A_447 : i32 to index
        %swap3A_486 = tpu.vector_load %arg15[%swap3A_484, %swap3A_485] {strides = array<i32>} : memref<33x512xf32, #tpu.memory_space<vmem>>, vector<16xf32>,
        tpu.vector_store %arg15[%swap3A_484, %swap3A_485], %mul3A_482 {strides = array<i32>} : memref<33x512xf32, #tpu.memory_space<vmem>>, vector<16xf32>,
        %broadcast_in_dim3A_487 = arith.constant 4 : i32
        %broadcast_in_dim3A_488 = vector.broadcast %broadcast_in_dim3A_487 : i32 to vector<16xi32>
        %gather3A_489 = tpu.vector_load_idx %arg13[%min3A_451, %broadcast_in_dim3A_488] : memref<512x32xf32, #tpu.memory_space<vmem>>[vector<16xi32>, vector<16xi32>], vector<16xf32>,
        %mul3A_490 = arith.mulf %gather3A_489, %get3A_455 : vector<16xf32>
        %swap3A_491 = arith.constant 4 : i32
        %swap3A_492 = arith.index_cast %swap3A_491 : i32 to index
        %swap3A_493 = arith.index_cast %mul3A_447 : i32 to index
        %swap3A_494 = tpu.vector_load %arg15[%swap3A_492, %swap3A_493] {strides = array<i32>} : memref<33x512xf32, #tpu.memory_space<vmem>>, vector<16xf32>,
        tpu.vector_store %arg15[%swap3A_492, %swap3A_493], %mul3A_490 {strides = array<i32>} : memref<33x512xf32, #tpu.memory_space<vmem>>, vector<16xf32>,
        %broadcast_in_dim3A_495 = arith.constant 5 : i32
        %broadcast_in_dim3A_496 = vector.broadcast %broadcast_in_dim3A_495 : i32 to vector<16xi32>
        %gather3A_497 = tpu.vector_load_idx %arg13[%min3A_451, %broadcast_in_dim3A_496] : memref<512x32xf32, #tpu.memory_space<vmem>>[vector<16xi32>, vector<16xi32>], vector<16xf32>,
        %mul3A_498 = arith.mulf %gather3A_497, %get3A_455 : vector<16xf32>
        %swap3A_499 = arith.constant 5 : i32
        %swap3A_500 = arith.index_cast %swap3A_499 : i32 to index
        %swap3A_501 = arith.index_cast %mul3A_447 : i32 to index
        %swap3A_502 = tpu.vector_load %arg15[%swap3A_500, %swap3A_501] {strides = array<i32>} : memref<33x512xf32, #tpu.memory_space<vmem>>, vector<16xf32>,
        tpu.vector_store %arg15[%swap3A_500, %swap3A_501], %mul3A_498 {strides = array<i32>} : memref<33x512xf32, #tpu.memory_space<vmem>>, vector<16xf32>,
        %broadcast_in_dim3A_503 = arith.constant 6 : i32
        %broadcast_in_dim3A_504 = vector.broadcast %broadcast_in_dim3A_503 : i32 to vector<16xi32>
        %gather3A_505 = tpu.vector_load_idx %arg13[%min3A_451, %broadcast_in_dim3A_504] : memref<512x32xf32, #tpu.memory_space<vmem>>[vector<16xi32>, vector<16xi32>], vector<16xf32>,
        %mul3A_506 = arith.mulf %gather3A_505, %get3A_455 : vector<16xf32>
        %swap3A_507 = arith.constant 6 : i32
        %swap3A_508 = arith.index_cast %swap3A_507 : i32 to index
        %swap3A_509 = arith.index_cast %mul3A_447 : i32 to index
        %swap3A_510 = tpu.vector_load %arg15[%swap3A_508, %swap3A_509] {strides = array<i32>} : memref<33x512xf32, #tpu.memory_space<vmem>>, vector<16xf32>,
        tpu.vector_store %arg15[%swap3A_508, %swap3A_509], %mul3A_506 {strides = array<i32>} : memref<33x512xf32, #tpu.memory_space<vmem>>, vector<16xf32>,
        %broadcast_in_dim3A_511 = arith.constant 7 : i32
        %broadcast_in_dim3A_512 = vector.broadcast %broadcast_in_dim3A_511 : i32 to vector<16xi32>
        %gather3A_513 = tpu.vector_load_idx %arg13[%min3A_451, %broadcast_in_dim3A_512] : memref<512x32xf32, #tpu.memory_space<vmem>>[vector<16xi32>, vector<16xi32>], vector<16xf32>,
        %mul3A_514 = arith.mulf %gather3A_513, %get3A_455 : vector<16xf32>
        %swap3A_515 = arith.constant 7 : i32
        %swap3A_516 = arith.index_cast %swap3A_515 : i32 to index
        %swap3A_517 = arith.index_cast %mul3A_447 : i32 to index
        %swap3A_518 = tpu.vector_load %arg15[%swap3A_516, %swap3A_517] {strides = array<i32>} : memref<33x512xf32, #tpu.memory_space<vmem>>, vector<16xf32>,
        tpu.vector_store %arg15[%swap3A_516, %swap3A_517], %mul3A_514 {strides = array<i32>} : memref<33x512xf32, #tpu.memory_space<vmem>>, vector<16xf32>,
        %broadcast_in_dim3A_519 = arith.constant 8 : i32
        %broadcast_in_dim3A_520 = vector.broadcast %broadcast_in_dim3A_519 : i32 to vector<16xi32>
        %gather3A_521 = tpu.vector_load_idx %arg13[%min3A_451, %broadcast_in_dim3A_520] : memref<512x32xf32, #tpu.memory_space<vmem>>[vector<16xi32>, vector<16xi32>], vector<16xf32>,
        %mul3A_522 = arith.mulf %gather3A_521, %get3A_455 : vector<16xf32>
        %swap3A_523 = arith.constant 8 : i32
        %swap3A_524 = arith.index_cast %swap3A_523 : i32 to index
        %swap3A_525 = arith.index_cast %mul3A_447 : i32 to index
        %swap3A_526 = tpu.vector_load %arg15[%swap3A_524, %swap3A_525] {strides = array<i32>} : memref<33x512xf32, #tpu.memory_space<vmem>>, vector<16xf32>,
        tpu.vector_store %arg15[%swap3A_524, %swap3A_525], %mul3A_522 {strides = array<i32>} : memref<33x512xf32, #tpu.memory_space<vmem>>, vector<16xf32>,
        %broadcast_in_dim3A_527 = arith.constant 9 : i32
        %broadcast_in_dim3A_528 = vector.broadcast %broadcast_in_dim3A_527 : i32 to vector<16xi32>
        %gather3A_529 = tpu.vector_load_idx %arg13[%min3A_451, %broadcast_in_dim3A_528] : memref<512x32xf32, #tpu.memory_space<vmem>>[vector<16xi32>, vector<16xi32>], vector<16xf32>,
        %mul3A_530 = arith.mulf %gather3A_529, %get3A_455 : vector<16xf32>
        %swap3A_531 = arith.constant 9 : i32
        %swap3A_532 = arith.index_cast %swap3A_531 : i32 to index
        %swap3A_533 = arith.index_cast %mul3A_447 : i32 to index
        %swap3A_534 = tpu.vector_load %arg15[%swap3A_532, %swap3A_533] {strides = array<i32>} : memref<33x512xf32, #tpu.memory_space<vmem>>, vector<16xf32>,
        tpu.vector_store %arg15[%swap3A_532, %swap3A_533], %mul3A_530 {strides = array<i32>} : memref<33x512xf32, #tpu.memory_space<vmem>>, vector<16xf32>,
        %broadcast_in_dim3A_535 = arith.constant 10 : i32
        %broadcast_in_dim3A_536 = vector.broadcast %broadcast_in_dim3A_535 : i32 to vector<16xi32>
        %gather3A_537 = tpu.vector_load_idx %arg13[%min3A_451, %broadcast_in_dim3A_536] : memref<512x32xf32, #tpu.memory_space<vmem>>[vector<16xi32>, vector<16xi32>], vector<16xf32>,
        %mul3A_538 = arith.mulf %gather3A_537, %get3A_455 : vector<16xf32>
        %swap3A_539 = arith.constant 10 : i32
        %swap3A_540 = arith.index_cast %swap3A_539 : i32 to index
        %swap3A_541 = arith.index_cast %mul3A_447 : i32 to index
        %swap3A_542 = tpu.vector_load %arg15[%swap3A_540, %swap3A_541] {strides = array<i32>} : memref<33x512xf32, #tpu.memory_space<vmem>>, vector<16xf32>,
        tpu.vector_store %arg15[%swap3A_540, %swap3A_541], %mul3A_538 {strides = array<i32>} : memref<33x512xf32, #tpu.memory_space<vmem>>, vector<16xf32>,
        %broadcast_in_dim3A_543 = arith.constant 11 : i32
        %broadcast_in_dim3A_544 = vector.broadcast %broadcast_in_dim3A_543 : i32 to vector<16xi32>
        %gather3A_545 = tpu.vector_load_idx %arg13[%min3A_451, %broadcast_in_dim3A_544] : memref<512x32xf32, #tpu.memory_space<vmem>>[vector<16xi32>, vector<16xi32>], vector<16xf32>,
        %mul3A_546 = arith.mulf %gather3A_545, %get3A_455 : vector<16xf32>
        %swap3A_547 = arith.constant 11 : i32
        %swap3A_548 = arith.index_cast %swap3A_547 : i32 to index
        %swap3A_549 = arith.index_cast %mul3A_447 : i32 to index
        %swap3A_550 = tpu.vector_load %arg15[%swap3A_548, %swap3A_549] {strides = array<i32>} : memref<33x512xf32, #tpu.memory_space<vmem>>, vector<16xf32>,
        tpu.vector_store %arg15[%swap3A_548, %swap3A_549], %mul3A_546 {strides = array<i32>} : memref<33x512xf32, #tpu.memory_space<vmem>>, vector<16xf32>,
        %broadcast_in_dim3A_551 = arith.constant 12 : i32
        %broadcast_in_dim3A_552 = vector.broadcast %broadcast_in_dim3A_551 : i32 to vector<16xi32>
        %gather3A_553 = tpu.vector_load_idx %arg13[%min3A_451, %broadcast_in_dim3A_552] : memref<512x32xf32, #tpu.memory_space<vmem>>[vector<16xi32>, vector<16xi32>], vector<16xf32>,
        %mul3A_554 = arith.mulf %gather3A_553, %get3A_455 : vector<16xf32>
        %swap3A_555 = arith.constant 12 : i32
        %swap3A_556 = arith.index_cast %swap3A_555 : i32 to index
        %swap3A_557 = arith.index_cast %mul3A_447 : i32 to index
        %swap3A_558 = tpu.vector_load %arg15[%swap3A_556, %swap3A_557] {strides = array<i32>} : memref<33x512xf32, #tpu.memory_space<vmem>>, vector<16xf32>,
        tpu.vector_store %arg15[%swap3A_556, %swap3A_557], %mul3A_554 {strides = array<i32>} : memref<33x512xf32, #tpu.memory_space<vmem>>, vector<16xf32>,
        %broadcast_in_dim3A_559 = arith.constant 13 : i32
        %broadcast_in_dim3A_560 = vector.broadcast %broadcast_in_dim3A_559 : i32 to vector<16xi32>
        %gather3A_561 = tpu.vector_load_idx %arg13[%min3A_451, %broadcast_in_dim3A_560] : memref<512x32xf32, #tpu.memory_space<vmem>>[vector<16xi32>, vector<16xi32>], vector<16xf32>,
        %mul3A_562 = arith.mulf %gather3A_561, %get3A_455 : vector<16xf32>
        %swap3A_563 = arith.constant 13 : i32
        %swap3A_564 = arith.index_cast %swap3A_563 : i32 to index
        %swap3A_565 = arith.index_cast %mul3A_447 : i32 to index
        %swap3A_566 = tpu.vector_load %arg15[%swap3A_564, %swap3A_565] {strides = array<i32>} : memref<33x512xf32, #tpu.memory_space<vmem>>, vector<16xf32>,
        tpu.vector_store %arg15[%swap3A_564, %swap3A_565], %mul3A_562 {strides = array<i32>} : memref<33x512xf32, #tpu.memory_space<vmem>>, vector<16xf32>,
        %broadcast_in_dim3A_567 = arith.constant 14 : i32
        %broadcast_in_dim3A_568 = vector.broadcast %broadcast_in_dim3A_567 : i32 to vector<16xi32>
        %gather3A_569 = tpu.vector_load_idx %arg13[%min3A_451, %broadcast_in_dim3A_568] : memref<512x32xf32, #tpu.memory_space<vmem>>[vector<16xi32>, vector<16xi32>], vector<16xf32>,
        %mul3A_570 = arith.mulf %gather3A_569, %get3A_455 : vector<16xf32>
        %swap3A_571 = arith.constant 14 : i32
        %swap3A_572 = arith.index_cast %swap3A_571 : i32 to index
        %swap3A_573 = arith.index_cast %mul3A_447 : i32 to index
        %swap3A_574 = tpu.vector_load %arg15[%swap3A_572, %swap3A_573] {strides = array<i32>} : memref<33x512xf32, #tpu.memory_space<vmem>>, vector<16xf32>,
        tpu.vector_store %arg15[%swap3A_572, %swap3A_573], %mul3A_570 {strides = array<i32>} : memref<33x512xf32, #tpu.memory_space<vmem>>, vector<16xf32>,
        %broadcast_in_dim3A_575 = arith.constant 15 : i32
        %broadcast_in_dim3A_576 = vector.broadcast %broadcast_in_dim3A_575 : i32 to vector<16xi32>
        %gather3A_577 = tpu.vector_load_idx %arg13[%min3A_451, %broadcast_in_dim3A_576] : memref<512x32xf32, #tpu.memory_space<vmem>>[vector<16xi32>, vector<16xi32>], vector<16xf32>,
        %mul3A_578 = arith.mulf %gather3A_577, %get3A_455 : vector<16xf32>
        %swap3A_579 = arith.constant 15 : i32
        %swap3A_580 = arith.index_cast %swap3A_579 : i32 to index
        %swap3A_581 = arith.index_cast %mul3A_447 : i32 to index
        %swap3A_582 = tpu.vector_load %arg15[%swap3A_580, %swap3A_581] {strides = array<i32>} : memref<33x512xf32, #tpu.memory_space<vmem>>, vector<16xf32>,
        tpu.vector_store %arg15[%swap3A_580, %swap3A_581], %mul3A_578 {strides = array<i32>} : memref<33x512xf32, #tpu.memory_space<vmem>>, vector<16xf32>,
        %broadcast_in_dim3A_583 = arith.constant 16 : i32
        %broadcast_in_dim3A_584 = vector.broadcast %broadcast_in_dim3A_583 : i32 to vector<16xi32>
        %gather3A_585 = tpu.vector_load_idx %arg13[%min3A_451, %broadcast_in_dim3A_584] : memref<512x32xf32, #tpu.memory_space<vmem>>[vector<16xi32>, vector<16xi32>], vector<16xf32>,
        %mul3A_586 = arith.mulf %gather3A_585, %get3A_455 : vector<16xf32>
        %swap3A_587 = arith.constant 16 : i32
        %swap3A_588 = arith.index_cast %swap3A_587 : i32 to index
        %swap3A_589 = arith.index_cast %mul3A_447 : i32 to index
        %swap3A_590 = tpu.vector_load %arg15[%swap3A_588, %swap3A_589] {strides = array<i32>} : memref<33x512xf32, #tpu.memory_space<vmem>>, vector<16xf32>,
        tpu.vector_store %arg15[%swap3A_588, %swap3A_589], %mul3A_586 {strides = array<i32>} : memref<33x512xf32, #tpu.memory_space<vmem>>, vector<16xf32>,
        %broadcast_in_dim3A_591 = arith.constant 17 : i32
        %broadcast_in_dim3A_592 = vector.broadcast %broadcast_in_dim3A_591 : i32 to vector<16xi32>
        %gather3A_593 = tpu.vector_load_idx %arg13[%min3A_451, %broadcast_in_dim3A_592] : memref<512x32xf32, #tpu.memory_space<vmem>>[vector<16xi32>, vector<16xi32>], vector<16xf32>,
        %mul3A_594 = arith.mulf %gather3A_593, %get3A_455 : vector<16xf32>
        %swap3A_595 = arith.constant 17 : i32
        %swap3A_596 = arith.index_cast %swap3A_595 : i32 to index
        %swap3A_597 = arith.index_cast %mul3A_447 : i32 to index
        %swap3A_598 = tpu.vector_load %arg15[%swap3A_596, %swap3A_597] {strides = array<i32>} : memref<33x512xf32, #tpu.memory_space<vmem>>, vector<16xf32>,
        tpu.vector_store %arg15[%swap3A_596, %swap3A_597], %mul3A_594 {strides = array<i32>} : memref<33x512xf32, #tpu.memory_space<vmem>>, vector<16xf32>,
        %broadcast_in_dim3A_599 = arith.constant 18 : i32
        %broadcast_in_dim3A_600 = vector.broadcast %broadcast_in_dim3A_599 : i32 to vector<16xi32>
        %gather3A_601 = tpu.vector_load_idx %arg13[%min3A_451, %broadcast_in_dim3A_600] : memref<512x32xf32, #tpu.memory_space<vmem>>[vector<16xi32>, vector<16xi32>], vector<16xf32>,
        %mul3A_602 = arith.mulf %gather3A_601, %get3A_455 : vector<16xf32>
        %swap3A_603 = arith.constant 18 : i32
        %swap3A_604 = arith.index_cast %swap3A_603 : i32 to index
        %swap3A_605 = arith.index_cast %mul3A_447 : i32 to index
        %swap3A_606 = tpu.vector_load %arg15[%swap3A_604, %swap3A_605] {strides = array<i32>} : memref<33x512xf32, #tpu.memory_space<vmem>>, vector<16xf32>,
        tpu.vector_store %arg15[%swap3A_604, %swap3A_605], %mul3A_602 {strides = array<i32>} : memref<33x512xf32, #tpu.memory_space<vmem>>, vector<16xf32>,
        %broadcast_in_dim3A_607 = arith.constant 19 : i32
        %broadcast_in_dim3A_608 = vector.broadcast %broadcast_in_dim3A_607 : i32 to vector<16xi32>
        %gather3A_609 = tpu.vector_load_idx %arg13[%min3A_451, %broadcast_in_dim3A_608] : memref<512x32xf32, #tpu.memory_space<vmem>>[vector<16xi32>, vector<16xi32>], vector<16xf32>,
        %mul3A_610 = arith.mulf %gather3A_609, %get3A_455 : vector<16xf32>
        %swap3A_611 = arith.constant 19 : i32
        %swap3A_612 = arith.index_cast %swap3A_611 : i32 to index
        %swap3A_613 = arith.index_cast %mul3A_447 : i32 to index
        %swap3A_614 = tpu.vector_load %arg15[%swap3A_612, %swap3A_613] {strides = array<i32>} : memref<33x512xf32, #tpu.memory_space<vmem>>, vector<16xf32>,
        tpu.vector_store %arg15[%swap3A_612, %swap3A_613], %mul3A_610 {strides = array<i32>} : memref<33x512xf32, #tpu.memory_space<vmem>>, vector<16xf32>,
        %broadcast_in_dim3A_615 = arith.constant 20 : i32
        %broadcast_in_dim3A_616 = vector.broadcast %broadcast_in_dim3A_615 : i32 to vector<16xi32>
        %gather3A_617 = tpu.vector_load_idx %arg13[%min3A_451, %broadcast_in_dim3A_616] : memref<512x32xf32, #tpu.memory_space<vmem>>[vector<16xi32>, vector<16xi32>], vector<16xf32>,
        %mul3A_618 = arith.mulf %gather3A_617, %get3A_455 : vector<16xf32>
        %swap3A_619 = arith.constant 20 : i32
        %swap3A_620 = arith.index_cast %swap3A_619 : i32 to index
        %swap3A_621 = arith.index_cast %mul3A_447 : i32 to index
        %swap3A_622 = tpu.vector_load %arg15[%swap3A_620, %swap3A_621] {strides = array<i32>} : memref<33x512xf32, #tpu.memory_space<vmem>>, vector<16xf32>,
        tpu.vector_store %arg15[%swap3A_620, %swap3A_621], %mul3A_618 {strides = array<i32>} : memref<33x512xf32, #tpu.memory_space<vmem>>, vector<16xf32>,
        %broadcast_in_dim3A_623 = arith.constant 21 : i32
        %broadcast_in_dim3A_624 = vector.broadcast %broadcast_in_dim3A_623 : i32 to vector<16xi32>
        %gather3A_625 = tpu.vector_load_idx %arg13[%min3A_451, %broadcast_in_dim3A_624] : memref<512x32xf32, #tpu.memory_space<vmem>>[vector<16xi32>, vector<16xi32>], vector<16xf32>,
        %mul3A_626 = arith.mulf %gather3A_625, %get3A_455 : vector<16xf32>
        %swap3A_627 = arith.constant 21 : i32
        %swap3A_628 = arith.index_cast %swap3A_627 : i32 to index
        %swap3A_629 = arith.index_cast %mul3A_447 : i32 to index
        %swap3A_630 = tpu.vector_load %arg15[%swap3A_628, %swap3A_629] {strides = array<i32>} : memref<33x512xf32, #tpu.memory_space<vmem>>, vector<16xf32>,
        tpu.vector_store %arg15[%swap3A_628, %swap3A_629], %mul3A_626 {strides = array<i32>} : memref<33x512xf32, #tpu.memory_space<vmem>>, vector<16xf32>,
        %broadcast_in_dim3A_631 = arith.constant 22 : i32
        %broadcast_in_dim3A_632 = vector.broadcast %broadcast_in_dim3A_631 : i32 to vector<16xi32>
        %gather3A_633 = tpu.vector_load_idx %arg13[%min3A_451, %broadcast_in_dim3A_632] : memref<512x32xf32, #tpu.memory_space<vmem>>[vector<16xi32>, vector<16xi32>], vector<16xf32>,
        %mul3A_634 = arith.mulf %gather3A_633, %get3A_455 : vector<16xf32>
        %swap3A_635 = arith.constant 22 : i32
        %swap3A_636 = arith.index_cast %swap3A_635 : i32 to index
        %swap3A_637 = arith.index_cast %mul3A_447 : i32 to index
        %swap3A_638 = tpu.vector_load %arg15[%swap3A_636, %swap3A_637] {strides = array<i32>} : memref<33x512xf32, #tpu.memory_space<vmem>>, vector<16xf32>,
        tpu.vector_store %arg15[%swap3A_636, %swap3A_637], %mul3A_634 {strides = array<i32>} : memref<33x512xf32, #tpu.memory_space<vmem>>, vector<16xf32>,
        %broadcast_in_dim3A_639 = arith.constant 23 : i32
        %broadcast_in_dim3A_640 = vector.broadcast %broadcast_in_dim3A_639 : i32 to vector<16xi32>
        %gather3A_641 = tpu.vector_load_idx %arg13[%min3A_451, %broadcast_in_dim3A_640] : memref<512x32xf32, #tpu.memory_space<vmem>>[vector<16xi32>, vector<16xi32>], vector<16xf32>,
        %mul3A_642 = arith.mulf %gather3A_641, %get3A_455 : vector<16xf32>
        %swap3A_643 = arith.constant 23 : i32
        %swap3A_644 = arith.index_cast %swap3A_643 : i32 to index
        %swap3A_645 = arith.index_cast %mul3A_447 : i32 to index
        %swap3A_646 = tpu.vector_load %arg15[%swap3A_644, %swap3A_645] {strides = array<i32>} : memref<33x512xf32, #tpu.memory_space<vmem>>, vector<16xf32>,
        tpu.vector_store %arg15[%swap3A_644, %swap3A_645], %mul3A_642 {strides = array<i32>} : memref<33x512xf32, #tpu.memory_space<vmem>>, vector<16xf32>,
        %broadcast_in_dim3A_647 = arith.constant 24 : i32
        %broadcast_in_dim3A_648 = vector.broadcast %broadcast_in_dim3A_647 : i32 to vector<16xi32>
        %gather3A_649 = tpu.vector_load_idx %arg13[%min3A_451, %broadcast_in_dim3A_648] : memref<512x32xf32, #tpu.memory_space<vmem>>[vector<16xi32>, vector<16xi32>], vector<16xf32>,
        %mul3A_650 = arith.mulf %gather3A_649, %get3A_455 : vector<16xf32>
        %swap3A_651 = arith.constant 24 : i32
        %swap3A_652 = arith.index_cast %swap3A_651 : i32 to index
        %swap3A_653 = arith.index_cast %mul3A_447 : i32 to index
        %swap3A_654 = tpu.vector_load %arg15[%swap3A_652, %swap3A_653] {strides = array<i32>} : memref<33x512xf32, #tpu.memory_space<vmem>>, vector<16xf32>,
        tpu.vector_store %arg15[%swap3A_652, %swap3A_653], %mul3A_650 {strides = array<i32>} : memref<33x512xf32, #tpu.memory_space<vmem>>, vector<16xf32>,
        %broadcast_in_dim3A_655 = arith.constant 25 : i32
        %broadcast_in_dim3A_656 = vector.broadcast %broadcast_in_dim3A_655 : i32 to vector<16xi32>
        %gather3A_657 = tpu.vector_load_idx %arg13[%min3A_451, %broadcast_in_dim3A_656] : memref<512x32xf32, #tpu.memory_space<vmem>>[vector<16xi32>, vector<16xi32>], vector<16xf32>,
        %mul3A_658 = arith.mulf %gather3A_657, %get3A_455 : vector<16xf32>
        %swap3A_659 = arith.constant 25 : i32
        %swap3A_660 = arith.index_cast %swap3A_659 : i32 to index
        %swap3A_661 = arith.index_cast %mul3A_447 : i32 to index
        %swap3A_662 = tpu.vector_load %arg15[%swap3A_660, %swap3A_661] {strides = array<i32>} : memref<33x512xf32, #tpu.memory_space<vmem>>, vector<16xf32>,
        tpu.vector_store %arg15[%swap3A_660, %swap3A_661], %mul3A_658 {strides = array<i32>} : memref<33x512xf32, #tpu.memory_space<vmem>>, vector<16xf32>,
        %broadcast_in_dim3A_663 = arith.constant 26 : i32
        %broadcast_in_dim3A_664 = vector.broadcast %broadcast_in_dim3A_663 : i32 to vector<16xi32>
        %gather3A_665 = tpu.vector_load_idx %arg13[%min3A_451, %broadcast_in_dim3A_664] : memref<512x32xf32, #tpu.memory_space<vmem>>[vector<16xi32>, vector<16xi32>], vector<16xf32>,
        %mul3A_666 = arith.mulf %gather3A_665, %get3A_455 : vector<16xf32>
        %swap3A_667 = arith.constant 26 : i32
        %swap3A_668 = arith.index_cast %swap3A_667 : i32 to index
        %swap3A_669 = arith.index_cast %mul3A_447 : i32 to index
        %swap3A_670 = tpu.vector_load %arg15[%swap3A_668, %swap3A_669] {strides = array<i32>} : memref<33x512xf32, #tpu.memory_space<vmem>>, vector<16xf32>,
        tpu.vector_store %arg15[%swap3A_668, %swap3A_669], %mul3A_666 {strides = array<i32>} : memref<33x512xf32, #tpu.memory_space<vmem>>, vector<16xf32>,
        %broadcast_in_dim3A_671 = arith.constant 27 : i32
        %broadcast_in_dim3A_672 = vector.broadcast %broadcast_in_dim3A_671 : i32 to vector<16xi32>
        %gather3A_673 = tpu.vector_load_idx %arg13[%min3A_451, %broadcast_in_dim3A_672] : memref<512x32xf32, #tpu.memory_space<vmem>>[vector<16xi32>, vector<16xi32>], vector<16xf32>,
        %mul3A_674 = arith.mulf %gather3A_673, %get3A_455 : vector<16xf32>
        %swap3A_675 = arith.constant 27 : i32
        %swap3A_676 = arith.index_cast %swap3A_675 : i32 to index
        %swap3A_677 = arith.index_cast %mul3A_447 : i32 to index
        %swap3A_678 = tpu.vector_load %arg15[%swap3A_676, %swap3A_677] {strides = array<i32>} : memref<33x512xf32, #tpu.memory_space<vmem>>, vector<16xf32>,
        tpu.vector_store %arg15[%swap3A_676, %swap3A_677], %mul3A_674 {strides = array<i32>} : memref<33x512xf32, #tpu.memory_space<vmem>>, vector<16xf32>,
        %get3A_679 = arith.constant 0 : i32
        %get3A_680 = arith.index_cast %get3A_679 : i32 to index
        %get3A_681 = arith.index_cast %mul3A_447 : i32 to index
        %get3A_682 = tpu.vector_load %arg17[%get3A_680, %get3A_681] {strides = array<i32>} : memref<5x512xf32, #tpu.memory_space<vmem>>, vector<16xf32>,
        %swap3A_683 = arith.constant 28 : i32
        %swap3A_684 = arith.index_cast %swap3A_683 : i32 to index
        %swap3A_685 = arith.index_cast %mul3A_447 : i32 to index
        %swap3A_686 = tpu.vector_load %arg15[%swap3A_684, %swap3A_685] {strides = array<i32>} : memref<33x512xf32, #tpu.memory_space<vmem>>, vector<16xf32>,
        tpu.vector_store %arg15[%swap3A_684, %swap3A_685], %get3A_682 {strides = array<i32>} : memref<33x512xf32, #tpu.memory_space<vmem>>, vector<16xf32>,
        %get3A_687 = arith.constant 1 : i32
        %get3A_688 = arith.index_cast %get3A_687 : i32 to index
        %get3A_689 = arith.index_cast %mul3A_447 : i32 to index
        %get3A_690 = tpu.vector_load %arg17[%get3A_688, %get3A_689] {strides = array<i32>} : memref<5x512xf32, #tpu.memory_space<vmem>>, vector<16xf32>,
        %swap3A_691 = arith.constant 29 : i32
        %swap3A_692 = arith.index_cast %swap3A_691 : i32 to index
        %swap3A_693 = arith.index_cast %mul3A_447 : i32 to index
        %swap3A_694 = tpu.vector_load %arg15[%swap3A_692, %swap3A_693] {strides = array<i32>} : memref<33x512xf32, #tpu.memory_space<vmem>>, vector<16xf32>,
        tpu.vector_store %arg15[%swap3A_692, %swap3A_693], %get3A_690 {strides = array<i32>} : memref<33x512xf32, #tpu.memory_space<vmem>>, vector<16xf32>,
        %get3A_695 = arith.constant 2 : i32
        %get3A_696 = arith.index_cast %get3A_695 : i32 to index
        %get3A_697 = arith.index_cast %mul3A_447 : i32 to index
        %get3A_698 = tpu.vector_load %arg17[%get3A_696, %get3A_697] {strides = array<i32>} : memref<5x512xf32, #tpu.memory_space<vmem>>, vector<16xf32>,
        %swap3A_699 = arith.constant 30 : i32
        %swap3A_700 = arith.index_cast %swap3A_699 : i32 to index
        %swap3A_701 = arith.index_cast %mul3A_447 : i32 to index
        %swap3A_702 = tpu.vector_load %arg15[%swap3A_700, %swap3A_701] {strides = array<i32>} : memref<33x512xf32, #tpu.memory_space<vmem>>, vector<16xf32>,
        tpu.vector_store %arg15[%swap3A_700, %swap3A_701], %get3A_698 {strides = array<i32>} : memref<33x512xf32, #tpu.memory_space<vmem>>, vector<16xf32>,
        %get3A_703 = arith.constant 3 : i32
        %get3A_704 = arith.index_cast %get3A_703 : i32 to index
        %get3A_705 = arith.index_cast %mul3A_447 : i32 to index
        %get3A_706 = tpu.vector_load %arg17[%get3A_704, %get3A_705] {strides = array<i32>} : memref<5x512xf32, #tpu.memory_space<vmem>>, vector<16xf32>,
        %swap3A_707 = arith.constant 31 : i32
        %swap3A_708 = arith.index_cast %swap3A_707 : i32 to index
        %swap3A_709 = arith.index_cast %mul3A_447 : i32 to index
        %swap3A_710 = tpu.vector_load %arg15[%swap3A_708, %swap3A_709] {strides = array<i32>} : memref<33x512xf32, #tpu.memory_space<vmem>>, vector<16xf32>,
        tpu.vector_store %arg15[%swap3A_708, %swap3A_709], %get3A_706 {strides = array<i32>} : memref<33x512xf32, #tpu.memory_space<vmem>>, vector<16xf32>,
        %get3A_711 = arith.constant 4 : i32
        %get3A_712 = arith.index_cast %get3A_711 : i32 to index
        %get3A_713 = arith.index_cast %mul3A_447 : i32 to index
        %get3A_714 = tpu.vector_load %arg17[%get3A_712, %get3A_713] {strides = array<i32>} : memref<5x512xf32, #tpu.memory_space<vmem>>, vector<16xf32>,
        %swap3A_715 = arith.constant 32 : i32
        %swap3A_716 = arith.index_cast %swap3A_715 : i32 to index
        %swap3A_717 = arith.index_cast %mul3A_447 : i32 to index
        %swap3A_718 = tpu.vector_load %arg15[%swap3A_716, %swap3A_717] {strides = array<i32>} : memref<33x512xf32, #tpu.memory_space<vmem>>, vector<16xf32>,
        tpu.vector_store %arg15[%swap3A_716, %swap3A_717], %get3A_714 {strides = array<i32>} : memref<33x512xf32, #tpu.memory_space<vmem>>, vector<16xf32>,
        %scan3A_719 = arith.constant 0 : i32
        scf.yield %scan3A_719 : i32
      }
      %scan3A_437 = arith.constant 32 : i32
      %dma_start3A_438 = arith.constant 0 : i32
      %dma_start3A_439 = tpu.memref_slice %arg5[%select_n3A_422, %dma_start3A_438, %add3A_430] : memref<8x33x262144xf32, #tpu.memory_space<hbm>> -> memref<1x33x512xf32, #tpu.memory_space<hbm>>
      %dma_start3A_440 = tpu.memref_squeeze %dma_start3A_439 : memref<1x33x512xf32, #tpu.memory_space<hbm>> -> memref<33x512xf32, #tpu.memory_space<hbm>>
      %dma_start3A_441 = arith.constant 0 : i32
      %dma_start3A_442 = tpu.memref_slice %arg5[%select_n3A_422, %dma_start3A_441, %add3A_430] : memref<8x33x262144xf32, #tpu.memory_space<hbm>> -> memref<1x33x512xf32, #tpu.memory_space<hbm>>
      %dma_start3A_443 = tpu.memref_squeeze %dma_start3A_442 : memref<1x33x512xf32, #tpu.memory_space<hbm>> -> memref<33x512xf32, #tpu.memory_space<hbm>>
      tpu.enqueue_dma source(%arg15 : memref<33x512xf32, #tpu.memory_space<vmem>>) target(%dma_start3A_443 : memref<33x512xf32, #tpu.memory_space<hbm>>) target_semaphore(%arg23 : memref<!tpu.dma_semaphore, #tpu.memory_space<semaphore_mem>>)
    }
    %scan3A_78 = arith.constant 64 : i32
    %dma_wait3A = arith.constant 0 : i32
    %dma_wait3A_79 = arith.constant 0 : i32
    %dma_wait3A_80 = arith.constant 0 : i32
    %dma_wait3A_81 = tpu.memref_slice %arg5[%dma_wait3A, %dma_wait3A_79, %dma_wait3A_80] : memref<8x33x262144xf32, #tpu.memory_space<hbm>> -> memref<1x33x512xf32, #tpu.memory_space<hbm>>
    %dma_wait3A_82 = tpu.memref_squeeze %dma_wait3A_81 : memref<1x33x512xf32, #tpu.memory_space<hbm>> -> memref<33x512xf32, #tpu.memory_space<hbm>>
    %dma_wait3A_83 = arith.constant 0 : i32
    %dma_wait3A_84 = arith.constant 0 : i32
    %dma_wait3A_85 = tpu.memref_slice %arg5[%dma_wait3A, %dma_wait3A_83, %dma_wait3A_84] : memref<8x33x262144xf32, #tpu.memory_space<hbm>> -> memref<1x33x512xf32, #tpu.memory_space<hbm>>
    %dma_wait3A_86 = tpu.memref_squeeze %dma_wait3A_85 : memref<1x33x512xf32, #tpu.memory_space<hbm>> -> memref<33x512xf32, #tpu.memory_space<hbm>>
    tpu.wait_dma2 semaphore(%arg22 : memref<!tpu.dma_semaphore, #tpu.memory_space<semaphore_mem>>) src(%arg14 : memref<33x512xf32, #tpu.memory_space<vmem>>) dst(%dma_wait3A_86 : memref<33x512xf32, #tpu.memory_space<hbm>>)
    %dma_wait3A_87 = arith.constant 0 : i32
    %dma_wait3A_88 = arith.constant 0 : i32
    %dma_wait3A_89 = arith.constant 0 : i32
    %dma_wait3A_90 = tpu.memref_slice %arg5[%dma_wait3A_87, %dma_wait3A_88, %dma_wait3A_89] : memref<8x33x262144xf32, #tpu.memory_space<hbm>> -> memref<1x33x512xf32, #tpu.memory_space<hbm>>
    %dma_wait3A_91 = tpu.memref_squeeze %dma_wait3A_90 : memref<1x33x512xf32, #tpu.memory_space<hbm>> -> memref<33x512xf32, #tpu.memory_space<hbm>>
    %dma_wait3A_92 = arith.constant 0 : i32
    %dma_wait3A_93 = arith.constant 0 : i32
    %dma_wait3A_94 = tpu.memref_slice %arg5[%dma_wait3A_87, %dma_wait3A_92, %dma_wait3A_93] : memref<8x33x262144xf32, #tpu.memory_space<hbm>> -> memref<1x33x512xf32, #tpu.memory_space<hbm>>
    %dma_wait3A_95 = tpu.memref_squeeze %dma_wait3A_94 : memref<1x33x512xf32, #tpu.memory_space<hbm>> -> memref<33x512xf32, #tpu.memory_space<hbm>>
    tpu.wait_dma2 semaphore(%arg23 : memref<!tpu.dma_semaphore, #tpu.memory_space<semaphore_mem>>) src(%arg15 : memref<33x512xf32, #tpu.memory_space<vmem>>) dst(%dma_wait3A_95 : memref<33x512xf32, #tpu.memory_space<hbm>>)
    return
  }
}

module attributes {stable_mosaic.version = 14 : i64} {
  func.func @_tc_table_body(%arg0: i32, %arg1: i32, %arg2: memref<1x28x16x512xf32, #tpu.memory_space<vmem>>, %arg3: memref<8192x32xf32, #tpu.memory_space<vmem>>) attributes {dimension_semantics = [#tpu.dimension_semantics<arbitrary>, #tpu.dimension_semantics<arbitrary>], iteration_bounds = array<i64: 8, 32>, scalar_prefetch = 0 : i64, scratch_operands = 0 : i64, tpu.core_type = #tpu.core_type<tc>, window_params = [{transform_indices = @transform_0, window_bounds = array<i64: 1, 28, 16, 512>}, {transform_indices = @transform_1, window_bounds = array<i64: 8192, 32>}]} {
    %get3A = arith.constant 0 : index
    %get3A_0 = arith.constant 0 : index
    %get3A_1 = arith.constant 0 : index
    %get3A_2 = arith.constant 0 : index
    %get3A_3 = vector.load %arg2[%get3A, %get3A_0, %get3A_1, %get3A_2] : memref<1x28x16x512xf32, #tpu.memory_space<vmem>>, vector<1x28x16x512xf32>
    %get3A_4 = vector.shape_cast %get3A_3 : vector<1x28x16x512xf32> to vector<28x16x512xf32>
    %reshape3A = vector.shape_cast %get3A_4 : vector<28x16x512xf32> to vector<28x8192xf32>
    %broadcast_in_dim3A = arith.constant 0.000000e+00 : f32
    %broadcast_in_dim3A_5 = vector.broadcast %broadcast_in_dim3A : f32 to vector<4x8192xf32>
    %concatenate3A = tpu.concatenate %reshape3A, %broadcast_in_dim3A_5 in 0 : vector<28x8192xf32>, vector<4x8192xf32> -> vector<32x8192xf32>
    %transpose3A = tpu.transpose %concatenate3A, [1, 0] : vector<32x8192xf32> -> vector<8192x32xf32>
    %swap3A = arith.constant 0 : index
    %swap3A_6 = arith.constant 0 : index
    %swap3A_7 = vector.load %arg3[%swap3A, %swap3A_6] : memref<8192x32xf32, #tpu.memory_space<vmem>>, vector<8192x32xf32>
    tpu.vector_store %arg3[%swap3A, %swap3A_6], %transpose3A {strides = array<i32>} : memref<8192x32xf32, #tpu.memory_space<vmem>>, vector<8192x32xf32>,
    return
  }
  func.func @transform_0(%arg0: i32, %arg1: i32) -> (i32, i32, i32, i32) {
    %c0_i32 = arith.constant 0 : i32
    %c0_i32_0 = arith.constant 0 : i32
    %c0_i32_1 = arith.constant 0 : i32
    return %arg0, %c0_i32, %arg1, %c0_i32_0 : i32, i32, i32, i32
  }
  func.func @transform_1(%arg0: i32, %arg1: i32) -> (i32, i32) {
    %mul3A = arith.constant 32 : i32
    %mul3A_0 = arith.muli %arg0, %mul3A : i32
    %add3A = arith.addi %mul3A_0, %arg1 : i32
    %c0_i32 = arith.constant 0 : i32
    %c0_i32_1 = arith.constant 0 : i32
    return %add3A, %c0_i32 : i32, i32
  }
}

module attributes {stable_mosaic.version = 14 : i64} {
  func.func @_tc_project_body(%arg0: i32, %arg1: memref<3x2048xf32, #tpu.memory_space<vmem>>, %arg2: memref<8x3x4xf32, #tpu.memory_space<smem>>, %arg3: memref<8x3xf32, #tpu.memory_space<smem>>, %arg4: memref<8x2048xi32, #tpu.memory_space<vmem>>, %arg5: memref<8x5x2048xf32, #tpu.memory_space<vmem>>) attributes {dimension_semantics = [#tpu.dimension_semantics<arbitrary>], iteration_bounds = array<i64: 128>, scalar_prefetch = 0 : i64, scratch_operands = 0 : i64, tpu.core_type = #tpu.core_type<tc>, window_params = [{transform_indices = @transform_0, window_bounds = array<i64: 3, 2048>}, {transform_indices = @transform_1, window_bounds = array<i64: 8, 3, 4>}, {transform_indices = @transform_2, window_bounds = array<i64: 8, 3>}, {transform_indices = @transform_3, window_bounds = array<i64: 8, 2048>}, {transform_indices = @transform_4, window_bounds = array<i64: 8, 5, 2048>}]} {
    %get3A = arith.constant 0 : index
    %get3A_0 = arith.constant 0 : index
    %get3A_1 = vector.load %arg1[%get3A, %get3A_0] : memref<3x2048xf32, #tpu.memory_space<vmem>>, vector<1x2048xf32>
    %get3A_2 = arith.constant 1 : index
    %get3A_3 = arith.constant 0 : index
    %get3A_4 = vector.load %arg1[%get3A_2, %get3A_3] : memref<3x2048xf32, #tpu.memory_space<vmem>>, vector<1x2048xf32>
    %get3A_5 = arith.constant 2 : index
    %get3A_6 = arith.constant 0 : index
    %get3A_7 = vector.load %arg1[%get3A_5, %get3A_6] : memref<3x2048xf32, #tpu.memory_space<vmem>>, vector<1x2048xf32>
    %convert_element_type3A = arith.truncf %get3A_1 : vector<1x2048xf32> to vector<1x2048xbf16>
    %convert_element_type3A_8 = arith.extf %convert_element_type3A : vector<1x2048xbf16> to vector<1x2048xf32>
    %convert_element_type3A_9 = arith.truncf %get3A_4 : vector<1x2048xf32> to vector<1x2048xbf16>
    %convert_element_type3A_10 = arith.extf %convert_element_type3A_9 : vector<1x2048xbf16> to vector<1x2048xf32>
    %convert_element_type3A_11 = arith.truncf %get3A_7 : vector<1x2048xf32> to vector<1x2048xbf16>
    %convert_element_type3A_12 = arith.extf %convert_element_type3A_11 : vector<1x2048xbf16> to vector<1x2048xf32>
    %get3A_13 = arith.constant 0 : index
    %get3A_14 = arith.constant 0 : index
    %get3A_15 = arith.constant 0 : index
    %get3A_16 = memref.load %arg2[%get3A_13, %get3A_14, %get3A_15] : memref<8x3x4xf32, #tpu.memory_space<smem>>
    %mul3A = vector.broadcast %get3A_16 : f32 to vector<1x2048xf32>
    %mul3A_17 = arith.mulf %mul3A, %convert_element_type3A_8 : vector<1x2048xf32>
    %get3A_18 = arith.constant 0 : index
    %get3A_19 = arith.constant 0 : index
    %get3A_20 = arith.constant 1 : index
    %get3A_21 = memref.load %arg2[%get3A_18, %get3A_19, %get3A_20] : memref<8x3x4xf32, #tpu.memory_space<smem>>
    %mul3A_22 = vector.broadcast %get3A_21 : f32 to vector<1x2048xf32>
    %mul3A_23 = arith.mulf %mul3A_22, %convert_element_type3A_10 : vector<1x2048xf32>
    %add3A = arith.addf %mul3A_17, %mul3A_23 : vector<1x2048xf32>
    %get3A_24 = arith.constant 0 : index
    %get3A_25 = arith.constant 0 : index
    %get3A_26 = arith.constant 2 : index
    %get3A_27 = memref.load %arg2[%get3A_24, %get3A_25, %get3A_26] : memref<8x3x4xf32, #tpu.memory_space<smem>>
    %mul3A_28 = vector.broadcast %get3A_27 : f32 to vector<1x2048xf32>
    %mul3A_29 = arith.mulf %mul3A_28, %convert_element_type3A_12 : vector<1x2048xf32>
    %get3A_30 = arith.constant 0 : index
    %get3A_31 = arith.constant 0 : index
    %get3A_32 = arith.constant 3 : index
    %get3A_33 = memref.load %arg2[%get3A_30, %get3A_31, %get3A_32] : memref<8x3x4xf32, #tpu.memory_space<smem>>
    %add3A_34 = vector.broadcast %get3A_33 : f32 to vector<1x2048xf32>
    %add3A_35 = arith.addf %mul3A_29, %add3A_34 : vector<1x2048xf32>
    %add3A_36 = arith.addf %add3A, %add3A_35 : vector<1x2048xf32>
    %get3A_37 = arith.constant 0 : index
    %get3A_38 = arith.constant 1 : index
    %get3A_39 = arith.constant 0 : index
    %get3A_40 = memref.load %arg2[%get3A_37, %get3A_38, %get3A_39] : memref<8x3x4xf32, #tpu.memory_space<smem>>
    %mul3A_41 = vector.broadcast %get3A_40 : f32 to vector<1x2048xf32>
    %mul3A_42 = arith.mulf %mul3A_41, %convert_element_type3A_8 : vector<1x2048xf32>
    %get3A_43 = arith.constant 0 : index
    %get3A_44 = arith.constant 1 : index
    %get3A_45 = arith.constant 1 : index
    %get3A_46 = memref.load %arg2[%get3A_43, %get3A_44, %get3A_45] : memref<8x3x4xf32, #tpu.memory_space<smem>>
    %mul3A_47 = vector.broadcast %get3A_46 : f32 to vector<1x2048xf32>
    %mul3A_48 = arith.mulf %mul3A_47, %convert_element_type3A_10 : vector<1x2048xf32>
    %add3A_49 = arith.addf %mul3A_42, %mul3A_48 : vector<1x2048xf32>
    %get3A_50 = arith.constant 0 : index
    %get3A_51 = arith.constant 1 : index
    %get3A_52 = arith.constant 2 : index
    %get3A_53 = memref.load %arg2[%get3A_50, %get3A_51, %get3A_52] : memref<8x3x4xf32, #tpu.memory_space<smem>>
    %mul3A_54 = vector.broadcast %get3A_53 : f32 to vector<1x2048xf32>
    %mul3A_55 = arith.mulf %mul3A_54, %convert_element_type3A_12 : vector<1x2048xf32>
    %get3A_56 = arith.constant 0 : index
    %get3A_57 = arith.constant 1 : index
    %get3A_58 = arith.constant 3 : index
    %get3A_59 = memref.load %arg2[%get3A_56, %get3A_57, %get3A_58] : memref<8x3x4xf32, #tpu.memory_space<smem>>
    %add3A_60 = vector.broadcast %get3A_59 : f32 to vector<1x2048xf32>
    %add3A_61 = arith.addf %mul3A_55, %add3A_60 : vector<1x2048xf32>
    %add3A_62 = arith.addf %add3A_49, %add3A_61 : vector<1x2048xf32>
    %get3A_63 = arith.constant 0 : index
    %get3A_64 = arith.constant 2 : index
    %get3A_65 = arith.constant 0 : index
    %get3A_66 = memref.load %arg2[%get3A_63, %get3A_64, %get3A_65] : memref<8x3x4xf32, #tpu.memory_space<smem>>
    %mul3A_67 = vector.broadcast %get3A_66 : f32 to vector<1x2048xf32>
    %mul3A_68 = arith.mulf %mul3A_67, %convert_element_type3A_8 : vector<1x2048xf32>
    %get3A_69 = arith.constant 0 : index
    %get3A_70 = arith.constant 2 : index
    %get3A_71 = arith.constant 1 : index
    %get3A_72 = memref.load %arg2[%get3A_69, %get3A_70, %get3A_71] : memref<8x3x4xf32, #tpu.memory_space<smem>>
    %mul3A_73 = vector.broadcast %get3A_72 : f32 to vector<1x2048xf32>
    %mul3A_74 = arith.mulf %mul3A_73, %convert_element_type3A_10 : vector<1x2048xf32>
    %add3A_75 = arith.addf %mul3A_68, %mul3A_74 : vector<1x2048xf32>
    %get3A_76 = arith.constant 0 : index
    %get3A_77 = arith.constant 2 : index
    %get3A_78 = arith.constant 2 : index
    %get3A_79 = memref.load %arg2[%get3A_76, %get3A_77, %get3A_78] : memref<8x3x4xf32, #tpu.memory_space<smem>>
    %mul3A_80 = vector.broadcast %get3A_79 : f32 to vector<1x2048xf32>
    %mul3A_81 = arith.mulf %mul3A_80, %convert_element_type3A_12 : vector<1x2048xf32>
    %get3A_82 = arith.constant 0 : index
    %get3A_83 = arith.constant 2 : index
    %get3A_84 = arith.constant 3 : index
    %get3A_85 = memref.load %arg2[%get3A_82, %get3A_83, %get3A_84] : memref<8x3x4xf32, #tpu.memory_space<smem>>
    %add3A_86 = vector.broadcast %get3A_85 : f32 to vector<1x2048xf32>
    %add3A_87 = arith.addf %mul3A_81, %add3A_86 : vector<1x2048xf32>
    %add3A_88 = arith.addf %add3A_75, %add3A_87 : vector<1x2048xf32>
    %add3A_89 = arith.constant 9.99999993E-9 : f32
    %add3A_90 = vector.broadcast %add3A_89 : f32 to vector<1x2048xf32>
    %add3A_91 = arith.addf %add3A_88, %add3A_90 : vector<1x2048xf32>
    %div3A = arith.divf %add3A_36, %add3A_91 : vector<1x2048xf32>
    %add3A_92 = arith.constant 9.99999993E-9 : f32
    %add3A_93 = vector.broadcast %add3A_92 : f32 to vector<1x2048xf32>
    %add3A_94 = arith.addf %add3A_88, %add3A_93 : vector<1x2048xf32>
    %div3A_95 = arith.divf %add3A_62, %add3A_94 : vector<1x2048xf32>
    %gt3A = arith.constant 0.000000e+00 : f32
    %gt3A_96 = vector.broadcast %gt3A : f32 to vector<1x2048xf32>
    %gt3A_97 = arith.cmpf ogt, %add3A_88, %gt3A_96 : vector<1x2048xf32>
    %ge3A = arith.constant 0.000000e+00 : f32
    %ge3A_98 = vector.broadcast %ge3A : f32 to vector<1x2048xf32>
    %ge3A_99 = arith.cmpf oge, %div3A, %ge3A_98 : vector<1x2048xf32>
    %and3A = arith.andi %gt3A_97, %ge3A_99 : vector<1x2048xi1>
    %le3A = arith.constant 5.110000e+02 : f32
    %le3A_100 = vector.broadcast %le3A : f32 to vector<1x2048xf32>
    %le3A_101 = arith.cmpf ole, %div3A, %le3A_100 : vector<1x2048xf32>
    %and3A_102 = arith.andi %and3A, %le3A_101 : vector<1x2048xi1>
    %ge3A_103 = arith.constant 0.000000e+00 : f32
    %ge3A_104 = vector.broadcast %ge3A_103 : f32 to vector<1x2048xf32>
    %ge3A_105 = arith.cmpf oge, %div3A_95, %ge3A_104 : vector<1x2048xf32>
    %and3A_106 = arith.andi %and3A_102, %ge3A_105 : vector<1x2048xi1>
    %le3A_107 = arith.constant 5.110000e+02 : f32
    %le3A_108 = vector.broadcast %le3A_107 : f32 to vector<1x2048xf32>
    %le3A_109 = arith.cmpf ole, %div3A_95, %le3A_108 : vector<1x2048xf32>
    %and3A_110 = arith.andi %and3A_106, %le3A_109 : vector<1x2048xi1>
    %convert_element_type3A_111 = arith.extui %and3A_110 : vector<1x2048xi1> to vector<1x2048xi32>
    %convert_element_type3A_112 = arith.sitofp %convert_element_type3A_111 : vector<1x2048xi32> to vector<1x2048xf32>
    %round3A = math.roundeven %div3A : vector<1x2048xf32>
    %jit3A = arith.constant 0 : i32
    %jit3A_113 = arith.constant 511 : i32
    %convert_element_type3A_114 = arith.sitofp %jit3A : i32 to f32
    %max3A = vector.broadcast %convert_element_type3A_114 : f32 to vector<1x2048xf32>
    %max3A_115 = arith.maximumf %max3A, %round3A : vector<1x2048xf32>
    %convert_element_type3A_116 = arith.sitofp %jit3A_113 : i32 to f32
    %min3A = vector.broadcast %convert_element_type3A_116 : f32 to vector<1x2048xf32>
    %min3A_117 = arith.minimumf %min3A, %max3A_115 : vector<1x2048xf32>
    %convert_element_type3A_118 = arith.fptosi %min3A_117 : vector<1x2048xf32> to vector<1x2048xi32>
    %round3A_119 = math.roundeven %div3A_95 : vector<1x2048xf32>
    %jit3A_120 = arith.constant 0 : i32
    %jit3A_121 = arith.constant 511 : i32
    %convert_element_type3A_122 = arith.sitofp %jit3A_120 : i32 to f32
    %max3A_123 = vector.broadcast %convert_element_type3A_122 : f32 to vector<1x2048xf32>
    %max3A_124 = arith.maximumf %max3A_123, %round3A_119 : vector<1x2048xf32>
    %convert_element_type3A_125 = arith.sitofp %jit3A_121 : i32 to f32
    %min3A_126 = vector.broadcast %convert_element_type3A_125 : f32 to vector<1x2048xf32>
    %min3A_127 = arith.minimumf %min3A_126, %max3A_124 : vector<1x2048xf32>
    %convert_element_type3A_128 = arith.fptosi %min3A_127 : vector<1x2048xf32> to vector<1x2048xi32>
    %jit3A_129 = arith.constant 0 : i32
    %jit3A_130 = arith.constant 511 : i32
    %max3A_131 = vector.broadcast %jit3A_129 : i32 to vector<1x2048xi32>
    %max3A_132 = arith.maxsi %max3A_131, %convert_element_type3A_118 : vector<1x2048xi32>
    %min3A_133 = vector.broadcast %jit3A_130 : i32 to vector<1x2048xi32>
    %min3A_134 = arith.minsi %min3A_133, %max3A_132 : vector<1x2048xi32>
    %jit3A_135 = arith.constant 0 : i32
    %jit3A_136 = arith.constant 511 : i32
    %max3A_137 = vector.broadcast %jit3A_135 : i32 to vector<1x2048xi32>
    %max3A_138 = arith.maxsi %max3A_137, %convert_element_type3A_128 : vector<1x2048xi32>
    %min3A_139 = vector.broadcast %jit3A_136 : i32 to vector<1x2048xi32>
    %min3A_140 = arith.minsi %min3A_139, %max3A_138 : vector<1x2048xi32>
    %iota3A = tpu.iota {dimensions = array<i32: 1>} : vector<1x2048xi32>
    %mul3A_141 = arith.constant 2048 : i32
    %mul3A_142 = arith.muli %arg0, %mul3A_141 : i32
    %add3A_143 = vector.broadcast %mul3A_142 : i32 to vector<1x2048xi32>
    %add3A_144 = arith.addi %iota3A, %add3A_143 : vector<1x2048xi32>
    %mul3A_145 = arith.constant 512 : i32
    %mul3A_146 = vector.broadcast %mul3A_145 : i32 to vector<1x2048xi32>
    %mul3A_147 = arith.muli %min3A_140, %mul3A_146 : vector<1x2048xi32>
    %add3A_148 = arith.constant 0 : i32
    %add3A_149 = vector.broadcast %add3A_148 : i32 to vector<1x2048xi32>
    %add3A_150 = arith.addi %add3A_149, %mul3A_147 : vector<1x2048xi32>
    %add3A_151 = arith.addi %add3A_150, %min3A_134 : vector<1x2048xi32>
    %sub3A = arith.constant -1 : i32
    %sub3A_152 = vector.broadcast %sub3A : i32 to vector<1x2048xi32>
    %sub3A_153 = arith.subi %sub3A_152, %add3A_144 : vector<1x2048xi32>
    %select_n3A = arith.select %and3A_110, %add3A_151, %sub3A_153 : vector<1x2048xi1>, vector<1x2048xi32>
    %swap3A = arith.constant 0 : index
    %swap3A_154 = arith.constant 0 : index
    %swap3A_155 = vector.load %arg4[%swap3A, %swap3A_154] : memref<8x2048xi32, #tpu.memory_space<vmem>>, vector<1x2048xi32>
    tpu.vector_store %arg4[%swap3A, %swap3A_154], %select_n3A {strides = array<i32>} : memref<8x2048xi32, #tpu.memory_space<vmem>>, vector<1x2048xi32>,
    %get3A_156 = arith.constant 0 : index
    %get3A_157 = arith.constant 0 : index
    %get3A_158 = memref.load %arg3[%get3A_156, %get3A_157] : memref<8x3xf32, #tpu.memory_space<smem>>
    %sub3A_159 = vector.broadcast %get3A_158 : f32 to vector<1x2048xf32>
    %sub3A_160 = arith.subf %get3A_1, %sub3A_159 : vector<1x2048xf32>
    %get3A_161 = arith.constant 0 : index
    %get3A_162 = arith.constant 1 : index
    %get3A_163 = memref.load %arg3[%get3A_161, %get3A_162] : memref<8x3xf32, #tpu.memory_space<smem>>
    %sub3A_164 = vector.broadcast %get3A_163 : f32 to vector<1x2048xf32>
    %sub3A_165 = arith.subf %get3A_4, %sub3A_164 : vector<1x2048xf32>
    %get3A_166 = arith.constant 0 : index
    %get3A_167 = arith.constant 2 : index
    %get3A_168 = memref.load %arg3[%get3A_166, %get3A_167] : memref<8x3xf32, #tpu.memory_space<smem>>
    %sub3A_169 = vector.broadcast %get3A_168 : f32 to vector<1x2048xf32>
    %sub3A_170 = arith.subf %get3A_7, %sub3A_169 : vector<1x2048xf32>
    %mul3A_171 = arith.mulf %sub3A_160, %sub3A_160 : vector<1x2048xf32>
    %mul3A_172 = arith.mulf %sub3A_165, %sub3A_165 : vector<1x2048xf32>
    %add3A_173 = arith.addf %mul3A_171, %mul3A_172 : vector<1x2048xf32>
    %mul3A_174 = arith.mulf %sub3A_170, %sub3A_170 : vector<1x2048xf32>
    %add3A_175 = arith.addf %add3A_173, %mul3A_174 : vector<1x2048xf32>
    %sqrt3A = math.sqrt %add3A_175 : vector<1x2048xf32>
    %add3A_176 = arith.constant 9.99999993E-9 : f32
    %add3A_177 = vector.broadcast %add3A_176 : f32 to vector<1x2048xf32>
    %add3A_178 = arith.addf %sqrt3A, %add3A_177 : vector<1x2048xf32>
    %div3A_179 = arith.constant 1.000000e+00 : f32
    %div3A_180 = vector.broadcast %div3A_179 : f32 to vector<1x2048xf32>
    %div3A_181 = arith.divf %div3A_180, %add3A_178 : vector<1x2048xf32>
    %swap3A_182 = arith.constant 0 : index
    %swap3A_183 = arith.constant 0 : index
    %swap3A_184 = arith.constant 0 : index
    %swap3A_185 = vector.load %arg5[%swap3A_182, %swap3A_183, %swap3A_184] : memref<8x5x2048xf32, #tpu.memory_space<vmem>>, vector<1x1x2048xf32>
    %swap3A_186 = vector.shape_cast %swap3A_185 : vector<1x1x2048xf32> to vector<1x2048xf32>
    %swap3A_187 = vector.shape_cast %add3A_88 : vector<1x2048xf32> to vector<1x1x2048xf32>
    tpu.vector_store %arg5[%swap3A_182, %swap3A_183, %swap3A_184], %swap3A_187 {strides = array<i32>} : memref<8x5x2048xf32, #tpu.memory_space<vmem>>, vector<1x1x2048xf32>,
    %swap3A_188 = arith.constant 0 : index
    %swap3A_189 = arith.constant 1 : index
    %swap3A_190 = arith.constant 0 : index
    %swap3A_191 = vector.load %arg5[%swap3A_188, %swap3A_189, %swap3A_190] : memref<8x5x2048xf32, #tpu.memory_space<vmem>>, vector<1x1x2048xf32>
    %swap3A_192 = vector.shape_cast %swap3A_191 : vector<1x1x2048xf32> to vector<1x2048xf32>
    %swap3A_193 = vector.shape_cast %convert_element_type3A_112 : vector<1x2048xf32> to vector<1x1x2048xf32>
    tpu.vector_store %arg5[%swap3A_188, %swap3A_189, %swap3A_190], %swap3A_193 {strides = array<i32>} : memref<8x5x2048xf32, #tpu.memory_space<vmem>>, vector<1x1x2048xf32>,
    %mul3A_194 = arith.mulf %sub3A_160, %div3A_181 : vector<1x2048xf32>
    %swap3A_195 = arith.constant 0 : index
    %swap3A_196 = arith.constant 2 : index
    %swap3A_197 = arith.constant 0 : index
    %swap3A_198 = vector.load %arg5[%swap3A_195, %swap3A_196, %swap3A_197] : memref<8x5x2048xf32, #tpu.memory_space<vmem>>, vector<1x1x2048xf32>
    %swap3A_199 = vector.shape_cast %swap3A_198 : vector<1x1x2048xf32> to vector<1x2048xf32>
    %swap3A_200 = vector.shape_cast %mul3A_194 : vector<1x2048xf32> to vector<1x1x2048xf32>
    tpu.vector_store %arg5[%swap3A_195, %swap3A_196, %swap3A_197], %swap3A_200 {strides = array<i32>} : memref<8x5x2048xf32, #tpu.memory_space<vmem>>, vector<1x1x2048xf32>,
    %mul3A_201 = arith.mulf %sub3A_165, %div3A_181 : vector<1x2048xf32>
    %swap3A_202 = arith.constant 0 : index
    %swap3A_203 = arith.constant 3 : index
    %swap3A_204 = arith.constant 0 : index
    %swap3A_205 = vector.load %arg5[%swap3A_202, %swap3A_203, %swap3A_204] : memref<8x5x2048xf32, #tpu.memory_space<vmem>>, vector<1x1x2048xf32>
    %swap3A_206 = vector.shape_cast %swap3A_205 : vector<1x1x2048xf32> to vector<1x2048xf32>
    %swap3A_207 = vector.shape_cast %mul3A_201 : vector<1x2048xf32> to vector<1x1x2048xf32>
    tpu.vector_store %arg5[%swap3A_202, %swap3A_203, %swap3A_204], %swap3A_207 {strides = array<i32>} : memref<8x5x2048xf32, #tpu.memory_space<vmem>>, vector<1x1x2048xf32>,
    %mul3A_208 = arith.mulf %sub3A_170, %div3A_181 : vector<1x2048xf32>
    %swap3A_209 = arith.constant 0 : index
    %swap3A_210 = arith.constant 4 : index
    %swap3A_211 = arith.constant 0 : index
    %swap3A_212 = vector.load %arg5[%swap3A_209, %swap3A_210, %swap3A_211] : memref<8x5x2048xf32, #tpu.memory_space<vmem>>, vector<1x1x2048xf32>
    %swap3A_213 = vector.shape_cast %swap3A_212 : vector<1x1x2048xf32> to vector<1x2048xf32>
    %swap3A_214 = vector.shape_cast %mul3A_208 : vector<1x2048xf32> to vector<1x1x2048xf32>
    tpu.vector_store %arg5[%swap3A_209, %swap3A_210, %swap3A_211], %swap3A_214 {strides = array<i32>} : memref<8x5x2048xf32, #tpu.memory_space<vmem>>, vector<1x1x2048xf32>,
    %get3A_215 = arith.constant 1 : index
    %get3A_216 = arith.constant 0 : index
    %get3A_217 = arith.constant 0 : index
    %get3A_218 = memref.load %arg2[%get3A_215, %get3A_216, %get3A_217] : memref<8x3x4xf32, #tpu.memory_space<smem>>
    %mul3A_219 = vector.broadcast %get3A_218 : f32 to vector<1x2048xf32>
    %mul3A_220 = arith.mulf %mul3A_219, %convert_element_type3A_8 : vector<1x2048xf32>
    %get3A_221 = arith.constant 1 : index
    %get3A_222 = arith.constant 0 : index
    %get3A_223 = arith.constant 1 : index
    %get3A_224 = memref.load %arg2[%get3A_221, %get3A_222, %get3A_223] : memref<8x3x4xf32, #tpu.memory_space<smem>>
    %mul3A_225 = vector.broadcast %get3A_224 : f32 to vector<1x2048xf32>
    %mul3A_226 = arith.mulf %mul3A_225, %convert_element_type3A_10 : vector<1x2048xf32>
    %add3A_227 = arith.addf %mul3A_220, %mul3A_226 : vector<1x2048xf32>
    %get3A_228 = arith.constant 1 : index
    %get3A_229 = arith.constant 0 : index
    %get3A_230 = arith.constant 2 : index
    %get3A_231 = memref.load %arg2[%get3A_228, %get3A_229, %get3A_230] : memref<8x3x4xf32, #tpu.memory_space<smem>>
    %mul3A_232 = vector.broadcast %get3A_231 : f32 to vector<1x2048xf32>
    %mul3A_233 = arith.mulf %mul3A_232, %convert_element_type3A_12 : vector<1x2048xf32>
    %get3A_234 = arith.constant 1 : index
    %get3A_235 = arith.constant 0 : index
    %get3A_236 = arith.constant 3 : index
    %get3A_237 = memref.load %arg2[%get3A_234, %get3A_235, %get3A_236] : memref<8x3x4xf32, #tpu.memory_space<smem>>
    %add3A_238 = vector.broadcast %get3A_237 : f32 to vector<1x2048xf32>
    %add3A_239 = arith.addf %mul3A_233, %add3A_238 : vector<1x2048xf32>
    %add3A_240 = arith.addf %add3A_227, %add3A_239 : vector<1x2048xf32>
    %get3A_241 = arith.constant 1 : index
    %get3A_242 = arith.constant 1 : index
    %get3A_243 = arith.constant 0 : index
    %get3A_244 = memref.load %arg2[%get3A_241, %get3A_242, %get3A_243] : memref<8x3x4xf32, #tpu.memory_space<smem>>
    %mul3A_245 = vector.broadcast %get3A_244 : f32 to vector<1x2048xf32>
    %mul3A_246 = arith.mulf %mul3A_245, %convert_element_type3A_8 : vector<1x2048xf32>
    %get3A_247 = arith.constant 1 : index
    %get3A_248 = arith.constant 1 : index
    %get3A_249 = arith.constant 1 : index
    %get3A_250 = memref.load %arg2[%get3A_247, %get3A_248, %get3A_249] : memref<8x3x4xf32, #tpu.memory_space<smem>>
    %mul3A_251 = vector.broadcast %get3A_250 : f32 to vector<1x2048xf32>
    %mul3A_252 = arith.mulf %mul3A_251, %convert_element_type3A_10 : vector<1x2048xf32>
    %add3A_253 = arith.addf %mul3A_246, %mul3A_252 : vector<1x2048xf32>
    %get3A_254 = arith.constant 1 : index
    %get3A_255 = arith.constant 1 : index
    %get3A_256 = arith.constant 2 : index
    %get3A_257 = memref.load %arg2[%get3A_254, %get3A_255, %get3A_256] : memref<8x3x4xf32, #tpu.memory_space<smem>>
    %mul3A_258 = vector.broadcast %get3A_257 : f32 to vector<1x2048xf32>
    %mul3A_259 = arith.mulf %mul3A_258, %convert_element_type3A_12 : vector<1x2048xf32>
    %get3A_260 = arith.constant 1 : index
    %get3A_261 = arith.constant 1 : index
    %get3A_262 = arith.constant 3 : index
    %get3A_263 = memref.load %arg2[%get3A_260, %get3A_261, %get3A_262] : memref<8x3x4xf32, #tpu.memory_space<smem>>
    %add3A_264 = vector.broadcast %get3A_263 : f32 to vector<1x2048xf32>
    %add3A_265 = arith.addf %mul3A_259, %add3A_264 : vector<1x2048xf32>
    %add3A_266 = arith.addf %add3A_253, %add3A_265 : vector<1x2048xf32>
    %get3A_267 = arith.constant 1 : index
    %get3A_268 = arith.constant 2 : index
    %get3A_269 = arith.constant 0 : index
    %get3A_270 = memref.load %arg2[%get3A_267, %get3A_268, %get3A_269] : memref<8x3x4xf32, #tpu.memory_space<smem>>
    %mul3A_271 = vector.broadcast %get3A_270 : f32 to vector<1x2048xf32>
    %mul3A_272 = arith.mulf %mul3A_271, %convert_element_type3A_8 : vector<1x2048xf32>
    %get3A_273 = arith.constant 1 : index
    %get3A_274 = arith.constant 2 : index
    %get3A_275 = arith.constant 1 : index
    %get3A_276 = memref.load %arg2[%get3A_273, %get3A_274, %get3A_275] : memref<8x3x4xf32, #tpu.memory_space<smem>>
    %mul3A_277 = vector.broadcast %get3A_276 : f32 to vector<1x2048xf32>
    %mul3A_278 = arith.mulf %mul3A_277, %convert_element_type3A_10 : vector<1x2048xf32>
    %add3A_279 = arith.addf %mul3A_272, %mul3A_278 : vector<1x2048xf32>
    %get3A_280 = arith.constant 1 : index
    %get3A_281 = arith.constant 2 : index
    %get3A_282 = arith.constant 2 : index
    %get3A_283 = memref.load %arg2[%get3A_280, %get3A_281, %get3A_282] : memref<8x3x4xf32, #tpu.memory_space<smem>>
    %mul3A_284 = vector.broadcast %get3A_283 : f32 to vector<1x2048xf32>
    %mul3A_285 = arith.mulf %mul3A_284, %convert_element_type3A_12 : vector<1x2048xf32>
    %get3A_286 = arith.constant 1 : index
    %get3A_287 = arith.constant 2 : index
    %get3A_288 = arith.constant 3 : index
    %get3A_289 = memref.load %arg2[%get3A_286, %get3A_287, %get3A_288] : memref<8x3x4xf32, #tpu.memory_space<smem>>
    %add3A_290 = vector.broadcast %get3A_289 : f32 to vector<1x2048xf32>
    %add3A_291 = arith.addf %mul3A_285, %add3A_290 : vector<1x2048xf32>
    %add3A_292 = arith.addf %add3A_279, %add3A_291 : vector<1x2048xf32>
    %add3A_293 = arith.constant 9.99999993E-9 : f32
    %add3A_294 = vector.broadcast %add3A_293 : f32 to vector<1x2048xf32>
    %add3A_295 = arith.addf %add3A_292, %add3A_294 : vector<1x2048xf32>
    %div3A_296 = arith.divf %add3A_240, %add3A_295 : vector<1x2048xf32>
    %add3A_297 = arith.constant 9.99999993E-9 : f32
    %add3A_298 = vector.broadcast %add3A_297 : f32 to vector<1x2048xf32>
    %add3A_299 = arith.addf %add3A_292, %add3A_298 : vector<1x2048xf32>
    %div3A_300 = arith.divf %add3A_266, %add3A_299 : vector<1x2048xf32>
    %gt3A_301 = arith.constant 0.000000e+00 : f32
    %gt3A_302 = vector.broadcast %gt3A_301 : f32 to vector<1x2048xf32>
    %gt3A_303 = arith.cmpf ogt, %add3A_292, %gt3A_302 : vector<1x2048xf32>
    %ge3A_304 = arith.constant 0.000000e+00 : f32
    %ge3A_305 = vector.broadcast %ge3A_304 : f32 to vector<1x2048xf32>
    %ge3A_306 = arith.cmpf oge, %div3A_296, %ge3A_305 : vector<1x2048xf32>
    %and3A_307 = arith.andi %gt3A_303, %ge3A_306 : vector<1x2048xi1>
    %le3A_308 = arith.constant 5.110000e+02 : f32
    %le3A_309 = vector.broadcast %le3A_308 : f32 to vector<1x2048xf32>
    %le3A_310 = arith.cmpf ole, %div3A_296, %le3A_309 : vector<1x2048xf32>
    %and3A_311 = arith.andi %and3A_307, %le3A_310 : vector<1x2048xi1>
    %ge3A_312 = arith.constant 0.000000e+00 : f32
    %ge3A_313 = vector.broadcast %ge3A_312 : f32 to vector<1x2048xf32>
    %ge3A_314 = arith.cmpf oge, %div3A_300, %ge3A_313 : vector<1x2048xf32>
    %and3A_315 = arith.andi %and3A_311, %ge3A_314 : vector<1x2048xi1>
    %le3A_316 = arith.constant 5.110000e+02 : f32
    %le3A_317 = vector.broadcast %le3A_316 : f32 to vector<1x2048xf32>
    %le3A_318 = arith.cmpf ole, %div3A_300, %le3A_317 : vector<1x2048xf32>
    %and3A_319 = arith.andi %and3A_315, %le3A_318 : vector<1x2048xi1>
    %convert_element_type3A_320 = arith.extui %and3A_319 : vector<1x2048xi1> to vector<1x2048xi32>
    %convert_element_type3A_321 = arith.sitofp %convert_element_type3A_320 : vector<1x2048xi32> to vector<1x2048xf32>
    %round3A_322 = math.roundeven %div3A_296 : vector<1x2048xf32>
    %jit3A_323 = arith.constant 0 : i32
    %jit3A_324 = arith.constant 511 : i32
    %convert_element_type3A_325 = arith.sitofp %jit3A_323 : i32 to f32
    %max3A_326 = vector.broadcast %convert_element_type3A_325 : f32 to vector<1x2048xf32>
    %max3A_327 = arith.maximumf %max3A_326, %round3A_322 : vector<1x2048xf32>
    %convert_element_type3A_328 = arith.sitofp %jit3A_324 : i32 to f32
    %min3A_329 = vector.broadcast %convert_element_type3A_328 : f32 to vector<1x2048xf32>
    %min3A_330 = arith.minimumf %min3A_329, %max3A_327 : vector<1x2048xf32>
    %convert_element_type3A_331 = arith.fptosi %min3A_330 : vector<1x2048xf32> to vector<1x2048xi32>
    %round3A_332 = math.roundeven %div3A_300 : vector<1x2048xf32>
    %jit3A_333 = arith.constant 0 : i32
    %jit3A_334 = arith.constant 511 : i32
    %convert_element_type3A_335 = arith.sitofp %jit3A_333 : i32 to f32
    %max3A_336 = vector.broadcast %convert_element_type3A_335 : f32 to vector<1x2048xf32>
    %max3A_337 = arith.maximumf %max3A_336, %round3A_332 : vector<1x2048xf32>
    %convert_element_type3A_338 = arith.sitofp %jit3A_334 : i32 to f32
    %min3A_339 = vector.broadcast %convert_element_type3A_338 : f32 to vector<1x2048xf32>
    %min3A_340 = arith.minimumf %min3A_339, %max3A_337 : vector<1x2048xf32>
    %convert_element_type3A_341 = arith.fptosi %min3A_340 : vector<1x2048xf32> to vector<1x2048xi32>
    %jit3A_342 = arith.constant 0 : i32
    %jit3A_343 = arith.constant 511 : i32
    %max3A_344 = vector.broadcast %jit3A_342 : i32 to vector<1x2048xi32>
    %max3A_345 = arith.maxsi %max3A_344, %convert_element_type3A_331 : vector<1x2048xi32>
    %min3A_346 = vector.broadcast %jit3A_343 : i32 to vector<1x2048xi32>
    %min3A_347 = arith.minsi %min3A_346, %max3A_345 : vector<1x2048xi32>
    %jit3A_348 = arith.constant 0 : i32
    %jit3A_349 = arith.constant 511 : i32
    %max3A_350 = vector.broadcast %jit3A_348 : i32 to vector<1x2048xi32>
    %max3A_351 = arith.maxsi %max3A_350, %convert_element_type3A_341 : vector<1x2048xi32>
    %min3A_352 = vector.broadcast %jit3A_349 : i32 to vector<1x2048xi32>
    %min3A_353 = arith.minsi %min3A_352, %max3A_351 : vector<1x2048xi32>
    %iota3A_354 = tpu.iota {dimensions = array<i32: 1>} : vector<1x2048xi32>
    %mul3A_355 = arith.constant 2048 : i32
    %mul3A_356 = arith.muli %arg0, %mul3A_355 : i32
    %add3A_357 = vector.broadcast %mul3A_356 : i32 to vector<1x2048xi32>
    %add3A_358 = arith.addi %iota3A_354, %add3A_357 : vector<1x2048xi32>
    %mul3A_359 = arith.constant 512 : i32
    %mul3A_360 = vector.broadcast %mul3A_359 : i32 to vector<1x2048xi32>
    %mul3A_361 = arith.muli %min3A_353, %mul3A_360 : vector<1x2048xi32>
    %add3A_362 = arith.constant 262144 : i32
    %add3A_363 = vector.broadcast %add3A_362 : i32 to vector<1x2048xi32>
    %add3A_364 = arith.addi %add3A_363, %mul3A_361 : vector<1x2048xi32>
    %add3A_365 = arith.addi %add3A_364, %min3A_347 : vector<1x2048xi32>
    %sub3A_366 = arith.constant -1 : i32
    %sub3A_367 = vector.broadcast %sub3A_366 : i32 to vector<1x2048xi32>
    %sub3A_368 = arith.subi %sub3A_367, %add3A_358 : vector<1x2048xi32>
    %select_n3A_369 = arith.select %and3A_319, %add3A_365, %sub3A_368 : vector<1x2048xi1>, vector<1x2048xi32>
    %swap3A_370 = arith.constant 1 : index
    %swap3A_371 = arith.constant 0 : index
    %swap3A_372 = vector.load %arg4[%swap3A_370, %swap3A_371] : memref<8x2048xi32, #tpu.memory_space<vmem>>, vector<1x2048xi32>
    tpu.vector_store %arg4[%swap3A_370, %swap3A_371], %select_n3A_369 {strides = array<i32>} : memref<8x2048xi32, #tpu.memory_space<vmem>>, vector<1x2048xi32>,
    %get3A_373 = arith.constant 1 : index
    %get3A_374 = arith.constant 0 : index
    %get3A_375 = memref.load %arg3[%get3A_373, %get3A_374] : memref<8x3xf32, #tpu.memory_space<smem>>
    %sub3A_376 = vector.broadcast %get3A_375 : f32 to vector<1x2048xf32>
    %sub3A_377 = arith.subf %get3A_1, %sub3A_376 : vector<1x2048xf32>
    %get3A_378 = arith.constant 1 : index
    %get3A_379 = arith.constant 1 : index
    %get3A_380 = memref.load %arg3[%get3A_378, %get3A_379] : memref<8x3xf32, #tpu.memory_space<smem>>
    %sub3A_381 = vector.broadcast %get3A_380 : f32 to vector<1x2048xf32>
    %sub3A_382 = arith.subf %get3A_4, %sub3A_381 : vector<1x2048xf32>
    %get3A_383 = arith.constant 1 : index
    %get3A_384 = arith.constant 2 : index
    %get3A_385 = memref.load %arg3[%get3A_383, %get3A_384] : memref<8x3xf32, #tpu.memory_space<smem>>
    %sub3A_386 = vector.broadcast %get3A_385 : f32 to vector<1x2048xf32>
    %sub3A_387 = arith.subf %get3A_7, %sub3A_386 : vector<1x2048xf32>
    %mul3A_388 = arith.mulf %sub3A_377, %sub3A_377 : vector<1x2048xf32>
    %mul3A_389 = arith.mulf %sub3A_382, %sub3A_382 : vector<1x2048xf32>
    %add3A_390 = arith.addf %mul3A_388, %mul3A_389 : vector<1x2048xf32>
    %mul3A_391 = arith.mulf %sub3A_387, %sub3A_387 : vector<1x2048xf32>
    %add3A_392 = arith.addf %add3A_390, %mul3A_391 : vector<1x2048xf32>
    %sqrt3A_393 = math.sqrt %add3A_392 : vector<1x2048xf32>
    %add3A_394 = arith.constant 9.99999993E-9 : f32
    %add3A_395 = vector.broadcast %add3A_394 : f32 to vector<1x2048xf32>
    %add3A_396 = arith.addf %sqrt3A_393, %add3A_395 : vector<1x2048xf32>
    %div3A_397 = arith.constant 1.000000e+00 : f32
    %div3A_398 = vector.broadcast %div3A_397 : f32 to vector<1x2048xf32>
    %div3A_399 = arith.divf %div3A_398, %add3A_396 : vector<1x2048xf32>
    %swap3A_400 = arith.constant 1 : index
    %swap3A_401 = arith.constant 0 : index
    %swap3A_402 = arith.constant 0 : index
    %swap3A_403 = vector.load %arg5[%swap3A_400, %swap3A_401, %swap3A_402] : memref<8x5x2048xf32, #tpu.memory_space<vmem>>, vector<1x1x2048xf32>
    %swap3A_404 = vector.shape_cast %swap3A_403 : vector<1x1x2048xf32> to vector<1x2048xf32>
    %swap3A_405 = vector.shape_cast %add3A_292 : vector<1x2048xf32> to vector<1x1x2048xf32>
    tpu.vector_store %arg5[%swap3A_400, %swap3A_401, %swap3A_402], %swap3A_405 {strides = array<i32>} : memref<8x5x2048xf32, #tpu.memory_space<vmem>>, vector<1x1x2048xf32>,
    %swap3A_406 = arith.constant 1 : index
    %swap3A_407 = arith.constant 1 : index
    %swap3A_408 = arith.constant 0 : index
    %swap3A_409 = vector.load %arg5[%swap3A_406, %swap3A_407, %swap3A_408] : memref<8x5x2048xf32, #tpu.memory_space<vmem>>, vector<1x1x2048xf32>
    %swap3A_410 = vector.shape_cast %swap3A_409 : vector<1x1x2048xf32> to vector<1x2048xf32>
    %swap3A_411 = vector.shape_cast %convert_element_type3A_321 : vector<1x2048xf32> to vector<1x1x2048xf32>
    tpu.vector_store %arg5[%swap3A_406, %swap3A_407, %swap3A_408], %swap3A_411 {strides = array<i32>} : memref<8x5x2048xf32, #tpu.memory_space<vmem>>, vector<1x1x2048xf32>,
    %mul3A_412 = arith.mulf %sub3A_377, %div3A_399 : vector<1x2048xf32>
    %swap3A_413 = arith.constant 1 : index
    %swap3A_414 = arith.constant 2 : index
    %swap3A_415 = arith.constant 0 : index
    %swap3A_416 = vector.load %arg5[%swap3A_413, %swap3A_414, %swap3A_415] : memref<8x5x2048xf32, #tpu.memory_space<vmem>>, vector<1x1x2048xf32>
    %swap3A_417 = vector.shape_cast %swap3A_416 : vector<1x1x2048xf32> to vector<1x2048xf32>
    %swap3A_418 = vector.shape_cast %mul3A_412 : vector<1x2048xf32> to vector<1x1x2048xf32>
    tpu.vector_store %arg5[%swap3A_413, %swap3A_414, %swap3A_415], %swap3A_418 {strides = array<i32>} : memref<8x5x2048xf32, #tpu.memory_space<vmem>>, vector<1x1x2048xf32>,
    %mul3A_419 = arith.mulf %sub3A_382, %div3A_399 : vector<1x2048xf32>
    %swap3A_420 = arith.constant 1 : index
    %swap3A_421 = arith.constant 3 : index
    %swap3A_422 = arith.constant 0 : index
    %swap3A_423 = vector.load %arg5[%swap3A_420, %swap3A_421, %swap3A_422] : memref<8x5x2048xf32, #tpu.memory_space<vmem>>, vector<1x1x2048xf32>
    %swap3A_424 = vector.shape_cast %swap3A_423 : vector<1x1x2048xf32> to vector<1x2048xf32>
    %swap3A_425 = vector.shape_cast %mul3A_419 : vector<1x2048xf32> to vector<1x1x2048xf32>
    tpu.vector_store %arg5[%swap3A_420, %swap3A_421, %swap3A_422], %swap3A_425 {strides = array<i32>} : memref<8x5x2048xf32, #tpu.memory_space<vmem>>, vector<1x1x2048xf32>,
    %mul3A_426 = arith.mulf %sub3A_387, %div3A_399 : vector<1x2048xf32>
    %swap3A_427 = arith.constant 1 : index
    %swap3A_428 = arith.constant 4 : index
    %swap3A_429 = arith.constant 0 : index
    %swap3A_430 = vector.load %arg5[%swap3A_427, %swap3A_428, %swap3A_429] : memref<8x5x2048xf32, #tpu.memory_space<vmem>>, vector<1x1x2048xf32>
    %swap3A_431 = vector.shape_cast %swap3A_430 : vector<1x1x2048xf32> to vector<1x2048xf32>
    %swap3A_432 = vector.shape_cast %mul3A_426 : vector<1x2048xf32> to vector<1x1x2048xf32>
    tpu.vector_store %arg5[%swap3A_427, %swap3A_428, %swap3A_429], %swap3A_432 {strides = array<i32>} : memref<8x5x2048xf32, #tpu.memory_space<vmem>>, vector<1x1x2048xf32>,
    %get3A_433 = arith.constant 2 : index
    %get3A_434 = arith.constant 0 : index
    %get3A_435 = arith.constant 0 : index
    %get3A_436 = memref.load %arg2[%get3A_433, %get3A_434, %get3A_435] : memref<8x3x4xf32, #tpu.memory_space<smem>>
    %mul3A_437 = vector.broadcast %get3A_436 : f32 to vector<1x2048xf32>
    %mul3A_438 = arith.mulf %mul3A_437, %convert_element_type3A_8 : vector<1x2048xf32>
    %get3A_439 = arith.constant 2 : index
    %get3A_440 = arith.constant 0 : index
    %get3A_441 = arith.constant 1 : index
    %get3A_442 = memref.load %arg2[%get3A_439, %get3A_440, %get3A_441] : memref<8x3x4xf32, #tpu.memory_space<smem>>
    %mul3A_443 = vector.broadcast %get3A_442 : f32 to vector<1x2048xf32>
    %mul3A_444 = arith.mulf %mul3A_443, %convert_element_type3A_10 : vector<1x2048xf32>
    %add3A_445 = arith.addf %mul3A_438, %mul3A_444 : vector<1x2048xf32>
    %get3A_446 = arith.constant 2 : index
    %get3A_447 = arith.constant 0 : index
    %get3A_448 = arith.constant 2 : index
    %get3A_449 = memref.load %arg2[%get3A_446, %get3A_447, %get3A_448] : memref<8x3x4xf32, #tpu.memory_space<smem>>
    %mul3A_450 = vector.broadcast %get3A_449 : f32 to vector<1x2048xf32>
    %mul3A_451 = arith.mulf %mul3A_450, %convert_element_type3A_12 : vector<1x2048xf32>
    %get3A_452 = arith.constant 2 : index
    %get3A_453 = arith.constant 0 : index
    %get3A_454 = arith.constant 3 : index
    %get3A_455 = memref.load %arg2[%get3A_452, %get3A_453, %get3A_454] : memref<8x3x4xf32, #tpu.memory_space<smem>>
    %add3A_456 = vector.broadcast %get3A_455 : f32 to vector<1x2048xf32>
    %add3A_457 = arith.addf %mul3A_451, %add3A_456 : vector<1x2048xf32>
    %add3A_458 = arith.addf %add3A_445, %add3A_457 : vector<1x2048xf32>
    %get3A_459 = arith.constant 2 : index
    %get3A_460 = arith.constant 1 : index
    %get3A_461 = arith.constant 0 : index
    %get3A_462 = memref.load %arg2[%get3A_459, %get3A_460, %get3A_461] : memref<8x3x4xf32, #tpu.memory_space<smem>>
    %mul3A_463 = vector.broadcast %get3A_462 : f32 to vector<1x2048xf32>
    %mul3A_464 = arith.mulf %mul3A_463, %convert_element_type3A_8 : vector<1x2048xf32>
    %get3A_465 = arith.constant 2 : index
    %get3A_466 = arith.constant 1 : index
    %get3A_467 = arith.constant 1 : index
    %get3A_468 = memref.load %arg2[%get3A_465, %get3A_466, %get3A_467] : memref<8x3x4xf32, #tpu.memory_space<smem>>
    %mul3A_469 = vector.broadcast %get3A_468 : f32 to vector<1x2048xf32>
    %mul3A_470 = arith.mulf %mul3A_469, %convert_element_type3A_10 : vector<1x2048xf32>
    %add3A_471 = arith.addf %mul3A_464, %mul3A_470 : vector<1x2048xf32>
    %get3A_472 = arith.constant 2 : index
    %get3A_473 = arith.constant 1 : index
    %get3A_474 = arith.constant 2 : index
    %get3A_475 = memref.load %arg2[%get3A_472, %get3A_473, %get3A_474] : memref<8x3x4xf32, #tpu.memory_space<smem>>
    %mul3A_476 = vector.broadcast %get3A_475 : f32 to vector<1x2048xf32>
    %mul3A_477 = arith.mulf %mul3A_476, %convert_element_type3A_12 : vector<1x2048xf32>
    %get3A_478 = arith.constant 2 : index
    %get3A_479 = arith.constant 1 : index
    %get3A_480 = arith.constant 3 : index
    %get3A_481 = memref.load %arg2[%get3A_478, %get3A_479, %get3A_480] : memref<8x3x4xf32, #tpu.memory_space<smem>>
    %add3A_482 = vector.broadcast %get3A_481 : f32 to vector<1x2048xf32>
    %add3A_483 = arith.addf %mul3A_477, %add3A_482 : vector<1x2048xf32>
    %add3A_484 = arith.addf %add3A_471, %add3A_483 : vector<1x2048xf32>
    %get3A_485 = arith.constant 2 : index
    %get3A_486 = arith.constant 2 : index
    %get3A_487 = arith.constant 0 : index
    %get3A_488 = memref.load %arg2[%get3A_485, %get3A_486, %get3A_487] : memref<8x3x4xf32, #tpu.memory_space<smem>>
    %mul3A_489 = vector.broadcast %get3A_488 : f32 to vector<1x2048xf32>
    %mul3A_490 = arith.mulf %mul3A_489, %convert_element_type3A_8 : vector<1x2048xf32>
    %get3A_491 = arith.constant 2 : index
    %get3A_492 = arith.constant 2 : index
    %get3A_493 = arith.constant 1 : index
    %get3A_494 = memref.load %arg2[%get3A_491, %get3A_492, %get3A_493] : memref<8x3x4xf32, #tpu.memory_space<smem>>
    %mul3A_495 = vector.broadcast %get3A_494 : f32 to vector<1x2048xf32>
    %mul3A_496 = arith.mulf %mul3A_495, %convert_element_type3A_10 : vector<1x2048xf32>
    %add3A_497 = arith.addf %mul3A_490, %mul3A_496 : vector<1x2048xf32>
    %get3A_498 = arith.constant 2 : index
    %get3A_499 = arith.constant 2 : index
    %get3A_500 = arith.constant 2 : index
    %get3A_501 = memref.load %arg2[%get3A_498, %get3A_499, %get3A_500] : memref<8x3x4xf32, #tpu.memory_space<smem>>
    %mul3A_502 = vector.broadcast %get3A_501 : f32 to vector<1x2048xf32>
    %mul3A_503 = arith.mulf %mul3A_502, %convert_element_type3A_12 : vector<1x2048xf32>
    %get3A_504 = arith.constant 2 : index
    %get3A_505 = arith.constant 2 : index
    %get3A_506 = arith.constant 3 : index
    %get3A_507 = memref.load %arg2[%get3A_504, %get3A_505, %get3A_506] : memref<8x3x4xf32, #tpu.memory_space<smem>>
    %add3A_508 = vector.broadcast %get3A_507 : f32 to vector<1x2048xf32>
    %add3A_509 = arith.addf %mul3A_503, %add3A_508 : vector<1x2048xf32>
    %add3A_510 = arith.addf %add3A_497, %add3A_509 : vector<1x2048xf32>
    %add3A_511 = arith.constant 9.99999993E-9 : f32
    %add3A_512 = vector.broadcast %add3A_511 : f32 to vector<1x2048xf32>
    %add3A_513 = arith.addf %add3A_510, %add3A_512 : vector<1x2048xf32>
    %div3A_514 = arith.divf %add3A_458, %add3A_513 : vector<1x2048xf32>
    %add3A_515 = arith.constant 9.99999993E-9 : f32
    %add3A_516 = vector.broadcast %add3A_515 : f32 to vector<1x2048xf32>
    %add3A_517 = arith.addf %add3A_510, %add3A_516 : vector<1x2048xf32>
    %div3A_518 = arith.divf %add3A_484, %add3A_517 : vector<1x2048xf32>
    %gt3A_519 = arith.constant 0.000000e+00 : f32
    %gt3A_520 = vector.broadcast %gt3A_519 : f32 to vector<1x2048xf32>
    %gt3A_521 = arith.cmpf ogt, %add3A_510, %gt3A_520 : vector<1x2048xf32>
    %ge3A_522 = arith.constant 0.000000e+00 : f32
    %ge3A_523 = vector.broadcast %ge3A_522 : f32 to vector<1x2048xf32>
    %ge3A_524 = arith.cmpf oge, %div3A_514, %ge3A_523 : vector<1x2048xf32>
    %and3A_525 = arith.andi %gt3A_521, %ge3A_524 : vector<1x2048xi1>
    %le3A_526 = arith.constant 5.110000e+02 : f32
    %le3A_527 = vector.broadcast %le3A_526 : f32 to vector<1x2048xf32>
    %le3A_528 = arith.cmpf ole, %div3A_514, %le3A_527 : vector<1x2048xf32>
    %and3A_529 = arith.andi %and3A_525, %le3A_528 : vector<1x2048xi1>
    %ge3A_530 = arith.constant 0.000000e+00 : f32
    %ge3A_531 = vector.broadcast %ge3A_530 : f32 to vector<1x2048xf32>
    %ge3A_532 = arith.cmpf oge, %div3A_518, %ge3A_531 : vector<1x2048xf32>
    %and3A_533 = arith.andi %and3A_529, %ge3A_532 : vector<1x2048xi1>
    %le3A_534 = arith.constant 5.110000e+02 : f32
    %le3A_535 = vector.broadcast %le3A_534 : f32 to vector<1x2048xf32>
    %le3A_536 = arith.cmpf ole, %div3A_518, %le3A_535 : vector<1x2048xf32>
    %and3A_537 = arith.andi %and3A_533, %le3A_536 : vector<1x2048xi1>
    %convert_element_type3A_538 = arith.extui %and3A_537 : vector<1x2048xi1> to vector<1x2048xi32>
    %convert_element_type3A_539 = arith.sitofp %convert_element_type3A_538 : vector<1x2048xi32> to vector<1x2048xf32>
    %round3A_540 = math.roundeven %div3A_514 : vector<1x2048xf32>
    %jit3A_541 = arith.constant 0 : i32
    %jit3A_542 = arith.constant 511 : i32
    %convert_element_type3A_543 = arith.sitofp %jit3A_541 : i32 to f32
    %max3A_544 = vector.broadcast %convert_element_type3A_543 : f32 to vector<1x2048xf32>
    %max3A_545 = arith.maximumf %max3A_544, %round3A_540 : vector<1x2048xf32>
    %convert_element_type3A_546 = arith.sitofp %jit3A_542 : i32 to f32
    %min3A_547 = vector.broadcast %convert_element_type3A_546 : f32 to vector<1x2048xf32>
    %min3A_548 = arith.minimumf %min3A_547, %max3A_545 : vector<1x2048xf32>
    %convert_element_type3A_549 = arith.fptosi %min3A_548 : vector<1x2048xf32> to vector<1x2048xi32>
    %round3A_550 = math.roundeven %div3A_518 : vector<1x2048xf32>
    %jit3A_551 = arith.constant 0 : i32
    %jit3A_552 = arith.constant 511 : i32
    %convert_element_type3A_553 = arith.sitofp %jit3A_551 : i32 to f32
    %max3A_554 = vector.broadcast %convert_element_type3A_553 : f32 to vector<1x2048xf32>
    %max3A_555 = arith.maximumf %max3A_554, %round3A_550 : vector<1x2048xf32>
    %convert_element_type3A_556 = arith.sitofp %jit3A_552 : i32 to f32
    %min3A_557 = vector.broadcast %convert_element_type3A_556 : f32 to vector<1x2048xf32>
    %min3A_558 = arith.minimumf %min3A_557, %max3A_555 : vector<1x2048xf32>
    %convert_element_type3A_559 = arith.fptosi %min3A_558 : vector<1x2048xf32> to vector<1x2048xi32>
    %jit3A_560 = arith.constant 0 : i32
    %jit3A_561 = arith.constant 511 : i32
    %max3A_562 = vector.broadcast %jit3A_560 : i32 to vector<1x2048xi32>
    %max3A_563 = arith.maxsi %max3A_562, %convert_element_type3A_549 : vector<1x2048xi32>
    %min3A_564 = vector.broadcast %jit3A_561 : i32 to vector<1x2048xi32>
    %min3A_565 = arith.minsi %min3A_564, %max3A_563 : vector<1x2048xi32>
    %jit3A_566 = arith.constant 0 : i32
    %jit3A_567 = arith.constant 511 : i32
    %max3A_568 = vector.broadcast %jit3A_566 : i32 to vector<1x2048xi32>
    %max3A_569 = arith.maxsi %max3A_568, %convert_element_type3A_559 : vector<1x2048xi32>
    %min3A_570 = vector.broadcast %jit3A_567 : i32 to vector<1x2048xi32>
    %min3A_571 = arith.minsi %min3A_570, %max3A_569 : vector<1x2048xi32>
    %iota3A_572 = tpu.iota {dimensions = array<i32: 1>} : vector<1x2048xi32>
    %mul3A_573 = arith.constant 2048 : i32
    %mul3A_574 = arith.muli %arg0, %mul3A_573 : i32
    %add3A_575 = vector.broadcast %mul3A_574 : i32 to vector<1x2048xi32>
    %add3A_576 = arith.addi %iota3A_572, %add3A_575 : vector<1x2048xi32>
    %mul3A_577 = arith.constant 512 : i32
    %mul3A_578 = vector.broadcast %mul3A_577 : i32 to vector<1x2048xi32>
    %mul3A_579 = arith.muli %min3A_571, %mul3A_578 : vector<1x2048xi32>
    %add3A_580 = arith.constant 524288 : i32
    %add3A_581 = vector.broadcast %add3A_580 : i32 to vector<1x2048xi32>
    %add3A_582 = arith.addi %add3A_581, %mul3A_579 : vector<1x2048xi32>
    %add3A_583 = arith.addi %add3A_582, %min3A_565 : vector<1x2048xi32>
    %sub3A_584 = arith.constant -1 : i32
    %sub3A_585 = vector.broadcast %sub3A_584 : i32 to vector<1x2048xi32>
    %sub3A_586 = arith.subi %sub3A_585, %add3A_576 : vector<1x2048xi32>
    %select_n3A_587 = arith.select %and3A_537, %add3A_583, %sub3A_586 : vector<1x2048xi1>, vector<1x2048xi32>
    %swap3A_588 = arith.constant 2 : index
    %swap3A_589 = arith.constant 0 : index
    %swap3A_590 = vector.load %arg4[%swap3A_588, %swap3A_589] : memref<8x2048xi32, #tpu.memory_space<vmem>>, vector<1x2048xi32>
    tpu.vector_store %arg4[%swap3A_588, %swap3A_589], %select_n3A_587 {strides = array<i32>} : memref<8x2048xi32, #tpu.memory_space<vmem>>, vector<1x2048xi32>,
    %get3A_591 = arith.constant 2 : index
    %get3A_592 = arith.constant 0 : index
    %get3A_593 = memref.load %arg3[%get3A_591, %get3A_592] : memref<8x3xf32, #tpu.memory_space<smem>>
    %sub3A_594 = vector.broadcast %get3A_593 : f32 to vector<1x2048xf32>
    %sub3A_595 = arith.subf %get3A_1, %sub3A_594 : vector<1x2048xf32>
    %get3A_596 = arith.constant 2 : index
    %get3A_597 = arith.constant 1 : index
    %get3A_598 = memref.load %arg3[%get3A_596, %get3A_597] : memref<8x3xf32, #tpu.memory_space<smem>>
    %sub3A_599 = vector.broadcast %get3A_598 : f32 to vector<1x2048xf32>
    %sub3A_600 = arith.subf %get3A_4, %sub3A_599 : vector<1x2048xf32>
    %get3A_601 = arith.constant 2 : index
    %get3A_602 = arith.constant 2 : index
    %get3A_603 = memref.load %arg3[%get3A_601, %get3A_602] : memref<8x3xf32, #tpu.memory_space<smem>>
    %sub3A_604 = vector.broadcast %get3A_603 : f32 to vector<1x2048xf32>
    %sub3A_605 = arith.subf %get3A_7, %sub3A_604 : vector<1x2048xf32>
    %mul3A_606 = arith.mulf %sub3A_595, %sub3A_595 : vector<1x2048xf32>
    %mul3A_607 = arith.mulf %sub3A_600, %sub3A_600 : vector<1x2048xf32>
    %add3A_608 = arith.addf %mul3A_606, %mul3A_607 : vector<1x2048xf32>
    %mul3A_609 = arith.mulf %sub3A_605, %sub3A_605 : vector<1x2048xf32>
    %add3A_610 = arith.addf %add3A_608, %mul3A_609 : vector<1x2048xf32>
    %sqrt3A_611 = math.sqrt %add3A_610 : vector<1x2048xf32>
    %add3A_612 = arith.constant 9.99999993E-9 : f32
    %add3A_613 = vector.broadcast %add3A_612 : f32 to vector<1x2048xf32>
    %add3A_614 = arith.addf %sqrt3A_611, %add3A_613 : vector<1x2048xf32>
    %div3A_615 = arith.constant 1.000000e+00 : f32
    %div3A_616 = vector.broadcast %div3A_615 : f32 to vector<1x2048xf32>
    %div3A_617 = arith.divf %div3A_616, %add3A_614 : vector<1x2048xf32>
    %swap3A_618 = arith.constant 2 : index
    %swap3A_619 = arith.constant 0 : index
    %swap3A_620 = arith.constant 0 : index
    %swap3A_621 = vector.load %arg5[%swap3A_618, %swap3A_619, %swap3A_620] : memref<8x5x2048xf32, #tpu.memory_space<vmem>>, vector<1x1x2048xf32>
    %swap3A_622 = vector.shape_cast %swap3A_621 : vector<1x1x2048xf32> to vector<1x2048xf32>
    %swap3A_623 = vector.shape_cast %add3A_510 : vector<1x2048xf32> to vector<1x1x2048xf32>
    tpu.vector_store %arg5[%swap3A_618, %swap3A_619, %swap3A_620], %swap3A_623 {strides = array<i32>} : memref<8x5x2048xf32, #tpu.memory_space<vmem>>, vector<1x1x2048xf32>,
    %swap3A_624 = arith.constant 2 : index
    %swap3A_625 = arith.constant 1 : index
    %swap3A_626 = arith.constant 0 : index
    %swap3A_627 = vector.load %arg5[%swap3A_624, %swap3A_625, %swap3A_626] : memref<8x5x2048xf32, #tpu.memory_space<vmem>>, vector<1x1x2048xf32>
    %swap3A_628 = vector.shape_cast %swap3A_627 : vector<1x1x2048xf32> to vector<1x2048xf32>
    %swap3A_629 = vector.shape_cast %convert_element_type3A_539 : vector<1x2048xf32> to vector<1x1x2048xf32>
    tpu.vector_store %arg5[%swap3A_624, %swap3A_625, %swap3A_626], %swap3A_629 {strides = array<i32>} : memref<8x5x2048xf32, #tpu.memory_space<vmem>>, vector<1x1x2048xf32>,
    %mul3A_630 = arith.mulf %sub3A_595, %div3A_617 : vector<1x2048xf32>
    %swap3A_631 = arith.constant 2 : index
    %swap3A_632 = arith.constant 2 : index
    %swap3A_633 = arith.constant 0 : index
    %swap3A_634 = vector.load %arg5[%swap3A_631, %swap3A_632, %swap3A_633] : memref<8x5x2048xf32, #tpu.memory_space<vmem>>, vector<1x1x2048xf32>
    %swap3A_635 = vector.shape_cast %swap3A_634 : vector<1x1x2048xf32> to vector<1x2048xf32>
    %swap3A_636 = vector.shape_cast %mul3A_630 : vector<1x2048xf32> to vector<1x1x2048xf32>
    tpu.vector_store %arg5[%swap3A_631, %swap3A_632, %swap3A_633], %swap3A_636 {strides = array<i32>} : memref<8x5x2048xf32, #tpu.memory_space<vmem>>, vector<1x1x2048xf32>,
    %mul3A_637 = arith.mulf %sub3A_600, %div3A_617 : vector<1x2048xf32>
    %swap3A_638 = arith.constant 2 : index
    %swap3A_639 = arith.constant 3 : index
    %swap3A_640 = arith.constant 0 : index
    %swap3A_641 = vector.load %arg5[%swap3A_638, %swap3A_639, %swap3A_640] : memref<8x5x2048xf32, #tpu.memory_space<vmem>>, vector<1x1x2048xf32>
    %swap3A_642 = vector.shape_cast %swap3A_641 : vector<1x1x2048xf32> to vector<1x2048xf32>
    %swap3A_643 = vector.shape_cast %mul3A_637 : vector<1x2048xf32> to vector<1x1x2048xf32>
    tpu.vector_store %arg5[%swap3A_638, %swap3A_639, %swap3A_640], %swap3A_643 {strides = array<i32>} : memref<8x5x2048xf32, #tpu.memory_space<vmem>>, vector<1x1x2048xf32>,
    %mul3A_644 = arith.mulf %sub3A_605, %div3A_617 : vector<1x2048xf32>
    %swap3A_645 = arith.constant 2 : index
    %swap3A_646 = arith.constant 4 : index
    %swap3A_647 = arith.constant 0 : index
    %swap3A_648 = vector.load %arg5[%swap3A_645, %swap3A_646, %swap3A_647] : memref<8x5x2048xf32, #tpu.memory_space<vmem>>, vector<1x1x2048xf32>
    %swap3A_649 = vector.shape_cast %swap3A_648 : vector<1x1x2048xf32> to vector<1x2048xf32>
    %swap3A_650 = vector.shape_cast %mul3A_644 : vector<1x2048xf32> to vector<1x1x2048xf32>
    tpu.vector_store %arg5[%swap3A_645, %swap3A_646, %swap3A_647], %swap3A_650 {strides = array<i32>} : memref<8x5x2048xf32, #tpu.memory_space<vmem>>, vector<1x1x2048xf32>,
    %get3A_651 = arith.constant 3 : index
    %get3A_652 = arith.constant 0 : index
    %get3A_653 = arith.constant 0 : index
    %get3A_654 = memref.load %arg2[%get3A_651, %get3A_652, %get3A_653] : memref<8x3x4xf32, #tpu.memory_space<smem>>
    %mul3A_655 = vector.broadcast %get3A_654 : f32 to vector<1x2048xf32>
    %mul3A_656 = arith.mulf %mul3A_655, %convert_element_type3A_8 : vector<1x2048xf32>
    %get3A_657 = arith.constant 3 : index
    %get3A_658 = arith.constant 0 : index
    %get3A_659 = arith.constant 1 : index
    %get3A_660 = memref.load %arg2[%get3A_657, %get3A_658, %get3A_659] : memref<8x3x4xf32, #tpu.memory_space<smem>>
    %mul3A_661 = vector.broadcast %get3A_660 : f32 to vector<1x2048xf32>
    %mul3A_662 = arith.mulf %mul3A_661, %convert_element_type3A_10 : vector<1x2048xf32>
    %add3A_663 = arith.addf %mul3A_656, %mul3A_662 : vector<1x2048xf32>
    %get3A_664 = arith.constant 3 : index
    %get3A_665 = arith.constant 0 : index
    %get3A_666 = arith.constant 2 : index
    %get3A_667 = memref.load %arg2[%get3A_664, %get3A_665, %get3A_666] : memref<8x3x4xf32, #tpu.memory_space<smem>>
    %mul3A_668 = vector.broadcast %get3A_667 : f32 to vector<1x2048xf32>
    %mul3A_669 = arith.mulf %mul3A_668, %convert_element_type3A_12 : vector<1x2048xf32>
    %get3A_670 = arith.constant 3 : index
    %get3A_671 = arith.constant 0 : index
    %get3A_672 = arith.constant 3 : index
    %get3A_673 = memref.load %arg2[%get3A_670, %get3A_671, %get3A_672] : memref<8x3x4xf32, #tpu.memory_space<smem>>
    %add3A_674 = vector.broadcast %get3A_673 : f32 to vector<1x2048xf32>
    %add3A_675 = arith.addf %mul3A_669, %add3A_674 : vector<1x2048xf32>
    %add3A_676 = arith.addf %add3A_663, %add3A_675 : vector<1x2048xf32>
    %get3A_677 = arith.constant 3 : index
    %get3A_678 = arith.constant 1 : index
    %get3A_679 = arith.constant 0 : index
    %get3A_680 = memref.load %arg2[%get3A_677, %get3A_678, %get3A_679] : memref<8x3x4xf32, #tpu.memory_space<smem>>
    %mul3A_681 = vector.broadcast %get3A_680 : f32 to vector<1x2048xf32>
    %mul3A_682 = arith.mulf %mul3A_681, %convert_element_type3A_8 : vector<1x2048xf32>
    %get3A_683 = arith.constant 3 : index
    %get3A_684 = arith.constant 1 : index
    %get3A_685 = arith.constant 1 : index
    %get3A_686 = memref.load %arg2[%get3A_683, %get3A_684, %get3A_685] : memref<8x3x4xf32, #tpu.memory_space<smem>>
    %mul3A_687 = vector.broadcast %get3A_686 : f32 to vector<1x2048xf32>
    %mul3A_688 = arith.mulf %mul3A_687, %convert_element_type3A_10 : vector<1x2048xf32>
    %add3A_689 = arith.addf %mul3A_682, %mul3A_688 : vector<1x2048xf32>
    %get3A_690 = arith.constant 3 : index
    %get3A_691 = arith.constant 1 : index
    %get3A_692 = arith.constant 2 : index
    %get3A_693 = memref.load %arg2[%get3A_690, %get3A_691, %get3A_692] : memref<8x3x4xf32, #tpu.memory_space<smem>>
    %mul3A_694 = vector.broadcast %get3A_693 : f32 to vector<1x2048xf32>
    %mul3A_695 = arith.mulf %mul3A_694, %convert_element_type3A_12 : vector<1x2048xf32>
    %get3A_696 = arith.constant 3 : index
    %get3A_697 = arith.constant 1 : index
    %get3A_698 = arith.constant 3 : index
    %get3A_699 = memref.load %arg2[%get3A_696, %get3A_697, %get3A_698] : memref<8x3x4xf32, #tpu.memory_space<smem>>
    %add3A_700 = vector.broadcast %get3A_699 : f32 to vector<1x2048xf32>
    %add3A_701 = arith.addf %mul3A_695, %add3A_700 : vector<1x2048xf32>
    %add3A_702 = arith.addf %add3A_689, %add3A_701 : vector<1x2048xf32>
    %get3A_703 = arith.constant 3 : index
    %get3A_704 = arith.constant 2 : index
    %get3A_705 = arith.constant 0 : index
    %get3A_706 = memref.load %arg2[%get3A_703, %get3A_704, %get3A_705] : memref<8x3x4xf32, #tpu.memory_space<smem>>
    %mul3A_707 = vector.broadcast %get3A_706 : f32 to vector<1x2048xf32>
    %mul3A_708 = arith.mulf %mul3A_707, %convert_element_type3A_8 : vector<1x2048xf32>
    %get3A_709 = arith.constant 3 : index
    %get3A_710 = arith.constant 2 : index
    %get3A_711 = arith.constant 1 : index
    %get3A_712 = memref.load %arg2[%get3A_709, %get3A_710, %get3A_711] : memref<8x3x4xf32, #tpu.memory_space<smem>>
    %mul3A_713 = vector.broadcast %get3A_712 : f32 to vector<1x2048xf32>
    %mul3A_714 = arith.mulf %mul3A_713, %convert_element_type3A_10 : vector<1x2048xf32>
    %add3A_715 = arith.addf %mul3A_708, %mul3A_714 : vector<1x2048xf32>
    %get3A_716 = arith.constant 3 : index
    %get3A_717 = arith.constant 2 : index
    %get3A_718 = arith.constant 2 : index
    %get3A_719 = memref.load %arg2[%get3A_716, %get3A_717, %get3A_718] : memref<8x3x4xf32, #tpu.memory_space<smem>>
    %mul3A_720 = vector.broadcast %get3A_719 : f32 to vector<1x2048xf32>
    %mul3A_721 = arith.mulf %mul3A_720, %convert_element_type3A_12 : vector<1x2048xf32>
    %get3A_722 = arith.constant 3 : index
    %get3A_723 = arith.constant 2 : index
    %get3A_724 = arith.constant 3 : index
    %get3A_725 = memref.load %arg2[%get3A_722, %get3A_723, %get3A_724] : memref<8x3x4xf32, #tpu.memory_space<smem>>
    %add3A_726 = vector.broadcast %get3A_725 : f32 to vector<1x2048xf32>
    %add3A_727 = arith.addf %mul3A_721, %add3A_726 : vector<1x2048xf32>
    %add3A_728 = arith.addf %add3A_715, %add3A_727 : vector<1x2048xf32>
    %add3A_729 = arith.constant 9.99999993E-9 : f32
    %add3A_730 = vector.broadcast %add3A_729 : f32 to vector<1x2048xf32>
    %add3A_731 = arith.addf %add3A_728, %add3A_730 : vector<1x2048xf32>
    %div3A_732 = arith.divf %add3A_676, %add3A_731 : vector<1x2048xf32>
    %add3A_733 = arith.constant 9.99999993E-9 : f32
    %add3A_734 = vector.broadcast %add3A_733 : f32 to vector<1x2048xf32>
    %add3A_735 = arith.addf %add3A_728, %add3A_734 : vector<1x2048xf32>
    %div3A_736 = arith.divf %add3A_702, %add3A_735 : vector<1x2048xf32>
    %gt3A_737 = arith.constant 0.000000e+00 : f32
    %gt3A_738 = vector.broadcast %gt3A_737 : f32 to vector<1x2048xf32>
    %gt3A_739 = arith.cmpf ogt, %add3A_728, %gt3A_738 : vector<1x2048xf32>
    %ge3A_740 = arith.constant 0.000000e+00 : f32
    %ge3A_741 = vector.broadcast %ge3A_740 : f32 to vector<1x2048xf32>
    %ge3A_742 = arith.cmpf oge, %div3A_732, %ge3A_741 : vector<1x2048xf32>
    %and3A_743 = arith.andi %gt3A_739, %ge3A_742 : vector<1x2048xi1>
    %le3A_744 = arith.constant 5.110000e+02 : f32
    %le3A_745 = vector.broadcast %le3A_744 : f32 to vector<1x2048xf32>
    %le3A_746 = arith.cmpf ole, %div3A_732, %le3A_745 : vector<1x2048xf32>
    %and3A_747 = arith.andi %and3A_743, %le3A_746 : vector<1x2048xi1>
    %ge3A_748 = arith.constant 0.000000e+00 : f32
    %ge3A_749 = vector.broadcast %ge3A_748 : f32 to vector<1x2048xf32>
    %ge3A_750 = arith.cmpf oge, %div3A_736, %ge3A_749 : vector<1x2048xf32>
    %and3A_751 = arith.andi %and3A_747, %ge3A_750 : vector<1x2048xi1>
    %le3A_752 = arith.constant 5.110000e+02 : f32
    %le3A_753 = vector.broadcast %le3A_752 : f32 to vector<1x2048xf32>
    %le3A_754 = arith.cmpf ole, %div3A_736, %le3A_753 : vector<1x2048xf32>
    %and3A_755 = arith.andi %and3A_751, %le3A_754 : vector<1x2048xi1>
    %convert_element_type3A_756 = arith.extui %and3A_755 : vector<1x2048xi1> to vector<1x2048xi32>
    %convert_element_type3A_757 = arith.sitofp %convert_element_type3A_756 : vector<1x2048xi32> to vector<1x2048xf32>
    %round3A_758 = math.roundeven %div3A_732 : vector<1x2048xf32>
    %jit3A_759 = arith.constant 0 : i32
    %jit3A_760 = arith.constant 511 : i32
    %convert_element_type3A_761 = arith.sitofp %jit3A_759 : i32 to f32
    %max3A_762 = vector.broadcast %convert_element_type3A_761 : f32 to vector<1x2048xf32>
    %max3A_763 = arith.maximumf %max3A_762, %round3A_758 : vector<1x2048xf32>
    %convert_element_type3A_764 = arith.sitofp %jit3A_760 : i32 to f32
    %min3A_765 = vector.broadcast %convert_element_type3A_764 : f32 to vector<1x2048xf32>
    %min3A_766 = arith.minimumf %min3A_765, %max3A_763 : vector<1x2048xf32>
    %convert_element_type3A_767 = arith.fptosi %min3A_766 : vector<1x2048xf32> to vector<1x2048xi32>
    %round3A_768 = math.roundeven %div3A_736 : vector<1x2048xf32>
    %jit3A_769 = arith.constant 0 : i32
    %jit3A_770 = arith.constant 511 : i32
    %convert_element_type3A_771 = arith.sitofp %jit3A_769 : i32 to f32
    %max3A_772 = vector.broadcast %convert_element_type3A_771 : f32 to vector<1x2048xf32>
    %max3A_773 = arith.maximumf %max3A_772, %round3A_768 : vector<1x2048xf32>
    %convert_element_type3A_774 = arith.sitofp %jit3A_770 : i32 to f32
    %min3A_775 = vector.broadcast %convert_element_type3A_774 : f32 to vector<1x2048xf32>
    %min3A_776 = arith.minimumf %min3A_775, %max3A_773 : vector<1x2048xf32>
    %convert_element_type3A_777 = arith.fptosi %min3A_776 : vector<1x2048xf32> to vector<1x2048xi32>
    %jit3A_778 = arith.constant 0 : i32
    %jit3A_779 = arith.constant 511 : i32
    %max3A_780 = vector.broadcast %jit3A_778 : i32 to vector<1x2048xi32>
    %max3A_781 = arith.maxsi %max3A_780, %convert_element_type3A_767 : vector<1x2048xi32>
    %min3A_782 = vector.broadcast %jit3A_779 : i32 to vector<1x2048xi32>
    %min3A_783 = arith.minsi %min3A_782, %max3A_781 : vector<1x2048xi32>
    %jit3A_784 = arith.constant 0 : i32
    %jit3A_785 = arith.constant 511 : i32
    %max3A_786 = vector.broadcast %jit3A_784 : i32 to vector<1x2048xi32>
    %max3A_787 = arith.maxsi %max3A_786, %convert_element_type3A_777 : vector<1x2048xi32>
    %min3A_788 = vector.broadcast %jit3A_785 : i32 to vector<1x2048xi32>
    %min3A_789 = arith.minsi %min3A_788, %max3A_787 : vector<1x2048xi32>
    %iota3A_790 = tpu.iota {dimensions = array<i32: 1>} : vector<1x2048xi32>
    %mul3A_791 = arith.constant 2048 : i32
    %mul3A_792 = arith.muli %arg0, %mul3A_791 : i32
    %add3A_793 = vector.broadcast %mul3A_792 : i32 to vector<1x2048xi32>
    %add3A_794 = arith.addi %iota3A_790, %add3A_793 : vector<1x2048xi32>
    %mul3A_795 = arith.constant 512 : i32
    %mul3A_796 = vector.broadcast %mul3A_795 : i32 to vector<1x2048xi32>
    %mul3A_797 = arith.muli %min3A_789, %mul3A_796 : vector<1x2048xi32>
    %add3A_798 = arith.constant 786432 : i32
    %add3A_799 = vector.broadcast %add3A_798 : i32 to vector<1x2048xi32>
    %add3A_800 = arith.addi %add3A_799, %mul3A_797 : vector<1x2048xi32>
    %add3A_801 = arith.addi %add3A_800, %min3A_783 : vector<1x2048xi32>
    %sub3A_802 = arith.constant -1 : i32
    %sub3A_803 = vector.broadcast %sub3A_802 : i32 to vector<1x2048xi32>
    %sub3A_804 = arith.subi %sub3A_803, %add3A_794 : vector<1x2048xi32>
    %select_n3A_805 = arith.select %and3A_755, %add3A_801, %sub3A_804 : vector<1x2048xi1>, vector<1x2048xi32>
    %swap3A_806 = arith.constant 3 : index
    %swap3A_807 = arith.constant 0 : index
    %swap3A_808 = vector.load %arg4[%swap3A_806, %swap3A_807] : memref<8x2048xi32, #tpu.memory_space<vmem>>, vector<1x2048xi32>
    tpu.vector_store %arg4[%swap3A_806, %swap3A_807], %select_n3A_805 {strides = array<i32>} : memref<8x2048xi32, #tpu.memory_space<vmem>>, vector<1x2048xi32>,
    %get3A_809 = arith.constant 3 : index
    %get3A_810 = arith.constant 0 : index
    %get3A_811 = memref.load %arg3[%get3A_809, %get3A_810] : memref<8x3xf32, #tpu.memory_space<smem>>
    %sub3A_812 = vector.broadcast %get3A_811 : f32 to vector<1x2048xf32>
    %sub3A_813 = arith.subf %get3A_1, %sub3A_812 : vector<1x2048xf32>
    %get3A_814 = arith.constant 3 : index
    %get3A_815 = arith.constant 1 : index
    %get3A_816 = memref.load %arg3[%get3A_814, %get3A_815] : memref<8x3xf32, #tpu.memory_space<smem>>
    %sub3A_817 = vector.broadcast %get3A_816 : f32 to vector<1x2048xf32>
    %sub3A_818 = arith.subf %get3A_4, %sub3A_817 : vector<1x2048xf32>
    %get3A_819 = arith.constant 3 : index
    %get3A_820 = arith.constant 2 : index
    %get3A_821 = memref.load %arg3[%get3A_819, %get3A_820] : memref<8x3xf32, #tpu.memory_space<smem>>
    %sub3A_822 = vector.broadcast %get3A_821 : f32 to vector<1x2048xf32>
    %sub3A_823 = arith.subf %get3A_7, %sub3A_822 : vector<1x2048xf32>
    %mul3A_824 = arith.mulf %sub3A_813, %sub3A_813 : vector<1x2048xf32>
    %mul3A_825 = arith.mulf %sub3A_818, %sub3A_818 : vector<1x2048xf32>
    %add3A_826 = arith.addf %mul3A_824, %mul3A_825 : vector<1x2048xf32>
    %mul3A_827 = arith.mulf %sub3A_823, %sub3A_823 : vector<1x2048xf32>
    %add3A_828 = arith.addf %add3A_826, %mul3A_827 : vector<1x2048xf32>
    %sqrt3A_829 = math.sqrt %add3A_828 : vector<1x2048xf32>
    %add3A_830 = arith.constant 9.99999993E-9 : f32
    %add3A_831 = vector.broadcast %add3A_830 : f32 to vector<1x2048xf32>
    %add3A_832 = arith.addf %sqrt3A_829, %add3A_831 : vector<1x2048xf32>
    %div3A_833 = arith.constant 1.000000e+00 : f32
    %div3A_834 = vector.broadcast %div3A_833 : f32 to vector<1x2048xf32>
    %div3A_835 = arith.divf %div3A_834, %add3A_832 : vector<1x2048xf32>
    %swap3A_836 = arith.constant 3 : index
    %swap3A_837 = arith.constant 0 : index
    %swap3A_838 = arith.constant 0 : index
    %swap3A_839 = vector.load %arg5[%swap3A_836, %swap3A_837, %swap3A_838] : memref<8x5x2048xf32, #tpu.memory_space<vmem>>, vector<1x1x2048xf32>
    %swap3A_840 = vector.shape_cast %swap3A_839 : vector<1x1x2048xf32> to vector<1x2048xf32>
    %swap3A_841 = vector.shape_cast %add3A_728 : vector<1x2048xf32> to vector<1x1x2048xf32>
    tpu.vector_store %arg5[%swap3A_836, %swap3A_837, %swap3A_838], %swap3A_841 {strides = array<i32>} : memref<8x5x2048xf32, #tpu.memory_space<vmem>>, vector<1x1x2048xf32>,
    %swap3A_842 = arith.constant 3 : index
    %swap3A_843 = arith.constant 1 : index
    %swap3A_844 = arith.constant 0 : index
    %swap3A_845 = vector.load %arg5[%swap3A_842, %swap3A_843, %swap3A_844] : memref<8x5x2048xf32, #tpu.memory_space<vmem>>, vector<1x1x2048xf32>
    %swap3A_846 = vector.shape_cast %swap3A_845 : vector<1x1x2048xf32> to vector<1x2048xf32>
    %swap3A_847 = vector.shape_cast %convert_element_type3A_757 : vector<1x2048xf32> to vector<1x1x2048xf32>
    tpu.vector_store %arg5[%swap3A_842, %swap3A_843, %swap3A_844], %swap3A_847 {strides = array<i32>} : memref<8x5x2048xf32, #tpu.memory_space<vmem>>, vector<1x1x2048xf32>,
    %mul3A_848 = arith.mulf %sub3A_813, %div3A_835 : vector<1x2048xf32>
    %swap3A_849 = arith.constant 3 : index
    %swap3A_850 = arith.constant 2 : index
    %swap3A_851 = arith.constant 0 : index
    %swap3A_852 = vector.load %arg5[%swap3A_849, %swap3A_850, %swap3A_851] : memref<8x5x2048xf32, #tpu.memory_space<vmem>>, vector<1x1x2048xf32>
    %swap3A_853 = vector.shape_cast %swap3A_852 : vector<1x1x2048xf32> to vector<1x2048xf32>
    %swap3A_854 = vector.shape_cast %mul3A_848 : vector<1x2048xf32> to vector<1x1x2048xf32>
    tpu.vector_store %arg5[%swap3A_849, %swap3A_850, %swap3A_851], %swap3A_854 {strides = array<i32>} : memref<8x5x2048xf32, #tpu.memory_space<vmem>>, vector<1x1x2048xf32>,
    %mul3A_855 = arith.mulf %sub3A_818, %div3A_835 : vector<1x2048xf32>
    %swap3A_856 = arith.constant 3 : index
    %swap3A_857 = arith.constant 3 : index
    %swap3A_858 = arith.constant 0 : index
    %swap3A_859 = vector.load %arg5[%swap3A_856, %swap3A_857, %swap3A_858] : memref<8x5x2048xf32, #tpu.memory_space<vmem>>, vector<1x1x2048xf32>
    %swap3A_860 = vector.shape_cast %swap3A_859 : vector<1x1x2048xf32> to vector<1x2048xf32>
    %swap3A_861 = vector.shape_cast %mul3A_855 : vector<1x2048xf32> to vector<1x1x2048xf32>
    tpu.vector_store %arg5[%swap3A_856, %swap3A_857, %swap3A_858], %swap3A_861 {strides = array<i32>} : memref<8x5x2048xf32, #tpu.memory_space<vmem>>, vector<1x1x2048xf32>,
    %mul3A_862 = arith.mulf %sub3A_823, %div3A_835 : vector<1x2048xf32>
    %swap3A_863 = arith.constant 3 : index
    %swap3A_864 = arith.constant 4 : index
    %swap3A_865 = arith.constant 0 : index
    %swap3A_866 = vector.load %arg5[%swap3A_863, %swap3A_864, %swap3A_865] : memref<8x5x2048xf32, #tpu.memory_space<vmem>>, vector<1x1x2048xf32>
    %swap3A_867 = vector.shape_cast %swap3A_866 : vector<1x1x2048xf32> to vector<1x2048xf32>
    %swap3A_868 = vector.shape_cast %mul3A_862 : vector<1x2048xf32> to vector<1x1x2048xf32>
    tpu.vector_store %arg5[%swap3A_863, %swap3A_864, %swap3A_865], %swap3A_868 {strides = array<i32>} : memref<8x5x2048xf32, #tpu.memory_space<vmem>>, vector<1x1x2048xf32>,
    %get3A_869 = arith.constant 4 : index
    %get3A_870 = arith.constant 0 : index
    %get3A_871 = arith.constant 0 : index
    %get3A_872 = memref.load %arg2[%get3A_869, %get3A_870, %get3A_871] : memref<8x3x4xf32, #tpu.memory_space<smem>>
    %mul3A_873 = vector.broadcast %get3A_872 : f32 to vector<1x2048xf32>
    %mul3A_874 = arith.mulf %mul3A_873, %convert_element_type3A_8 : vector<1x2048xf32>
    %get3A_875 = arith.constant 4 : index
    %get3A_876 = arith.constant 0 : index
    %get3A_877 = arith.constant 1 : index
    %get3A_878 = memref.load %arg2[%get3A_875, %get3A_876, %get3A_877] : memref<8x3x4xf32, #tpu.memory_space<smem>>
    %mul3A_879 = vector.broadcast %get3A_878 : f32 to vector<1x2048xf32>
    %mul3A_880 = arith.mulf %mul3A_879, %convert_element_type3A_10 : vector<1x2048xf32>
    %add3A_881 = arith.addf %mul3A_874, %mul3A_880 : vector<1x2048xf32>
    %get3A_882 = arith.constant 4 : index
    %get3A_883 = arith.constant 0 : index
    %get3A_884 = arith.constant 2 : index
    %get3A_885 = memref.load %arg2[%get3A_882, %get3A_883, %get3A_884] : memref<8x3x4xf32, #tpu.memory_space<smem>>
    %mul3A_886 = vector.broadcast %get3A_885 : f32 to vector<1x2048xf32>
    %mul3A_887 = arith.mulf %mul3A_886, %convert_element_type3A_12 : vector<1x2048xf32>
    %get3A_888 = arith.constant 4 : index
    %get3A_889 = arith.constant 0 : index
    %get3A_890 = arith.constant 3 : index
    %get3A_891 = memref.load %arg2[%get3A_888, %get3A_889, %get3A_890] : memref<8x3x4xf32, #tpu.memory_space<smem>>
    %add3A_892 = vector.broadcast %get3A_891 : f32 to vector<1x2048xf32>
    %add3A_893 = arith.addf %mul3A_887, %add3A_892 : vector<1x2048xf32>
    %add3A_894 = arith.addf %add3A_881, %add3A_893 : vector<1x2048xf32>
    %get3A_895 = arith.constant 4 : index
    %get3A_896 = arith.constant 1 : index
    %get3A_897 = arith.constant 0 : index
    %get3A_898 = memref.load %arg2[%get3A_895, %get3A_896, %get3A_897] : memref<8x3x4xf32, #tpu.memory_space<smem>>
    %mul3A_899 = vector.broadcast %get3A_898 : f32 to vector<1x2048xf32>
    %mul3A_900 = arith.mulf %mul3A_899, %convert_element_type3A_8 : vector<1x2048xf32>
    %get3A_901 = arith.constant 4 : index
    %get3A_902 = arith.constant 1 : index
    %get3A_903 = arith.constant 1 : index
    %get3A_904 = memref.load %arg2[%get3A_901, %get3A_902, %get3A_903] : memref<8x3x4xf32, #tpu.memory_space<smem>>
    %mul3A_905 = vector.broadcast %get3A_904 : f32 to vector<1x2048xf32>
    %mul3A_906 = arith.mulf %mul3A_905, %convert_element_type3A_10 : vector<1x2048xf32>
    %add3A_907 = arith.addf %mul3A_900, %mul3A_906 : vector<1x2048xf32>
    %get3A_908 = arith.constant 4 : index
    %get3A_909 = arith.constant 1 : index
    %get3A_910 = arith.constant 2 : index
    %get3A_911 = memref.load %arg2[%get3A_908, %get3A_909, %get3A_910] : memref<8x3x4xf32, #tpu.memory_space<smem>>
    %mul3A_912 = vector.broadcast %get3A_911 : f32 to vector<1x2048xf32>
    %mul3A_913 = arith.mulf %mul3A_912, %convert_element_type3A_12 : vector<1x2048xf32>
    %get3A_914 = arith.constant 4 : index
    %get3A_915 = arith.constant 1 : index
    %get3A_916 = arith.constant 3 : index
    %get3A_917 = memref.load %arg2[%get3A_914, %get3A_915, %get3A_916] : memref<8x3x4xf32, #tpu.memory_space<smem>>
    %add3A_918 = vector.broadcast %get3A_917 : f32 to vector<1x2048xf32>
    %add3A_919 = arith.addf %mul3A_913, %add3A_918 : vector<1x2048xf32>
    %add3A_920 = arith.addf %add3A_907, %add3A_919 : vector<1x2048xf32>
    %get3A_921 = arith.constant 4 : index
    %get3A_922 = arith.constant 2 : index
    %get3A_923 = arith.constant 0 : index
    %get3A_924 = memref.load %arg2[%get3A_921, %get3A_922, %get3A_923] : memref<8x3x4xf32, #tpu.memory_space<smem>>
    %mul3A_925 = vector.broadcast %get3A_924 : f32 to vector<1x2048xf32>
    %mul3A_926 = arith.mulf %mul3A_925, %convert_element_type3A_8 : vector<1x2048xf32>
    %get3A_927 = arith.constant 4 : index
    %get3A_928 = arith.constant 2 : index
    %get3A_929 = arith.constant 1 : index
    %get3A_930 = memref.load %arg2[%get3A_927, %get3A_928, %get3A_929] : memref<8x3x4xf32, #tpu.memory_space<smem>>
    %mul3A_931 = vector.broadcast %get3A_930 : f32 to vector<1x2048xf32>
    %mul3A_932 = arith.mulf %mul3A_931, %convert_element_type3A_10 : vector<1x2048xf32>
    %add3A_933 = arith.addf %mul3A_926, %mul3A_932 : vector<1x2048xf32>
    %get3A_934 = arith.constant 4 : index
    %get3A_935 = arith.constant 2 : index
    %get3A_936 = arith.constant 2 : index
    %get3A_937 = memref.load %arg2[%get3A_934, %get3A_935, %get3A_936] : memref<8x3x4xf32, #tpu.memory_space<smem>>
    %mul3A_938 = vector.broadcast %get3A_937 : f32 to vector<1x2048xf32>
    %mul3A_939 = arith.mulf %mul3A_938, %convert_element_type3A_12 : vector<1x2048xf32>
    %get3A_940 = arith.constant 4 : index
    %get3A_941 = arith.constant 2 : index
    %get3A_942 = arith.constant 3 : index
    %get3A_943 = memref.load %arg2[%get3A_940, %get3A_941, %get3A_942] : memref<8x3x4xf32, #tpu.memory_space<smem>>
    %add3A_944 = vector.broadcast %get3A_943 : f32 to vector<1x2048xf32>
    %add3A_945 = arith.addf %mul3A_939, %add3A_944 : vector<1x2048xf32>
    %add3A_946 = arith.addf %add3A_933, %add3A_945 : vector<1x2048xf32>
    %add3A_947 = arith.constant 9.99999993E-9 : f32
    %add3A_948 = vector.broadcast %add3A_947 : f32 to vector<1x2048xf32>
    %add3A_949 = arith.addf %add3A_946, %add3A_948 : vector<1x2048xf32>
    %div3A_950 = arith.divf %add3A_894, %add3A_949 : vector<1x2048xf32>
    %add3A_951 = arith.constant 9.99999993E-9 : f32
    %add3A_952 = vector.broadcast %add3A_951 : f32 to vector<1x2048xf32>
    %add3A_953 = arith.addf %add3A_946, %add3A_952 : vector<1x2048xf32>
    %div3A_954 = arith.divf %add3A_920, %add3A_953 : vector<1x2048xf32>
    %gt3A_955 = arith.constant 0.000000e+00 : f32
    %gt3A_956 = vector.broadcast %gt3A_955 : f32 to vector<1x2048xf32>
    %gt3A_957 = arith.cmpf ogt, %add3A_946, %gt3A_956 : vector<1x2048xf32>
    %ge3A_958 = arith.constant 0.000000e+00 : f32
    %ge3A_959 = vector.broadcast %ge3A_958 : f32 to vector<1x2048xf32>
    %ge3A_960 = arith.cmpf oge, %div3A_950, %ge3A_959 : vector<1x2048xf32>
    %and3A_961 = arith.andi %gt3A_957, %ge3A_960 : vector<1x2048xi1>
    %le3A_962 = arith.constant 5.110000e+02 : f32
    %le3A_963 = vector.broadcast %le3A_962 : f32 to vector<1x2048xf32>
    %le3A_964 = arith.cmpf ole, %div3A_950, %le3A_963 : vector<1x2048xf32>
    %and3A_965 = arith.andi %and3A_961, %le3A_964 : vector<1x2048xi1>
    %ge3A_966 = arith.constant 0.000000e+00 : f32
    %ge3A_967 = vector.broadcast %ge3A_966 : f32 to vector<1x2048xf32>
    %ge3A_968 = arith.cmpf oge, %div3A_954, %ge3A_967 : vector<1x2048xf32>
    %and3A_969 = arith.andi %and3A_965, %ge3A_968 : vector<1x2048xi1>
    %le3A_970 = arith.constant 5.110000e+02 : f32
    %le3A_971 = vector.broadcast %le3A_970 : f32 to vector<1x2048xf32>
    %le3A_972 = arith.cmpf ole, %div3A_954, %le3A_971 : vector<1x2048xf32>
    %and3A_973 = arith.andi %and3A_969, %le3A_972 : vector<1x2048xi1>
    %convert_element_type3A_974 = arith.extui %and3A_973 : vector<1x2048xi1> to vector<1x2048xi32>
    %convert_element_type3A_975 = arith.sitofp %convert_element_type3A_974 : vector<1x2048xi32> to vector<1x2048xf32>
    %round3A_976 = math.roundeven %div3A_950 : vector<1x2048xf32>
    %jit3A_977 = arith.constant 0 : i32
    %jit3A_978 = arith.constant 511 : i32
    %convert_element_type3A_979 = arith.sitofp %jit3A_977 : i32 to f32
    %max3A_980 = vector.broadcast %convert_element_type3A_979 : f32 to vector<1x2048xf32>
    %max3A_981 = arith.maximumf %max3A_980, %round3A_976 : vector<1x2048xf32>
    %convert_element_type3A_982 = arith.sitofp %jit3A_978 : i32 to f32
    %min3A_983 = vector.broadcast %convert_element_type3A_982 : f32 to vector<1x2048xf32>
    %min3A_984 = arith.minimumf %min3A_983, %max3A_981 : vector<1x2048xf32>
    %convert_element_type3A_985 = arith.fptosi %min3A_984 : vector<1x2048xf32> to vector<1x2048xi32>
    %round3A_986 = math.roundeven %div3A_954 : vector<1x2048xf32>
    %jit3A_987 = arith.constant 0 : i32
    %jit3A_988 = arith.constant 511 : i32
    %convert_element_type3A_989 = arith.sitofp %jit3A_987 : i32 to f32
    %max3A_990 = vector.broadcast %convert_element_type3A_989 : f32 to vector<1x2048xf32>
    %max3A_991 = arith.maximumf %max3A_990, %round3A_986 : vector<1x2048xf32>
    %convert_element_type3A_992 = arith.sitofp %jit3A_988 : i32 to f32
    %min3A_993 = vector.broadcast %convert_element_type3A_992 : f32 to vector<1x2048xf32>
    %min3A_994 = arith.minimumf %min3A_993, %max3A_991 : vector<1x2048xf32>
    %convert_element_type3A_995 = arith.fptosi %min3A_994 : vector<1x2048xf32> to vector<1x2048xi32>
    %jit3A_996 = arith.constant 0 : i32
    %jit3A_997 = arith.constant 511 : i32
    %max3A_998 = vector.broadcast %jit3A_996 : i32 to vector<1x2048xi32>
    %max3A_999 = arith.maxsi %max3A_998, %convert_element_type3A_985 : vector<1x2048xi32>
    %min3A_1000 = vector.broadcast %jit3A_997 : i32 to vector<1x2048xi32>
    %min3A_1001 = arith.minsi %min3A_1000, %max3A_999 : vector<1x2048xi32>
    %jit3A_1002 = arith.constant 0 : i32
    %jit3A_1003 = arith.constant 511 : i32
    %max3A_1004 = vector.broadcast %jit3A_1002 : i32 to vector<1x2048xi32>
    %max3A_1005 = arith.maxsi %max3A_1004, %convert_element_type3A_995 : vector<1x2048xi32>
    %min3A_1006 = vector.broadcast %jit3A_1003 : i32 to vector<1x2048xi32>
    %min3A_1007 = arith.minsi %min3A_1006, %max3A_1005 : vector<1x2048xi32>
    %iota3A_1008 = tpu.iota {dimensions = array<i32: 1>} : vector<1x2048xi32>
    %mul3A_1009 = arith.constant 2048 : i32
    %mul3A_1010 = arith.muli %arg0, %mul3A_1009 : i32
    %add3A_1011 = vector.broadcast %mul3A_1010 : i32 to vector<1x2048xi32>
    %add3A_1012 = arith.addi %iota3A_1008, %add3A_1011 : vector<1x2048xi32>
    %mul3A_1013 = arith.constant 512 : i32
    %mul3A_1014 = vector.broadcast %mul3A_1013 : i32 to vector<1x2048xi32>
    %mul3A_1015 = arith.muli %min3A_1007, %mul3A_1014 : vector<1x2048xi32>
    %add3A_1016 = arith.constant 1048576 : i32
    %add3A_1017 = vector.broadcast %add3A_1016 : i32 to vector<1x2048xi32>
    %add3A_1018 = arith.addi %add3A_1017, %mul3A_1015 : vector<1x2048xi32>
    %add3A_1019 = arith.addi %add3A_1018, %min3A_1001 : vector<1x2048xi32>
    %sub3A_1020 = arith.constant -1 : i32
    %sub3A_1021 = vector.broadcast %sub3A_1020 : i32 to vector<1x2048xi32>
    %sub3A_1022 = arith.subi %sub3A_1021, %add3A_1012 : vector<1x2048xi32>
    %select_n3A_1023 = arith.select %and3A_973, %add3A_1019, %sub3A_1022 : vector<1x2048xi1>, vector<1x2048xi32>
    %swap3A_1024 = arith.constant 4 : index
    %swap3A_1025 = arith.constant 0 : index
    %swap3A_1026 = vector.load %arg4[%swap3A_1024, %swap3A_1025] : memref<8x2048xi32, #tpu.memory_space<vmem>>, vector<1x2048xi32>
    tpu.vector_store %arg4[%swap3A_1024, %swap3A_1025], %select_n3A_1023 {strides = array<i32>} : memref<8x2048xi32, #tpu.memory_space<vmem>>, vector<1x2048xi32>,
    %get3A_1027 = arith.constant 4 : index
    %get3A_1028 = arith.constant 0 : index
    %get3A_1029 = memref.load %arg3[%get3A_1027, %get3A_1028] : memref<8x3xf32, #tpu.memory_space<smem>>
    %sub3A_1030 = vector.broadcast %get3A_1029 : f32 to vector<1x2048xf32>
    %sub3A_1031 = arith.subf %get3A_1, %sub3A_1030 : vector<1x2048xf32>
    %get3A_1032 = arith.constant 4 : index
    %get3A_1033 = arith.constant 1 : index
    %get3A_1034 = memref.load %arg3[%get3A_1032, %get3A_1033] : memref<8x3xf32, #tpu.memory_space<smem>>
    %sub3A_1035 = vector.broadcast %get3A_1034 : f32 to vector<1x2048xf32>
    %sub3A_1036 = arith.subf %get3A_4, %sub3A_1035 : vector<1x2048xf32>
    %get3A_1037 = arith.constant 4 : index
    %get3A_1038 = arith.constant 2 : index
    %get3A_1039 = memref.load %arg3[%get3A_1037, %get3A_1038] : memref<8x3xf32, #tpu.memory_space<smem>>
    %sub3A_1040 = vector.broadcast %get3A_1039 : f32 to vector<1x2048xf32>
    %sub3A_1041 = arith.subf %get3A_7, %sub3A_1040 : vector<1x2048xf32>
    %mul3A_1042 = arith.mulf %sub3A_1031, %sub3A_1031 : vector<1x2048xf32>
    %mul3A_1043 = arith.mulf %sub3A_1036, %sub3A_1036 : vector<1x2048xf32>
    %add3A_1044 = arith.addf %mul3A_1042, %mul3A_1043 : vector<1x2048xf32>
    %mul3A_1045 = arith.mulf %sub3A_1041, %sub3A_1041 : vector<1x2048xf32>
    %add3A_1046 = arith.addf %add3A_1044, %mul3A_1045 : vector<1x2048xf32>
    %sqrt3A_1047 = math.sqrt %add3A_1046 : vector<1x2048xf32>
    %add3A_1048 = arith.constant 9.99999993E-9 : f32
    %add3A_1049 = vector.broadcast %add3A_1048 : f32 to vector<1x2048xf32>
    %add3A_1050 = arith.addf %sqrt3A_1047, %add3A_1049 : vector<1x2048xf32>
    %div3A_1051 = arith.constant 1.000000e+00 : f32
    %div3A_1052 = vector.broadcast %div3A_1051 : f32 to vector<1x2048xf32>
    %div3A_1053 = arith.divf %div3A_1052, %add3A_1050 : vector<1x2048xf32>
    %swap3A_1054 = arith.constant 4 : index
    %swap3A_1055 = arith.constant 0 : index
    %swap3A_1056 = arith.constant 0 : index
    %swap3A_1057 = vector.load %arg5[%swap3A_1054, %swap3A_1055, %swap3A_1056] : memref<8x5x2048xf32, #tpu.memory_space<vmem>>, vector<1x1x2048xf32>
    %swap3A_1058 = vector.shape_cast %swap3A_1057 : vector<1x1x2048xf32> to vector<1x2048xf32>
    %swap3A_1059 = vector.shape_cast %add3A_946 : vector<1x2048xf32> to vector<1x1x2048xf32>
    tpu.vector_store %arg5[%swap3A_1054, %swap3A_1055, %swap3A_1056], %swap3A_1059 {strides = array<i32>} : memref<8x5x2048xf32, #tpu.memory_space<vmem>>, vector<1x1x2048xf32>,
    %swap3A_1060 = arith.constant 4 : index
    %swap3A_1061 = arith.constant 1 : index
    %swap3A_1062 = arith.constant 0 : index
    %swap3A_1063 = vector.load %arg5[%swap3A_1060, %swap3A_1061, %swap3A_1062] : memref<8x5x2048xf32, #tpu.memory_space<vmem>>, vector<1x1x2048xf32>
    %swap3A_1064 = vector.shape_cast %swap3A_1063 : vector<1x1x2048xf32> to vector<1x2048xf32>
    %swap3A_1065 = vector.shape_cast %convert_element_type3A_975 : vector<1x2048xf32> to vector<1x1x2048xf32>
    tpu.vector_store %arg5[%swap3A_1060, %swap3A_1061, %swap3A_1062], %swap3A_1065 {strides = array<i32>} : memref<8x5x2048xf32, #tpu.memory_space<vmem>>, vector<1x1x2048xf32>,
    %mul3A_1066 = arith.mulf %sub3A_1031, %div3A_1053 : vector<1x2048xf32>
    %swap3A_1067 = arith.constant 4 : index
    %swap3A_1068 = arith.constant 2 : index
    %swap3A_1069 = arith.constant 0 : index
    %swap3A_1070 = vector.load %arg5[%swap3A_1067, %swap3A_1068, %swap3A_1069] : memref<8x5x2048xf32, #tpu.memory_space<vmem>>, vector<1x1x2048xf32>
    %swap3A_1071 = vector.shape_cast %swap3A_1070 : vector<1x1x2048xf32> to vector<1x2048xf32>
    %swap3A_1072 = vector.shape_cast %mul3A_1066 : vector<1x2048xf32> to vector<1x1x2048xf32>
    tpu.vector_store %arg5[%swap3A_1067, %swap3A_1068, %swap3A_1069], %swap3A_1072 {strides = array<i32>} : memref<8x5x2048xf32, #tpu.memory_space<vmem>>, vector<1x1x2048xf32>,
    %mul3A_1073 = arith.mulf %sub3A_1036, %div3A_1053 : vector<1x2048xf32>
    %swap3A_1074 = arith.constant 4 : index
    %swap3A_1075 = arith.constant 3 : index
    %swap3A_1076 = arith.constant 0 : index
    %swap3A_1077 = vector.load %arg5[%swap3A_1074, %swap3A_1075, %swap3A_1076] : memref<8x5x2048xf32, #tpu.memory_space<vmem>>, vector<1x1x2048xf32>
    %swap3A_1078 = vector.shape_cast %swap3A_1077 : vector<1x1x2048xf32> to vector<1x2048xf32>
    %swap3A_1079 = vector.shape_cast %mul3A_1073 : vector<1x2048xf32> to vector<1x1x2048xf32>
    tpu.vector_store %arg5[%swap3A_1074, %swap3A_1075, %swap3A_1076], %swap3A_1079 {strides = array<i32>} : memref<8x5x2048xf32, #tpu.memory_space<vmem>>, vector<1x1x2048xf32>,
    %mul3A_1080 = arith.mulf %sub3A_1041, %div3A_1053 : vector<1x2048xf32>
    %swap3A_1081 = arith.constant 4 : index
    %swap3A_1082 = arith.constant 4 : index
    %swap3A_1083 = arith.constant 0 : index
    %swap3A_1084 = vector.load %arg5[%swap3A_1081, %swap3A_1082, %swap3A_1083] : memref<8x5x2048xf32, #tpu.memory_space<vmem>>, vector<1x1x2048xf32>
    %swap3A_1085 = vector.shape_cast %swap3A_1084 : vector<1x1x2048xf32> to vector<1x2048xf32>
    %swap3A_1086 = vector.shape_cast %mul3A_1080 : vector<1x2048xf32> to vector<1x1x2048xf32>
    tpu.vector_store %arg5[%swap3A_1081, %swap3A_1082, %swap3A_1083], %swap3A_1086 {strides = array<i32>} : memref<8x5x2048xf32, #tpu.memory_space<vmem>>, vector<1x1x2048xf32>,
    %get3A_1087 = arith.constant 5 : index
    %get3A_1088 = arith.constant 0 : index
    %get3A_1089 = arith.constant 0 : index
    %get3A_1090 = memref.load %arg2[%get3A_1087, %get3A_1088, %get3A_1089] : memref<8x3x4xf32, #tpu.memory_space<smem>>
    %mul3A_1091 = vector.broadcast %get3A_1090 : f32 to vector<1x2048xf32>
    %mul3A_1092 = arith.mulf %mul3A_1091, %convert_element_type3A_8 : vector<1x2048xf32>
    %get3A_1093 = arith.constant 5 : index
    %get3A_1094 = arith.constant 0 : index
    %get3A_1095 = arith.constant 1 : index
    %get3A_1096 = memref.load %arg2[%get3A_1093, %get3A_1094, %get3A_1095] : memref<8x3x4xf32, #tpu.memory_space<smem>>
    %mul3A_1097 = vector.broadcast %get3A_1096 : f32 to vector<1x2048xf32>
    %mul3A_1098 = arith.mulf %mul3A_1097, %convert_element_type3A_10 : vector<1x2048xf32>
    %add3A_1099 = arith.addf %mul3A_1092, %mul3A_1098 : vector<1x2048xf32>
    %get3A_1100 = arith.constant 5 : index
    %get3A_1101 = arith.constant 0 : index
    %get3A_1102 = arith.constant 2 : index
    %get3A_1103 = memref.load %arg2[%get3A_1100, %get3A_1101, %get3A_1102] : memref<8x3x4xf32, #tpu.memory_space<smem>>
    %mul3A_1104 = vector.broadcast %get3A_1103 : f32 to vector<1x2048xf32>
    %mul3A_1105 = arith.mulf %mul3A_1104, %convert_element_type3A_12 : vector<1x2048xf32>
    %get3A_1106 = arith.constant 5 : index
    %get3A_1107 = arith.constant 0 : index
    %get3A_1108 = arith.constant 3 : index
    %get3A_1109 = memref.load %arg2[%get3A_1106, %get3A_1107, %get3A_1108] : memref<8x3x4xf32, #tpu.memory_space<smem>>
    %add3A_1110 = vector.broadcast %get3A_1109 : f32 to vector<1x2048xf32>
    %add3A_1111 = arith.addf %mul3A_1105, %add3A_1110 : vector<1x2048xf32>
    %add3A_1112 = arith.addf %add3A_1099, %add3A_1111 : vector<1x2048xf32>
    %get3A_1113 = arith.constant 5 : index
    %get3A_1114 = arith.constant 1 : index
    %get3A_1115 = arith.constant 0 : index
    %get3A_1116 = memref.load %arg2[%get3A_1113, %get3A_1114, %get3A_1115] : memref<8x3x4xf32, #tpu.memory_space<smem>>
    %mul3A_1117 = vector.broadcast %get3A_1116 : f32 to vector<1x2048xf32>
    %mul3A_1118 = arith.mulf %mul3A_1117, %convert_element_type3A_8 : vector<1x2048xf32>
    %get3A_1119 = arith.constant 5 : index
    %get3A_1120 = arith.constant 1 : index
    %get3A_1121 = arith.constant 1 : index
    %get3A_1122 = memref.load %arg2[%get3A_1119, %get3A_1120, %get3A_1121] : memref<8x3x4xf32, #tpu.memory_space<smem>>
    %mul3A_1123 = vector.broadcast %get3A_1122 : f32 to vector<1x2048xf32>
    %mul3A_1124 = arith.mulf %mul3A_1123, %convert_element_type3A_10 : vector<1x2048xf32>
    %add3A_1125 = arith.addf %mul3A_1118, %mul3A_1124 : vector<1x2048xf32>
    %get3A_1126 = arith.constant 5 : index
    %get3A_1127 = arith.constant 1 : index
    %get3A_1128 = arith.constant 2 : index
    %get3A_1129 = memref.load %arg2[%get3A_1126, %get3A_1127, %get3A_1128] : memref<8x3x4xf32, #tpu.memory_space<smem>>
    %mul3A_1130 = vector.broadcast %get3A_1129 : f32 to vector<1x2048xf32>
    %mul3A_1131 = arith.mulf %mul3A_1130, %convert_element_type3A_12 : vector<1x2048xf32>
    %get3A_1132 = arith.constant 5 : index
    %get3A_1133 = arith.constant 1 : index
    %get3A_1134 = arith.constant 3 : index
    %get3A_1135 = memref.load %arg2[%get3A_1132, %get3A_1133, %get3A_1134] : memref<8x3x4xf32, #tpu.memory_space<smem>>
    %add3A_1136 = vector.broadcast %get3A_1135 : f32 to vector<1x2048xf32>
    %add3A_1137 = arith.addf %mul3A_1131, %add3A_1136 : vector<1x2048xf32>
    %add3A_1138 = arith.addf %add3A_1125, %add3A_1137 : vector<1x2048xf32>
    %get3A_1139 = arith.constant 5 : index
    %get3A_1140 = arith.constant 2 : index
    %get3A_1141 = arith.constant 0 : index
    %get3A_1142 = memref.load %arg2[%get3A_1139, %get3A_1140, %get3A_1141] : memref<8x3x4xf32, #tpu.memory_space<smem>>
    %mul3A_1143 = vector.broadcast %get3A_1142 : f32 to vector<1x2048xf32>
    %mul3A_1144 = arith.mulf %mul3A_1143, %convert_element_type3A_8 : vector<1x2048xf32>
    %get3A_1145 = arith.constant 5 : index
    %get3A_1146 = arith.constant 2 : index
    %get3A_1147 = arith.constant 1 : index
    %get3A_1148 = memref.load %arg2[%get3A_1145, %get3A_1146, %get3A_1147] : memref<8x3x4xf32, #tpu.memory_space<smem>>
    %mul3A_1149 = vector.broadcast %get3A_1148 : f32 to vector<1x2048xf32>
    %mul3A_1150 = arith.mulf %mul3A_1149, %convert_element_type3A_10 : vector<1x2048xf32>
    %add3A_1151 = arith.addf %mul3A_1144, %mul3A_1150 : vector<1x2048xf32>
    %get3A_1152 = arith.constant 5 : index
    %get3A_1153 = arith.constant 2 : index
    %get3A_1154 = arith.constant 2 : index
    %get3A_1155 = memref.load %arg2[%get3A_1152, %get3A_1153, %get3A_1154] : memref<8x3x4xf32, #tpu.memory_space<smem>>
    %mul3A_1156 = vector.broadcast %get3A_1155 : f32 to vector<1x2048xf32>
    %mul3A_1157 = arith.mulf %mul3A_1156, %convert_element_type3A_12 : vector<1x2048xf32>
    %get3A_1158 = arith.constant 5 : index
    %get3A_1159 = arith.constant 2 : index
    %get3A_1160 = arith.constant 3 : index
    %get3A_1161 = memref.load %arg2[%get3A_1158, %get3A_1159, %get3A_1160] : memref<8x3x4xf32, #tpu.memory_space<smem>>
    %add3A_1162 = vector.broadcast %get3A_1161 : f32 to vector<1x2048xf32>
    %add3A_1163 = arith.addf %mul3A_1157, %add3A_1162 : vector<1x2048xf32>
    %add3A_1164 = arith.addf %add3A_1151, %add3A_1163 : vector<1x2048xf32>
    %add3A_1165 = arith.constant 9.99999993E-9 : f32
    %add3A_1166 = vector.broadcast %add3A_1165 : f32 to vector<1x2048xf32>
    %add3A_1167 = arith.addf %add3A_1164, %add3A_1166 : vector<1x2048xf32>
    %div3A_1168 = arith.divf %add3A_1112, %add3A_1167 : vector<1x2048xf32>
    %add3A_1169 = arith.constant 9.99999993E-9 : f32
    %add3A_1170 = vector.broadcast %add3A_1169 : f32 to vector<1x2048xf32>
    %add3A_1171 = arith.addf %add3A_1164, %add3A_1170 : vector<1x2048xf32>
    %div3A_1172 = arith.divf %add3A_1138, %add3A_1171 : vector<1x2048xf32>
    %gt3A_1173 = arith.constant 0.000000e+00 : f32
    %gt3A_1174 = vector.broadcast %gt3A_1173 : f32 to vector<1x2048xf32>
    %gt3A_1175 = arith.cmpf ogt, %add3A_1164, %gt3A_1174 : vector<1x2048xf32>
    %ge3A_1176 = arith.constant 0.000000e+00 : f32
    %ge3A_1177 = vector.broadcast %ge3A_1176 : f32 to vector<1x2048xf32>
    %ge3A_1178 = arith.cmpf oge, %div3A_1168, %ge3A_1177 : vector<1x2048xf32>
    %and3A_1179 = arith.andi %gt3A_1175, %ge3A_1178 : vector<1x2048xi1>
    %le3A_1180 = arith.constant 5.110000e+02 : f32
    %le3A_1181 = vector.broadcast %le3A_1180 : f32 to vector<1x2048xf32>
    %le3A_1182 = arith.cmpf ole, %div3A_1168, %le3A_1181 : vector<1x2048xf32>
    %and3A_1183 = arith.andi %and3A_1179, %le3A_1182 : vector<1x2048xi1>
    %ge3A_1184 = arith.constant 0.000000e+00 : f32
    %ge3A_1185 = vector.broadcast %ge3A_1184 : f32 to vector<1x2048xf32>
    %ge3A_1186 = arith.cmpf oge, %div3A_1172, %ge3A_1185 : vector<1x2048xf32>
    %and3A_1187 = arith.andi %and3A_1183, %ge3A_1186 : vector<1x2048xi1>
    %le3A_1188 = arith.constant 5.110000e+02 : f32
    %le3A_1189 = vector.broadcast %le3A_1188 : f32 to vector<1x2048xf32>
    %le3A_1190 = arith.cmpf ole, %div3A_1172, %le3A_1189 : vector<1x2048xf32>
    %and3A_1191 = arith.andi %and3A_1187, %le3A_1190 : vector<1x2048xi1>
    %convert_element_type3A_1192 = arith.extui %and3A_1191 : vector<1x2048xi1> to vector<1x2048xi32>
    %convert_element_type3A_1193 = arith.sitofp %convert_element_type3A_1192 : vector<1x2048xi32> to vector<1x2048xf32>
    %round3A_1194 = math.roundeven %div3A_1168 : vector<1x2048xf32>
    %jit3A_1195 = arith.constant 0 : i32
    %jit3A_1196 = arith.constant 511 : i32
    %convert_element_type3A_1197 = arith.sitofp %jit3A_1195 : i32 to f32
    %max3A_1198 = vector.broadcast %convert_element_type3A_1197 : f32 to vector<1x2048xf32>
    %max3A_1199 = arith.maximumf %max3A_1198, %round3A_1194 : vector<1x2048xf32>
    %convert_element_type3A_1200 = arith.sitofp %jit3A_1196 : i32 to f32
    %min3A_1201 = vector.broadcast %convert_element_type3A_1200 : f32 to vector<1x2048xf32>
    %min3A_1202 = arith.minimumf %min3A_1201, %max3A_1199 : vector<1x2048xf32>
    %convert_element_type3A_1203 = arith.fptosi %min3A_1202 : vector<1x2048xf32> to vector<1x2048xi32>
    %round3A_1204 = math.roundeven %div3A_1172 : vector<1x2048xf32>
    %jit3A_1205 = arith.constant 0 : i32
    %jit3A_1206 = arith.constant 511 : i32
    %convert_element_type3A_1207 = arith.sitofp %jit3A_1205 : i32 to f32
    %max3A_1208 = vector.broadcast %convert_element_type3A_1207 : f32 to vector<1x2048xf32>
    %max3A_1209 = arith.maximumf %max3A_1208, %round3A_1204 : vector<1x2048xf32>
    %convert_element_type3A_1210 = arith.sitofp %jit3A_1206 : i32 to f32
    %min3A_1211 = vector.broadcast %convert_element_type3A_1210 : f32 to vector<1x2048xf32>
    %min3A_1212 = arith.minimumf %min3A_1211, %max3A_1209 : vector<1x2048xf32>
    %convert_element_type3A_1213 = arith.fptosi %min3A_1212 : vector<1x2048xf32> to vector<1x2048xi32>
    %jit3A_1214 = arith.constant 0 : i32
    %jit3A_1215 = arith.constant 511 : i32
    %max3A_1216 = vector.broadcast %jit3A_1214 : i32 to vector<1x2048xi32>
    %max3A_1217 = arith.maxsi %max3A_1216, %convert_element_type3A_1203 : vector<1x2048xi32>
    %min3A_1218 = vector.broadcast %jit3A_1215 : i32 to vector<1x2048xi32>
    %min3A_1219 = arith.minsi %min3A_1218, %max3A_1217 : vector<1x2048xi32>
    %jit3A_1220 = arith.constant 0 : i32
    %jit3A_1221 = arith.constant 511 : i32
    %max3A_1222 = vector.broadcast %jit3A_1220 : i32 to vector<1x2048xi32>
    %max3A_1223 = arith.maxsi %max3A_1222, %convert_element_type3A_1213 : vector<1x2048xi32>
    %min3A_1224 = vector.broadcast %jit3A_1221 : i32 to vector<1x2048xi32>
    %min3A_1225 = arith.minsi %min3A_1224, %max3A_1223 : vector<1x2048xi32>
    %iota3A_1226 = tpu.iota {dimensions = array<i32: 1>} : vector<1x2048xi32>
    %mul3A_1227 = arith.constant 2048 : i32
    %mul3A_1228 = arith.muli %arg0, %mul3A_1227 : i32
    %add3A_1229 = vector.broadcast %mul3A_1228 : i32 to vector<1x2048xi32>
    %add3A_1230 = arith.addi %iota3A_1226, %add3A_1229 : vector<1x2048xi32>
    %mul3A_1231 = arith.constant 512 : i32
    %mul3A_1232 = vector.broadcast %mul3A_1231 : i32 to vector<1x2048xi32>
    %mul3A_1233 = arith.muli %min3A_1225, %mul3A_1232 : vector<1x2048xi32>
    %add3A_1234 = arith.constant 1310720 : i32
    %add3A_1235 = vector.broadcast %add3A_1234 : i32 to vector<1x2048xi32>
    %add3A_1236 = arith.addi %add3A_1235, %mul3A_1233 : vector<1x2048xi32>
    %add3A_1237 = arith.addi %add3A_1236, %min3A_1219 : vector<1x2048xi32>
    %sub3A_1238 = arith.constant -1 : i32
    %sub3A_1239 = vector.broadcast %sub3A_1238 : i32 to vector<1x2048xi32>
    %sub3A_1240 = arith.subi %sub3A_1239, %add3A_1230 : vector<1x2048xi32>
    %select_n3A_1241 = arith.select %and3A_1191, %add3A_1237, %sub3A_1240 : vector<1x2048xi1>, vector<1x2048xi32>
    %swap3A_1242 = arith.constant 5 : index
    %swap3A_1243 = arith.constant 0 : index
    %swap3A_1244 = vector.load %arg4[%swap3A_1242, %swap3A_1243] : memref<8x2048xi32, #tpu.memory_space<vmem>>, vector<1x2048xi32>
    tpu.vector_store %arg4[%swap3A_1242, %swap3A_1243], %select_n3A_1241 {strides = array<i32>} : memref<8x2048xi32, #tpu.memory_space<vmem>>, vector<1x2048xi32>,
    %get3A_1245 = arith.constant 5 : index
    %get3A_1246 = arith.constant 0 : index
    %get3A_1247 = memref.load %arg3[%get3A_1245, %get3A_1246] : memref<8x3xf32, #tpu.memory_space<smem>>
    %sub3A_1248 = vector.broadcast %get3A_1247 : f32 to vector<1x2048xf32>
    %sub3A_1249 = arith.subf %get3A_1, %sub3A_1248 : vector<1x2048xf32>
    %get3A_1250 = arith.constant 5 : index
    %get3A_1251 = arith.constant 1 : index
    %get3A_1252 = memref.load %arg3[%get3A_1250, %get3A_1251] : memref<8x3xf32, #tpu.memory_space<smem>>
    %sub3A_1253 = vector.broadcast %get3A_1252 : f32 to vector<1x2048xf32>
    %sub3A_1254 = arith.subf %get3A_4, %sub3A_1253 : vector<1x2048xf32>
    %get3A_1255 = arith.constant 5 : index
    %get3A_1256 = arith.constant 2 : index
    %get3A_1257 = memref.load %arg3[%get3A_1255, %get3A_1256] : memref<8x3xf32, #tpu.memory_space<smem>>
    %sub3A_1258 = vector.broadcast %get3A_1257 : f32 to vector<1x2048xf32>
    %sub3A_1259 = arith.subf %get3A_7, %sub3A_1258 : vector<1x2048xf32>
    %mul3A_1260 = arith.mulf %sub3A_1249, %sub3A_1249 : vector<1x2048xf32>
    %mul3A_1261 = arith.mulf %sub3A_1254, %sub3A_1254 : vector<1x2048xf32>
    %add3A_1262 = arith.addf %mul3A_1260, %mul3A_1261 : vector<1x2048xf32>
    %mul3A_1263 = arith.mulf %sub3A_1259, %sub3A_1259 : vector<1x2048xf32>
    %add3A_1264 = arith.addf %add3A_1262, %mul3A_1263 : vector<1x2048xf32>
    %sqrt3A_1265 = math.sqrt %add3A_1264 : vector<1x2048xf32>
    %add3A_1266 = arith.constant 9.99999993E-9 : f32
    %add3A_1267 = vector.broadcast %add3A_1266 : f32 to vector<1x2048xf32>
    %add3A_1268 = arith.addf %sqrt3A_1265, %add3A_1267 : vector<1x2048xf32>
    %div3A_1269 = arith.constant 1.000000e+00 : f32
    %div3A_1270 = vector.broadcast %div3A_1269 : f32 to vector<1x2048xf32>
    %div3A_1271 = arith.divf %div3A_1270, %add3A_1268 : vector<1x2048xf32>
    %swap3A_1272 = arith.constant 5 : index
    %swap3A_1273 = arith.constant 0 : index
    %swap3A_1274 = arith.constant 0 : index
    %swap3A_1275 = vector.load %arg5[%swap3A_1272, %swap3A_1273, %swap3A_1274] : memref<8x5x2048xf32, #tpu.memory_space<vmem>>, vector<1x1x2048xf32>
    %swap3A_1276 = vector.shape_cast %swap3A_1275 : vector<1x1x2048xf32> to vector<1x2048xf32>
    %swap3A_1277 = vector.shape_cast %add3A_1164 : vector<1x2048xf32> to vector<1x1x2048xf32>
    tpu.vector_store %arg5[%swap3A_1272, %swap3A_1273, %swap3A_1274], %swap3A_1277 {strides = array<i32>} : memref<8x5x2048xf32, #tpu.memory_space<vmem>>, vector<1x1x2048xf32>,
    %swap3A_1278 = arith.constant 5 : index
    %swap3A_1279 = arith.constant 1 : index
    %swap3A_1280 = arith.constant 0 : index
    %swap3A_1281 = vector.load %arg5[%swap3A_1278, %swap3A_1279, %swap3A_1280] : memref<8x5x2048xf32, #tpu.memory_space<vmem>>, vector<1x1x2048xf32>
    %swap3A_1282 = vector.shape_cast %swap3A_1281 : vector<1x1x2048xf32> to vector<1x2048xf32>
    %swap3A_1283 = vector.shape_cast %convert_element_type3A_1193 : vector<1x2048xf32> to vector<1x1x2048xf32>
    tpu.vector_store %arg5[%swap3A_1278, %swap3A_1279, %swap3A_1280], %swap3A_1283 {strides = array<i32>} : memref<8x5x2048xf32, #tpu.memory_space<vmem>>, vector<1x1x2048xf32>,
    %mul3A_1284 = arith.mulf %sub3A_1249, %div3A_1271 : vector<1x2048xf32>
    %swap3A_1285 = arith.constant 5 : index
    %swap3A_1286 = arith.constant 2 : index
    %swap3A_1287 = arith.constant 0 : index
    %swap3A_1288 = vector.load %arg5[%swap3A_1285, %swap3A_1286, %swap3A_1287] : memref<8x5x2048xf32, #tpu.memory_space<vmem>>, vector<1x1x2048xf32>
    %swap3A_1289 = vector.shape_cast %swap3A_1288 : vector<1x1x2048xf32> to vector<1x2048xf32>
    %swap3A_1290 = vector.shape_cast %mul3A_1284 : vector<1x2048xf32> to vector<1x1x2048xf32>
    tpu.vector_store %arg5[%swap3A_1285, %swap3A_1286, %swap3A_1287], %swap3A_1290 {strides = array<i32>} : memref<8x5x2048xf32, #tpu.memory_space<vmem>>, vector<1x1x2048xf32>,
    %mul3A_1291 = arith.mulf %sub3A_1254, %div3A_1271 : vector<1x2048xf32>
    %swap3A_1292 = arith.constant 5 : index
    %swap3A_1293 = arith.constant 3 : index
    %swap3A_1294 = arith.constant 0 : index
    %swap3A_1295 = vector.load %arg5[%swap3A_1292, %swap3A_1293, %swap3A_1294] : memref<8x5x2048xf32, #tpu.memory_space<vmem>>, vector<1x1x2048xf32>
    %swap3A_1296 = vector.shape_cast %swap3A_1295 : vector<1x1x2048xf32> to vector<1x2048xf32>
    %swap3A_1297 = vector.shape_cast %mul3A_1291 : vector<1x2048xf32> to vector<1x1x2048xf32>
    tpu.vector_store %arg5[%swap3A_1292, %swap3A_1293, %swap3A_1294], %swap3A_1297 {strides = array<i32>} : memref<8x5x2048xf32, #tpu.memory_space<vmem>>, vector<1x1x2048xf32>,
    %mul3A_1298 = arith.mulf %sub3A_1259, %div3A_1271 : vector<1x2048xf32>
    %swap3A_1299 = arith.constant 5 : index
    %swap3A_1300 = arith.constant 4 : index
    %swap3A_1301 = arith.constant 0 : index
    %swap3A_1302 = vector.load %arg5[%swap3A_1299, %swap3A_1300, %swap3A_1301] : memref<8x5x2048xf32, #tpu.memory_space<vmem>>, vector<1x1x2048xf32>
    %swap3A_1303 = vector.shape_cast %swap3A_1302 : vector<1x1x2048xf32> to vector<1x2048xf32>
    %swap3A_1304 = vector.shape_cast %mul3A_1298 : vector<1x2048xf32> to vector<1x1x2048xf32>
    tpu.vector_store %arg5[%swap3A_1299, %swap3A_1300, %swap3A_1301], %swap3A_1304 {strides = array<i32>} : memref<8x5x2048xf32, #tpu.memory_space<vmem>>, vector<1x1x2048xf32>,
    %get3A_1305 = arith.constant 6 : index
    %get3A_1306 = arith.constant 0 : index
    %get3A_1307 = arith.constant 0 : index
    %get3A_1308 = memref.load %arg2[%get3A_1305, %get3A_1306, %get3A_1307] : memref<8x3x4xf32, #tpu.memory_space<smem>>
    %mul3A_1309 = vector.broadcast %get3A_1308 : f32 to vector<1x2048xf32>
    %mul3A_1310 = arith.mulf %mul3A_1309, %convert_element_type3A_8 : vector<1x2048xf32>
    %get3A_1311 = arith.constant 6 : index
    %get3A_1312 = arith.constant 0 : index
    %get3A_1313 = arith.constant 1 : index
    %get3A_1314 = memref.load %arg2[%get3A_1311, %get3A_1312, %get3A_1313] : memref<8x3x4xf32, #tpu.memory_space<smem>>
    %mul3A_1315 = vector.broadcast %get3A_1314 : f32 to vector<1x2048xf32>
    %mul3A_1316 = arith.mulf %mul3A_1315, %convert_element_type3A_10 : vector<1x2048xf32>
    %add3A_1317 = arith.addf %mul3A_1310, %mul3A_1316 : vector<1x2048xf32>
    %get3A_1318 = arith.constant 6 : index
    %get3A_1319 = arith.constant 0 : index
    %get3A_1320 = arith.constant 2 : index
    %get3A_1321 = memref.load %arg2[%get3A_1318, %get3A_1319, %get3A_1320] : memref<8x3x4xf32, #tpu.memory_space<smem>>
    %mul3A_1322 = vector.broadcast %get3A_1321 : f32 to vector<1x2048xf32>
    %mul3A_1323 = arith.mulf %mul3A_1322, %convert_element_type3A_12 : vector<1x2048xf32>
    %get3A_1324 = arith.constant 6 : index
    %get3A_1325 = arith.constant 0 : index
    %get3A_1326 = arith.constant 3 : index
    %get3A_1327 = memref.load %arg2[%get3A_1324, %get3A_1325, %get3A_1326] : memref<8x3x4xf32, #tpu.memory_space<smem>>
    %add3A_1328 = vector.broadcast %get3A_1327 : f32 to vector<1x2048xf32>
    %add3A_1329 = arith.addf %mul3A_1323, %add3A_1328 : vector<1x2048xf32>
    %add3A_1330 = arith.addf %add3A_1317, %add3A_1329 : vector<1x2048xf32>
    %get3A_1331 = arith.constant 6 : index
    %get3A_1332 = arith.constant 1 : index
    %get3A_1333 = arith.constant 0 : index
    %get3A_1334 = memref.load %arg2[%get3A_1331, %get3A_1332, %get3A_1333] : memref<8x3x4xf32, #tpu.memory_space<smem>>
    %mul3A_1335 = vector.broadcast %get3A_1334 : f32 to vector<1x2048xf32>
    %mul3A_1336 = arith.mulf %mul3A_1335, %convert_element_type3A_8 : vector<1x2048xf32>
    %get3A_1337 = arith.constant 6 : index
    %get3A_1338 = arith.constant 1 : index
    %get3A_1339 = arith.constant 1 : index
    %get3A_1340 = memref.load %arg2[%get3A_1337, %get3A_1338, %get3A_1339] : memref<8x3x4xf32, #tpu.memory_space<smem>>
    %mul3A_1341 = vector.broadcast %get3A_1340 : f32 to vector<1x2048xf32>
    %mul3A_1342 = arith.mulf %mul3A_1341, %convert_element_type3A_10 : vector<1x2048xf32>
    %add3A_1343 = arith.addf %mul3A_1336, %mul3A_1342 : vector<1x2048xf32>
    %get3A_1344 = arith.constant 6 : index
    %get3A_1345 = arith.constant 1 : index
    %get3A_1346 = arith.constant 2 : index
    %get3A_1347 = memref.load %arg2[%get3A_1344, %get3A_1345, %get3A_1346] : memref<8x3x4xf32, #tpu.memory_space<smem>>
    %mul3A_1348 = vector.broadcast %get3A_1347 : f32 to vector<1x2048xf32>
    %mul3A_1349 = arith.mulf %mul3A_1348, %convert_element_type3A_12 : vector<1x2048xf32>
    %get3A_1350 = arith.constant 6 : index
    %get3A_1351 = arith.constant 1 : index
    %get3A_1352 = arith.constant 3 : index
    %get3A_1353 = memref.load %arg2[%get3A_1350, %get3A_1351, %get3A_1352] : memref<8x3x4xf32, #tpu.memory_space<smem>>
    %add3A_1354 = vector.broadcast %get3A_1353 : f32 to vector<1x2048xf32>
    %add3A_1355 = arith.addf %mul3A_1349, %add3A_1354 : vector<1x2048xf32>
    %add3A_1356 = arith.addf %add3A_1343, %add3A_1355 : vector<1x2048xf32>
    %get3A_1357 = arith.constant 6 : index
    %get3A_1358 = arith.constant 2 : index
    %get3A_1359 = arith.constant 0 : index
    %get3A_1360 = memref.load %arg2[%get3A_1357, %get3A_1358, %get3A_1359] : memref<8x3x4xf32, #tpu.memory_space<smem>>
    %mul3A_1361 = vector.broadcast %get3A_1360 : f32 to vector<1x2048xf32>
    %mul3A_1362 = arith.mulf %mul3A_1361, %convert_element_type3A_8 : vector<1x2048xf32>
    %get3A_1363 = arith.constant 6 : index
    %get3A_1364 = arith.constant 2 : index
    %get3A_1365 = arith.constant 1 : index
    %get3A_1366 = memref.load %arg2[%get3A_1363, %get3A_1364, %get3A_1365] : memref<8x3x4xf32, #tpu.memory_space<smem>>
    %mul3A_1367 = vector.broadcast %get3A_1366 : f32 to vector<1x2048xf32>
    %mul3A_1368 = arith.mulf %mul3A_1367, %convert_element_type3A_10 : vector<1x2048xf32>
    %add3A_1369 = arith.addf %mul3A_1362, %mul3A_1368 : vector<1x2048xf32>
    %get3A_1370 = arith.constant 6 : index
    %get3A_1371 = arith.constant 2 : index
    %get3A_1372 = arith.constant 2 : index
    %get3A_1373 = memref.load %arg2[%get3A_1370, %get3A_1371, %get3A_1372] : memref<8x3x4xf32, #tpu.memory_space<smem>>
    %mul3A_1374 = vector.broadcast %get3A_1373 : f32 to vector<1x2048xf32>
    %mul3A_1375 = arith.mulf %mul3A_1374, %convert_element_type3A_12 : vector<1x2048xf32>
    %get3A_1376 = arith.constant 6 : index
    %get3A_1377 = arith.constant 2 : index
    %get3A_1378 = arith.constant 3 : index
    %get3A_1379 = memref.load %arg2[%get3A_1376, %get3A_1377, %get3A_1378] : memref<8x3x4xf32, #tpu.memory_space<smem>>
    %add3A_1380 = vector.broadcast %get3A_1379 : f32 to vector<1x2048xf32>
    %add3A_1381 = arith.addf %mul3A_1375, %add3A_1380 : vector<1x2048xf32>
    %add3A_1382 = arith.addf %add3A_1369, %add3A_1381 : vector<1x2048xf32>
    %add3A_1383 = arith.constant 9.99999993E-9 : f32
    %add3A_1384 = vector.broadcast %add3A_1383 : f32 to vector<1x2048xf32>
    %add3A_1385 = arith.addf %add3A_1382, %add3A_1384 : vector<1x2048xf32>
    %div3A_1386 = arith.divf %add3A_1330, %add3A_1385 : vector<1x2048xf32>
    %add3A_1387 = arith.constant 9.99999993E-9 : f32
    %add3A_1388 = vector.broadcast %add3A_1387 : f32 to vector<1x2048xf32>
    %add3A_1389 = arith.addf %add3A_1382, %add3A_1388 : vector<1x2048xf32>
    %div3A_1390 = arith.divf %add3A_1356, %add3A_1389 : vector<1x2048xf32>
    %gt3A_1391 = arith.constant 0.000000e+00 : f32
    %gt3A_1392 = vector.broadcast %gt3A_1391 : f32 to vector<1x2048xf32>
    %gt3A_1393 = arith.cmpf ogt, %add3A_1382, %gt3A_1392 : vector<1x2048xf32>
    %ge3A_1394 = arith.constant 0.000000e+00 : f32
    %ge3A_1395 = vector.broadcast %ge3A_1394 : f32 to vector<1x2048xf32>
    %ge3A_1396 = arith.cmpf oge, %div3A_1386, %ge3A_1395 : vector<1x2048xf32>
    %and3A_1397 = arith.andi %gt3A_1393, %ge3A_1396 : vector<1x2048xi1>
    %le3A_1398 = arith.constant 5.110000e+02 : f32
    %le3A_1399 = vector.broadcast %le3A_1398 : f32 to vector<1x2048xf32>
    %le3A_1400 = arith.cmpf ole, %div3A_1386, %le3A_1399 : vector<1x2048xf32>
    %and3A_1401 = arith.andi %and3A_1397, %le3A_1400 : vector<1x2048xi1>
    %ge3A_1402 = arith.constant 0.000000e+00 : f32
    %ge3A_1403 = vector.broadcast %ge3A_1402 : f32 to vector<1x2048xf32>
    %ge3A_1404 = arith.cmpf oge, %div3A_1390, %ge3A_1403 : vector<1x2048xf32>
    %and3A_1405 = arith.andi %and3A_1401, %ge3A_1404 : vector<1x2048xi1>
    %le3A_1406 = arith.constant 5.110000e+02 : f32
    %le3A_1407 = vector.broadcast %le3A_1406 : f32 to vector<1x2048xf32>
    %le3A_1408 = arith.cmpf ole, %div3A_1390, %le3A_1407 : vector<1x2048xf32>
    %and3A_1409 = arith.andi %and3A_1405, %le3A_1408 : vector<1x2048xi1>
    %convert_element_type3A_1410 = arith.extui %and3A_1409 : vector<1x2048xi1> to vector<1x2048xi32>
    %convert_element_type3A_1411 = arith.sitofp %convert_element_type3A_1410 : vector<1x2048xi32> to vector<1x2048xf32>
    %round3A_1412 = math.roundeven %div3A_1386 : vector<1x2048xf32>
    %jit3A_1413 = arith.constant 0 : i32
    %jit3A_1414 = arith.constant 511 : i32
    %convert_element_type3A_1415 = arith.sitofp %jit3A_1413 : i32 to f32
    %max3A_1416 = vector.broadcast %convert_element_type3A_1415 : f32 to vector<1x2048xf32>
    %max3A_1417 = arith.maximumf %max3A_1416, %round3A_1412 : vector<1x2048xf32>
    %convert_element_type3A_1418 = arith.sitofp %jit3A_1414 : i32 to f32
    %min3A_1419 = vector.broadcast %convert_element_type3A_1418 : f32 to vector<1x2048xf32>
    %min3A_1420 = arith.minimumf %min3A_1419, %max3A_1417 : vector<1x2048xf32>
    %convert_element_type3A_1421 = arith.fptosi %min3A_1420 : vector<1x2048xf32> to vector<1x2048xi32>
    %round3A_1422 = math.roundeven %div3A_1390 : vector<1x2048xf32>
    %jit3A_1423 = arith.constant 0 : i32
    %jit3A_1424 = arith.constant 511 : i32
    %convert_element_type3A_1425 = arith.sitofp %jit3A_1423 : i32 to f32
    %max3A_1426 = vector.broadcast %convert_element_type3A_1425 : f32 to vector<1x2048xf32>
    %max3A_1427 = arith.maximumf %max3A_1426, %round3A_1422 : vector<1x2048xf32>
    %convert_element_type3A_1428 = arith.sitofp %jit3A_1424 : i32 to f32
    %min3A_1429 = vector.broadcast %convert_element_type3A_1428 : f32 to vector<1x2048xf32>
    %min3A_1430 = arith.minimumf %min3A_1429, %max3A_1427 : vector<1x2048xf32>
    %convert_element_type3A_1431 = arith.fptosi %min3A_1430 : vector<1x2048xf32> to vector<1x2048xi32>
    %jit3A_1432 = arith.constant 0 : i32
    %jit3A_1433 = arith.constant 511 : i32
    %max3A_1434 = vector.broadcast %jit3A_1432 : i32 to vector<1x2048xi32>
    %max3A_1435 = arith.maxsi %max3A_1434, %convert_element_type3A_1421 : vector<1x2048xi32>
    %min3A_1436 = vector.broadcast %jit3A_1433 : i32 to vector<1x2048xi32>
    %min3A_1437 = arith.minsi %min3A_1436, %max3A_1435 : vector<1x2048xi32>
    %jit3A_1438 = arith.constant 0 : i32
    %jit3A_1439 = arith.constant 511 : i32
    %max3A_1440 = vector.broadcast %jit3A_1438 : i32 to vector<1x2048xi32>
    %max3A_1441 = arith.maxsi %max3A_1440, %convert_element_type3A_1431 : vector<1x2048xi32>
    %min3A_1442 = vector.broadcast %jit3A_1439 : i32 to vector<1x2048xi32>
    %min3A_1443 = arith.minsi %min3A_1442, %max3A_1441 : vector<1x2048xi32>
    %iota3A_1444 = tpu.iota {dimensions = array<i32: 1>} : vector<1x2048xi32>
    %mul3A_1445 = arith.constant 2048 : i32
    %mul3A_1446 = arith.muli %arg0, %mul3A_1445 : i32
    %add3A_1447 = vector.broadcast %mul3A_1446 : i32 to vector<1x2048xi32>
    %add3A_1448 = arith.addi %iota3A_1444, %add3A_1447 : vector<1x2048xi32>
    %mul3A_1449 = arith.constant 512 : i32
    %mul3A_1450 = vector.broadcast %mul3A_1449 : i32 to vector<1x2048xi32>
    %mul3A_1451 = arith.muli %min3A_1443, %mul3A_1450 : vector<1x2048xi32>
    %add3A_1452 = arith.constant 1572864 : i32
    %add3A_1453 = vector.broadcast %add3A_1452 : i32 to vector<1x2048xi32>
    %add3A_1454 = arith.addi %add3A_1453, %mul3A_1451 : vector<1x2048xi32>
    %add3A_1455 = arith.addi %add3A_1454, %min3A_1437 : vector<1x2048xi32>
    %sub3A_1456 = arith.constant -1 : i32
    %sub3A_1457 = vector.broadcast %sub3A_1456 : i32 to vector<1x2048xi32>
    %sub3A_1458 = arith.subi %sub3A_1457, %add3A_1448 : vector<1x2048xi32>
    %select_n3A_1459 = arith.select %and3A_1409, %add3A_1455, %sub3A_1458 : vector<1x2048xi1>, vector<1x2048xi32>
    %swap3A_1460 = arith.constant 6 : index
    %swap3A_1461 = arith.constant 0 : index
    %swap3A_1462 = vector.load %arg4[%swap3A_1460, %swap3A_1461] : memref<8x2048xi32, #tpu.memory_space<vmem>>, vector<1x2048xi32>
    tpu.vector_store %arg4[%swap3A_1460, %swap3A_1461], %select_n3A_1459 {strides = array<i32>} : memref<8x2048xi32, #tpu.memory_space<vmem>>, vector<1x2048xi32>,
    %get3A_1463 = arith.constant 6 : index
    %get3A_1464 = arith.constant 0 : index
    %get3A_1465 = memref.load %arg3[%get3A_1463, %get3A_1464] : memref<8x3xf32, #tpu.memory_space<smem>>
    %sub3A_1466 = vector.broadcast %get3A_1465 : f32 to vector<1x2048xf32>
    %sub3A_1467 = arith.subf %get3A_1, %sub3A_1466 : vector<1x2048xf32>
    %get3A_1468 = arith.constant 6 : index
    %get3A_1469 = arith.constant 1 : index
    %get3A_1470 = memref.load %arg3[%get3A_1468, %get3A_1469] : memref<8x3xf32, #tpu.memory_space<smem>>
    %sub3A_1471 = vector.broadcast %get3A_1470 : f32 to vector<1x2048xf32>
    %sub3A_1472 = arith.subf %get3A_4, %sub3A_1471 : vector<1x2048xf32>
    %get3A_1473 = arith.constant 6 : index
    %get3A_1474 = arith.constant 2 : index
    %get3A_1475 = memref.load %arg3[%get3A_1473, %get3A_1474] : memref<8x3xf32, #tpu.memory_space<smem>>
    %sub3A_1476 = vector.broadcast %get3A_1475 : f32 to vector<1x2048xf32>
    %sub3A_1477 = arith.subf %get3A_7, %sub3A_1476 : vector<1x2048xf32>
    %mul3A_1478 = arith.mulf %sub3A_1467, %sub3A_1467 : vector<1x2048xf32>
    %mul3A_1479 = arith.mulf %sub3A_1472, %sub3A_1472 : vector<1x2048xf32>
    %add3A_1480 = arith.addf %mul3A_1478, %mul3A_1479 : vector<1x2048xf32>
    %mul3A_1481 = arith.mulf %sub3A_1477, %sub3A_1477 : vector<1x2048xf32>
    %add3A_1482 = arith.addf %add3A_1480, %mul3A_1481 : vector<1x2048xf32>
    %sqrt3A_1483 = math.sqrt %add3A_1482 : vector<1x2048xf32>
    %add3A_1484 = arith.constant 9.99999993E-9 : f32
    %add3A_1485 = vector.broadcast %add3A_1484 : f32 to vector<1x2048xf32>
    %add3A_1486 = arith.addf %sqrt3A_1483, %add3A_1485 : vector<1x2048xf32>
    %div3A_1487 = arith.constant 1.000000e+00 : f32
    %div3A_1488 = vector.broadcast %div3A_1487 : f32 to vector<1x2048xf32>
    %div3A_1489 = arith.divf %div3A_1488, %add3A_1486 : vector<1x2048xf32>
    %swap3A_1490 = arith.constant 6 : index
    %swap3A_1491 = arith.constant 0 : index
    %swap3A_1492 = arith.constant 0 : index
    %swap3A_1493 = vector.load %arg5[%swap3A_1490, %swap3A_1491, %swap3A_1492] : memref<8x5x2048xf32, #tpu.memory_space<vmem>>, vector<1x1x2048xf32>
    %swap3A_1494 = vector.shape_cast %swap3A_1493 : vector<1x1x2048xf32> to vector<1x2048xf32>
    %swap3A_1495 = vector.shape_cast %add3A_1382 : vector<1x2048xf32> to vector<1x1x2048xf32>
    tpu.vector_store %arg5[%swap3A_1490, %swap3A_1491, %swap3A_1492], %swap3A_1495 {strides = array<i32>} : memref<8x5x2048xf32, #tpu.memory_space<vmem>>, vector<1x1x2048xf32>,
    %swap3A_1496 = arith.constant 6 : index
    %swap3A_1497 = arith.constant 1 : index
    %swap3A_1498 = arith.constant 0 : index
    %swap3A_1499 = vector.load %arg5[%swap3A_1496, %swap3A_1497, %swap3A_1498] : memref<8x5x2048xf32, #tpu.memory_space<vmem>>, vector<1x1x2048xf32>
    %swap3A_1500 = vector.shape_cast %swap3A_1499 : vector<1x1x2048xf32> to vector<1x2048xf32>
    %swap3A_1501 = vector.shape_cast %convert_element_type3A_1411 : vector<1x2048xf32> to vector<1x1x2048xf32>
    tpu.vector_store %arg5[%swap3A_1496, %swap3A_1497, %swap3A_1498], %swap3A_1501 {strides = array<i32>} : memref<8x5x2048xf32, #tpu.memory_space<vmem>>, vector<1x1x2048xf32>,
    %mul3A_1502 = arith.mulf %sub3A_1467, %div3A_1489 : vector<1x2048xf32>
    %swap3A_1503 = arith.constant 6 : index
    %swap3A_1504 = arith.constant 2 : index
    %swap3A_1505 = arith.constant 0 : index
    %swap3A_1506 = vector.load %arg5[%swap3A_1503, %swap3A_1504, %swap3A_1505] : memref<8x5x2048xf32, #tpu.memory_space<vmem>>, vector<1x1x2048xf32>
    %swap3A_1507 = vector.shape_cast %swap3A_1506 : vector<1x1x2048xf32> to vector<1x2048xf32>
    %swap3A_1508 = vector.shape_cast %mul3A_1502 : vector<1x2048xf32> to vector<1x1x2048xf32>
    tpu.vector_store %arg5[%swap3A_1503, %swap3A_1504, %swap3A_1505], %swap3A_1508 {strides = array<i32>} : memref<8x5x2048xf32, #tpu.memory_space<vmem>>, vector<1x1x2048xf32>,
    %mul3A_1509 = arith.mulf %sub3A_1472, %div3A_1489 : vector<1x2048xf32>
    %swap3A_1510 = arith.constant 6 : index
    %swap3A_1511 = arith.constant 3 : index
    %swap3A_1512 = arith.constant 0 : index
    %swap3A_1513 = vector.load %arg5[%swap3A_1510, %swap3A_1511, %swap3A_1512] : memref<8x5x2048xf32, #tpu.memory_space<vmem>>, vector<1x1x2048xf32>
    %swap3A_1514 = vector.shape_cast %swap3A_1513 : vector<1x1x2048xf32> to vector<1x2048xf32>
    %swap3A_1515 = vector.shape_cast %mul3A_1509 : vector<1x2048xf32> to vector<1x1x2048xf32>
    tpu.vector_store %arg5[%swap3A_1510, %swap3A_1511, %swap3A_1512], %swap3A_1515 {strides = array<i32>} : memref<8x5x2048xf32, #tpu.memory_space<vmem>>, vector<1x1x2048xf32>,
    %mul3A_1516 = arith.mulf %sub3A_1477, %div3A_1489 : vector<1x2048xf32>
    %swap3A_1517 = arith.constant 6 : index
    %swap3A_1518 = arith.constant 4 : index
    %swap3A_1519 = arith.constant 0 : index
    %swap3A_1520 = vector.load %arg5[%swap3A_1517, %swap3A_1518, %swap3A_1519] : memref<8x5x2048xf32, #tpu.memory_space<vmem>>, vector<1x1x2048xf32>
    %swap3A_1521 = vector.shape_cast %swap3A_1520 : vector<1x1x2048xf32> to vector<1x2048xf32>
    %swap3A_1522 = vector.shape_cast %mul3A_1516 : vector<1x2048xf32> to vector<1x1x2048xf32>
    tpu.vector_store %arg5[%swap3A_1517, %swap3A_1518, %swap3A_1519], %swap3A_1522 {strides = array<i32>} : memref<8x5x2048xf32, #tpu.memory_space<vmem>>, vector<1x1x2048xf32>,
    %get3A_1523 = arith.constant 7 : index
    %get3A_1524 = arith.constant 0 : index
    %get3A_1525 = arith.constant 0 : index
    %get3A_1526 = memref.load %arg2[%get3A_1523, %get3A_1524, %get3A_1525] : memref<8x3x4xf32, #tpu.memory_space<smem>>
    %mul3A_1527 = vector.broadcast %get3A_1526 : f32 to vector<1x2048xf32>
    %mul3A_1528 = arith.mulf %mul3A_1527, %convert_element_type3A_8 : vector<1x2048xf32>
    %get3A_1529 = arith.constant 7 : index
    %get3A_1530 = arith.constant 0 : index
    %get3A_1531 = arith.constant 1 : index
    %get3A_1532 = memref.load %arg2[%get3A_1529, %get3A_1530, %get3A_1531] : memref<8x3x4xf32, #tpu.memory_space<smem>>
    %mul3A_1533 = vector.broadcast %get3A_1532 : f32 to vector<1x2048xf32>
    %mul3A_1534 = arith.mulf %mul3A_1533, %convert_element_type3A_10 : vector<1x2048xf32>
    %add3A_1535 = arith.addf %mul3A_1528, %mul3A_1534 : vector<1x2048xf32>
    %get3A_1536 = arith.constant 7 : index
    %get3A_1537 = arith.constant 0 : index
    %get3A_1538 = arith.constant 2 : index
    %get3A_1539 = memref.load %arg2[%get3A_1536, %get3A_1537, %get3A_1538] : memref<8x3x4xf32, #tpu.memory_space<smem>>
    %mul3A_1540 = vector.broadcast %get3A_1539 : f32 to vector<1x2048xf32>
    %mul3A_1541 = arith.mulf %mul3A_1540, %convert_element_type3A_12 : vector<1x2048xf32>
    %get3A_1542 = arith.constant 7 : index
    %get3A_1543 = arith.constant 0 : index
    %get3A_1544 = arith.constant 3 : index
    %get3A_1545 = memref.load %arg2[%get3A_1542, %get3A_1543, %get3A_1544] : memref<8x3x4xf32, #tpu.memory_space<smem>>
    %add3A_1546 = vector.broadcast %get3A_1545 : f32 to vector<1x2048xf32>
    %add3A_1547 = arith.addf %mul3A_1541, %add3A_1546 : vector<1x2048xf32>
    %add3A_1548 = arith.addf %add3A_1535, %add3A_1547 : vector<1x2048xf32>
    %get3A_1549 = arith.constant 7 : index
    %get3A_1550 = arith.constant 1 : index
    %get3A_1551 = arith.constant 0 : index
    %get3A_1552 = memref.load %arg2[%get3A_1549, %get3A_1550, %get3A_1551] : memref<8x3x4xf32, #tpu.memory_space<smem>>
    %mul3A_1553 = vector.broadcast %get3A_1552 : f32 to vector<1x2048xf32>
    %mul3A_1554 = arith.mulf %mul3A_1553, %convert_element_type3A_8 : vector<1x2048xf32>
    %get3A_1555 = arith.constant 7 : index
    %get3A_1556 = arith.constant 1 : index
    %get3A_1557 = arith.constant 1 : index
    %get3A_1558 = memref.load %arg2[%get3A_1555, %get3A_1556, %get3A_1557] : memref<8x3x4xf32, #tpu.memory_space<smem>>
    %mul3A_1559 = vector.broadcast %get3A_1558 : f32 to vector<1x2048xf32>
    %mul3A_1560 = arith.mulf %mul3A_1559, %convert_element_type3A_10 : vector<1x2048xf32>
    %add3A_1561 = arith.addf %mul3A_1554, %mul3A_1560 : vector<1x2048xf32>
    %get3A_1562 = arith.constant 7 : index
    %get3A_1563 = arith.constant 1 : index
    %get3A_1564 = arith.constant 2 : index
    %get3A_1565 = memref.load %arg2[%get3A_1562, %get3A_1563, %get3A_1564] : memref<8x3x4xf32, #tpu.memory_space<smem>>
    %mul3A_1566 = vector.broadcast %get3A_1565 : f32 to vector<1x2048xf32>
    %mul3A_1567 = arith.mulf %mul3A_1566, %convert_element_type3A_12 : vector<1x2048xf32>
    %get3A_1568 = arith.constant 7 : index
    %get3A_1569 = arith.constant 1 : index
    %get3A_1570 = arith.constant 3 : index
    %get3A_1571 = memref.load %arg2[%get3A_1568, %get3A_1569, %get3A_1570] : memref<8x3x4xf32, #tpu.memory_space<smem>>
    %add3A_1572 = vector.broadcast %get3A_1571 : f32 to vector<1x2048xf32>
    %add3A_1573 = arith.addf %mul3A_1567, %add3A_1572 : vector<1x2048xf32>
    %add3A_1574 = arith.addf %add3A_1561, %add3A_1573 : vector<1x2048xf32>
    %get3A_1575 = arith.constant 7 : index
    %get3A_1576 = arith.constant 2 : index
    %get3A_1577 = arith.constant 0 : index
    %get3A_1578 = memref.load %arg2[%get3A_1575, %get3A_1576, %get3A_1577] : memref<8x3x4xf32, #tpu.memory_space<smem>>
    %mul3A_1579 = vector.broadcast %get3A_1578 : f32 to vector<1x2048xf32>
    %mul3A_1580 = arith.mulf %mul3A_1579, %convert_element_type3A_8 : vector<1x2048xf32>
    %get3A_1581 = arith.constant 7 : index
    %get3A_1582 = arith.constant 2 : index
    %get3A_1583 = arith.constant 1 : index
    %get3A_1584 = memref.load %arg2[%get3A_1581, %get3A_1582, %get3A_1583] : memref<8x3x4xf32, #tpu.memory_space<smem>>
    %mul3A_1585 = vector.broadcast %get3A_1584 : f32 to vector<1x2048xf32>
    %mul3A_1586 = arith.mulf %mul3A_1585, %convert_element_type3A_10 : vector<1x2048xf32>
    %add3A_1587 = arith.addf %mul3A_1580, %mul3A_1586 : vector<1x2048xf32>
    %get3A_1588 = arith.constant 7 : index
    %get3A_1589 = arith.constant 2 : index
    %get3A_1590 = arith.constant 2 : index
    %get3A_1591 = memref.load %arg2[%get3A_1588, %get3A_1589, %get3A_1590] : memref<8x3x4xf32, #tpu.memory_space<smem>>
    %mul3A_1592 = vector.broadcast %get3A_1591 : f32 to vector<1x2048xf32>
    %mul3A_1593 = arith.mulf %mul3A_1592, %convert_element_type3A_12 : vector<1x2048xf32>
    %get3A_1594 = arith.constant 7 : index
    %get3A_1595 = arith.constant 2 : index
    %get3A_1596 = arith.constant 3 : index
    %get3A_1597 = memref.load %arg2[%get3A_1594, %get3A_1595, %get3A_1596] : memref<8x3x4xf32, #tpu.memory_space<smem>>
    %add3A_1598 = vector.broadcast %get3A_1597 : f32 to vector<1x2048xf32>
    %add3A_1599 = arith.addf %mul3A_1593, %add3A_1598 : vector<1x2048xf32>
    %add3A_1600 = arith.addf %add3A_1587, %add3A_1599 : vector<1x2048xf32>
    %add3A_1601 = arith.constant 9.99999993E-9 : f32
    %add3A_1602 = vector.broadcast %add3A_1601 : f32 to vector<1x2048xf32>
    %add3A_1603 = arith.addf %add3A_1600, %add3A_1602 : vector<1x2048xf32>
    %div3A_1604 = arith.divf %add3A_1548, %add3A_1603 : vector<1x2048xf32>
    %add3A_1605 = arith.constant 9.99999993E-9 : f32
    %add3A_1606 = vector.broadcast %add3A_1605 : f32 to vector<1x2048xf32>
    %add3A_1607 = arith.addf %add3A_1600, %add3A_1606 : vector<1x2048xf32>
    %div3A_1608 = arith.divf %add3A_1574, %add3A_1607 : vector<1x2048xf32>
    %gt3A_1609 = arith.constant 0.000000e+00 : f32
    %gt3A_1610 = vector.broadcast %gt3A_1609 : f32 to vector<1x2048xf32>
    %gt3A_1611 = arith.cmpf ogt, %add3A_1600, %gt3A_1610 : vector<1x2048xf32>
    %ge3A_1612 = arith.constant 0.000000e+00 : f32
    %ge3A_1613 = vector.broadcast %ge3A_1612 : f32 to vector<1x2048xf32>
    %ge3A_1614 = arith.cmpf oge, %div3A_1604, %ge3A_1613 : vector<1x2048xf32>
    %and3A_1615 = arith.andi %gt3A_1611, %ge3A_1614 : vector<1x2048xi1>
    %le3A_1616 = arith.constant 5.110000e+02 : f32
    %le3A_1617 = vector.broadcast %le3A_1616 : f32 to vector<1x2048xf32>
    %le3A_1618 = arith.cmpf ole, %div3A_1604, %le3A_1617 : vector<1x2048xf32>
    %and3A_1619 = arith.andi %and3A_1615, %le3A_1618 : vector<1x2048xi1>
    %ge3A_1620 = arith.constant 0.000000e+00 : f32
    %ge3A_1621 = vector.broadcast %ge3A_1620 : f32 to vector<1x2048xf32>
    %ge3A_1622 = arith.cmpf oge, %div3A_1608, %ge3A_1621 : vector<1x2048xf32>
    %and3A_1623 = arith.andi %and3A_1619, %ge3A_1622 : vector<1x2048xi1>
    %le3A_1624 = arith.constant 5.110000e+02 : f32
    %le3A_1625 = vector.broadcast %le3A_1624 : f32 to vector<1x2048xf32>
    %le3A_1626 = arith.cmpf ole, %div3A_1608, %le3A_1625 : vector<1x2048xf32>
    %and3A_1627 = arith.andi %and3A_1623, %le3A_1626 : vector<1x2048xi1>
    %convert_element_type3A_1628 = arith.extui %and3A_1627 : vector<1x2048xi1> to vector<1x2048xi32>
    %convert_element_type3A_1629 = arith.sitofp %convert_element_type3A_1628 : vector<1x2048xi32> to vector<1x2048xf32>
    %round3A_1630 = math.roundeven %div3A_1604 : vector<1x2048xf32>
    %jit3A_1631 = arith.constant 0 : i32
    %jit3A_1632 = arith.constant 511 : i32
    %convert_element_type3A_1633 = arith.sitofp %jit3A_1631 : i32 to f32
    %max3A_1634 = vector.broadcast %convert_element_type3A_1633 : f32 to vector<1x2048xf32>
    %max3A_1635 = arith.maximumf %max3A_1634, %round3A_1630 : vector<1x2048xf32>
    %convert_element_type3A_1636 = arith.sitofp %jit3A_1632 : i32 to f32
    %min3A_1637 = vector.broadcast %convert_element_type3A_1636 : f32 to vector<1x2048xf32>
    %min3A_1638 = arith.minimumf %min3A_1637, %max3A_1635 : vector<1x2048xf32>
    %convert_element_type3A_1639 = arith.fptosi %min3A_1638 : vector<1x2048xf32> to vector<1x2048xi32>
    %round3A_1640 = math.roundeven %div3A_1608 : vector<1x2048xf32>
    %jit3A_1641 = arith.constant 0 : i32
    %jit3A_1642 = arith.constant 511 : i32
    %convert_element_type3A_1643 = arith.sitofp %jit3A_1641 : i32 to f32
    %max3A_1644 = vector.broadcast %convert_element_type3A_1643 : f32 to vector<1x2048xf32>
    %max3A_1645 = arith.maximumf %max3A_1644, %round3A_1640 : vector<1x2048xf32>
    %convert_element_type3A_1646 = arith.sitofp %jit3A_1642 : i32 to f32
    %min3A_1647 = vector.broadcast %convert_element_type3A_1646 : f32 to vector<1x2048xf32>
    %min3A_1648 = arith.minimumf %min3A_1647, %max3A_1645 : vector<1x2048xf32>
    %convert_element_type3A_1649 = arith.fptosi %min3A_1648 : vector<1x2048xf32> to vector<1x2048xi32>
    %jit3A_1650 = arith.constant 0 : i32
    %jit3A_1651 = arith.constant 511 : i32
    %max3A_1652 = vector.broadcast %jit3A_1650 : i32 to vector<1x2048xi32>
    %max3A_1653 = arith.maxsi %max3A_1652, %convert_element_type3A_1639 : vector<1x2048xi32>
    %min3A_1654 = vector.broadcast %jit3A_1651 : i32 to vector<1x2048xi32>
    %min3A_1655 = arith.minsi %min3A_1654, %max3A_1653 : vector<1x2048xi32>
    %jit3A_1656 = arith.constant 0 : i32
    %jit3A_1657 = arith.constant 511 : i32
    %max3A_1658 = vector.broadcast %jit3A_1656 : i32 to vector<1x2048xi32>
    %max3A_1659 = arith.maxsi %max3A_1658, %convert_element_type3A_1649 : vector<1x2048xi32>
    %min3A_1660 = vector.broadcast %jit3A_1657 : i32 to vector<1x2048xi32>
    %min3A_1661 = arith.minsi %min3A_1660, %max3A_1659 : vector<1x2048xi32>
    %iota3A_1662 = tpu.iota {dimensions = array<i32: 1>} : vector<1x2048xi32>
    %mul3A_1663 = arith.constant 2048 : i32
    %mul3A_1664 = arith.muli %arg0, %mul3A_1663 : i32
    %add3A_1665 = vector.broadcast %mul3A_1664 : i32 to vector<1x2048xi32>
    %add3A_1666 = arith.addi %iota3A_1662, %add3A_1665 : vector<1x2048xi32>
    %mul3A_1667 = arith.constant 512 : i32
    %mul3A_1668 = vector.broadcast %mul3A_1667 : i32 to vector<1x2048xi32>
    %mul3A_1669 = arith.muli %min3A_1661, %mul3A_1668 : vector<1x2048xi32>
    %add3A_1670 = arith.constant 1835008 : i32
    %add3A_1671 = vector.broadcast %add3A_1670 : i32 to vector<1x2048xi32>
    %add3A_1672 = arith.addi %add3A_1671, %mul3A_1669 : vector<1x2048xi32>
    %add3A_1673 = arith.addi %add3A_1672, %min3A_1655 : vector<1x2048xi32>
    %sub3A_1674 = arith.constant -1 : i32
    %sub3A_1675 = vector.broadcast %sub3A_1674 : i32 to vector<1x2048xi32>
    %sub3A_1676 = arith.subi %sub3A_1675, %add3A_1666 : vector<1x2048xi32>
    %select_n3A_1677 = arith.select %and3A_1627, %add3A_1673, %sub3A_1676 : vector<1x2048xi1>, vector<1x2048xi32>
    %swap3A_1678 = arith.constant 7 : index
    %swap3A_1679 = arith.constant 0 : index
    %swap3A_1680 = vector.load %arg4[%swap3A_1678, %swap3A_1679] : memref<8x2048xi32, #tpu.memory_space<vmem>>, vector<1x2048xi32>
    tpu.vector_store %arg4[%swap3A_1678, %swap3A_1679], %select_n3A_1677 {strides = array<i32>} : memref<8x2048xi32, #tpu.memory_space<vmem>>, vector<1x2048xi32>,
    %get3A_1681 = arith.constant 7 : index
    %get3A_1682 = arith.constant 0 : index
    %get3A_1683 = memref.load %arg3[%get3A_1681, %get3A_1682] : memref<8x3xf32, #tpu.memory_space<smem>>
    %sub3A_1684 = vector.broadcast %get3A_1683 : f32 to vector<1x2048xf32>
    %sub3A_1685 = arith.subf %get3A_1, %sub3A_1684 : vector<1x2048xf32>
    %get3A_1686 = arith.constant 7 : index
    %get3A_1687 = arith.constant 1 : index
    %get3A_1688 = memref.load %arg3[%get3A_1686, %get3A_1687] : memref<8x3xf32, #tpu.memory_space<smem>>
    %sub3A_1689 = vector.broadcast %get3A_1688 : f32 to vector<1x2048xf32>
    %sub3A_1690 = arith.subf %get3A_4, %sub3A_1689 : vector<1x2048xf32>
    %get3A_1691 = arith.constant 7 : index
    %get3A_1692 = arith.constant 2 : index
    %get3A_1693 = memref.load %arg3[%get3A_1691, %get3A_1692] : memref<8x3xf32, #tpu.memory_space<smem>>
    %sub3A_1694 = vector.broadcast %get3A_1693 : f32 to vector<1x2048xf32>
    %sub3A_1695 = arith.subf %get3A_7, %sub3A_1694 : vector<1x2048xf32>
    %mul3A_1696 = arith.mulf %sub3A_1685, %sub3A_1685 : vector<1x2048xf32>
    %mul3A_1697 = arith.mulf %sub3A_1690, %sub3A_1690 : vector<1x2048xf32>
    %add3A_1698 = arith.addf %mul3A_1696, %mul3A_1697 : vector<1x2048xf32>
    %mul3A_1699 = arith.mulf %sub3A_1695, %sub3A_1695 : vector<1x2048xf32>
    %add3A_1700 = arith.addf %add3A_1698, %mul3A_1699 : vector<1x2048xf32>
    %sqrt3A_1701 = math.sqrt %add3A_1700 : vector<1x2048xf32>
    %add3A_1702 = arith.constant 9.99999993E-9 : f32
    %add3A_1703 = vector.broadcast %add3A_1702 : f32 to vector<1x2048xf32>
    %add3A_1704 = arith.addf %sqrt3A_1701, %add3A_1703 : vector<1x2048xf32>
    %div3A_1705 = arith.constant 1.000000e+00 : f32
    %div3A_1706 = vector.broadcast %div3A_1705 : f32 to vector<1x2048xf32>
    %div3A_1707 = arith.divf %div3A_1706, %add3A_1704 : vector<1x2048xf32>
    %swap3A_1708 = arith.constant 7 : index
    %swap3A_1709 = arith.constant 0 : index
    %swap3A_1710 = arith.constant 0 : index
    %swap3A_1711 = vector.load %arg5[%swap3A_1708, %swap3A_1709, %swap3A_1710] : memref<8x5x2048xf32, #tpu.memory_space<vmem>>, vector<1x1x2048xf32>
    %swap3A_1712 = vector.shape_cast %swap3A_1711 : vector<1x1x2048xf32> to vector<1x2048xf32>
    %swap3A_1713 = vector.shape_cast %add3A_1600 : vector<1x2048xf32> to vector<1x1x2048xf32>
    tpu.vector_store %arg5[%swap3A_1708, %swap3A_1709, %swap3A_1710], %swap3A_1713 {strides = array<i32>} : memref<8x5x2048xf32, #tpu.memory_space<vmem>>, vector<1x1x2048xf32>,
    %swap3A_1714 = arith.constant 7 : index
    %swap3A_1715 = arith.constant 1 : index
    %swap3A_1716 = arith.constant 0 : index
    %swap3A_1717 = vector.load %arg5[%swap3A_1714, %swap3A_1715, %swap3A_1716] : memref<8x5x2048xf32, #tpu.memory_space<vmem>>, vector<1x1x2048xf32>
    %swap3A_1718 = vector.shape_cast %swap3A_1717 : vector<1x1x2048xf32> to vector<1x2048xf32>
    %swap3A_1719 = vector.shape_cast %convert_element_type3A_1629 : vector<1x2048xf32> to vector<1x1x2048xf32>
    tpu.vector_store %arg5[%swap3A_1714, %swap3A_1715, %swap3A_1716], %swap3A_1719 {strides = array<i32>} : memref<8x5x2048xf32, #tpu.memory_space<vmem>>, vector<1x1x2048xf32>,
    %mul3A_1720 = arith.mulf %sub3A_1685, %div3A_1707 : vector<1x2048xf32>
    %swap3A_1721 = arith.constant 7 : index
    %swap3A_1722 = arith.constant 2 : index
    %swap3A_1723 = arith.constant 0 : index
    %swap3A_1724 = vector.load %arg5[%swap3A_1721, %swap3A_1722, %swap3A_1723] : memref<8x5x2048xf32, #tpu.memory_space<vmem>>, vector<1x1x2048xf32>
    %swap3A_1725 = vector.shape_cast %swap3A_1724 : vector<1x1x2048xf32> to vector<1x2048xf32>
    %swap3A_1726 = vector.shape_cast %mul3A_1720 : vector<1x2048xf32> to vector<1x1x2048xf32>
    tpu.vector_store %arg5[%swap3A_1721, %swap3A_1722, %swap3A_1723], %swap3A_1726 {strides = array<i32>} : memref<8x5x2048xf32, #tpu.memory_space<vmem>>, vector<1x1x2048xf32>,
    %mul3A_1727 = arith.mulf %sub3A_1690, %div3A_1707 : vector<1x2048xf32>
    %swap3A_1728 = arith.constant 7 : index
    %swap3A_1729 = arith.constant 3 : index
    %swap3A_1730 = arith.constant 0 : index
    %swap3A_1731 = vector.load %arg5[%swap3A_1728, %swap3A_1729, %swap3A_1730] : memref<8x5x2048xf32, #tpu.memory_space<vmem>>, vector<1x1x2048xf32>
    %swap3A_1732 = vector.shape_cast %swap3A_1731 : vector<1x1x2048xf32> to vector<1x2048xf32>
    %swap3A_1733 = vector.shape_cast %mul3A_1727 : vector<1x2048xf32> to vector<1x1x2048xf32>
    tpu.vector_store %arg5[%swap3A_1728, %swap3A_1729, %swap3A_1730], %swap3A_1733 {strides = array<i32>} : memref<8x5x2048xf32, #tpu.memory_space<vmem>>, vector<1x1x2048xf32>,
    %mul3A_1734 = arith.mulf %sub3A_1695, %div3A_1707 : vector<1x2048xf32>
    %swap3A_1735 = arith.constant 7 : index
    %swap3A_1736 = arith.constant 4 : index
    %swap3A_1737 = arith.constant 0 : index
    %swap3A_1738 = vector.load %arg5[%swap3A_1735, %swap3A_1736, %swap3A_1737] : memref<8x5x2048xf32, #tpu.memory_space<vmem>>, vector<1x1x2048xf32>
    %swap3A_1739 = vector.shape_cast %swap3A_1738 : vector<1x1x2048xf32> to vector<1x2048xf32>
    %swap3A_1740 = vector.shape_cast %mul3A_1734 : vector<1x2048xf32> to vector<1x1x2048xf32>
    tpu.vector_store %arg5[%swap3A_1735, %swap3A_1736, %swap3A_1737], %swap3A_1740 {strides = array<i32>} : memref<8x5x2048xf32, #tpu.memory_space<vmem>>, vector<1x1x2048xf32>,
    return
  }
  func.func @transform_0(%arg0: i32) -> (i32, i32) {
    %c0_i32 = arith.constant 0 : i32
    %c0_i32_0 = arith.constant 0 : i32
    return %c0_i32, %arg0 : i32, i32
  }
  func.func @transform_1(%arg0: i32) -> (i32, i32, i32) {
    %c0_i32 = arith.constant 0 : i32
    %c0_i32_0 = arith.constant 0 : i32
    %c0_i32_1 = arith.constant 0 : i32
    %c0_i32_2 = arith.constant 0 : i32
    return %c0_i32, %c0_i32_0, %c0_i32_1 : i32, i32, i32
  }
  func.func @transform_2(%arg0: i32) -> (i32, i32) {
    %c0_i32 = arith.constant 0 : i32
    %c0_i32_0 = arith.constant 0 : i32
    %c0_i32_1 = arith.constant 0 : i32
    return %c0_i32, %c0_i32_0 : i32, i32
  }
  func.func @transform_3(%arg0: i32) -> (i32, i32) {
    %c0_i32 = arith.constant 0 : i32
    %c0_i32_0 = arith.constant 0 : i32
    return %c0_i32, %arg0 : i32, i32
  }
  func.func @transform_4(%arg0: i32) -> (i32, i32, i32) {
    %c0_i32 = arith.constant 0 : i32
    %c0_i32_0 = arith.constant 0 : i32
    %c0_i32_1 = arith.constant 0 : i32
    return %c0_i32, %c0_i32_0, %arg0 : i32, i32, i32
  }
}

</mosaic_0001>

<sc_bundles>
// kernel: kernel.5.cloned.1.call-start
scs
__scs_entry_jumppad:
0x0: {  	(pc) =	sbr.rel $0x88, $3  }
0x1: {  	(tag) =	ssettag $0x0;
	lr =	simm.s32 $0x1  }
0x2: {  	[smem:$0x3F9D] =	sst lr;
	_ =	strace $0xD0000000  }
0x3: {  	_ = 	snop  }
0x4: {  	_ = 	snop  }
0x5: {  	_ = 	snop  }
0x6: {  	_ = 	snop  }
0x7: {  	_ = 	snop  }
__scs_overlays_trampoline_lowered:
0x8: {  	[smem:$0x3FAC] =	sst s0  }
0x9: {  	[smem:$0x3FAD] =	sst s1  }
0xa: {  	[smem:$0x3FAE] =	sst s2  }
0xb: {  	[smem:$0x3FAF] =	sst s3  }
0xc: {  	[smem:$0x3FB0] =	sst s4  }
0xd: {  	[smem:$0x3FB1] =	sst s5  }
0xe: {  	[smem:$0x3FB2] =	sst s6  }
0xf: {  	[smem:$0x3FB3] =	sst s7  }
0x10: {  	[smem:$0x3FB4] =	sst s8  }
0x11: {  	[smem:$0x3FB5] =	sst s9;
	s0 =	simm.s32 @!p0 $0x0  }
0x12: {  	s1 =	sld [smem:$0x3F9B];
	s0 =	simm.s32 @p0 $0x1  }
0x13: {  	[smem:$0x3FB6] =	sst s0;
	s0 =	simm.s32 @!p1 $0x0  }
0x14: {  	s2 =	sld [smem:$0x3F9A];
	s0 =	simm.s32 @p1 $0x1  }
0x15: {  	[smem:$0x3FB7] =	sst s0;
	s0 =	simm.s32 @!p2 $0x0  }
0x16: {  	s3 =	sld [smem:$0x3FDB];
	s0 =	simm.s32 @p2 $0x1  }
0x17: {  	s4 =	simm.s32 $0x1BF5;
	[smem:$0x3FB9] =	sst s0  }
0x18: {  	s0 =	sld [smem:$0x3F9C];
	_ =	swait.ge [sflag:s4], $0x0  }
0x19: {  	s7 =	sld [smem:$0x3F9D]  }
0x1a: {  	s8 =	sadd.s32 $0xFFFFE003, lr  }
0x1b: {  	s9 =	sadd.s32 $0xFFFFFEF7, lr;
	s5 =	simm.s32 $0xFFFFFFFF;
	p2 =	slt.u32 s8, $0xFFFFF086  }
0x1c: {  	p1 =	slt.u32 s9, $0xF7A;
	s5 =	simm.s32 @!p2 $0x0  }
0x1d: {  	s5 =	simm.s32 @p1 $0x1;
	p0 =	seq.s32 s7, s2  }
0x1e: {  	s7 =	smul.u32 @!p0 $0xF7A, s2;
	p2 =	seq.s32 @!p0 s5, $0x0  }
0x1f: {  	s9 =	smul.u32 $0xF7A, s1;
	s8 =	simm.s32 @!p0 $0x1BF5;
	p2 =	por !p2, p0  }
0x20: {  	[sflag:s8] =	ssyncset.s32 @!p0 $0xFFFFF086;
	s6 =	sadd.s32 @!p0 s3, s7;
	s7 =	simm.s32 @!p0 $0x108  }
0x21: {  	s3 =	sadd.s32 s3, s9;
	s6 =	sadd.s32 @!p0 $0x88, s6;
	s7 =	simm.s32 @p2 $0x1082  }
0x22: {  	[simem:s7], [sflag:s8] =	dma.local @!p0 [hbm:s6], $0xF7A  }
0x23: {  	s9 =	sor.u32 $0xD0000000, s2;
	s6 =	simm.s32 $0x108;
	_ =	swait.ge @!p0 [sflag:s8], $0x0  }
0x24: {  	s3 =	sadd.s32 $0x88, s3;
	s6 =	simm.s32 @!p1 $0x1082;
	[sflag:s4] =	ssyncset.s32 $0xFFFFF086  }
0x25: {  	[simem:s6], [sflag:s4] =	dma.local [hbm:s3], $0xF7A  }
0x26: {  	[smem:$0x3F9D] =	sst s1;
	(tag) =	ssettag s2;
	_ =	strace s9  }
0x27: {  	s1 =	sld [smem:$0x3FAD]  }
0x28: {  	s2 =	sld [smem:$0x3FAE]  }
0x29: {  	s4 =	sld [smem:$0x3FB0]  }
0x2a: {  	p0 =	seq.s32 s5, $0x0;
	s5 =	sld [smem:$0x3FB1]  }
0x2b: {  	s6 =	sld [smem:$0x3FB2]  }
0x2c: {  	s7 =	sld [smem:$0x3FB3]  }
0x2d: {  	s3 =	simm.s32 $0x108;
	s8 =	sld [smem:$0x3FB4]  }
0x2e: {  	s3 =	simm.s32 @!p0 $0x1082;
	s9 =	sld [smem:$0x3FB5]  }
0x2f: {  	lr =	sadd.s32 s0, s3;
	s0 =	sld [smem:$0x3FAC]  }
0x30: {  	s3 =	sld [smem:$0x3FAF]  }
0x31: {  	[smem:$0x3FB8] =	sst s10  }
0x32: {  	s10 =	sld [smem:$0x3FB6];
	_ =	sdelay $0x3  }
0x33: {  	p0 =	seq.s32 s10, $0x1;
	s10 =	sld [smem:$0x3FB8];
	_ =	sdelay $0x3  }
0x34: {  	[smem:$0x3FB8] =	sst s10  }
0x35: {  	s10 =	sld [smem:$0x3FB7];
	_ =	sdelay $0x3  }
0x36: {  	p1 =	seq.s32 s10, $0x1;
	s10 =	sld [smem:$0x3FB8];
	_ =	sdelay $0x3  }
0x37: {  	[smem:$0x3FB8] =	sst s10  }
0x38: {  	s10 =	sld [smem:$0x3FB9]  }
0x39: {  	_ = 	snop;
	(pc) =	sbr.ind lr, $3  }
0x3a: {  	_ = 	snop  }
0x3b: {  	_ = 	snop  }
0x3c: {  	p2 =	seq.s32 s10, $0x1;
	s10 =	sld [smem:$0x3FB8]  }
0x3d: {  	_ =	shalt  }
0x3e: {  	_ =	shalt  }
0x3f: {  	_ =	shalt  }
0x40: {  	_ =	shalt  }
0x41: {  	_ =	shalt  }
0x42: {  	_ =	shalt  }
0x43: {  	_ =	shalt  }
0x44: {  	_ =	shalt  }
0x45: {  	_ =	shalt  }
0x46: {  	_ =	shalt  }
0x47: {  	_ =	shalt  }
0x48: {  	_ =	shalt  }
0x49: {  	_ =	shalt  }
0x4a: {  	_ =	shalt  }
0x4b: {  	_ =	shalt  }
0x4c: {  	_ =	shalt  }
0x4d: {  	_ =	shalt  }
0x4e: {  	_ =	shalt  }
0x4f: {  	_ =	shalt  }
0x50: {  	_ =	shalt  }
0x51: {  	_ =	shalt  }
0x52: {  	_ =	shalt  }
0x53: {  	_ =	shalt  }
0x54: {  	_ =	shalt  }
0x55: {  	_ =	shalt  }
0x56: {  	_ =	shalt  }
0x57: {  	_ =	shalt  }
0x58: {  	_ =	shalt  }
0x59: {  	_ =	shalt  }
0x5a: {  	_ =	shalt  }
0x5b: {  	_ =	shalt  }
0x5c: {  	_ =	shalt  }
0x5d: {  	_ =	shalt  }
0x5e: {  	_ =	shalt  }
0x5f: {  	_ =	shalt  }
0x60: {  	_ =	shalt  }
0x61: {  	_ =	shalt  }
0x62: {  	_ =	shalt  }
0x63: {  	_ =	shalt  }
0x64: {  	_ =	shalt  }
0x65: {  	_ =	shalt  }
0x66: {  	_ =	shalt  }
0x67: {  	_ =	shalt  }
0x68: {  	_ =	shalt  }
0x69: {  	_ =	shalt  }
0x6a: {  	_ =	shalt  }
0x6b: {  	_ =	shalt  }
0x6c: {  	_ =	shalt  }
0x6d: {  	_ =	shalt  }
0x6e: {  	_ =	shalt  }
0x6f: {  	_ =	shalt  }
0x70: {  	_ =	shalt  }
0x71: {  	_ =	shalt  }
0x72: {  	_ =	shalt  }
0x73: {  	_ =	shalt  }
0x74: {  	_ =	shalt  }
0x75: {  	_ =	shalt  }
0x76: {  	_ =	shalt  }
0x77: {  	_ =	shalt  }
0x78: {  	_ =	shalt  }
0x79: {  	_ =	shalt  }
0x7a: {  	_ =	shalt  }
0x7b: {  	_ =	shalt  }
0x7c: {  	_ =	shalt  }
0x7d: {  	_ =	shalt  }
0x7e: {  	_ =	shalt  }
0x7f: {  	_ =	shalt  }
0x80: {  	_ =	shalt  }
0x81: {  	_ =	shalt  }
0x82: {  	_ =	shalt  }
0x83: {  	_ =	shalt  }
0x84: {  	_ =	shalt  }
0x85: {  	_ =	shalt  }
0x86: {  	_ =	shalt  }
0x87: {  	_ =	shalt  }
.Lfunc_end0:
.L_simem_size_0:
called_computation_lowered:
.L_overlay_start_0:
0x88: {  	s2 =	sld [smem:$0x3FD9]  }
0x89: {  	s3 =	sld [smem:$0x3FFE];
	_ =	sdelay $0x1  }
0x8a: {  	s1 =	srdreg.scid  }
0x8b: {  	s0 =	sand.u32 $0x1, s1  }
0x8c: {  	s17 =	sshll.u32 s0, $0xA;
	s2 =	sadd.s32 s3, s2  }
0x8d: {  	s2 =	sadd.s32 s2, s17  }
0x8e: {  	[smem:$0x3FC4] =	sst s2  }
0x8f: {  	_ = 	snop  }
0x90: {  	s2 =	sld [smem:$0x3FD0];
	(tm) =	ssettm $0x1  }
0x91: {  	s18 =	sld [smem:$0x3FFB];
	_ =	sdelay $0x3  }
0x92: {  	_ =	strace s18  }
0x93: {  	s3 =	sld [smem:$0x3FFC];
	_ =	sdelay $0x3  }
0x94: {  	_ =	strace s3  }
0x95: {  	s3 =	sld [smem:$0x3FFD];
	_ =	sdelay $0x3  }
0x96: {  	_ =	strace s3  }
0x97: {  	_ =	strace $0x8FFFFFFF  }
0x98: {  	s19 =	sld [smem:$0x3FDB];
	_ =	sdelay $0x1  }
0x99: {  	s4 =	simm.s32 $_scs_section_size  }
0x9a: {  	s5 =	simm.s32 $_size__tile_overlayer_lowered;
	s6 =	simm.s32 $_tile_overlayer_lowered  }
0x9b: {  	s22 =	simm.s32 $0x1BFF;
	s21 =	sshll.u32 s6, $0x1;
	s3 =	sadd.s32 s4, s19  }
0x9c: {  	s7 =	simm.s32 $0x0;
	s20 =	sshll.u32 s5, $0x1;
	s5 =	sadd.s32 s21, s3  }
0x9d: {  	[timem:s7], [sflag:s22] =	dma.local [hbm:s5], s20  }
0x9e: {  	_ =	swait.ge [sflag:s22], s20  }
0x9f: {  	s4 =	ssub.s32 $0x0, s20;
	[sflag:s22] =	ssyncset.done $0x0  }
0xa0: {  	[sflag:s22] =	ssyncadd.s32 s4;
	_ =	sdelay $0x1  }
0xa1: {  	s23 =	simm.s32 $0x1B8B  }
0xa2: {  	_ =	swait.ge [sflag:s23], $0x1  }
0xa3: {  	[sflag:s23] =	ssyncset.done $0x0  }
0xa4: {  	s25 =	simm.s32 $0x1B8E;
	s24 =	sld [smem:$0x3FFE];
	[sflag:s23] =	ssyncadd.s32 $0xFFFFFFFF  }
0xa5: {  	s26 =	simm.s32 $execute0_lowered;
	[smem:$0x3FD2] =	sst s25  }
0xa6: {  	s5 =	sshll.u32 s26, $0x1;
	_ =	strace $0x80000046;
	[dreg:$0x1] =	wrdreg $0xFFFFFFFF  }
0xa7: {  	s28 =	simm.s32 $_size_execute0_lowered;
	s3 =	sadd.s32 s3, s5;
	[dreg:$0x0] =	wrdreg $0x0  }
0xa8: {  	s5 =	sshll.u32 s28, $0x1;
	[dreg:$0x2] =	wrdreg s3  }
0xa9: {  	[dreg:$0x3] =	wrdreg s5  }
0xaa: {  	[dreg:$0x4] =	wrdreg $0xC0  }
0xab: {  	_ =	task [dreg:s7], $0x5FFFF  }
0xac: {  	[dreg:$0x1] =	wrdreg $0xFFFFFFFF  }
0xad: {  	[dreg:$0x0] =	wrdreg $0x60  }
0xae: {  	[dreg:$0x2] =	wrdreg s2  }
0xaf: {  	[dreg:$0x3] =	wrdreg s24  }
0xb0: {  	[dreg:$0x4] =	wrdreg $0x9  }
0xb1: {  	_ =	task.clear_ibuf [dreg:s7], $0x5FFFF;
	_ =	strace $0x90000046  }
0xb2: {  	s29 =	simm.s32 $0x9;
	_ =	strace $0x80000048  }
0xb3: {  	_ =	swait.ge [sflag:s29], $0x1  }
0xb4: {  	[sflag:s29] =	ssyncadd.s32 $0xFFFFFFFF  }
0xb5: {  	_ =	strace $0x90000048  }
0xb6: {  	_ =	sfence  }
0xb7: {  	s30 =	sld [smem:$0x0];
	_ =	sdelay $0x2  }
0xb8: {  	s31 =	sshll.u32 s1, $0xD;
	s1 =	sshrl.u32 s1, $0x2  }
0xb9: {  	s3 =	sand.u32 $0x4000, s31;
	s1 =	sadd.s32 s1, s30  }
0xba: {  	s0 =	sor.u32 s3, s0;
	s1 =	sshll.u32 s1, $0x11  }
0xbb: {  	s0 =	sor.u32 s1, s0  }
0xbc: {  	s0 =	sadd.s32 $0x8F2B, s0  }
0xbd: {  	[sflag:s0] =	ssyncadd.remote.s32 $0x1  }
0xbe: {  	_ =	sfence.sel $0xFFFF  }
0xbf: {  	[dreg:$0x0] =	wrdreg $0xFFFFFFFF;
	(pc) =	sbr.abs _section_cstart, $3  }
0xc0: {  	[dreg:$0x1] =	wrdreg $0xFFFFFFFF  }
0xc1: {  	_ =	task.clear_ibuf [dreg:s7], $0x2FFFF;
	_ =	strace $0x9FFFFFFF  }
0xc2: {  	(tm) =	ssettm $0x7FFFFFFF  }
0xc3: {  	_ =	shalt  }
tec
execute0_lowered:
.L_overlay_start_1:
0x0: {  	(tag) =	ssettag $0x1  }
0x1: {  	s2 =	rddreg [dreg:$0x0]  }
0x2: {  	s0 =	srdreg.scid;
	s3 =	stileid.u32  }
0x3: {  	s1 =	rddreg [dreg:$0x1];
	s4 =	simm.s32 $0x0;
	s10 =	simm.s32 $0x7  }
0x4: {  	s11 =	simm.s32 $0x4000;
	s15 =	simm.s32 $0x40000;
	s17 =	simm.s32 $0x4200  }
0x5: {  	s20 =	simm.s32 $0x200;
	s21 =	simm.s32 $0x15600;
	s22 =	simm.s32 $0x1  }
0x6: {  	s23 =	simm.s32 $0x3;
	s24 =	simm.s32 $0x4800;
	s25 =	simm.s32 $0xC800  }
0x7: {  	s26 =	simm.s32 $0x2;
	s28 =	simm.s32 $0x4;
	s29 =	simm.s32 $0x8800  }
0x8: {  	s30 =	simm.s32 $0x10A00;
	s0 =	sand.u32 $0x1, s0;
	[smem:$0x7FF] =	sst s4  }
0x9: {  	s3 =	sshll.u32 s3, $0x1;
	s4 =	sadd.s32 $0x240800, s1;
	s5 =	sadd.s32 $0x380800, s1  }
.Ltmp0:
0xa: {  	s3 =	sor.u32 s0, s3;
	s0 =	ssub.s32 $0x2, s0;
	(pc) =	sbr.rel .LBB2_1-.Ltmp0, $4  }
0xb: {  	_ =	strace $0x80000047;
	s8 =	sshll.u32 s3, $0xA;
	s7 =	sshrl.u32 s0, $0x1  }
0xc: {  	s6 =	sadd.s32 s8, s1;
	s0 =	ssub.s32 s0, s7;
	s31 =	sadd.s32 s4, s8  }
0xd: {  	s7 =	sshll.u32 s3, $0xD;
	[dreg:$0x3] =	wrdreg s31;
	s0 =	smax.u32 s0, $0x1  }
0xe: {  	v0 =	vimm.s32 $0x0;
	s3 =	simm.s32 $0x0;
	s6 =	sadd.s32 $0x200800, s6;
	[dreg:$0x4] =	wrdreg s0  }
.LBB2_29:
0xf: {  	s0 =	simm.s32 $0x5  }
0x10: {  	_ =	swait.ge [sflag:s0], $0x4200  }
0x11: {  	[sflag:s0] =	ssyncset.done $0x0  }
0x12: {  	s1 =	simm.s32 $0x6;
	[sflag:s0] =	ssyncadd.s32 $0xFFFFBE00  }
0x13: {  	_ =	swait.ge [sflag:s1], $0x4200  }
0x14: {  	s3 =	rddreg [dreg:$0x5]  }
0x15: {  	s31 =	rddreg [dreg:$0x4];
	s3 =	sadd.s32 $0x1, s3  }
0x16: {  	p0 =	sne.s32 s3, s31  }
.Ltmp1:
0x17: {  	_ = 	snop;
	(pc) =	sbr.rel @!p0 .LBB2_30-.Ltmp1, $3  }
0x18: {  	_ =	sdelay $0x1  }
0x19: {  	[sflag:s1] =	ssyncset.done $0x0  }
0x1a: {  	[sflag:s1] =	ssyncadd.s32 $0xFFFFBE00  }
.LBB2_1:
0x1b: {  	[dreg:$0x5] =	wrdreg s3;
	s0 =	simm.s32 $0x40;
	s1 =	simm.s32 $0x0  }
.LBB2_2:
0x1c: {  	p0 =	sne.s32 s0, $0x7C0;
	[tilespmem:s1+$0x4000] =	vst v0;
	s3 =	smov.u32 s0;
	s0 =	sadd.s32 $0x40, s0  }
.Ltmp2:
0x1d: {  	[tilespmem:s1+$0x4200] =	vst v0;
	(pc) =	sbr.rel @p0 .LBB2_2-.Ltmp2, $2  }
0x1e: {  	_ =	sdelay $0x2  }
0x1f: {  	s1 =	sshra.s32 s3, $0x2  }
0x20: {  	[tilespmem:s1+$0x4000] =	vst v0  }
0x21: {  	[tilespmem:s1+$0x4200] =	vst v0;
	s0 =	simm.s32 $0x0  }
0x22: {  	[tilespmem:s0], [sflag:$0x7] =	stream.linear.gather [hbm4b:s6+s0], $0x2000, $0x38;
	[tilespmem:$0x16000] =	vst v63  }
0x23: {  	_ =	swait.ge [sflag:s10], $0x2000  }
0x24: {  	[sflag:s10] =	ssyncset.done $0x0  }
0x25: {  	s0 =	simm.s32 $0x0;
	[sflag:s10] =	ssyncadd.s32 $0xFFFFE000  }
0x26: {  	v1 =	vld [tilespmem:s0+$0x0];
	_ =	sdelay $0x4  }
0x27: {  	vm0 =	vgt.s32 v1, $0xFFFFFFFF  }
0x28: {  	v2 =	vsel vm0, $0x1, v0  }
0x29: {  	(xrf0) =	vadd.scan.msk.s32 $0xffff, v2;
	_ =	sdelay $0x4  }
0x2a: {  	v3 =	vsel vm0, $0xFFFFFFFF, v0;
	v2 =	vimm.s32 $0x0  }
0x2b: {  	v3 =	vadd.s32 v3, v2;
	v4, _, _ =	vpop (xrf0)  }
0x2c: {  	v3 =	vadd.s32 v4, v3;
	_ =	sdelay $0x1  }
0x2d: {  	v4 =	vmpcnt.ones.xlane vm0;
	_ =	sdelay $0x1  }
0x2e: {  	v2 =	vadd.s32 v2, v4  }
0x2f: {  	s3 =	simm.s32 $0x10;
	s1 =	simm.s32 $0x80;
	[tilespmem:v3+s11+$0x0] =	vst.idx.msk vm0, v1;
	v1 =	vmov v2  }
.LBB2_4:
0x30: {  	p0 =	sne.s32 s1, $0x7C0;
	v4 =	vld [tilespmem:s3+$0x0];
	[tilespmem:s0+$0x4400] =	vst v3;
	s0 =	smov.u32 s3;
	_ =	sdelay $0x4  }
0x31: {  	vm0 =	vgt.s32 v4, $0xFFFFFFFF  }
0x32: {  	v3 =	vsel vm0, $0x1, v0;
	v5 =	vmpcnt.ones.xlane vm0  }
0x33: {  	(xrf0) =	vadd.scan.msk.s32 $0xffff, v3  }
0x34: {  	v2 =	vadd.s32 v2, v5;
	_ =	sdelay $0x3  }
0x35: {  	v3 =	vsel vm0, $0xFFFFFFFF, v0  }
0x36: {  	v3 =	vadd.s32 v3, v1;
	v1 =	vmov v2;
	v5, _, _ =	vpop (xrf0)  }
0x37: {  	v3 =	vadd.s32 v5, v3  }
.Ltmp3:
0x38: {  	(pc) =	sbr.rel @p0 .LBB2_4-.Ltmp3, $2  }
0x39: {  	_ =	sdelay $0x2  }
0x3a: {  	s3 =	sshra.s32 s1, $0x2;
	s1 =	sadd.s32 $0x40, s1;
	[tilespmem:v3+s11+$0x0] =	vst.idx.msk vm0, v4  }
0x3b: {  	v4 =	vld [tilespmem:s3+$0x0];
	_ =	sdelay $0x4  }
0x3c: {  	vm0 =	vgt.s32 v4, $0xFFFFFFFF  }
0x3d: {  	v5 =	vmpcnt.ones.xlane vm0;
	_ =	sdelay $0x1  }
0x3e: {  	v61 =	vsel vm0, $0x1, v0;
	v2 =	vadd.s32 v2, v5  }
0x3f: {  	(xrf0) =	vadd.scan.msk.s32 $0xffff, v61;
	v2 =	vxor.u32 $0x80000000, v2  }
0x40: {  	(xrf0) =	vmax.scan.msk.u32 $0xffff, v2;
	_ =	sdelay $0x4  }
0x41: {  	v2, _, _ =	vpop (xrf0)  }
0x42: {  	v62, _, _ =	vpop (xrf0)  }
0x43: {  	(v2sf) =	vpush v62, $0xF;
	_ =	sdelay $0xa  }
0x44: {  	v63 =	vsel vm0, $0xFFFFFFFF, v0  }
0x45: {  	v1 =	vadd.s32 v63, v1  }
0x46: {  	v1 =	vadd.s32 v2, v1;
	_ =	sdelay $0x1  }
0x47: {  	s1 =	spop (v2sf)  }
0x48: {  	[tilespmem:s0+$0x4400] =	vst v3;
	s0 =	sxor.u32 $0x80000000, s1  }
0x49: {  	p0 =	slt.s32 s0, $0x1  }
0x4a: {  	[tilespmem:v1+s11+$0x0] =	vst.idx.msk vm0, v4;
	s1 =	simm.s32 @!p0 $0x40  }
0x4b: {  	[tilespmem:s3+$0x4400] =	vst v1;
	s3 =	simm.s32 @!p0 $0x4000;
	s8 =	simm.s32 @!p0 $0x4800;
	p1 =	slt.u32 @!p0 s0, $0x41  }
0x4c: {  	[tilespmem:s8], [sflag:$0x1] =	stream.indirect.gather @!p0 [hbm4b:s2+s1], $0x20, s3, s1, $0xb8;
	[tilespmem:$0x16000] =	vst v63  }
0x4d: {  	p0 =	por p0, p1  }
0x4e: {  	s1 =	simm.s32 @!p0 $0x40  }
0x4f: {  	s3 =	simm.s32 @!p0 $0x4040;
	s8 =	simm.s32 @!p0 $0x5000;
	p1 =	slt.u32 @!p0 s0, $0x81  }
0x50: {  	[tilespmem:s8], [sflag:$0x1] =	stream.indirect.gather @!p0 [hbm4b:s2+s1], $0x20, s3, s1, $0xb8;
	[tilespmem:$0x16000] =	vst v63  }
0x51: {  	p0 =	por p0, p1  }
.Ltmp4:
0x52: {  	_ = 	snop;
	(pc) =	sbr.rel @p0 .LBB2_7-.Ltmp4, $2  }
0x53: {  	_ =	sdelay $0x2  }
0x54: {  	[smem:$0x0] =	sst s0  }
0x55: {  	s1 =	simm.s32 $0x40  }
0x56: {  	s3 =	simm.s32 $0x4080;
	s8 =	simm.s32 $0x5800;
	p0 =	slt.u32 s0, $0xC1  }
0x57: {  	[tilespmem:s8], [sflag:$0x1] =	stream.indirect.gather [hbm4b:s2+s1], $0x20, s3, s1, $0xb8;
	[tilespmem:$0x16000] =	vst v63  }
0x58: {  	s1 =	simm.s32 @!p0 $0x40;
	p1 =	slt.u32 @!p0 s0, $0x101  }
0x59: {  	s3 =	simm.s32 @!p0 $0x40C0;
	s8 =	simm.s32 @!p0 $0x6000;
	p2 =	por p1, p0  }
0x5a: {  	[tilespmem:s8], [sflag:$0x1] =	stream.indirect.gather @!p0 [hbm4b:s2+s1], $0x20, s3, s1, $0xb8;
	[tilespmem:$0x16000] =	vst v63  }
0x5b: {  	s1 =	simm.s32 @!p2 $0x40;
	p3 =	slt.u32 @!p2 s0, $0x141  }
0x5c: {  	s3 =	simm.s32 @!p2 $0x4100;
	s8 =	simm.s32 @!p2 $0x6800;
	p4 =	por @!p0 p3, p1  }
0x5d: {  	[tilespmem:s8], [sflag:$0x1] =	stream.indirect.gather @!p2 [hbm4b:s2+s1], $0x20, s3, s1, $0xb8;
	[tilespmem:$0x16000] =	vst v63  }
0x5e: {  	p4 =	por p4, p0  }
0x5f: {  	s1 =	simm.s32 @!p4 $0x40  }
0x60: {  	s3 =	simm.s32 @!p4 $0x4140;
	s8 =	simm.s32 @!p4 $0x7000;
	p5 =	slt.u32 @!p4 s0, $0x181  }
0x61: {  	[tilespmem:s8], [sflag:$0x1] =	stream.indirect.gather @!p4 [hbm4b:s2+s1], $0x20, s3, s1, $0xb8;
	[tilespmem:$0x16000] =	vst v63  }
0x62: {  	p6 =	por @!p2 p5, p3  }
0x63: {  	p6 =	por @!p0 p6, p1  }
0x64: {  	p6 =	por p6, p0  }
0x65: {  	s1 =	simm.s32 @!p6 $0x40;
	s3 =	simm.s32 @!p6 $0x4180;
	s8 =	simm.s32 @!p6 $0x7800  }
0x66: {  	[tilespmem:s8], [sflag:$0x1] =	stream.indirect.gather @!p6 [hbm4b:s2+s1], $0x20, s3, s1, $0xb8;
	[tilespmem:$0x16000] =	vst v63  }
0x67: {  	p6 =	slt.u32 @!p6 s0, $0x1C1  }
0x68: {  	p4 =	por @!p4 p6, p5  }
0x69: {  	p2 =	por @!p2 p4, p3  }
0x6a: {  	p1 =	por @!p0 p2, p1  }
0x6b: {  	p0 =	por p1, p0  }
0x6c: {  	s0 =	simm.s32 @!p0 $0x40;
	s1 =	simm.s32 @!p0 $0x41C0;
	s3 =	simm.s32 @!p0 $0x8000  }
0x6d: {  	[tilespmem:s3], [sflag:$0x1] =	stream.indirect.gather @!p0 [hbm4b:s2+s0], $0x20, s1, s0, $0xb8;
	[tilespmem:$0x16000] =	vst v63  }
.LBB2_7:
0x6e: {  	s8 =	simm.s32 $0x200;
	s0 =	rddreg [dreg:$0x3];
	s1 =	simm.s32 $0x14C00  }
0x6f: {  	[tilespmem:s1], [sflag:$0x3] =	stream.strided.gather [hbm4b:s0+s8], $0xA00, s15, s8, $0x38;
	[tilespmem:$0x16000] =	vst v63  }
0x70: {  	s9 =	simm.s32 $0x2;
	s31 =	simm.s32 $0x1;
	s0 =	simm.s32 $0x0  }
.LBB2_8:
0x71: {  	s18 =	sshrl.u32 s0, $0x3  }
0x72: {  	s1 =	sshll.u32 s18, $0xF  }
0x73: {  	s3 =	sand.u32 $0x8000, s1  }
0x74: {  	s1 =	ssub.s32 s3, s1  }
0x75: {  	s1 =	sshra.s32 s1, $0x2  }
0x76: {  	s1 =	sadd.s32 s1, s8  }
0x77: {  	v2 =	vmov s1  }
0x78: {  	s13 =	sand.u32 $0x7, s31  }
0x79: {  	s19 =	sshll.u32 s9, $0xB;
	s12 =	sshll.u32 s13, $0xC  }
0x7a: {  	s13 =	sshllo.u32 s0, $0x1;
	s16 =	sshll.u32 s18, $0x4;
	s3 =	sand.u32 $0x8000, s19  }
0x7b: {  	s19 =	sshll.u32 s0, $0x1;
	s1 =	sor.u32 s12, s3;
	s3 =	simm.s32 $0x0  }
0x7c: {  	v4 =	vimm.s32 $0x0;
	v3 =	vimm.s32 $0x0;
	s14 =	sshrl.u32 s1, $0x2;
	s1 =	ssub.s32 s13, s16;
	s13 =	simm.s32 $0x40;
	v1 =	vld.idx.msk [tilespmem:v2+s3+$0x0 ss:$0x1], $0xffff  }
.LBB2_9:
0x7d: {  	p0 =	sne.s32 s13, $0x7C0;
	_ =	sdelay $0x4  }
0x7e: {  	vm0 =	vgt.s32 v1, $0xFFFFFFFF  }
0x7f: {  	v5 =	vsel vm0, $0x1, v0;
	v6 =	vmpcnt.ones.xlane vm0  }
0x80: {  	(xrf0) =	vadd.scan.msk.s32 $0xffff, v5  }
0x81: {  	v4 =	vadd.s32 v4, v6;
	_ =	sdelay $0x3  }
0x82: {  	v5 =	vsel vm0, $0xFFFFFFFF, v0  }
0x83: {  	v5 =	vadd.s32 v5, v3;
	v3 =	vmov v4;
	v6, _, _ =	vpop (xrf0)  }
0x84: {  	v5 =	vadd.s32 v6, v5;
	_ =	sdelay $0x2  }
.Ltmp5:
0x85: {  	(pc) =	sbr.rel @p0 .LBB2_9-.Ltmp5, $4  }
0x86: {  	_ = 	snop  }
0x87: {  	[tilespmem:v5+s17+$0x0] =	vst.idx.msk vm0, v1  }
0x88: {  	[tilespmem:s3+$0x4600] =	vst v5;
	s3 =	sshra.s32 s13, $0x2  }
0x89: {  	s13 =	sadd.s32 $0x40, s13;
	v1 =	vld.idx.msk [tilespmem:v2+s3+$0x0 ss:$0x1], $0xffff  }
0x8a: {  	_ =	sdelay $0x3  }
0x8b: {  	vm0 =	vgt.s32 v1, $0xFFFFFFFF  }
0x8c: {  	v2 =	vmpcnt.ones.xlane vm0;
	_ =	sdelay $0x1  }
0x8d: {  	v5 =	vsel vm0, $0x1, v0;
	v2 =	vadd.s32 v4, v2  }
0x8e: {  	(xrf0) =	vadd.scan.msk.s32 $0xffff, v5;
	v2 =	vxor.u32 $0x80000000, v2  }
0x8f: {  	(xrf0) =	vmax.scan.msk.u32 $0xffff, v2;
	_ =	sdelay $0x4  }
0x90: {  	v2, _, _ =	vpop (xrf0)  }
0x91: {  	v62, _, _ =	vpop (xrf0)  }
0x92: {  	(v2sf) =	vpush v62, $0xF;
	_ =	sdelay $0x9  }
0x93: {  	v63 =	vsel vm0, $0xFFFFFFFF, v0  }
0x94: {  	v3 =	vadd.s32 v63, v3  }
0x95: {  	v2 =	vadd.s32 v2, v3;
	_ =	sdelay $0x2  }
0x96: {  	s13 =	spop (v2sf)  }
0x97: {  	s13 =	sxor.u32 $0x80000000, s13  }
0x98: {  	[tilespmem:v2+s17+$0x0] =	vst.idx.msk vm0, v1;
	p0 =	slt.s32 s13, $0x1  }
0x99: {  	[tilespmem:s3+$0x4600] =	vst v2;
	s3 =	simm.s32 @!p0 $0x40  }
0x9a: {  	s16 =	simm.s32 @!p0 $0x4200;
	s12 =	simm.s32 @!p0 $0x8800;
	p1 =	slt.u32 @!p0 s13, $0x41  }
0x9b: {  	[tilespmem:s12], [sflag:$0x2] =	stream.indirect.gather @!p0 [hbm4b:s2+s3], $0x20, s16, s3, $0xb8;
	[tilespmem:$0x16000] =	vst v63  }
0x9c: {  	p0 =	por p0, p1  }
0x9d: {  	s3 =	simm.s32 @!p0 $0x40  }
0x9e: {  	s12 =	simm.s32 @!p0 $0x4240;
	s16 =	simm.s32 @!p0 $0x9000;
	p1 =	slt.u32 @!p0 s13, $0x81  }
0x9f: {  	[tilespmem:s16], [sflag:$0x2] =	stream.indirect.gather @!p0 [hbm4b:s2+s3], $0x20, s12, s3, $0xb8;
	[tilespmem:$0x16000] =	vst v63  }
0xa0: {  	p0 =	por p0, p1  }
.Ltmp6:
0xa1: {  	_ = 	snop;
	(pc) =	sbr.rel @p0 .LBB2_12-.Ltmp6, $2  }
0xa2: {  	_ =	sdelay $0x2  }
0xa3: {  	[smem:$0x1] =	sst s13  }
0xa4: {  	s3 =	simm.s32 $0x40  }
0xa5: {  	s12 =	simm.s32 $0x4280;
	s16 =	simm.s32 $0x9800;
	p0 =	slt.u32 s13, $0xC1  }
0xa6: {  	[tilespmem:s16], [sflag:$0x2] =	stream.indirect.gather [hbm4b:s2+s3], $0x20, s12, s3, $0xb8;
	[tilespmem:$0x16000] =	vst v63  }
0xa7: {  	s3 =	simm.s32 @!p0 $0x40;
	p1 =	slt.u32 @!p0 s13, $0x101  }
0xa8: {  	s12 =	simm.s32 @!p0 $0x42C0;
	s16 =	simm.s32 @!p0 $0xA000;
	p2 =	por p1, p0  }
0xa9: {  	[tilespmem:s16], [sflag:$0x2] =	stream.indirect.gather @!p0 [hbm4b:s2+s3], $0x20, s12, s3, $0xb8;
	[tilespmem:$0x16000] =	vst v63  }
0xaa: {  	s3 =	simm.s32 @!p2 $0x40;
	p3 =	slt.u32 @!p2 s13, $0x141  }
0xab: {  	s12 =	simm.s32 @!p2 $0x4300;
	s16 =	simm.s32 @!p2 $0xA800;
	p4 =	por @!p0 p3, p1  }
0xac: {  	[tilespmem:s16], [sflag:$0x2] =	stream.indirect.gather @!p2 [hbm4b:s2+s3], $0x20, s12, s3, $0xb8;
	[tilespmem:$0x16000] =	vst v63  }
0xad: {  	p4 =	por p4, p0  }
0xae: {  	s3 =	simm.s32 @!p4 $0x40  }
0xaf: {  	s12 =	simm.s32 @!p4 $0x4340;
	s16 =	simm.s32 @!p4 $0xB000;
	p5 =	slt.u32 @!p4 s13, $0x181  }
0xb0: {  	[tilespmem:s16], [sflag:$0x2] =	stream.indirect.gather @!p4 [hbm4b:s2+s3], $0x20, s12, s3, $0xb8;
	[tilespmem:$0x16000] =	vst v63  }
0xb1: {  	p6 =	por @!p2 p5, p3  }
0xb2: {  	p6 =	por @!p0 p6, p1  }
0xb3: {  	p6 =	por p6, p0  }
0xb4: {  	s3 =	simm.s32 @!p6 $0x40;
	s12 =	simm.s32 @!p6 $0x4380;
	s16 =	simm.s32 @!p6 $0xB800  }
0xb5: {  	[tilespmem:s16], [sflag:$0x2] =	stream.indirect.gather @!p6 [hbm4b:s2+s3], $0x20, s12, s3, $0xb8;
	[tilespmem:$0x16000] =	vst v63  }
0xb6: {  	p6 =	slt.u32 @!p6 s13, $0x1C1  }
0xb7: {  	p4 =	por @!p4 p6, p5  }
0xb8: {  	p2 =	por @!p2 p4, p3  }
0xb9: {  	p1 =	por @!p0 p2, p1  }
0xba: {  	p0 =	por p1, p0  }
0xbb: {  	s3 =	simm.s32 @!p0 $0x40;
	s12 =	simm.s32 @!p0 $0x43C0;
	s13 =	simm.s32 @!p0 $0xC000  }
0xbc: {  	[tilespmem:s13], [sflag:$0x2] =	stream.indirect.gather @!p0 [hbm4b:s2+s3], $0x20, s12, s3, $0xb8;
	[tilespmem:$0x16000] =	vst v63  }
.LBB2_12:
0xbd: {  	s1 =	sshll.u32 s1, $0x9;
	s3 =	smul.u32 $0x140000, s18  }
0xbe: {  	s1 =	sadd.s32 s7, s1  }
0xbf: {  	s3 =	sadd.s32 s3, s1  }
0xc0: {  	s12 =	sshrl.u32 s3, $0x3;
	s3 =	sld [smem:$0x0]  }
0xc1: {  	s12 =	sadd.s32 s4, s12  }
0xc2: {  	[tilespmem:s21], [sflag:$0x4] =	stream.strided.gather [hbm4b:s12+s20], $0xA00, s15, s20, $0x38;
	[tilespmem:$0x16000] =	vst v63  }
0xc3: {  	p0 =	slt.s32 s3, $0x1  }
0xc4: {  	s12 =	simm.s32 @!p0 $0x1  }
0xc5: {  	p1 =	slt.u32 @!p0 s3, $0x41;
	_ =	swait.ge @!p0 [sflag:s12], $0x800  }
0xc6: {  	p1 =	por p0, p1;
	[sflag:s12] =	ssyncset.done @!p0 $0x0  }
0xc7: {  	[sflag:s12] =	ssyncadd.s32 @!p0 $0xFFFFF800;
	p0 =	slt.u32 @!p1 s3, $0x81  }
0xc8: {  	p0 =	por p1, p0  }
.Ltmp7:
0xc9: {  	_ = 	snop;
	(pc) =	sbr.rel @p0 .LBB2_14-.Ltmp7, $4  }
0xca: {  	s12 =	simm.s32 @!p1 $0x1  }
0xcb: {  	_ =	swait.ge @!p1 [sflag:s12], $0x800  }
0xcc: {  	[sflag:s12] =	ssyncset.done @!p1 $0x0  }
0xcd: {  	[sflag:s12] =	ssyncadd.s32 @!p1 $0xFFFFF800  }
0xce: {  	p0 =	slt.u32 s3, $0xC1  }
0xcf: {  	p1 =	slt.u32 @!p0 s3, $0x101  }
0xd0: {  	p2 =	por p1, p0  }
0xd1: {  	_ =	swait.ge [sflag:s22], $0x800;
	p3 =	slt.u32 @!p2 s3, $0x141  }
0xd2: {  	[sflag:s22] =	ssyncset.done $0x0;
	s13 =	simm.s32 @!p3 $0x0;
	p4 =	por @!p0 p3, p1  }
0xd3: {  	s12 =	simm.s32 @!p0 $0x1;
	s13 =	simm.s32 @p3 $0x1;
	p4 =	por p4, p0  }
0xd4: {  	[sflag:s22] =	ssyncadd.s32 $0xFFFFF800;
	[smem:$0x7FD] =	sst s13;
	p5 =	slt.u32 @!p4 s3, $0x181  }
0xd5: {  	_ =	swait.ge @!p0 [sflag:s12], $0x800;
	s13 =	simm.s32 @!p5 $0x0  }
0xd6: {  	[sflag:s12] =	ssyncset.done @!p0 $0x0;
	s13 =	simm.s32 @p5 $0x1  }
0xd7: {  	[sflag:s12] =	ssyncadd.s32 @!p0 $0xFFFFF800;
	s12 =	simm.s32 @!p2 $0x1;
	[smem:$0x7FC] =	sst s13  }
0xd8: {  	_ =	swait.ge @!p2 [sflag:s12], $0x800  }
0xd9: {  	[sflag:s12] =	ssyncset.done @!p2 $0x0  }
0xda: {  	[sflag:s12] =	ssyncadd.s32 @!p2 $0xFFFFF800;
	s12 =	simm.s32 @!p4 $0x1  }
0xdb: {  	_ =	swait.ge @!p4 [sflag:s12], $0x800  }
0xdc: {  	p6 =	por @!p2 p5, p3;
	s13 =	sld [smem:$0x7FC]  }
0xdd: {  	p6 =	por @!p0 p6, p1;
	s16 =	sld [smem:$0x7FD]  }
0xde: {  	p6 =	por p6, p0  }
0xdf: {  	p5 =	slt.u32 @!p6 s3, $0x1C1;
	p3 =	seq.s32 s13, $0x1  }
0xe0: {  	[sflag:s12] =	ssyncset.done @!p4 $0x0;
	p5 =	por @!p4 p5, p3;
	p3 =	seq.s32 s16, $0x1  }
0xe1: {  	s3 =	simm.s32 @!p6 $0x1;
	[sflag:s12] =	ssyncadd.s32 @!p4 $0xFFFFF800;
	p2 =	por @!p2 p5, p3  }
0xe2: {  	_ =	swait.ge @!p6 [sflag:s3], $0x800;
	p1 =	por @!p0 p2, p1  }
0xe3: {  	[sflag:s3] =	ssyncset.done @!p6 $0x0;
	p0 =	por p1, p0  }
0xe4: {  	[sflag:s3] =	ssyncadd.s32 @!p6 $0xFFFFF800;
	s3 =	simm.s32 @!p0 $0x1  }
0xe5: {  	_ =	swait.ge @!p0 [sflag:s3], $0x800  }
0xe6: {  	[sflag:s3] =	ssyncset.done @!p0 $0x0  }
0xe7: {  	[sflag:s3] =	ssyncadd.s32 @!p0 $0xFFFFF800  }
.LBB2_14:
0xe8: {  	_ =	swait.ge [sflag:s23], $0xA00  }
0xe9: {  	p3 =	seq.s32 s0, $0x0;
	[sflag:s23] =	ssyncset.done $0x0  }
0xea: {  	s3 =	simm.s32 @!p3 $0x5;
	[sflag:s23] =	ssyncadd.s32 $0xFFFFF600  }
0xeb: {  	_ =	swait.ge @!p3 [sflag:s3], $0x4200  }
0xec: {  	[sflag:s3] =	ssyncset.done @!p3 $0x0  }
0xed: {  	s13 =	simm.s32 $0x0;
	[sflag:s3] =	ssyncadd.s32 @!p3 $0xFFFFBE00  }
0xee: {  	v1 =	vld [tilespmem:s13+$0x4400];
	_ =	sdelay $0x4  }
0xef: {  	vm0 =	vlt.s32 v1, $0x1FF  }
0xf0: {  	v1 =	vnsel vm0, $0x1FF, v1  }
0xf1: {  	v6 =	vshll.u32 v1, $0x5;
	_ =	sdelay $0x3  }
0xf2: {  	v1 =	vld [tilespmem:s13+$0x14E00]  }
0xf3: {  	v2 =	vld.idx.msk [tilespmem:v6+s24+$0x0], $0xffff;
	_ =	sdelay $0x2  }
0xf4: {  	v7 =	vor.u32 $0x1, v6;
	_ =	sdelay $0x1  }
0xf5: {  	v8 =	vmul.f32 v2, v1;
	_ =	sdelay $0x1  }
0xf6: {  	[tilespmem:s13+$0xC800] =	vst v8  }
0xf7: {  	v7 =	vld.idx.msk [tilespmem:v7+s24+$0x0], $0xffff;
	_ =	sdelay $0x2  }
0xf8: {  	v8 =	vor.u32 $0x2, v6;
	_ =	sdelay $0x1  }
0xf9: {  	v7 =	vmul.f32 v7, v1;
	_ =	sdelay $0x1  }
0xfa: {  	[tilespmem:s13+$0xCA00] =	vst v7  }
0xfb: {  	v7 =	vld.idx.msk [tilespmem:v8+s24+$0x0], $0xffff;
	_ =	sdelay $0x2  }
0xfc: {  	v8 =	vor.u32 $0x3, v6;
	_ =	sdelay $0x1  }
0xfd: {  	v7 =	vmul.f32 v7, v1;
	_ =	sdelay $0x1  }
0xfe: {  	[tilespmem:s13+$0xCC00] =	vst v7  }
0xff: {  	v7 =	vld.idx.msk [tilespmem:v8+s24+$0x0], $0xffff;
	_ =	sdelay $0x2  }
0x100: {  	v8 =	vor.u32 $0x4, v6;
	_ =	sdelay $0x1  }
0x101: {  	v7 =	vmul.f32 v7, v1;
	_ =	sdelay $0x1  }
0x102: {  	[tilespmem:s13+$0xCE00] =	vst v7  }
0x103: {  	v7 =	vld.idx.msk [tilespmem:v8+s24+$0x0], $0xffff;
	_ =	sdelay $0x2  }
0x104: {  	v8 =	vor.u32 $0x5, v6;
	_ =	sdelay $0x1  }
0x105: {  	v7 =	vmul.f32 v7, v1;
	_ =	sdelay $0x1  }
0x106: {  	[tilespmem:s13+$0xD000] =	vst v7  }
0x107: {  	v7 =	vld.idx.msk [tilespmem:v8+s24+$0x0], $0xffff;
	_ =	sdelay $0x2  }
0x108: {  	v8 =	vor.u32 $0x6, v6;
	_ =	sdelay $0x1  }
0x109: {  	v7 =	vmul.f32 v7, v1;
	_ =	sdelay $0x1  }
0x10a: {  	[tilespmem:s13+$0xD200] =	vst v7  }
0x10b: {  	v7 =	vld.idx.msk [tilespmem:v8+s24+$0x0], $0xffff;
	_ =	sdelay $0x2  }
0x10c: {  	v8 =	vor.u32 $0x7, v6;
	_ =	sdelay $0x1  }
0x10d: {  	v7 =	vmul.f32 v7, v1;
	_ =	sdelay $0x1  }
0x10e: {  	[tilespmem:s13+$0xD400] =	vst v7  }
0x10f: {  	v7 =	vld.idx.msk [tilespmem:v8+s24+$0x0], $0xffff;
	_ =	sdelay $0x2  }
0x110: {  	v8 =	vor.u32 $0x8, v6;
	_ =	sdelay $0x1  }
0x111: {  	v7 =	vmul.f32 v7, v1;
	_ =	sdelay $0x1  }
0x112: {  	[tilespmem:s13+$0xD600] =	vst v7  }
0x113: {  	v7 =	vld.idx.msk [tilespmem:v8+s24+$0x0], $0xffff;
	_ =	sdelay $0x2  }
0x114: {  	v8 =	vor.u32 $0x9, v6;
	_ =	sdelay $0x1  }
0x115: {  	v7 =	vmul.f32 v7, v1;
	_ =	sdelay $0x1  }
0x116: {  	[tilespmem:s13+$0xD800] =	vst v7  }
0x117: {  	v7 =	vld.idx.msk [tilespmem:v8+s24+$0x0], $0xffff;
	_ =	sdelay $0x2  }
0x118: {  	v8 =	vor.u32 $0xA, v6;
	_ =	sdelay $0x1  }
0x119: {  	v7 =	vmul.f32 v7, v1;
	_ =	sdelay $0x1  }
0x11a: {  	[tilespmem:s13+$0xDA00] =	vst v7  }
0x11b: {  	v7 =	vld.idx.msk [tilespmem:v8+s24+$0x0], $0xffff;
	_ =	sdelay $0x2  }
0x11c: {  	v8 =	vor.u32 $0xB, v6;
	_ =	sdelay $0x1  }
0x11d: {  	v7 =	vmul.f32 v7, v1;
	_ =	sdelay $0x1  }
0x11e: {  	[tilespmem:s13+$0xDC00] =	vst v7  }
0x11f: {  	v7 =	vld.idx.msk [tilespmem:v8+s24+$0x0], $0xffff;
	_ =	sdelay $0x2  }
0x120: {  	v8 =	vor.u32 $0xC, v6;
	_ =	sdelay $0x1  }
0x121: {  	v7 =	vmul.f32 v7, v1;
	_ =	sdelay $0x1  }
0x122: {  	[tilespmem:s13+$0xDE00] =	vst v7  }
0x123: {  	v7 =	vld.idx.msk [tilespmem:v8+s24+$0x0], $0xffff;
	_ =	sdelay $0x2  }
0x124: {  	v8 =	vor.u32 $0xD, v6;
	_ =	sdelay $0x1  }
0x125: {  	v7 =	vmul.f32 v7, v1;
	_ =	sdelay $0x1  }
0x126: {  	[tilespmem:s13+$0xE000] =	vst v7  }
0x127: {  	v7 =	vld.idx.msk [tilespmem:v8+s24+$0x0], $0xffff;
	_ =	sdelay $0x2  }
0x128: {  	v8 =	vor.u32 $0xE, v6;
	_ =	sdelay $0x1  }
0x129: {  	v7 =	vmul.f32 v7, v1;
	_ =	sdelay $0x1  }
0x12a: {  	[tilespmem:s13+$0xE200] =	vst v7  }
0x12b: {  	v7 =	vld.idx.msk [tilespmem:v8+s24+$0x0], $0xffff;
	_ =	sdelay $0x2  }
0x12c: {  	v8 =	vor.u32 $0xF, v6;
	_ =	sdelay $0x1  }
0x12d: {  	v7 =	vmul.f32 v7, v1;
	_ =	sdelay $0x1  }
0x12e: {  	[tilespmem:s13+$0xE400] =	vst v7  }
0x12f: {  	v7 =	vld.idx.msk [tilespmem:v8+s24+$0x0], $0xffff;
	_ =	sdelay $0x2  }
0x130: {  	v8 =	vor.u32 $0x10, v6;
	_ =	sdelay $0x1  }
0x131: {  	v7 =	vmul.f32 v7, v1;
	_ =	sdelay $0x1  }
0x132: {  	[tilespmem:s13+$0xE600] =	vst v7  }
0x133: {  	v7 =	vld.idx.msk [tilespmem:v8+s24+$0x0], $0xffff;
	_ =	sdelay $0x2  }
0x134: {  	v8 =	vor.u32 $0x11, v6;
	_ =	sdelay $0x1  }
0x135: {  	v7 =	vmul.f32 v7, v1;
	_ =	sdelay $0x1  }
0x136: {  	[tilespmem:s13+$0xE800] =	vst v7  }
0x137: {  	v7 =	vld.idx.msk [tilespmem:v8+s24+$0x0], $0xffff;
	_ =	sdelay $0x2  }
0x138: {  	v8 =	vor.u32 $0x12, v6;
	_ =	sdelay $0x1  }
0x139: {  	v7 =	vmul.f32 v7, v1;
	_ =	sdelay $0x1  }
0x13a: {  	[tilespmem:s13+$0xEA00] =	vst v7  }
0x13b: {  	v7 =	vld.idx.msk [tilespmem:v8+s24+$0x0], $0xffff;
	_ =	sdelay $0x2  }
0x13c: {  	v8 =	vor.u32 $0x13, v6;
	_ =	sdelay $0x1  }
0x13d: {  	v7 =	vmul.f32 v7, v1;
	_ =	sdelay $0x1  }
0x13e: {  	[tilespmem:s13+$0xEC00] =	vst v7  }
0x13f: {  	v7 =	vld.idx.msk [tilespmem:v8+s24+$0x0], $0xffff;
	_ =	sdelay $0x2  }
0x140: {  	v8 =	vor.u32 $0x14, v6;
	_ =	sdelay $0x1  }
0x141: {  	v7 =	vmul.f32 v7, v1;
	_ =	sdelay $0x1  }
0x142: {  	[tilespmem:s13+$0xEE00] =	vst v7  }
0x143: {  	v7 =	vld.idx.msk [tilespmem:v8+s24+$0x0], $0xffff;
	_ =	sdelay $0x2  }
0x144: {  	v8 =	vor.u32 $0x15, v6;
	_ =	sdelay $0x1  }
0x145: {  	v7 =	vmul.f32 v7, v1;
	_ =	sdelay $0x1  }
0x146: {  	[tilespmem:s13+$0xF000] =	vst v7  }
0x147: {  	v7 =	vld.idx.msk [tilespmem:v8+s24+$0x0], $0xffff;
	_ =	sdelay $0x2  }
0x148: {  	v8 =	vor.u32 $0x16, v6;
	_ =	sdelay $0x1  }
0x149: {  	v7 =	vmul.f32 v7, v1;
	_ =	sdelay $0x1  }
0x14a: {  	[tilespmem:s13+$0xF200] =	vst v7  }
0x14b: {  	v7 =	vld.idx.msk [tilespmem:v8+s24+$0x0], $0xffff;
	_ =	sdelay $0x2  }
0x14c: {  	v8 =	vor.u32 $0x17, v6;
	_ =	sdelay $0x1  }
0x14d: {  	v7 =	vmul.f32 v7, v1;
	_ =	sdelay $0x1  }
0x14e: {  	[tilespmem:s13+$0xF400] =	vst v7  }
0x14f: {  	v7 =	vld.idx.msk [tilespmem:v8+s24+$0x0], $0xffff;
	_ =	sdelay $0x2  }
0x150: {  	v8 =	vor.u32 $0x18, v6;
	_ =	sdelay $0x1  }
0x151: {  	v7 =	vmul.f32 v7, v1;
	_ =	sdelay $0x1  }
0x152: {  	[tilespmem:s13+$0xF600] =	vst v7  }
0x153: {  	v7 =	vld.idx.msk [tilespmem:v8+s24+$0x0], $0xffff;
	_ =	sdelay $0x2  }
0x154: {  	v8 =	vor.u32 $0x19, v6;
	_ =	sdelay $0x1  }
0x155: {  	v7 =	vmul.f32 v7, v1;
	_ =	sdelay $0x1  }
0x156: {  	[tilespmem:s13+$0xF800] =	vst v7  }
0x157: {  	v8 =	vld.idx.msk [tilespmem:v8+s24+$0x0], $0xffff;
	_ =	sdelay $0x1  }
0x158: {  	v5 =	vld [tilespmem:s13+$0x14C00]  }
0x159: {  	v3 =	vld [tilespmem:s13+$0x14E00];
	v7 =	vor.u32 $0x1A, v6  }
0x15a: {  	v4 =	vld [tilespmem:s13+$0x15000]  }
0x15b: {  	s16 =	simm.s32 $0x80;
	s3 =	simm.s32 $0x40;
	v2 =	vld [tilespmem:s13+$0x15200];
	v8 =	vmul.f32 v8, v1  }
.LBB2_15:
0x15c: {  	p1 =	sne.s32 s16, $0x7C0  }
0x15d: {  	[tilespmem:s13+$0xFA00] =	vst v8  }
0x15e: {  	v7 =	vld.idx.msk [tilespmem:v7+s24+$0x0], $0xffff;
	_ =	sdelay $0x3  }
0x15f: {  	v6 =	vor.u32 $0x1B, v6;
	v8 =	vld [tilespmem:s13+$0x15400]  }
0x160: {  	s12 =	sshra.s32 s3, $0x2;
	s3 =	smov.u32 s16  }
0x161: {  	v7 =	vmul.f32 v7, v1;
	v9 =	vld [tilespmem:s12+$0x4400]  }
0x162: {  	v10 =	vld [tilespmem:s12+$0x14C00]  }
0x163: {  	v11 =	vld [tilespmem:s12+$0x14E00];
	[tilespmem:s13+$0xFC00] =	vst v7  }
0x164: {  	v7 =	vld.idx.msk [tilespmem:v6+s24+$0x0], $0xffff;
	[tilespmem:s13+$0x10800] =	vst v8  }
0x165: {  	v8 =	vld [tilespmem:s12+$0x15000];
	[tilespmem:s13+$0x10000] =	vst v5  }
0x166: {  	vm0 =	vlt.s32 v9, $0x1FF;
	v12 =	vld [tilespmem:s12+$0x15200];
	[tilespmem:s13+$0x10200] =	vst v3  }
0x167: {  	v9 =	vnsel vm0, $0x1FF, v9;
	[tilespmem:s13+$0x10400] =	vst v4;
	v5 =	vmov v10  }
0x168: {  	v6 =	vshll.u32 v9, $0x5;
	[tilespmem:s13+$0x10600] =	vst v2;
	v3 =	vmov v11;
	_ =	sdelay $0x1  }
0x169: {  	v1 =	vmul.f32 v7, v1;
	v4 =	vmov v8  }
0x16a: {  	v2 =	vmov v12  }
0x16b: {  	[tilespmem:s13+$0xFE00] =	vst v1;
	s13 =	smov.u32 s12  }
0x16c: {  	v7 =	vld.idx.msk [tilespmem:v6+s24+$0x0], $0xffff  }
0x16d: {  	v1 =	vld [tilespmem:s13+$0x14E00];
	_ =	sdelay $0x2  }
0x16e: {  	v8 =	vor.u32 $0x1, v6;
	_ =	sdelay $0x1  }
0x16f: {  	v7 =	vmul.f32 v7, v1;
	_ =	sdelay $0x1  }
0x170: {  	[tilespmem:s13+$0xC800] =	vst v7  }
0x171: {  	v7 =	vld.idx.msk [tilespmem:v8+s24+$0x0], $0xffff;
	_ =	sdelay $0x3  }
0x172: {  	v8 =	vor.u32 $0x2, v6;
	_ =	sdelay $0x1  }
0x173: {  	v7 =	vmul.f32 v7, v1;
	_ =	sdelay $0x1  }
0x174: {  	[tilespmem:s13+$0xCA00] =	vst v7  }
0x175: {  	v7 =	vld.idx.msk [tilespmem:v8+s24+$0x0], $0xffff;
	_ =	sdelay $0x3  }
0x176: {  	v8 =	vor.u32 $0x3, v6;
	_ =	sdelay $0x1  }
0x177: {  	v7 =	vmul.f32 v7, v1;
	_ =	sdelay $0x1  }
0x178: {  	[tilespmem:s13+$0xCC00] =	vst v7  }
0x179: {  	v7 =	vld.idx.msk [tilespmem:v8+s24+$0x0], $0xffff;
	_ =	sdelay $0x3  }
0x17a: {  	v8 =	vor.u32 $0x4, v6;
	_ =	sdelay $0x1  }
0x17b: {  	v7 =	vmul.f32 v7, v1;
	_ =	sdelay $0x1  }
0x17c: {  	[tilespmem:s13+$0xCE00] =	vst v7  }
0x17d: {  	v7 =	vld.idx.msk [tilespmem:v8+s24+$0x0], $0xffff;
	_ =	sdelay $0x3  }
0x17e: {  	v8 =	vor.u32 $0x5, v6;
	_ =	sdelay $0x1  }
0x17f: {  	v7 =	vmul.f32 v7, v1;
	_ =	sdelay $0x1  }
0x180: {  	[tilespmem:s13+$0xD000] =	vst v7  }
0x181: {  	v7 =	vld.idx.msk [tilespmem:v8+s24+$0x0], $0xffff;
	_ =	sdelay $0x3  }
0x182: {  	v8 =	vor.u32 $0x6, v6;
	_ =	sdelay $0x1  }
0x183: {  	v7 =	vmul.f32 v7, v1;
	_ =	sdelay $0x1  }
0x184: {  	[tilespmem:s13+$0xD200] =	vst v7  }
0x185: {  	v7 =	vld.idx.msk [tilespmem:v8+s24+$0x0], $0xffff;
	_ =	sdelay $0x3  }
0x186: {  	v8 =	vor.u32 $0x7, v6;
	_ =	sdelay $0x1  }
0x187: {  	v7 =	vmul.f32 v7, v1;
	_ =	sdelay $0x1  }
0x188: {  	[tilespmem:s13+$0xD400] =	vst v7  }
0x189: {  	v7 =	vld.idx.msk [tilespmem:v8+s24+$0x0], $0xffff;
	_ =	sdelay $0x3  }
0x18a: {  	v8 =	vor.u32 $0x8, v6;
	_ =	sdelay $0x1  }
0x18b: {  	v7 =	vmul.f32 v7, v1;
	_ =	sdelay $0x1  }
0x18c: {  	[tilespmem:s13+$0xD600] =	vst v7  }
0x18d: {  	v7 =	vld.idx.msk [tilespmem:v8+s24+$0x0], $0xffff;
	_ =	sdelay $0x3  }
0x18e: {  	v8 =	vor.u32 $0x9, v6;
	_ =	sdelay $0x1  }
0x18f: {  	v7 =	vmul.f32 v7, v1;
	_ =	sdelay $0x1  }
0x190: {  	[tilespmem:s13+$0xD800] =	vst v7  }
0x191: {  	v7 =	vld.idx.msk [tilespmem:v8+s24+$0x0], $0xffff;
	_ =	sdelay $0x3  }
0x192: {  	v8 =	vor.u32 $0xA, v6;
	_ =	sdelay $0x1  }
0x193: {  	v7 =	vmul.f32 v7, v1;
	_ =	sdelay $0x1  }
0x194: {  	[tilespmem:s13+$0xDA00] =	vst v7  }
0x195: {  	v7 =	vld.idx.msk [tilespmem:v8+s24+$0x0], $0xffff;
	_ =	sdelay $0x3  }
0x196: {  	v8 =	vor.u32 $0xB, v6;
	_ =	sdelay $0x1  }
0x197: {  	v7 =	vmul.f32 v7, v1;
	_ =	sdelay $0x1  }
0x198: {  	[tilespmem:s13+$0xDC00] =	vst v7  }
0x199: {  	v7 =	vld.idx.msk [tilespmem:v8+s24+$0x0], $0xffff;
	_ =	sdelay $0x3  }
0x19a: {  	v8 =	vor.u32 $0xC, v6;
	_ =	sdelay $0x1  }
0x19b: {  	v7 =	vmul.f32 v7, v1;
	_ =	sdelay $0x1  }
0x19c: {  	[tilespmem:s13+$0xDE00] =	vst v7  }
0x19d: {  	v7 =	vld.idx.msk [tilespmem:v8+s24+$0x0], $0xffff;
	_ =	sdelay $0x3  }
0x19e: {  	v8 =	vor.u32 $0xD, v6;
	_ =	sdelay $0x1  }
0x19f: {  	v7 =	vmul.f32 v7, v1;
	_ =	sdelay $0x1  }
0x1a0: {  	[tilespmem:s13+$0xE000] =	vst v7  }
0x1a1: {  	v7 =	vld.idx.msk [tilespmem:v8+s24+$0x0], $0xffff;
	_ =	sdelay $0x3  }
0x1a2: {  	v8 =	vor.u32 $0xE, v6;
	_ =	sdelay $0x1  }
0x1a3: {  	v7 =	vmul.f32 v7, v1;
	_ =	sdelay $0x1  }
0x1a4: {  	[tilespmem:s13+$0xE200] =	vst v7  }
0x1a5: {  	v7 =	vld.idx.msk [tilespmem:v8+s24+$0x0], $0xffff;
	_ =	sdelay $0x3  }
0x1a6: {  	v8 =	vor.u32 $0xF, v6;
	_ =	sdelay $0x1  }
0x1a7: {  	v7 =	vmul.f32 v7, v1;
	_ =	sdelay $0x1  }
0x1a8: {  	[tilespmem:s13+$0xE400] =	vst v7  }
0x1a9: {  	v7 =	vld.idx.msk [tilespmem:v8+s24+$0x0], $0xffff;
	_ =	sdelay $0x3  }
0x1aa: {  	v8 =	vor.u32 $0x10, v6;
	_ =	sdelay $0x1  }
0x1ab: {  	v7 =	vmul.f32 v7, v1;
	_ =	sdelay $0x1  }
0x1ac: {  	[tilespmem:s13+$0xE600] =	vst v7  }
0x1ad: {  	v7 =	vld.idx.msk [tilespmem:v8+s24+$0x0], $0xffff;
	_ =	sdelay $0x3  }
0x1ae: {  	v8 =	vor.u32 $0x11, v6;
	_ =	sdelay $0x1  }
0x1af: {  	v7 =	vmul.f32 v7, v1;
	_ =	sdelay $0x1  }
0x1b0: {  	[tilespmem:s13+$0xE800] =	vst v7  }
0x1b1: {  	v7 =	vld.idx.msk [tilespmem:v8+s24+$0x0], $0xffff;
	_ =	sdelay $0x3  }
0x1b2: {  	v8 =	vor.u32 $0x12, v6;
	_ =	sdelay $0x1  }
0x1b3: {  	v7 =	vmul.f32 v7, v1;
	_ =	sdelay $0x1  }
0x1b4: {  	[tilespmem:s13+$0xEA00] =	vst v7  }
0x1b5: {  	v7 =	vld.idx.msk [tilespmem:v8+s24+$0x0], $0xffff;
	_ =	sdelay $0x3  }
0x1b6: {  	v8 =	vor.u32 $0x13, v6;
	_ =	sdelay $0x1  }
0x1b7: {  	v7 =	vmul.f32 v7, v1;
	_ =	sdelay $0x1  }
0x1b8: {  	[tilespmem:s13+$0xEC00] =	vst v7  }
0x1b9: {  	v7 =	vld.idx.msk [tilespmem:v8+s24+$0x0], $0xffff;
	_ =	sdelay $0x3  }
0x1ba: {  	v8 =	vor.u32 $0x14, v6;
	_ =	sdelay $0x1  }
0x1bb: {  	v7 =	vmul.f32 v7, v1;
	_ =	sdelay $0x1  }
0x1bc: {  	[tilespmem:s13+$0xEE00] =	vst v7  }
0x1bd: {  	v7 =	vld.idx.msk [tilespmem:v8+s24+$0x0], $0xffff;
	_ =	sdelay $0x3  }
0x1be: {  	v8 =	vor.u32 $0x15, v6;
	_ =	sdelay $0x1  }
0x1bf: {  	v7 =	vmul.f32 v7, v1;
	_ =	sdelay $0x1  }
0x1c0: {  	[tilespmem:s13+$0xF000] =	vst v7  }
0x1c1: {  	v7 =	vld.idx.msk [tilespmem:v8+s24+$0x0], $0xffff;
	_ =	sdelay $0x3  }
0x1c2: {  	v8 =	vor.u32 $0x16, v6;
	_ =	sdelay $0x1  }
0x1c3: {  	v7 =	vmul.f32 v7, v1;
	_ =	sdelay $0x1  }
0x1c4: {  	[tilespmem:s13+$0xF200] =	vst v7  }
0x1c5: {  	v7 =	vld.idx.msk [tilespmem:v8+s24+$0x0], $0xffff;
	_ =	sdelay $0x3  }
0x1c6: {  	v8 =	vor.u32 $0x17, v6;
	_ =	sdelay $0x1  }
0x1c7: {  	v7 =	vmul.f32 v7, v1;
	_ =	sdelay $0x1  }
0x1c8: {  	[tilespmem:s13+$0xF400] =	vst v7  }
0x1c9: {  	v7 =	vld.idx.msk [tilespmem:v8+s24+$0x0], $0xffff;
	_ =	sdelay $0x3  }
0x1ca: {  	v8 =	vor.u32 $0x18, v6;
	_ =	sdelay $0x1  }
0x1cb: {  	v7 =	vmul.f32 v7, v1;
	_ =	sdelay $0x1  }
0x1cc: {  	[tilespmem:s13+$0xF600] =	vst v7  }
0x1cd: {  	v7 =	vld.idx.msk [tilespmem:v8+s24+$0x0], $0xffff;
	_ =	sdelay $0x3  }
0x1ce: {  	v8 =	vor.u32 $0x19, v6;
	_ =	sdelay $0x1  }
0x1cf: {  	v7 =	vmul.f32 v7, v1;
	_ =	sdelay $0x1  }
0x1d0: {  	[tilespmem:s13+$0xF800] =	vst v7  }
0x1d1: {  	v8 =	vld.idx.msk [tilespmem:v8+s24+$0x0], $0xffff;
	_ =	sdelay $0x1  }
.Ltmp8:
0x1d2: {  	(pc) =	sbr.rel @p1 .LBB2_15-.Ltmp8, $3  }
0x1d3: {  	_ = 	snop  }
0x1d4: {  	v7 =	vor.u32 $0x1A, v6;
	_ =	sdelay $0x1  }
0x1d5: {  	s16 =	sadd.s32 $0x40, s16;
	v8 =	vmul.f32 v8, v1  }
0x1d6: {  	_ =	sdelay $0x2  }
0x1d7: {  	[tilespmem:s13+$0xFA00] =	vst v8  }
0x1d8: {  	v7 =	vld.idx.msk [tilespmem:v7+s24+$0x0], $0xffff;
	_ =	sdelay $0x2  }
0x1d9: {  	v9 =	vor.u32 $0x1B, v6;
	s3 =	sshra.s32 s3, $0x2  }
0x1da: {  	v11 =	vld [tilespmem:s3+$0x4400]  }
0x1db: {  	v10 =	vld [tilespmem:s13+$0x15400];
	v7 =	vmul.f32 v7, v1  }
0x1dc: {  	v8 =	vld [tilespmem:s3+$0x14C00]  }
0x1dd: {  	v62 =	vld [tilespmem:s3+$0x14E00];
	[tilespmem:s13+$0xFC00] =	vst v7  }
0x1de: {  	v9 =	vld.idx.msk [tilespmem:v9+s24+$0x0], $0xffff  }
0x1df: {  	vm0 =	vlt.s32 v11, $0x1FF  }
0x1e0: {  	v63 =	vnsel vm0, $0x1FF, v11;
	[tilespmem:s13+$0x10800] =	vst v10  }
0x1e1: {  	v10 =	vshll.u32 v63, $0x5;
	v7 =	vld [tilespmem:s3+$0x15000];
	[tilespmem:s13+$0x10000] =	vst v5  }
0x1e2: {  	v5 =	vld [tilespmem:s3+$0x15200];
	[tilespmem:s13+$0x10200] =	vst v3  }
0x1e3: {  	[tilespmem:s13+$0x10400] =	vst v4;
	v1 =	vmul.f32 v9, v1  }
0x1e4: {  	[tilespmem:s13+$0x10600] =	vst v2  }
0x1e5: {  	[tilespmem:s13+$0xFE00] =	vst v1  }
0x1e6: {  	v1 =	vld.idx.msk [tilespmem:v10+s24+$0x0], $0xffff  }
0x1e7: {  	v2 =	vld [tilespmem:s3+$0x14E00];
	_ =	sdelay $0x2  }
0x1e8: {  	v3 =	vor.u32 $0x1, v10;
	_ =	sdelay $0x1  }
0x1e9: {  	v1 =	vmul.f32 v1, v2;
	_ =	sdelay $0x1  }
0x1ea: {  	[tilespmem:s3+$0xC800] =	vst v1  }
0x1eb: {  	v1 =	vld.idx.msk [tilespmem:v3+s24+$0x0], $0xffff;
	_ =	sdelay $0x2  }
0x1ec: {  	v3 =	vor.u32 $0x2, v10;
	_ =	sdelay $0x1  }
0x1ed: {  	v1 =	vmul.f32 v1, v2;
	_ =	sdelay $0x1  }
0x1ee: {  	[tilespmem:s3+$0xCA00] =	vst v1  }
0x1ef: {  	v1 =	vld.idx.msk [tilespmem:v3+s24+$0x0], $0xffff;
	_ =	sdelay $0x2  }
0x1f0: {  	v3 =	vor.u32 $0x3, v10;
	_ =	sdelay $0x1  }
0x1f1: {  	v1 =	vmul.f32 v1, v2;
	_ =	sdelay $0x1  }
0x1f2: {  	[tilespmem:s3+$0xCC00] =	vst v1  }
0x1f3: {  	v1 =	vld.idx.msk [tilespmem:v3+s24+$0x0], $0xffff;
	_ =	sdelay $0x2  }
0x1f4: {  	v3 =	vor.u32 $0x4, v10;
	_ =	sdelay $0x1  }
0x1f5: {  	v1 =	vmul.f32 v1, v2;
	_ =	sdelay $0x1  }
0x1f6: {  	[tilespmem:s3+$0xCE00] =	vst v1  }
0x1f7: {  	v1 =	vld.idx.msk [tilespmem:v3+s24+$0x0], $0xffff;
	_ =	sdelay $0x2  }
0x1f8: {  	v3 =	vor.u32 $0x5, v10;
	_ =	sdelay $0x1  }
0x1f9: {  	v1 =	vmul.f32 v1, v2;
	_ =	sdelay $0x1  }
0x1fa: {  	[tilespmem:s3+$0xD000] =	vst v1  }
0x1fb: {  	v1 =	vld.idx.msk [tilespmem:v3+s24+$0x0], $0xffff;
	_ =	sdelay $0x2  }
0x1fc: {  	v3 =	vor.u32 $0x6, v10;
	_ =	sdelay $0x1  }
0x1fd: {  	v1 =	vmul.f32 v1, v2;
	_ =	sdelay $0x1  }
0x1fe: {  	[tilespmem:s3+$0xD200] =	vst v1  }
0x1ff: {  	v1 =	vld.idx.msk [tilespmem:v3+s24+$0x0], $0xffff;
	_ =	sdelay $0x2  }
0x200: {  	v3 =	vor.u32 $0x7, v10;
	_ =	sdelay $0x1  }
0x201: {  	v1 =	vmul.f32 v1, v2;
	_ =	sdelay $0x1  }
0x202: {  	[tilespmem:s3+$0xD400] =	vst v1  }
0x203: {  	v1 =	vld.idx.msk [tilespmem:v3+s24+$0x0], $0xffff;
	_ =	sdelay $0x2  }
0x204: {  	v3 =	vor.u32 $0x8, v10;
	_ =	sdelay $0x1  }
0x205: {  	v1 =	vmul.f32 v1, v2;
	_ =	sdelay $0x1  }
0x206: {  	[tilespmem:s3+$0xD600] =	vst v1  }
0x207: {  	v1 =	vld.idx.msk [tilespmem:v3+s24+$0x0], $0xffff;
	_ =	sdelay $0x2  }
0x208: {  	v3 =	vor.u32 $0x9, v10;
	_ =	sdelay $0x1  }
0x209: {  	v1 =	vmul.f32 v1, v2;
	_ =	sdelay $0x1  }
0x20a: {  	[tilespmem:s3+$0xD800] =	vst v1  }
0x20b: {  	v1 =	vld.idx.msk [tilespmem:v3+s24+$0x0], $0xffff;
	_ =	sdelay $0x2  }
0x20c: {  	v3 =	vor.u32 $0xA, v10;
	_ =	sdelay $0x1  }
0x20d: {  	v1 =	vmul.f32 v1, v2;
	_ =	sdelay $0x1  }
0x20e: {  	[tilespmem:s3+$0xDA00] =	vst v1  }
0x20f: {  	v1 =	vld.idx.msk [tilespmem:v3+s24+$0x0], $0xffff;
	_ =	sdelay $0x2  }
0x210: {  	v3 =	vor.u32 $0xB, v10;
	_ =	sdelay $0x1  }
0x211: {  	v1 =	vmul.f32 v1, v2;
	_ =	sdelay $0x1  }
0x212: {  	[tilespmem:s3+$0xDC00] =	vst v1  }
0x213: {  	v1 =	vld.idx.msk [tilespmem:v3+s24+$0x0], $0xffff;
	_ =	sdelay $0x2  }
0x214: {  	v3 =	vor.u32 $0xC, v10;
	_ =	sdelay $0x1  }
0x215: {  	v1 =	vmul.f32 v1, v2;
	_ =	sdelay $0x1  }
0x216: {  	[tilespmem:s3+$0xDE00] =	vst v1  }
0x217: {  	v1 =	vld.idx.msk [tilespmem:v3+s24+$0x0], $0xffff;
	_ =	sdelay $0x2  }
0x218: {  	v3 =	vor.u32 $0xD, v10;
	_ =	sdelay $0x1  }
0x219: {  	v1 =	vmul.f32 v1, v2;
	_ =	sdelay $0x1  }
0x21a: {  	[tilespmem:s3+$0xE000] =	vst v1  }
0x21b: {  	v1 =	vld.idx.msk [tilespmem:v3+s24+$0x0], $0xffff;
	_ =	sdelay $0x2  }
0x21c: {  	v3 =	vor.u32 $0xE, v10;
	_ =	sdelay $0x1  }
0x21d: {  	v1 =	vmul.f32 v1, v2;
	_ =	sdelay $0x1  }
0x21e: {  	[tilespmem:s3+$0xE200] =	vst v1  }
0x21f: {  	v1 =	vld.idx.msk [tilespmem:v3+s24+$0x0], $0xffff;
	_ =	sdelay $0x2  }
0x220: {  	v3 =	vor.u32 $0xF, v10;
	_ =	sdelay $0x1  }
0x221: {  	v1 =	vmul.f32 v1, v2;
	_ =	sdelay $0x1  }
0x222: {  	[tilespmem:s3+$0xE400] =	vst v1  }
0x223: {  	v1 =	vld.idx.msk [tilespmem:v3+s24+$0x0], $0xffff;
	_ =	sdelay $0x2  }
0x224: {  	v3 =	vor.u32 $0x10, v10;
	_ =	sdelay $0x1  }
0x225: {  	v1 =	vmul.f32 v1, v2;
	_ =	sdelay $0x1  }
0x226: {  	[tilespmem:s3+$0xE600] =	vst v1  }
0x227: {  	v1 =	vld.idx.msk [tilespmem:v3+s24+$0x0], $0xffff;
	_ =	sdelay $0x2  }
0x228: {  	v3 =	vor.u32 $0x11, v10;
	_ =	sdelay $0x1  }
0x229: {  	v1 =	vmul.f32 v1, v2;
	_ =	sdelay $0x1  }
0x22a: {  	[tilespmem:s3+$0xE800] =	vst v1  }
0x22b: {  	v1 =	vld.idx.msk [tilespmem:v3+s24+$0x0], $0xffff;
	_ =	sdelay $0x2  }
0x22c: {  	v3 =	vor.u32 $0x12, v10;
	_ =	sdelay $0x1  }
0x22d: {  	v1 =	vmul.f32 v1, v2;
	_ =	sdelay $0x1  }
0x22e: {  	[tilespmem:s3+$0xEA00] =	vst v1  }
0x22f: {  	v1 =	vld.idx.msk [tilespmem:v3+s24+$0x0], $0xffff;
	_ =	sdelay $0x2  }
0x230: {  	v3 =	vor.u32 $0x13, v10;
	_ =	sdelay $0x1  }
0x231: {  	v1 =	vmul.f32 v1, v2;
	_ =	sdelay $0x1  }
0x232: {  	[tilespmem:s3+$0xEC00] =	vst v1  }
0x233: {  	v1 =	vld.idx.msk [tilespmem:v3+s24+$0x0], $0xffff;
	_ =	sdelay $0x2  }
0x234: {  	v3 =	vor.u32 $0x14, v10;
	_ =	sdelay $0x1  }
0x235: {  	v1 =	vmul.f32 v1, v2;
	_ =	sdelay $0x1  }
0x236: {  	[tilespmem:s3+$0xEE00] =	vst v1  }
0x237: {  	v1 =	vld.idx.msk [tilespmem:v3+s24+$0x0], $0xffff;
	_ =	sdelay $0x2  }
0x238: {  	v3 =	vor.u32 $0x15, v10;
	_ =	sdelay $0x1  }
0x239: {  	v1 =	vmul.f32 v1, v2;
	_ =	sdelay $0x1  }
0x23a: {  	[tilespmem:s3+$0xF000] =	vst v1  }
0x23b: {  	v1 =	vld.idx.msk [tilespmem:v3+s24+$0x0], $0xffff;
	_ =	sdelay $0x2  }
0x23c: {  	v3 =	vor.u32 $0x16, v10;
	_ =	sdelay $0x1  }
0x23d: {  	v1 =	vmul.f32 v1, v2;
	_ =	sdelay $0x1  }
0x23e: {  	[tilespmem:s3+$0xF200] =	vst v1  }
0x23f: {  	v1 =	vld.idx.msk [tilespmem:v3+s24+$0x0], $0xffff;
	_ =	sdelay $0x2  }
0x240: {  	v3 =	vor.u32 $0x17, v10;
	_ =	sdelay $0x1  }
0x241: {  	v1 =	vmul.f32 v1, v2;
	_ =	sdelay $0x1  }
0x242: {  	[tilespmem:s3+$0xF400] =	vst v1  }
0x243: {  	v1 =	vld.idx.msk [tilespmem:v3+s24+$0x0], $0xffff;
	_ =	sdelay $0x2  }
0x244: {  	v3 =	vor.u32 $0x18, v10;
	_ =	sdelay $0x1  }
0x245: {  	v1 =	vmul.f32 v1, v2;
	_ =	sdelay $0x1  }
0x246: {  	[tilespmem:s3+$0xF600] =	vst v1  }
0x247: {  	v1 =	vld.idx.msk [tilespmem:v3+s24+$0x0], $0xffff;
	_ =	sdelay $0x2  }
0x248: {  	v3 =	vor.u32 $0x19, v10;
	_ =	sdelay $0x1  }
0x249: {  	v1 =	vmul.f32 v1, v2;
	_ =	sdelay $0x1  }
0x24a: {  	[tilespmem:s3+$0xF800] =	vst v1  }
0x24b: {  	v1 =	vld.idx.msk [tilespmem:v3+s24+$0x0], $0xffff;
	_ =	sdelay $0x2  }
0x24c: {  	v3 =	vor.u32 $0x1A, v10;
	_ =	sdelay $0x1  }
0x24d: {  	v1 =	vmul.f32 v1, v2;
	_ =	sdelay $0x1  }
0x24e: {  	[tilespmem:s3+$0xFA00] =	vst v1  }
0x24f: {  	v1 =	vld.idx.msk [tilespmem:v3+s24+$0x0], $0xffff;
	_ =	sdelay $0x2  }
0x250: {  	v3 =	vor.u32 $0x1B, v10;
	_ =	sdelay $0x1  }
0x251: {  	v4 =	vld [tilespmem:s3+$0x15400];
	v1 =	vmul.f32 v1, v2;
	_ =	sdelay $0x1  }
0x252: {  	[tilespmem:s3+$0xFC00] =	vst v1  }
0x253: {  	v1 =	vld.idx.msk [tilespmem:v3+s24+$0x0], $0xffff;
	_ =	sdelay $0x1  }
0x254: {  	s12 =	sshll.u32 s0, $0xA;
	[tilespmem:s3+$0x10800] =	vst v4  }
0x255: {  	s16 =	sshll.u32 s18, $0xD;
	s12 =	sadd.s32 s7, s12;
	s13 =	smul.u32 $0x840000, s18;
	[tilespmem:s3+$0x10000] =	vst v8  }
0x256: {  	s12 =	ssub.s32 s12, s16;
	[tilespmem:s3+$0x10200] =	vst v62  }
0x257: {  	s12 =	sadd.s32 s13, s12;
	[tilespmem:s3+$0x10400] =	vst v7;
	v1 =	vmul.f32 v1, v2  }
0x258: {  	s12 =	sshrl.u32 s12, $0x3;
	[tilespmem:s3+$0x10600] =	vst v5  }
0x259: {  	s18 =	sadd.s32 s5, s12;
	[tilespmem:s3+$0xFE00] =	vst v1  }
0x25a: {  	[hbm4b:s18+s20] =	stream.strided.scatter [tilespmem:s25], [sflag:$0x5], $0x4200, s15, s20, $0x38;
	[tilespmem:$0x16000] =	vst v63  }
0x25b: {  	s18 =	sadd.s32 $0x1, s0  }
0x25c: {  	p1 =	seq.s32 s0, $0x3F;
	s3 =	sand.u32 $0x7, s18  }
0x25d: {  	p2 =	sne.s32 @!p1 s3, $0x0  }
0x25e: {  	p2 =	por p1, p2  }
.Ltmp9:
0x25f: {  	_ = 	snop;
	(pc) =	sbr.rel @p2 .LBB2_18-.Ltmp9, $4  }
0x260: {  	_ = 	snop  }
0x261: {  	s0 =	simm.s32 @!p3 $0x0  }
0x262: {  	s0 =	simm.s32 @p3 $0x1  }
0x263: {  	[smem:$0x7FB] =	sst s0  }
0x264: {  	s0 =	sshll.u32 s18, $0xA;
	s3 =	sshll.u32 s18, $0xC  }
0x265: {  	s12 =	simm.s32 $0x0;
	s0 =	sand.u32 $0x2000, s0;
	s3 =	sadd.s32 s3, s6  }
0x266: {  	[tilespmem:s0], [sflag:$0x7] =	stream.linear.gather [hbm4b:s3+s12], $0x2000, $0x38;
	[tilespmem:$0x16000] =	vst v63  }
0x267: {  	_ =	swait.ge [sflag:s10], $0x2000  }
0x268: {  	[sflag:s10] =	ssyncset.done $0x0  }
0x269: {  	[sflag:s10] =	ssyncadd.s32 $0xFFFFE000  }
.LBB2_19:
0x26a: {  	v3 =	vmov s14;
	_ =	sdelay $0x3  }
0x26b: {  	s3 =	sadd.s32 $0x2, s19;
	s14 =	simm.s32 $0x0  }
0x26c: {  	v4 =	vimm.s32 $0x0;
	s16 =	simm.s32 $0x40;
	v2 =	vimm.s32 $0x0;
	s0 =	sshrl.u32 s3, $0x4;
	s3 =	sand.u32 $0xE, s3;
	v1 =	vld.idx.msk [tilespmem:v3+s14+$0x0 ss:$0x1], $0xffff  }
.LBB2_20:
0x26d: {  	p1 =	sne.s32 s16, $0x7C0;
	_ =	sdelay $0x4  }
0x26e: {  	vm0 =	vgt.s32 v1, $0xFFFFFFFF  }
0x26f: {  	v5 =	vsel vm0, $0x1, v0;
	v6 =	vmpcnt.ones.xlane vm0  }
0x270: {  	(xrf0) =	vadd.scan.msk.s32 $0xffff, v5  }
0x271: {  	v4 =	vadd.s32 v4, v6;
	_ =	sdelay $0x3  }
0x272: {  	v5 =	vsel vm0, $0xFFFFFFFF, v0  }
0x273: {  	v5 =	vadd.s32 v5, v2;
	v2 =	vmov v4;
	v6, _, _ =	vpop (xrf0)  }
0x274: {  	v5 =	vadd.s32 v6, v5;
	_ =	sdelay $0x2  }
.Ltmp10:
0x275: {  	(pc) =	sbr.rel @p1 .LBB2_20-.Ltmp10, $4  }
0x276: {  	_ = 	snop  }
0x277: {  	[tilespmem:v5+s11+$0x0] =	vst.idx.msk vm0, v1  }
0x278: {  	[tilespmem:s14+$0x4400] =	vst v5;
	s14 =	sshra.s32 s16, $0x2  }
0x279: {  	s16 =	sadd.s32 $0x40, s16;
	v1 =	vld.idx.msk [tilespmem:v3+s14+$0x0 ss:$0x1], $0xffff  }
0x27a: {  	_ =	sdelay $0x3  }
0x27b: {  	vm0 =	vgt.s32 v1, $0xFFFFFFFF  }
0x27c: {  	v3 =	vmpcnt.ones.xlane vm0;
	_ =	sdelay $0x1  }
0x27d: {  	v5 =	vsel vm0, $0x1, v0;
	v3 =	vadd.s32 v4, v3  }
0x27e: {  	(xrf0) =	vadd.scan.msk.s32 $0xffff, v5;
	v3 =	vxor.u32 $0x80000000, v3  }
0x27f: {  	(xrf0) =	vmax.scan.msk.u32 $0xffff, v3;
	_ =	sdelay $0x4  }
0x280: {  	v3, _, _ =	vpop (xrf0)  }
0x281: {  	v62, _, _ =	vpop (xrf0)  }
0x282: {  	(v2sf) =	vpush v62, $0xF;
	_ =	sdelay $0xa  }
0x283: {  	v63 =	vsel vm0, $0xFFFFFFFF, v0  }
0x284: {  	v2 =	vadd.s32 v63, v2  }
0x285: {  	v2 =	vadd.s32 v3, v2;
	_ =	sdelay $0x1  }
0x286: {  	s12 =	spop (v2sf)  }
0x287: {  	s16 =	sxor.u32 $0x80000000, s12  }
0x288: {  	p1 =	slt.s32 s16, $0x1  }
0x289: {  	[tilespmem:v2+s11+$0x0] =	vst.idx.msk vm0, v1;
	s12 =	simm.s32 @!p1 $0x40  }
0x28a: {  	[tilespmem:s14+$0x4400] =	vst v2;
	s14 =	simm.s32 @!p1 $0x4000;
	s19 =	simm.s32 @!p1 $0x4800;
	p2 =	slt.u32 @!p1 s16, $0x41  }
0x28b: {  	[tilespmem:s19], [sflag:$0x1] =	stream.indirect.gather @!p1 [hbm4b:s2+s12], $0x20, s14, s12, $0xb8;
	[tilespmem:$0x16000] =	vst v63  }
0x28c: {  	p1 =	por p1, p2  }
0x28d: {  	s12 =	simm.s32 @!p1 $0x40  }
0x28e: {  	s14 =	simm.s32 @!p1 $0x4040;
	s19 =	simm.s32 @!p1 $0x5000;
	p2 =	slt.u32 @!p1 s16, $0x81  }
0x28f: {  	[tilespmem:s19], [sflag:$0x1] =	stream.indirect.gather @!p1 [hbm4b:s2+s12], $0x20, s14, s12, $0xb8;
	[tilespmem:$0x16000] =	vst v63  }
0x290: {  	p1 =	por p1, p2  }
.Ltmp11:
0x291: {  	_ = 	snop;
	(pc) =	sbr.rel @p1 .LBB2_23-.Ltmp11, $2  }
0x292: {  	_ =	sdelay $0x2  }
0x293: {  	[smem:$0x0] =	sst s16  }
0x294: {  	s12 =	simm.s32 $0x40  }
0x295: {  	s14 =	simm.s32 $0x4080;
	s19 =	simm.s32 $0x5800;
	p1 =	slt.u32 s16, $0xC1  }
0x296: {  	[tilespmem:s19], [sflag:$0x1] =	stream.indirect.gather [hbm4b:s2+s12], $0x20, s14, s12, $0xb8;
	[tilespmem:$0x16000] =	vst v63  }
0x297: {  	s12 =	simm.s32 @!p1 $0x40;
	p2 =	slt.u32 @!p1 s16, $0x101  }
0x298: {  	s14 =	simm.s32 @!p1 $0x40C0;
	s19 =	simm.s32 @!p1 $0x6000;
	p3 =	por p2, p1  }
0x299: {  	[tilespmem:s19], [sflag:$0x1] =	stream.indirect.gather @!p1 [hbm4b:s2+s12], $0x20, s14, s12, $0xb8;
	[tilespmem:$0x16000] =	vst v63  }
0x29a: {  	s12 =	simm.s32 @!p3 $0x40;
	p4 =	slt.u32 @!p3 s16, $0x141  }
0x29b: {  	s14 =	simm.s32 @!p3 $0x4100;
	s19 =	simm.s32 @!p3 $0x6800;
	p5 =	por @!p1 p4, p2  }
0x29c: {  	[tilespmem:s19], [sflag:$0x1] =	stream.indirect.gather @!p3 [hbm4b:s2+s12], $0x20, s14, s12, $0xb8;
	[tilespmem:$0x16000] =	vst v63  }
0x29d: {  	p5 =	por p5, p1  }
0x29e: {  	s12 =	simm.s32 @!p5 $0x40  }
0x29f: {  	s14 =	simm.s32 @!p5 $0x4140;
	s19 =	simm.s32 @!p5 $0x7000;
	p6 =	slt.u32 @!p5 s16, $0x181  }
0x2a0: {  	[tilespmem:s19], [sflag:$0x1] =	stream.indirect.gather @!p5 [hbm4b:s2+s12], $0x20, s14, s12, $0xb8;
	[tilespmem:$0x16000] =	vst v63  }
0x2a1: {  	p0 =	por @!p3 p6, p4  }
0x2a2: {  	p0 =	por @!p1 p0, p2  }
0x2a3: {  	p0 =	por p0, p1  }
0x2a4: {  	s12 =	simm.s32 @!p0 $0x40;
	s14 =	simm.s32 @!p0 $0x4180;
	s19 =	simm.s32 @!p0 $0x7800  }
0x2a5: {  	[tilespmem:s19], [sflag:$0x1] =	stream.indirect.gather @!p0 [hbm4b:s2+s12], $0x20, s14, s12, $0xb8;
	[tilespmem:$0x16000] =	vst v63  }
0x2a6: {  	p0 =	slt.u32 @!p0 s16, $0x1C1  }
0x2a7: {  	s19 =	sld [smem:$0x7FB];
	p0 =	por @!p5 p0, p6  }
0x2a8: {  	p0 =	por @!p3 p0, p4  }
0x2a9: {  	p0 =	por @!p1 p0, p2  }
0x2aa: {  	p3 =	seq.s32 s19, $0x1;
	p0 =	por p0, p1  }
0x2ab: {  	s12 =	simm.s32 @!p0 $0x40;
	s14 =	simm.s32 @!p0 $0x41C0;
	s16 =	simm.s32 @!p0 $0x8000  }
0x2ac: {  	[tilespmem:s16], [sflag:$0x1] =	stream.indirect.gather @!p0 [hbm4b:s2+s12], $0x20, s14, s12, $0xb8;
	[tilespmem:$0x16000] =	vst v63  }
.LBB2_23:
0x2ad: {  	s0 =	smul.u32 $0x140000, s0  }
0x2ae: {  	s3 =	sshll.u32 s3, $0x9  }
0x2af: {  	s0 =	sor.u32 s0, s3  }
0x2b0: {  	s0 =	sor.u32 s7, s0  }
0x2b1: {  	s0 =	sshrl.u32 s0, $0x3  }
0x2b2: {  	s19 =	simm.s32 $0x14C00;
	s0 =	sadd.s32 s4, s0  }
0x2b3: {  	[tilespmem:s19], [sflag:$0x3] =	stream.strided.gather [hbm4b:s0+s20], $0xA00, s15, s20, $0x38;
	[tilespmem:$0x16000] =	vst v63  }
.LBB2_24:
0x2b4: {  	s0 =	sld [smem:$0x1];
	_ =	sdelay $0x2  }
0x2b5: {  	p0 =	slt.s32 s0, $0x1  }
0x2b6: {  	s3 =	simm.s32 @!p0 $0x2  }
0x2b7: {  	p1 =	slt.u32 @!p0 s0, $0x41;
	_ =	swait.ge @!p0 [sflag:s3], $0x800  }
0x2b8: {  	p1 =	por p0, p1;
	[sflag:s3] =	ssyncset.done @!p0 $0x0  }
0x2b9: {  	[sflag:s3] =	ssyncadd.s32 @!p0 $0xFFFFF800;
	p0 =	slt.u32 @!p1 s0, $0x81  }
0x2ba: {  	p0 =	por p1, p0  }
.Ltmp12:
0x2bb: {  	_ = 	snop;
	(pc) =	sbr.rel @p0 .LBB2_26-.Ltmp12, $4  }
0x2bc: {  	s3 =	simm.s32 @!p1 $0x2  }
0x2bd: {  	_ =	swait.ge @!p1 [sflag:s3], $0x800  }
0x2be: {  	[sflag:s3] =	ssyncset.done @!p1 $0x0  }
0x2bf: {  	[sflag:s3] =	ssyncadd.s32 @!p1 $0xFFFFF800  }
0x2c0: {  	p1 =	slt.u32 s0, $0xC1  }
0x2c1: {  	p2 =	slt.u32 @!p1 s0, $0x101  }
0x2c2: {  	p3 =	por p2, p1  }
0x2c3: {  	_ =	swait.ge [sflag:s26], $0x800;
	p4 =	slt.u32 @!p3 s0, $0x141  }
0x2c4: {  	[sflag:s26] =	ssyncset.done $0x0;
	s12 =	simm.s32 @!p4 $0x0;
	p0 =	por @!p1 p4, p2  }
0x2c5: {  	s3 =	simm.s32 @!p1 $0x2;
	s12 =	simm.s32 @p4 $0x1;
	p5 =	por p0, p1  }
0x2c6: {  	[sflag:s26] =	ssyncadd.s32 $0xFFFFF800;
	[smem:$0x7FA] =	sst s12;
	p0 =	slt.u32 @!p5 s0, $0x181  }
0x2c7: {  	_ =	swait.ge @!p1 [sflag:s3], $0x800;
	s12 =	simm.s32 @!p0 $0x0  }
0x2c8: {  	[sflag:s3] =	ssyncset.done @!p1 $0x0;
	s12 =	simm.s32 @p0 $0x1  }
0x2c9: {  	[sflag:s3] =	ssyncadd.s32 @!p1 $0xFFFFF800;
	s3 =	simm.s32 @!p3 $0x2;
	[smem:$0x7F9] =	sst s12  }
0x2ca: {  	_ =	swait.ge @!p3 [sflag:s3], $0x800  }
0x2cb: {  	[sflag:s3] =	ssyncset.done @!p3 $0x0  }
0x2cc: {  	[sflag:s3] =	ssyncadd.s32 @!p3 $0xFFFFF800;
	s3 =	simm.s32 @!p5 $0x2  }
0x2cd: {  	_ =	swait.ge @!p5 [sflag:s3], $0x800  }
0x2ce: {  	p6 =	por @!p3 p0, p4;
	s14 =	sld [smem:$0x7F9]  }
0x2cf: {  	p6 =	por @!p1 p6, p2;
	s16 =	sld [smem:$0x7FA]  }
0x2d0: {  	p6 =	por p6, p1  }
0x2d1: {  	p0 =	slt.u32 @!p6 s0, $0x1C1;
	p4 =	seq.s32 s14, $0x1  }
0x2d2: {  	[sflag:s3] =	ssyncset.done @!p5 $0x0;
	p0 =	por @!p5 p0, p4;
	p4 =	seq.s32 s16, $0x1  }
0x2d3: {  	s0 =	simm.s32 @!p6 $0x2;
	[sflag:s3] =	ssyncadd.s32 @!p5 $0xFFFFF800;
	p0 =	por @!p3 p0, p4  }
0x2d4: {  	s19 =	sld [smem:$0x7FB];
	_ =	swait.ge @!p6 [sflag:s0], $0x800;
	p0 =	por @!p1 p0, p2  }
0x2d5: {  	[sflag:s0] =	ssyncset.done @!p6 $0x0;
	p0 =	por p0, p1  }
0x2d6: {  	[sflag:s0] =	ssyncadd.s32 @!p6 $0xFFFFF800;
	s0 =	simm.s32 @!p0 $0x2  }
0x2d7: {  	_ =	swait.ge @!p0 [sflag:s0], $0x800  }
0x2d8: {  	[sflag:s0] =	ssyncset.done @!p0 $0x0  }
0x2d9: {  	p3 =	seq.s32 s19, $0x1;
	[sflag:s0] =	ssyncadd.s32 @!p0 $0xFFFFF800  }
.LBB2_26:
0x2da: {  	_ =	swait.ge [sflag:s28], $0xA00  }
0x2db: {  	[sflag:s28] =	ssyncset.done $0x0  }
0x2dc: {  	s0 =	simm.s32 @!p3 $0x6;
	[sflag:s28] =	ssyncadd.s32 $0xFFFFF600  }
0x2dd: {  	_ =	swait.ge @!p3 [sflag:s0], $0x4200  }
0x2de: {  	[sflag:s0] =	ssyncset.done @!p3 $0x0  }
0x2df: {  	[sflag:s0] =	ssyncadd.s32 @!p3 $0xFFFFBE00;
	s0 =	simm.s32 $0x0  }
0x2e0: {  	v1 =	vld [tilespmem:s0+$0x4600];
	_ =	sdelay $0x4  }
0x2e1: {  	vm0 =	vlt.s32 v1, $0x1FF  }
0x2e2: {  	v1 =	vnsel vm0, $0x1FF, v1  }
0x2e3: {  	v6 =	vshll.u32 v1, $0x5;
	_ =	sdelay $0x3  }
0x2e4: {  	v1 =	vld [tilespmem:s0+$0x15800]  }
0x2e5: {  	v2 =	vld.idx.msk [tilespmem:v6+s29+$0x0], $0xffff;
	_ =	sdelay $0x2  }
0x2e6: {  	v7 =	vor.u32 $0x1, v6;
	_ =	sdelay $0x1  }
0x2e7: {  	v8 =	vmul.f32 v2, v1;
	_ =	sdelay $0x1  }
0x2e8: {  	[tilespmem:s0+$0x10A00] =	vst v8  }
0x2e9: {  	v7 =	vld.idx.msk [tilespmem:v7+s29+$0x0], $0xffff;
	_ =	sdelay $0x2  }
0x2ea: {  	v8 =	vor.u32 $0x2, v6;
	_ =	sdelay $0x1  }
0x2eb: {  	v7 =	vmul.f32 v7, v1;
	_ =	sdelay $0x1  }
0x2ec: {  	[tilespmem:s0+$0x10C00] =	vst v7  }
0x2ed: {  	v7 =	vld.idx.msk [tilespmem:v8+s29+$0x0], $0xffff;
	_ =	sdelay $0x2  }
0x2ee: {  	v8 =	vor.u32 $0x3, v6;
	_ =	sdelay $0x1  }
0x2ef: {  	v7 =	vmul.f32 v7, v1;
	_ =	sdelay $0x1  }
0x2f0: {  	[tilespmem:s0+$0x10E00] =	vst v7  }
0x2f1: {  	v7 =	vld.idx.msk [tilespmem:v8+s29+$0x0], $0xffff;
	_ =	sdelay $0x2  }
0x2f2: {  	v8 =	vor.u32 $0x4, v6;
	_ =	sdelay $0x1  }
0x2f3: {  	v7 =	vmul.f32 v7, v1;
	_ =	sdelay $0x1  }
0x2f4: {  	[tilespmem:s0+$0x11000] =	vst v7  }
0x2f5: {  	v7 =	vld.idx.msk [tilespmem:v8+s29+$0x0], $0xffff;
	_ =	sdelay $0x2  }
0x2f6: {  	v8 =	vor.u32 $0x5, v6;
	_ =	sdelay $0x1  }
0x2f7: {  	v7 =	vmul.f32 v7, v1;
	_ =	sdelay $0x1  }
0x2f8: {  	[tilespmem:s0+$0x11200] =	vst v7  }
0x2f9: {  	v7 =	vld.idx.msk [tilespmem:v8+s29+$0x0], $0xffff;
	_ =	sdelay $0x2  }
0x2fa: {  	v8 =	vor.u32 $0x6, v6;
	_ =	sdelay $0x1  }
0x2fb: {  	v7 =	vmul.f32 v7, v1;
	_ =	sdelay $0x1  }
0x2fc: {  	[tilespmem:s0+$0x11400] =	vst v7  }
0x2fd: {  	v7 =	vld.idx.msk [tilespmem:v8+s29+$0x0], $0xffff;
	_ =	sdelay $0x2  }
0x2fe: {  	v8 =	vor.u32 $0x7, v6;
	_ =	sdelay $0x1  }
0x2ff: {  	v7 =	vmul.f32 v7, v1;
	_ =	sdelay $0x1  }
0x300: {  	[tilespmem:s0+$0x11600] =	vst v7  }
0x301: {  	v7 =	vld.idx.msk [tilespmem:v8+s29+$0x0], $0xffff;
	_ =	sdelay $0x2  }
0x302: {  	v8 =	vor.u32 $0x8, v6;
	_ =	sdelay $0x1  }
0x303: {  	v7 =	vmul.f32 v7, v1;
	_ =	sdelay $0x1  }
0x304: {  	[tilespmem:s0+$0x11800] =	vst v7  }
0x305: {  	v7 =	vld.idx.msk [tilespmem:v8+s29+$0x0], $0xffff;
	_ =	sdelay $0x2  }
0x306: {  	v8 =	vor.u32 $0x9, v6;
	_ =	sdelay $0x1  }
0x307: {  	v7 =	vmul.f32 v7, v1;
	_ =	sdelay $0x1  }
0x308: {  	[tilespmem:s0+$0x11A00] =	vst v7  }
0x309: {  	v7 =	vld.idx.msk [tilespmem:v8+s29+$0x0], $0xffff;
	_ =	sdelay $0x2  }
0x30a: {  	v8 =	vor.u32 $0xA, v6;
	_ =	sdelay $0x1  }
0x30b: {  	v7 =	vmul.f32 v7, v1;
	_ =	sdelay $0x1  }
0x30c: {  	[tilespmem:s0+$0x11C00] =	vst v7  }
0x30d: {  	v7 =	vld.idx.msk [tilespmem:v8+s29+$0x0], $0xffff;
	_ =	sdelay $0x2  }
0x30e: {  	v8 =	vor.u32 $0xB, v6;
	_ =	sdelay $0x1  }
0x30f: {  	v7 =	vmul.f32 v7, v1;
	_ =	sdelay $0x1  }
0x310: {  	[tilespmem:s0+$0x11E00] =	vst v7  }
0x311: {  	v7 =	vld.idx.msk [tilespmem:v8+s29+$0x0], $0xffff;
	_ =	sdelay $0x2  }
0x312: {  	v8 =	vor.u32 $0xC, v6;
	_ =	sdelay $0x1  }
0x313: {  	v7 =	vmul.f32 v7, v1;
	_ =	sdelay $0x1  }
0x314: {  	[tilespmem:s0+$0x12000] =	vst v7  }
0x315: {  	v7 =	vld.idx.msk [tilespmem:v8+s29+$0x0], $0xffff;
	_ =	sdelay $0x2  }
0x316: {  	v8 =	vor.u32 $0xD, v6;
	_ =	sdelay $0x1  }
0x317: {  	v7 =	vmul.f32 v7, v1;
	_ =	sdelay $0x1  }
0x318: {  	[tilespmem:s0+$0x12200] =	vst v7  }
0x319: {  	v7 =	vld.idx.msk [tilespmem:v8+s29+$0x0], $0xffff;
	_ =	sdelay $0x2  }
0x31a: {  	v8 =	vor.u32 $0xE, v6;
	_ =	sdelay $0x1  }
0x31b: {  	v7 =	vmul.f32 v7, v1;
	_ =	sdelay $0x1  }
0x31c: {  	[tilespmem:s0+$0x12400] =	vst v7  }
0x31d: {  	v7 =	vld.idx.msk [tilespmem:v8+s29+$0x0], $0xffff;
	_ =	sdelay $0x2  }
0x31e: {  	v8 =	vor.u32 $0xF, v6;
	_ =	sdelay $0x1  }
0x31f: {  	v7 =	vmul.f32 v7, v1;
	_ =	sdelay $0x1  }
0x320: {  	[tilespmem:s0+$0x12600] =	vst v7  }
0x321: {  	v7 =	vld.idx.msk [tilespmem:v8+s29+$0x0], $0xffff;
	_ =	sdelay $0x2  }
0x322: {  	v8 =	vor.u32 $0x10, v6;
	_ =	sdelay $0x1  }
0x323: {  	v7 =	vmul.f32 v7, v1;
	_ =	sdelay $0x1  }
0x324: {  	[tilespmem:s0+$0x12800] =	vst v7  }
0x325: {  	v7 =	vld.idx.msk [tilespmem:v8+s29+$0x0], $0xffff;
	_ =	sdelay $0x2  }
0x326: {  	v8 =	vor.u32 $0x11, v6;
	_ =	sdelay $0x1  }
0x327: {  	v7 =	vmul.f32 v7, v1;
	_ =	sdelay $0x1  }
0x328: {  	[tilespmem:s0+$0x12A00] =	vst v7  }
0x329: {  	v7 =	vld.idx.msk [tilespmem:v8+s29+$0x0], $0xffff;
	_ =	sdelay $0x2  }
0x32a: {  	v8 =	vor.u32 $0x12, v6;
	_ =	sdelay $0x1  }
0x32b: {  	v7 =	vmul.f32 v7, v1;
	_ =	sdelay $0x1  }
0x32c: {  	[tilespmem:s0+$0x12C00] =	vst v7  }
0x32d: {  	v7 =	vld.idx.msk [tilespmem:v8+s29+$0x0], $0xffff;
	_ =	sdelay $0x2  }
0x32e: {  	v8 =	vor.u32 $0x13, v6;
	_ =	sdelay $0x1  }
0x32f: {  	v7 =	vmul.f32 v7, v1;
	_ =	sdelay $0x1  }
0x330: {  	[tilespmem:s0+$0x12E00] =	vst v7  }
0x331: {  	v7 =	vld.idx.msk [tilespmem:v8+s29+$0x0], $0xffff;
	_ =	sdelay $0x2  }
0x332: {  	v8 =	vor.u32 $0x14, v6;
	_ =	sdelay $0x1  }
0x333: {  	v7 =	vmul.f32 v7, v1;
	_ =	sdelay $0x1  }
0x334: {  	[tilespmem:s0+$0x13000] =	vst v7  }
0x335: {  	v7 =	vld.idx.msk [tilespmem:v8+s29+$0x0], $0xffff;
	_ =	sdelay $0x2  }
0x336: {  	v8 =	vor.u32 $0x15, v6;
	_ =	sdelay $0x1  }
0x337: {  	v7 =	vmul.f32 v7, v1;
	_ =	sdelay $0x1  }
0x338: {  	[tilespmem:s0+$0x13200] =	vst v7  }
0x339: {  	v7 =	vld.idx.msk [tilespmem:v8+s29+$0x0], $0xffff;
	_ =	sdelay $0x2  }
0x33a: {  	v8 =	vor.u32 $0x16, v6;
	_ =	sdelay $0x1  }
0x33b: {  	v7 =	vmul.f32 v7, v1;
	_ =	sdelay $0x1  }
0x33c: {  	[tilespmem:s0+$0x13400] =	vst v7  }
0x33d: {  	v7 =	vld.idx.msk [tilespmem:v8+s29+$0x0], $0xffff;
	_ =	sdelay $0x2  }
0x33e: {  	v8 =	vor.u32 $0x17, v6;
	_ =	sdelay $0x1  }
0x33f: {  	v7 =	vmul.f32 v7, v1;
	_ =	sdelay $0x1  }
0x340: {  	[tilespmem:s0+$0x13600] =	vst v7  }
0x341: {  	v7 =	vld.idx.msk [tilespmem:v8+s29+$0x0], $0xffff;
	_ =	sdelay $0x2  }
0x342: {  	v8 =	vor.u32 $0x18, v6;
	_ =	sdelay $0x1  }
0x343: {  	v7 =	vmul.f32 v7, v1;
	_ =	sdelay $0x1  }
0x344: {  	[tilespmem:s0+$0x13800] =	vst v7  }
0x345: {  	v7 =	vld.idx.msk [tilespmem:v8+s29+$0x0], $0xffff;
	_ =	sdelay $0x2  }
0x346: {  	v8 =	vor.u32 $0x19, v6;
	_ =	sdelay $0x1  }
0x347: {  	v7 =	vmul.f32 v7, v1;
	_ =	sdelay $0x1  }
0x348: {  	[tilespmem:s0+$0x13A00] =	vst v7  }
0x349: {  	v8 =	vld.idx.msk [tilespmem:v8+s29+$0x0], $0xffff;
	_ =	sdelay $0x1  }
0x34a: {  	v5 =	vld [tilespmem:s0+$0x15600]  }
0x34b: {  	v3 =	vld [tilespmem:s0+$0x15800];
	v7 =	vor.u32 $0x1A, v6  }
0x34c: {  	v4 =	vld [tilespmem:s0+$0x15A00]  }
0x34d: {  	s3 =	simm.s32 $0x40;
	s14 =	simm.s32 $0x80;
	v2 =	vld [tilespmem:s0+$0x15C00];
	v8 =	vmul.f32 v8, v1  }
.LBB2_27:
0x34e: {  	p0 =	sne.s32 s14, $0x7C0  }
0x34f: {  	[tilespmem:s0+$0x13C00] =	vst v8  }
0x350: {  	v7 =	vld.idx.msk [tilespmem:v7+s29+$0x0], $0xffff;
	_ =	sdelay $0x3  }
0x351: {  	v6 =	vor.u32 $0x1B, v6;
	v8 =	vld [tilespmem:s0+$0x15E00]  }
0x352: {  	s12 =	sshra.s32 s3, $0x2;
	s3 =	smov.u32 s14  }
0x353: {  	v7 =	vmul.f32 v7, v1;
	v9 =	vld [tilespmem:s12+$0x4600]  }
0x354: {  	v10 =	vld [tilespmem:s12+$0x15600]  }
0x355: {  	v11 =	vld [tilespmem:s12+$0x15800];
	[tilespmem:s0+$0x13E00] =	vst v7  }
0x356: {  	v7 =	vld.idx.msk [tilespmem:v6+s29+$0x0], $0xffff;
	[tilespmem:s0+$0x14A00] =	vst v8  }
0x357: {  	v8 =	vld [tilespmem:s12+$0x15A00];
	[tilespmem:s0+$0x14200] =	vst v5  }
0x358: {  	vm0 =	vlt.s32 v9, $0x1FF;
	v12 =	vld [tilespmem:s12+$0x15C00];
	[tilespmem:s0+$0x14400] =	vst v3  }
0x359: {  	v9 =	vnsel vm0, $0x1FF, v9;
	[tilespmem:s0+$0x14600] =	vst v4;
	v5 =	vmov v10  }
0x35a: {  	v6 =	vshll.u32 v9, $0x5;
	[tilespmem:s0+$0x14800] =	vst v2;
	v3 =	vmov v11;
	_ =	sdelay $0x1  }
0x35b: {  	v1 =	vmul.f32 v7, v1;
	v4 =	vmov v8  }
0x35c: {  	v2 =	vmov v12  }
0x35d: {  	[tilespmem:s0+$0x14000] =	vst v1;
	s0 =	smov.u32 s12  }
0x35e: {  	v7 =	vld.idx.msk [tilespmem:v6+s29+$0x0], $0xffff  }
0x35f: {  	v1 =	vld [tilespmem:s0+$0x15800];
	_ =	sdelay $0x2  }
0x360: {  	v8 =	vor.u32 $0x1, v6;
	_ =	sdelay $0x1  }
0x361: {  	v7 =	vmul.f32 v7, v1;
	_ =	sdelay $0x1  }
0x362: {  	[tilespmem:s0+$0x10A00] =	vst v7  }
0x363: {  	v7 =	vld.idx.msk [tilespmem:v8+s29+$0x0], $0xffff;
	_ =	sdelay $0x3  }
0x364: {  	v8 =	vor.u32 $0x2, v6;
	_ =	sdelay $0x1  }
0x365: {  	v7 =	vmul.f32 v7, v1;
	_ =	sdelay $0x1  }
0x366: {  	[tilespmem:s0+$0x10C00] =	vst v7  }
0x367: {  	v7 =	vld.idx.msk [tilespmem:v8+s29+$0x0], $0xffff;
	_ =	sdelay $0x3  }
0x368: {  	v8 =	vor.u32 $0x3, v6;
	_ =	sdelay $0x1  }
0x369: {  	v7 =	vmul.f32 v7, v1;
	_ =	sdelay $0x1  }
0x36a: {  	[tilespmem:s0+$0x10E00] =	vst v7  }
0x36b: {  	v7 =	vld.idx.msk [tilespmem:v8+s29+$0x0], $0xffff;
	_ =	sdelay $0x3  }
0x36c: {  	v8 =	vor.u32 $0x4, v6;
	_ =	sdelay $0x1  }
0x36d: {  	v7 =	vmul.f32 v7, v1;
	_ =	sdelay $0x1  }
0x36e: {  	[tilespmem:s0+$0x11000] =	vst v7  }
0x36f: {  	v7 =	vld.idx.msk [tilespmem:v8+s29+$0x0], $0xffff;
	_ =	sdelay $0x3  }
0x370: {  	v8 =	vor.u32 $0x5, v6;
	_ =	sdelay $0x1  }
0x371: {  	v7 =	vmul.f32 v7, v1;
	_ =	sdelay $0x1  }
0x372: {  	[tilespmem:s0+$0x11200] =	vst v7  }
0x373: {  	v7 =	vld.idx.msk [tilespmem:v8+s29+$0x0], $0xffff;
	_ =	sdelay $0x3  }
0x374: {  	v8 =	vor.u32 $0x6, v6;
	_ =	sdelay $0x1  }
0x375: {  	v7 =	vmul.f32 v7, v1;
	_ =	sdelay $0x1  }
0x376: {  	[tilespmem:s0+$0x11400] =	vst v7  }
0x377: {  	v7 =	vld.idx.msk [tilespmem:v8+s29+$0x0], $0xffff;
	_ =	sdelay $0x3  }
0x378: {  	v8 =	vor.u32 $0x7, v6;
	_ =	sdelay $0x1  }
0x379: {  	v7 =	vmul.f32 v7, v1;
	_ =	sdelay $0x1  }
0x37a: {  	[tilespmem:s0+$0x11600] =	vst v7  }
0x37b: {  	v7 =	vld.idx.msk [tilespmem:v8+s29+$0x0], $0xffff;
	_ =	sdelay $0x3  }
0x37c: {  	v8 =	vor.u32 $0x8, v6;
	_ =	sdelay $0x1  }
0x37d: {  	v7 =	vmul.f32 v7, v1;
	_ =	sdelay $0x1  }
0x37e: {  	[tilespmem:s0+$0x11800] =	vst v7  }
0x37f: {  	v7 =	vld.idx.msk [tilespmem:v8+s29+$0x0], $0xffff;
	_ =	sdelay $0x3  }
0x380: {  	v8 =	vor.u32 $0x9, v6;
	_ =	sdelay $0x1  }
0x381: {  	v7 =	vmul.f32 v7, v1;
	_ =	sdelay $0x1  }
0x382: {  	[tilespmem:s0+$0x11A00] =	vst v7  }
0x383: {  	v7 =	vld.idx.msk [tilespmem:v8+s29+$0x0], $0xffff;
	_ =	sdelay $0x3  }
0x384: {  	v8 =	vor.u32 $0xA, v6;
	_ =	sdelay $0x1  }
0x385: {  	v7 =	vmul.f32 v7, v1;
	_ =	sdelay $0x1  }
0x386: {  	[tilespmem:s0+$0x11C00] =	vst v7  }
0x387: {  	v7 =	vld.idx.msk [tilespmem:v8+s29+$0x0], $0xffff;
	_ =	sdelay $0x3  }
0x388: {  	v8 =	vor.u32 $0xB, v6;
	_ =	sdelay $0x1  }
0x389: {  	v7 =	vmul.f32 v7, v1;
	_ =	sdelay $0x1  }
0x38a: {  	[tilespmem:s0+$0x11E00] =	vst v7  }
0x38b: {  	v7 =	vld.idx.msk [tilespmem:v8+s29+$0x0], $0xffff;
	_ =	sdelay $0x3  }
0x38c: {  	v8 =	vor.u32 $0xC, v6;
	_ =	sdelay $0x1  }
0x38d: {  	v7 =	vmul.f32 v7, v1;
	_ =	sdelay $0x1  }
0x38e: {  	[tilespmem:s0+$0x12000] =	vst v7  }
0x38f: {  	v7 =	vld.idx.msk [tilespmem:v8+s29+$0x0], $0xffff;
	_ =	sdelay $0x3  }
0x390: {  	v8 =	vor.u32 $0xD, v6;
	_ =	sdelay $0x1  }
0x391: {  	v7 =	vmul.f32 v7, v1;
	_ =	sdelay $0x1  }
0x392: {  	[tilespmem:s0+$0x12200] =	vst v7  }
0x393: {  	v7 =	vld.idx.msk [tilespmem:v8+s29+$0x0], $0xffff;
	_ =	sdelay $0x3  }
0x394: {  	v8 =	vor.u32 $0xE, v6;
	_ =	sdelay $0x1  }
0x395: {  	v7 =	vmul.f32 v7, v1;
	_ =	sdelay $0x1  }
0x396: {  	[tilespmem:s0+$0x12400] =	vst v7  }
0x397: {  	v7 =	vld.idx.msk [tilespmem:v8+s29+$0x0], $0xffff;
	_ =	sdelay $0x3  }
0x398: {  	v8 =	vor.u32 $0xF, v6;
	_ =	sdelay $0x1  }
0x399: {  	v7 =	vmul.f32 v7, v1;
	_ =	sdelay $0x1  }
0x39a: {  	[tilespmem:s0+$0x12600] =	vst v7  }
0x39b: {  	v7 =	vld.idx.msk [tilespmem:v8+s29+$0x0], $0xffff;
	_ =	sdelay $0x3  }
0x39c: {  	v8 =	vor.u32 $0x10, v6;
	_ =	sdelay $0x1  }
0x39d: {  	v7 =	vmul.f32 v7, v1;
	_ =	sdelay $0x1  }
0x39e: {  	[tilespmem:s0+$0x12800] =	vst v7  }
0x39f: {  	v7 =	vld.idx.msk [tilespmem:v8+s29+$0x0], $0xffff;
	_ =	sdelay $0x3  }
0x3a0: {  	v8 =	vor.u32 $0x11, v6;
	_ =	sdelay $0x1  }
0x3a1: {  	v7 =	vmul.f32 v7, v1;
	_ =	sdelay $0x1  }
0x3a2: {  	[tilespmem:s0+$0x12A00] =	vst v7  }
0x3a3: {  	v7 =	vld.idx.msk [tilespmem:v8+s29+$0x0], $0xffff;
	_ =	sdelay $0x3  }
0x3a4: {  	v8 =	vor.u32 $0x12, v6;
	_ =	sdelay $0x1  }
0x3a5: {  	v7 =	vmul.f32 v7, v1;
	_ =	sdelay $0x1  }
0x3a6: {  	[tilespmem:s0+$0x12C00] =	vst v7  }
0x3a7: {  	v7 =	vld.idx.msk [tilespmem:v8+s29+$0x0], $0xffff;
	_ =	sdelay $0x3  }
0x3a8: {  	v8 =	vor.u32 $0x13, v6;
	_ =	sdelay $0x1  }
0x3a9: {  	v7 =	vmul.f32 v7, v1;
	_ =	sdelay $0x1  }
0x3aa: {  	[tilespmem:s0+$0x12E00] =	vst v7  }
0x3ab: {  	v7 =	vld.idx.msk [tilespmem:v8+s29+$0x0], $0xffff;
	_ =	sdelay $0x3  }
0x3ac: {  	v8 =	vor.u32 $0x14, v6;
	_ =	sdelay $0x1  }
0x3ad: {  	v7 =	vmul.f32 v7, v1;
	_ =	sdelay $0x1  }
0x3ae: {  	[tilespmem:s0+$0x13000] =	vst v7  }
0x3af: {  	v7 =	vld.idx.msk [tilespmem:v8+s29+$0x0], $0xffff;
	_ =	sdelay $0x3  }
0x3b0: {  	v8 =	vor.u32 $0x15, v6;
	_ =	sdelay $0x1  }
0x3b1: {  	v7 =	vmul.f32 v7, v1;
	_ =	sdelay $0x1  }
0x3b2: {  	[tilespmem:s0+$0x13200] =	vst v7  }
0x3b3: {  	v7 =	vld.idx.msk [tilespmem:v8+s29+$0x0], $0xffff;
	_ =	sdelay $0x3  }
0x3b4: {  	v8 =	vor.u32 $0x16, v6;
	_ =	sdelay $0x1  }
0x3b5: {  	v7 =	vmul.f32 v7, v1;
	_ =	sdelay $0x1  }
0x3b6: {  	[tilespmem:s0+$0x13400] =	vst v7  }
0x3b7: {  	v7 =	vld.idx.msk [tilespmem:v8+s29+$0x0], $0xffff;
	_ =	sdelay $0x3  }
0x3b8: {  	v8 =	vor.u32 $0x17, v6;
	_ =	sdelay $0x1  }
0x3b9: {  	v7 =	vmul.f32 v7, v1;
	_ =	sdelay $0x1  }
0x3ba: {  	[tilespmem:s0+$0x13600] =	vst v7  }
0x3bb: {  	v7 =	vld.idx.msk [tilespmem:v8+s29+$0x0], $0xffff;
	_ =	sdelay $0x3  }
0x3bc: {  	v8 =	vor.u32 $0x18, v6;
	_ =	sdelay $0x1  }
0x3bd: {  	v7 =	vmul.f32 v7, v1;
	_ =	sdelay $0x1  }
0x3be: {  	[tilespmem:s0+$0x13800] =	vst v7  }
0x3bf: {  	v7 =	vld.idx.msk [tilespmem:v8+s29+$0x0], $0xffff;
	_ =	sdelay $0x3  }
0x3c0: {  	v8 =	vor.u32 $0x19, v6;
	_ =	sdelay $0x1  }
0x3c1: {  	v7 =	vmul.f32 v7, v1;
	_ =	sdelay $0x1  }
0x3c2: {  	[tilespmem:s0+$0x13A00] =	vst v7  }
0x3c3: {  	v8 =	vld.idx.msk [tilespmem:v8+s29+$0x0], $0xffff;
	_ =	sdelay $0x1  }
.Ltmp13:
0x3c4: {  	(pc) =	sbr.rel @p0 .LBB2_27-.Ltmp13, $3  }
0x3c5: {  	_ = 	snop  }
0x3c6: {  	v7 =	vor.u32 $0x1A, v6;
	_ =	sdelay $0x1  }
0x3c7: {  	s14 =	sadd.s32 $0x40, s14;
	v8 =	vmul.f32 v8, v1  }
0x3c8: {  	_ =	sdelay $0x2  }
0x3c9: {  	[tilespmem:s0+$0x13C00] =	vst v8  }
0x3ca: {  	v7 =	vld.idx.msk [tilespmem:v7+s29+$0x0], $0xffff;
	_ =	sdelay $0x2  }
0x3cb: {  	v6 =	vor.u32 $0x1B, v6;
	s3 =	sshra.s32 s3, $0x2  }
0x3cc: {  	v9 =	vld [tilespmem:s3+$0x4600]  }
0x3cd: {  	v62 =	vld [tilespmem:s0+$0x15E00];
	v7 =	vmul.f32 v7, v1  }
0x3ce: {  	v10 =	vld [tilespmem:s3+$0x15600]  }
0x3cf: {  	v11 =	vld [tilespmem:s3+$0x15800];
	[tilespmem:s0+$0x13E00] =	vst v7  }
0x3d0: {  	v6 =	vld.idx.msk [tilespmem:v6+s29+$0x0], $0xffff  }
0x3d1: {  	vm0 =	vlt.s32 v9, $0x1FF  }
0x3d2: {  	v63 =	vnsel vm0, $0x1FF, v9;
	[tilespmem:s0+$0x14A00] =	vst v62  }
0x3d3: {  	v7 =	vld [tilespmem:s3+$0x15A00];
	[tilespmem:s0+$0x14200] =	vst v5;
	v5 =	vshll.u32 v63, $0x5  }
0x3d4: {  	v8 =	vld [tilespmem:s3+$0x15C00];
	[tilespmem:s0+$0x14400] =	vst v3  }
0x3d5: {  	[tilespmem:s0+$0x14600] =	vst v4;
	v1 =	vmul.f32 v6, v1  }
0x3d6: {  	[tilespmem:s0+$0x14800] =	vst v2  }
0x3d7: {  	[tilespmem:s0+$0x14000] =	vst v1  }
0x3d8: {  	v1 =	vld.idx.msk [tilespmem:v5+s29+$0x0], $0xffff  }
0x3d9: {  	v2 =	vld [tilespmem:s3+$0x15800];
	_ =	sdelay $0x2  }
0x3da: {  	v3 =	vor.u32 $0x1, v5;
	_ =	sdelay $0x1  }
0x3db: {  	v1 =	vmul.f32 v1, v2;
	_ =	sdelay $0x1  }
0x3dc: {  	[tilespmem:s3+$0x10A00] =	vst v1  }
0x3dd: {  	v1 =	vld.idx.msk [tilespmem:v3+s29+$0x0], $0xffff;
	_ =	sdelay $0x2  }
0x3de: {  	v3 =	vor.u32 $0x2, v5;
	_ =	sdelay $0x1  }
0x3df: {  	v1 =	vmul.f32 v1, v2;
	_ =	sdelay $0x1  }
0x3e0: {  	[tilespmem:s3+$0x10C00] =	vst v1  }
0x3e1: {  	v1 =	vld.idx.msk [tilespmem:v3+s29+$0x0], $0xffff;
	_ =	sdelay $0x2  }
0x3e2: {  	v3 =	vor.u32 $0x3, v5;
	_ =	sdelay $0x1  }
0x3e3: {  	v1 =	vmul.f32 v1, v2;
	_ =	sdelay $0x1  }
0x3e4: {  	[tilespmem:s3+$0x10E00] =	vst v1  }
0x3e5: {  	v1 =	vld.idx.msk [tilespmem:v3+s29+$0x0], $0xffff;
	_ =	sdelay $0x2  }
0x3e6: {  	v3 =	vor.u32 $0x4, v5;
	_ =	sdelay $0x1  }
0x3e7: {  	v1 =	vmul.f32 v1, v2;
	_ =	sdelay $0x1  }
0x3e8: {  	[tilespmem:s3+$0x11000] =	vst v1  }
0x3e9: {  	v1 =	vld.idx.msk [tilespmem:v3+s29+$0x0], $0xffff;
	_ =	sdelay $0x2  }
0x3ea: {  	v3 =	vor.u32 $0x5, v5;
	_ =	sdelay $0x1  }
0x3eb: {  	v1 =	vmul.f32 v1, v2;
	_ =	sdelay $0x1  }
0x3ec: {  	[tilespmem:s3+$0x11200] =	vst v1  }
0x3ed: {  	v1 =	vld.idx.msk [tilespmem:v3+s29+$0x0], $0xffff;
	_ =	sdelay $0x2  }
0x3ee: {  	v3 =	vor.u32 $0x6, v5;
	_ =	sdelay $0x1  }
0x3ef: {  	v1 =	vmul.f32 v1, v2;
	_ =	sdelay $0x1  }
0x3f0: {  	[tilespmem:s3+$0x11400] =	vst v1  }
0x3f1: {  	v1 =	vld.idx.msk [tilespmem:v3+s29+$0x0], $0xffff;
	_ =	sdelay $0x2  }
0x3f2: {  	v3 =	vor.u32 $0x7, v5;
	_ =	sdelay $0x1  }
0x3f3: {  	v1 =	vmul.f32 v1, v2;
	_ =	sdelay $0x1  }
0x3f4: {  	[tilespmem:s3+$0x11600] =	vst v1  }
0x3f5: {  	v1 =	vld.idx.msk [tilespmem:v3+s29+$0x0], $0xffff;
	_ =	sdelay $0x2  }
0x3f6: {  	v3 =	vor.u32 $0x8, v5;
	_ =	sdelay $0x1  }
0x3f7: {  	v1 =	vmul.f32 v1, v2;
	_ =	sdelay $0x1  }
0x3f8: {  	[tilespmem:s3+$0x11800] =	vst v1  }
0x3f9: {  	v1 =	vld.idx.msk [tilespmem:v3+s29+$0x0], $0xffff;
	_ =	sdelay $0x2  }
0x3fa: {  	v3 =	vor.u32 $0x9, v5;
	_ =	sdelay $0x1  }
0x3fb: {  	v1 =	vmul.f32 v1, v2;
	_ =	sdelay $0x1  }
0x3fc: {  	[tilespmem:s3+$0x11A00] =	vst v1  }
0x3fd: {  	v1 =	vld.idx.msk [tilespmem:v3+s29+$0x0], $0xffff;
	_ =	sdelay $0x2  }
0x3fe: {  	v3 =	vor.u32 $0xA, v5;
	_ =	sdelay $0x1  }
0x3ff: {  	v1 =	vmul.f32 v1, v2;
	_ =	sdelay $0x1  }
0x400: {  	[tilespmem:s3+$0x11C00] =	vst v1  }
0x401: {  	v1 =	vld.idx.msk [tilespmem:v3+s29+$0x0], $0xffff;
	_ =	sdelay $0x2  }
0x402: {  	v3 =	vor.u32 $0xB, v5;
	_ =	sdelay $0x1  }
0x403: {  	v1 =	vmul.f32 v1, v2;
	_ =	sdelay $0x1  }
0x404: {  	[tilespmem:s3+$0x11E00] =	vst v1  }
0x405: {  	v1 =	vld.idx.msk [tilespmem:v3+s29+$0x0], $0xffff;
	_ =	sdelay $0x2  }
0x406: {  	v3 =	vor.u32 $0xC, v5;
	_ =	sdelay $0x1  }
0x407: {  	v1 =	vmul.f32 v1, v2;
	_ =	sdelay $0x1  }
0x408: {  	[tilespmem:s3+$0x12000] =	vst v1  }
0x409: {  	v1 =	vld.idx.msk [tilespmem:v3+s29+$0x0], $0xffff;
	_ =	sdelay $0x2  }
0x40a: {  	v3 =	vor.u32 $0xD, v5;
	_ =	sdelay $0x1  }
0x40b: {  	v1 =	vmul.f32 v1, v2;
	_ =	sdelay $0x1  }
0x40c: {  	[tilespmem:s3+$0x12200] =	vst v1  }
0x40d: {  	v1 =	vld.idx.msk [tilespmem:v3+s29+$0x0], $0xffff;
	_ =	sdelay $0x2  }
0x40e: {  	v3 =	vor.u32 $0xE, v5;
	_ =	sdelay $0x1  }
0x40f: {  	v1 =	vmul.f32 v1, v2;
	_ =	sdelay $0x1  }
0x410: {  	[tilespmem:s3+$0x12400] =	vst v1  }
0x411: {  	v1 =	vld.idx.msk [tilespmem:v3+s29+$0x0], $0xffff;
	_ =	sdelay $0x2  }
0x412: {  	v3 =	vor.u32 $0xF, v5;
	_ =	sdelay $0x1  }
0x413: {  	v1 =	vmul.f32 v1, v2;
	_ =	sdelay $0x1  }
0x414: {  	[tilespmem:s3+$0x12600] =	vst v1  }
0x415: {  	v1 =	vld.idx.msk [tilespmem:v3+s29+$0x0], $0xffff;
	_ =	sdelay $0x2  }
0x416: {  	v3 =	vor.u32 $0x10, v5;
	_ =	sdelay $0x1  }
0x417: {  	v1 =	vmul.f32 v1, v2;
	_ =	sdelay $0x1  }
0x418: {  	[tilespmem:s3+$0x12800] =	vst v1  }
0x419: {  	v1 =	vld.idx.msk [tilespmem:v3+s29+$0x0], $0xffff;
	_ =	sdelay $0x2  }
0x41a: {  	v3 =	vor.u32 $0x11, v5;
	_ =	sdelay $0x1  }
0x41b: {  	v1 =	vmul.f32 v1, v2;
	_ =	sdelay $0x1  }
0x41c: {  	[tilespmem:s3+$0x12A00] =	vst v1  }
0x41d: {  	v1 =	vld.idx.msk [tilespmem:v3+s29+$0x0], $0xffff;
	_ =	sdelay $0x2  }
0x41e: {  	v3 =	vor.u32 $0x12, v5;
	_ =	sdelay $0x1  }
0x41f: {  	v1 =	vmul.f32 v1, v2;
	_ =	sdelay $0x1  }
0x420: {  	[tilespmem:s3+$0x12C00] =	vst v1  }
0x421: {  	v1 =	vld.idx.msk [tilespmem:v3+s29+$0x0], $0xffff;
	_ =	sdelay $0x2  }
0x422: {  	v3 =	vor.u32 $0x13, v5;
	_ =	sdelay $0x1  }
0x423: {  	v1 =	vmul.f32 v1, v2;
	_ =	sdelay $0x1  }
0x424: {  	[tilespmem:s3+$0x12E00] =	vst v1  }
0x425: {  	v1 =	vld.idx.msk [tilespmem:v3+s29+$0x0], $0xffff;
	_ =	sdelay $0x2  }
0x426: {  	v3 =	vor.u32 $0x14, v5;
	_ =	sdelay $0x1  }
0x427: {  	v1 =	vmul.f32 v1, v2;
	_ =	sdelay $0x1  }
0x428: {  	[tilespmem:s3+$0x13000] =	vst v1  }
0x429: {  	v1 =	vld.idx.msk [tilespmem:v3+s29+$0x0], $0xffff;
	_ =	sdelay $0x2  }
0x42a: {  	v3 =	vor.u32 $0x15, v5;
	_ =	sdelay $0x1  }
0x42b: {  	v1 =	vmul.f32 v1, v2;
	_ =	sdelay $0x1  }
0x42c: {  	[tilespmem:s3+$0x13200] =	vst v1  }
0x42d: {  	v1 =	vld.idx.msk [tilespmem:v3+s29+$0x0], $0xffff;
	_ =	sdelay $0x2  }
0x42e: {  	v3 =	vor.u32 $0x16, v5;
	_ =	sdelay $0x1  }
0x42f: {  	v1 =	vmul.f32 v1, v2;
	_ =	sdelay $0x1  }
0x430: {  	[tilespmem:s3+$0x13400] =	vst v1  }
0x431: {  	v1 =	vld.idx.msk [tilespmem:v3+s29+$0x0], $0xffff;
	_ =	sdelay $0x2  }
0x432: {  	v3 =	vor.u32 $0x17, v5;
	_ =	sdelay $0x1  }
0x433: {  	v1 =	vmul.f32 v1, v2;
	_ =	sdelay $0x1  }
0x434: {  	[tilespmem:s3+$0x13600] =	vst v1  }
0x435: {  	v1 =	vld.idx.msk [tilespmem:v3+s29+$0x0], $0xffff;
	_ =	sdelay $0x2  }
0x436: {  	v3 =	vor.u32 $0x18, v5;
	_ =	sdelay $0x1  }
0x437: {  	v1 =	vmul.f32 v1, v2;
	_ =	sdelay $0x1  }
0x438: {  	[tilespmem:s3+$0x13800] =	vst v1  }
0x439: {  	v1 =	vld.idx.msk [tilespmem:v3+s29+$0x0], $0xffff;
	_ =	sdelay $0x2  }
0x43a: {  	v3 =	vor.u32 $0x19, v5;
	_ =	sdelay $0x1  }
0x43b: {  	v1 =	vmul.f32 v1, v2;
	_ =	sdelay $0x1  }
0x43c: {  	[tilespmem:s3+$0x13A00] =	vst v1  }
0x43d: {  	v1 =	vld.idx.msk [tilespmem:v3+s29+$0x0], $0xffff;
	_ =	sdelay $0x2  }
0x43e: {  	v3 =	vor.u32 $0x1A, v5;
	_ =	sdelay $0x1  }
0x43f: {  	v1 =	vmul.f32 v1, v2;
	_ =	sdelay $0x1  }
0x440: {  	[tilespmem:s3+$0x13C00] =	vst v1  }
0x441: {  	v1 =	vld.idx.msk [tilespmem:v3+s29+$0x0], $0xffff;
	_ =	sdelay $0x2  }
0x442: {  	v3 =	vor.u32 $0x1B, v5;
	_ =	sdelay $0x1  }
0x443: {  	v4 =	vld [tilespmem:s3+$0x15E00];
	v1 =	vmul.f32 v1, v2;
	_ =	sdelay $0x1  }
0x444: {  	[tilespmem:s3+$0x13E00] =	vst v1  }
0x445: {  	v1 =	vld.idx.msk [tilespmem:v3+s29+$0x0], $0xffff;
	_ =	sdelay $0x1  }
0x446: {  	[tilespmem:s3+$0x14A00] =	vst v4  }
0x447: {  	[tilespmem:s3+$0x14200] =	vst v10  }
0x448: {  	p0 =	sne.s32 s18, $0x40;
	[tilespmem:s3+$0x14400] =	vst v11  }
.Ltmp14:
0x449: {  	s19 =	sadd.s32 s13, s1;
	[tilespmem:s3+$0x14600] =	vst v7;
	v1 =	vmul.f32 v1, v2;
	(pc) =	sbr.rel @p0 .LBB2_8-.Ltmp14, $4  }
.Ltmp15:
0x44a: {  	s0 =	sshrl.u32 s19, $0x3;
	[tilespmem:s3+$0x14800] =	vst v8;
	(pc) =	sbr.rel @!p0 .LBB2_29-.Ltmp15, $4  }
0x44b: {  	s8 =	sadd.s32 $0x400, s8;
	s0 =	sadd.s32 s5, s0;
	[tilespmem:s3+$0x14000] =	vst v1  }
0x44c: {  	[hbm4b:s0+s20] =	stream.strided.scatter [tilespmem:s30], [sflag:$0x6], $0x4200, s15, s20, $0x38;
	[tilespmem:$0x16000] =	vst v63  }
0x44d: {  	s9 =	sadd.s32 $0x2, s9;
	s31 =	sadd.s32 $0x1, s31;
	s0 =	smov.u32 s18  }
0x44e: {  	_ = 	snop  }
.LBB2_18:
.Ltmp16:
0x44f: {  	(pc) =	sbr.rel @p1 .LBB2_24-.Ltmp16, $4  }
.Ltmp17:
0x450: {  	(pc) =	sbr.rel @!p1 .LBB2_19-.Ltmp17, $4  }
0x451: {  	_ = 	snop  }
0x452: {  	_ = 	snop  }
0x453: {  	_ = 	snop  }
0x454: {  	_ = 	snop  }
.LBB2_30:
0x455: {  	_ =	sfence.sel $0x180000  }
0x456: {  	[bflag:$0x0] =	sbarrier.arrive $0xFFFF  }
0x457: {  	_ =	strace $0x90000047  }
0x458: {  	s0 =	stileid.u32;
	[bflag:$0x2] =	sbarrier.arrive $0xFFFF  }
0x459: {  	p0 =	sne.s32 s0, $0x0;
	s0 =	rddreg [dreg:$0x2]  }
0x45a: {  	s0 =	sadd.s32 @!p0 $0x100000, s0  }
0x45b: {  	[sflag:s0] =	ssyncadd.tile.s32 @!p0 $0x1;
	_ =	shalt  }
.Lfunc_end2:
_tile_overlayer_lowered:
.L_overlay_start_2:
0x45c: {  	(tag) =	ssettag $0x2  }
0x45d: {  	s0 =	rddreg [dreg:$0x0];
	s2 =	stileid.u32  }
0x45e: {  	s1 =	rddreg [dreg:$0x1];
	p0 =	sne.s32 s2, $0x0  }
0x45f: {  	s3 =	rddreg [dreg:$0x2];
	[bflag:$0x3] =	sbarrier.arrive $0xFFFF;
	s2 =	simm.s32 @!p0 $0x1C07  }
0x460: {  	[timem:s3], [sflag:s2] =	dma.local @!p0 [hbm:s0], s1  }
0x461: {  	s0 =	simm.s32 @!p0 $0x7  }
0x462: {  	_ =	swait.ge @!p0 [sflag:s0], s1  }
0x463: {  	s1 =	ssub.s32 @!p0 $0x0, s1;
	[sflag:s0] =	ssyncset.done @!p0 $0x0  }
0x464: {  	[sflag:s0] =	ssyncadd.s32 @!p0 s1  }
0x465: {  	[bflag:$0x3] =	sbarrier.arrive $0xFFFF  }
0x466: {  	_ =	shalt  }

</sc_bundles>
